<compile_context>
chip_gen: v7x
topology: tpu7x:2x2x1
jax: 0.10.2.dev20260603
libtpu: 0.0.44.dev20260713+nightly
codegen_flags: <defaults>
</compile_context>

<pallas_src>
import dataclasses
import functools

import numpy as np

import jax
import jax.numpy as jnp
from jax import lax
from jax.experimental import pallas as pl
from jax.experimental.pallas import tpu as pltpu
from jax.experimental.pallas import tpu_sc as plsc

N = 10000
E = 320000
D = 128
G = 128

NC = 2
NS = 16
NW = NC * NS
L = 16

EPT = E // NW
SCK = 40
CPT = EPT // SCK

ROWS_A = 624
ROWS_LAST = N - 15 * ROWS_A

_sigma = np.empty(D, np.int64)
for _g in range(D // 32):
    _sigma[32 * _g:32 * _g + 16] = 32 * _g + 2 * np.arange(16)
    _sigma[32 * _g + 16:32 * _g + 32] = 32 * _g + 2 * np.arange(16) + 1
_QPERM = np.empty(D, np.int64)
_QPERM[_sigma] = np.arange(D)

_mesh = plsc.VectorSubcoreMesh(core_axis_name="c", subcore_axis_name="s")

_sc_params = pltpu.CompilerParams()
if "needs_layout_passes" in pltpu.CompilerParams.__dataclass_fields__:
    _sc_params = dataclasses.replace(_sc_params, needs_layout_passes=False)
_sc_params_untiled = _sc_params
if "use_tc_tiling_on_sc" in pltpu.CompilerParams.__dataclass_fields__:
    _sc_params_untiled = dataclasses.replace(
        _sc_params, use_tc_tiling_on_sc=False)


def _tile_rows(s, fn):
    @pl.when(s < NS - 1)
    def _():
        fn(s * ROWS_A, ROWS_A)

    @pl.when(s == NS - 1)
    def _():
        fn((NS - 1) * ROWS_A, ROWS_LAST)


@functools.partial(
    pl.kernel,
    out_type=jax.ShapeDtypeStruct((NC, N, D), jnp.float32),
    mesh=_mesh,
    compiler_params=_sc_params_untiled,
    scratch_types=[
        pltpu.VMEM_SHARED((N, D), jnp.float32),
        pltpu.VMEM((EPT,), jnp.int32),
        pltpu.VMEM((CPT, SCK), jnp.int32),
        pltpu.VMEM((2, SCK), jnp.float32),
        pltpu.VMEM((SCK, D // 2), jnp.int32),
        pltpu.VMEM((SCK, D // 2), jnp.int32),
        pltpu.VMEM((SCK, D), jnp.float32),
        pltpu.VMEM((SCK, D), jnp.float32),
        pltpu.SemaphoreType.DMA,
        pltpu.SemaphoreType.DMA,
        pltpu.SemaphoreType.DMA,
        pltpu.SemaphoreType.DMA,
        pltpu.SemaphoreType.DMA,
        pltpu.SemaphoreType.DMA,
    ],
)
def _spmm_sc(y_hbm, row_hbm, col2d_hbm, ew_hbm, zero_hbm, out_hbm,
             acc, rowb, colb, ewb, gb0, gb1, sb0, sb1,
             gs0, gs1, ss0, ss1, es0, es1):
    c = lax.axis_index("c")
    s = lax.axis_index("s")
    wid = s * NC + c
    gbs, sbs = (gb0, gb1), (sb0, sb1)
    gsems, ssems, esems = (gs0, gs1), (ss0, ss1), (es0, es1)

    pltpu.sync_copy(row_hbm.at[pl.ds(wid * EPT, EPT)], rowb)
    pltpu.sync_copy(col2d_hbm.at[wid], colb)
    _tile_rows(s, lambda base, n: pltpu.sync_copy(
        zero_hbm.at[pl.ds(base, n)], acc.at[pl.ds(base, n)]))
    plsc.subcore_barrier()

    def gstart(b, j):
        pltpu.async_copy(y_hbm.at[rowb.at[pl.ds(j * SCK, SCK)]], gbs[b],
                         gsems[b])

    def gwait(b):
        pltpu.make_async_copy(y_hbm.at[rowb.at[pl.ds(0, SCK)]], gbs[b],
                              gsems[b]).wait()

    def sstart(b, j):
        pltpu.async_copy(sbs[b], acc.at[colb.at[j]], ssems[b], add=True)

    def swait(b):
        pltpu.make_async_copy(sbs[b], acc.at[colb.at[0]], ssems[b]).wait()

    def estart(b, j):
        pltpu.async_copy(ew_hbm.at[pl.ds(wid * EPT + j * SCK, SCK)],
                         ewb.at[b], esems[b])

    def ewait(b):
        pltpu.make_async_copy(ew_hbm.at[pl.ds(0, SCK)], ewb.at[b],
                              esems[b]).wait()

    def scale(b):
        himask = jnp.full((L,), -65536, jnp.int32)

        @pl.loop(0, SCK, step=2)
        def _(k0):
            for du in range(2):
                k = k0 + du
                wv = plsc.load_gather(
                    ewb.at[b], [jnp.full((L,), k, jnp.int32)])
                for jj in range(D // (2 * L)):
                    xi = gbs[b][k, pl.ds(jj * L, L)]
                    ev = plsc.bitcast(xi << 16, jnp.float32)
                    od = plsc.bitcast(xi & himask, jnp.float32)
                    sbs[b][k, pl.ds(jj * 2 * L, L)] = ev * wv
                    sbs[b][k, pl.ds(jj * 2 * L + L, L)] = od * wv

    for b in range(2):
        gstart(b, b)
        estart(b, b)

    MAIN = CPT - (CPT % 2)

    @pl.loop(0, MAIN, step=2)
    def _(j0):
        for b in range(2):
            j = j0 + b
            gwait(b)

            @pl.when(j >= 2)
            def _():
                swait(b)

            ewait(b)
            scale(b)

            @pl.when(j + 2 < CPT)
            def _():
                gstart(b, j + 2)
                estart(b, j + 2)

            sstart(b, j)

    if CPT % 2:
        gwait(0)
        swait(0)
        ewait(0)
        scale(0)
        sstart(0, CPT - 1)
    swait(1)
    swait(0)
    plsc.subcore_barrier()

    _tile_rows(s, lambda base, n: pltpu.sync_copy(
        acc.at[pl.ds(base, n)], out_hbm.at[c, pl.ds(base, n)]))


@functools.partial(
    pl.kernel,
    out_type=jax.ShapeDtypeStruct((NW, N), jnp.float32),
    mesh=_mesh,
    compiler_params=_sc_params,
    scratch_types=[
        pltpu.VMEM((N,), jnp.float32),
        pltpu.VMEM((EPT,), jnp.int32),
        pltpu.VMEM((EPT,), jnp.float32),
    ],
)
def _deg_sc(col_hbm, ew_hbm, out_hbm, acc, colb, ewb):
    c = lax.axis_index("c")
    s = lax.axis_index("s")
    wid = s * NC + c

    @pl.loop(0, N // L)
    def _(i):
        acc[pl.ds(i * L, L)] = jnp.zeros((L,), jnp.float32)

    pltpu.sync_copy(col_hbm.at[pl.ds(wid * EPT, EPT)], colb)
    pltpu.sync_copy(ew_hbm.at[pl.ds(wid * EPT, EPT)], ewb)

    @pl.loop(0, EPT // L)
    def _(j):
        sl = pl.ds(j * L, L)
        plsc.addupdate_scatter(acc, [colb[sl]], ewb[sl])

    pltpu.sync_copy(acc, out_hbm.at[wid])



def _t0_body(d_ref, o_ref):
    o_ref[...] = lax.rsqrt(jnp.sum(d_ref[...], axis=0) + 1.0)


_t0 = pl.pallas_call(
    _t0_body,
    out_shape=jax.ShapeDtypeStruct((N,), jnp.float32),
)


def _t1_body(x_ref, w_ref, wq_ref, dinv_ref, y_ref, ybf_ref):
    x = x_ref[...]
    dinv = dinv_ref[...]
    y_ref[...] = dinv * jnp.dot(x, w_ref[...],
                                preferred_element_type=jnp.float32)
    yq = dinv * jnp.dot(x, wq_ref[...], preferred_element_type=jnp.float32)
    ybf_ref[...] = yq.astype(jnp.bfloat16)


_t1 = pl.pallas_call(
    _t1_body,
    out_shape=[
        jax.ShapeDtypeStruct((N, D), jnp.float32),
        jax.ShapeDtypeStruct((N, D), jnp.bfloat16),
    ],
)


def _mid_body(s_ref, y_ref, dinv_ref, b_ref, w_ref, wq_ref, o_ref, obf_ref):
    dinv = dinv_ref[...]
    z = dinv * (s_ref[0] + s_ref[1] + y_ref[...]) + b_ref[...]
    z = jnp.maximum(z, 0.0)
    o_ref[...] = dinv * jnp.dot(z, w_ref[...],
                                preferred_element_type=jnp.float32)
    oq = dinv * jnp.dot(z, wq_ref[...], preferred_element_type=jnp.float32)
    obf_ref[...] = oq.astype(jnp.bfloat16)


_mid = pl.pallas_call(
    _mid_body,
    out_shape=[
        jax.ShapeDtypeStruct((N, D), jnp.float32),
        jax.ShapeDtypeStruct((N, D), jnp.bfloat16),
    ],
)


def _head_body(s_ref, y_ref, dinv_ref, b_ref, batch_ref, wl_ref, bl_ref, o_ref):
    z3 = dinv_ref[...] * (s_ref[0] + s_ref[1] + y_ref[...]) + b_ref[...]
    gids = lax.broadcasted_iota(jnp.int32, (N, G), 1)
    onehot = (batch_ref[...] == gids).astype(jnp.float32)
    dn = (((0,), (0,)), ((), ()))
    sums = lax.dot_general(onehot, z3, dn, preferred_element_type=jnp.float32)
    cnt = lax.dot_general(onehot, jnp.ones((N, 1), jnp.float32), dn,
                          preferred_element_type=jnp.float32)
    pooled = sums / jnp.maximum(cnt, 1.0)
    o_ref[...] = jnp.dot(pooled, wl_ref[...],
                         preferred_element_type=jnp.float32) + bl_ref[...]


_head = pl.pallas_call(
    _head_body,
    out_shape=jax.ShapeDtypeStruct((G, D), jnp.float32),
)


def kernel(x, edge_index, batch, edge_attr, W1, b1, W2, b2, W3, b3, Wl, bl):
    row = edge_index[0]
    col = edge_index[1]
    zero_nd = jnp.zeros((N, D), jnp.float32)
    batch2d = batch.reshape(N, 1)
    b1r = b1.reshape(1, D)
    b2r = b2.reshape(1, D)
    b3r = b3.reshape(1, D)
    wl_pad = jnp.pad(Wl, ((0, 0), (0, D - Wl.shape[1])))
    bl_pad = jnp.pad(bl, (0, D - bl.shape[0])).reshape(1, D)

    col2d = col.reshape(NW, CPT, SCK)
    def _pack(ybf):
        return lax.bitcast_convert_type(
            ybf.reshape(N, D // 2, 2), jnp.int32)

    qperm = jnp.asarray(_QPERM)
    W1q, W2q, W3q = W1[:, qperm], W2[:, qperm], W3[:, qperm]
    dpart = _deg_sc(col, edge_attr)
    dinv = _t0(dpart).reshape(N, 1)
    y1, y1b = _t1(x, W1, W1q, dinv)
    s1 = _spmm_sc(_pack(y1b), row, col2d, edge_attr, zero_nd)
    y2, y2b = _mid(s1, y1, dinv, b1r, W2, W2q)
    s2 = _spmm_sc(_pack(y2b), row, col2d, edge_attr, zero_nd)
    y3, y3b = _mid(s2, y2, dinv, b2r, W3, W3q)
    s3 = _spmm_sc(_pack(y3b), row, col2d, edge_attr, zero_nd)
    out = _head(s3, y3, dinv, b3r, batch2d, wl_pad, bl_pad)
    return out[:, :Wl.shape[1]]

# --- scband reference (transcript-rebuilt; emitter-appended) ---
"""Pipeline reference for scband-gnn-36301063586163 (READ-ONLY COPY).

The authoritative reference and input builder live on the scoring server;
editing this copy changes nothing except your own understanding.
"""

import jax, jax.numpy as jnp
import numpy as np

N = 10000
E = 320000
D = 128
H = 128
G = 128


def setup_inputs(seed: int = 0) -> dict:
    key = jax.random.key(seed)
    ks = jax.random.split(key, 12)
    x = jax.random.normal(ks[0], (N, D), dtype=jnp.float32)
    edge_index = jax.random.randint(ks[1], (2, E), 0, N, dtype=jnp.int32)
    batch = jnp.sort(jax.random.randint(ks[2], (N,), 0, G, dtype=jnp.int32))
    edge_attr = jax.random.uniform(ks[3], (E,), dtype=jnp.float32)
    W1 = jax.random.normal(ks[4], (D, H), dtype=jnp.float32) * 0.05
    b1 = jnp.zeros((H,), dtype=jnp.float32)
    W2 = jax.random.normal(ks[5], (H, H), dtype=jnp.float32) * 0.05
    b2 = jnp.zeros((H,), dtype=jnp.float32)
    W3 = jax.random.normal(ks[6], (H, H), dtype=jnp.float32) * 0.05
    b3 = jnp.zeros((H,), dtype=jnp.float32)
    Wl = jax.random.normal(ks[7], (H, 2), dtype=jnp.float32) * 0.05
    bl = jnp.zeros((2,), dtype=jnp.float32)
    return {"x": x, "edge_index": edge_index, "batch": batch, "edge_attr": edge_attr,
            "W1": W1, "b1": b1, "W2": W2, "b2": b2, "W3": W3, "b3": b3, "Wl": Wl, "bl": bl}


def gcn_conv(x, edge_index, edge_weight, W, b):
    # linear transform first
    h = x @ W
    n = h.shape[0]
    row = edge_index[0]
    col = edge_index[1]
    # add self loops with weight 1 (GCNConv default)
    loop = jnp.arange(n, dtype=row.dtype)
    row_f = jnp.concatenate([row, loop])
    col_f = jnp.concatenate([col, loop])
    ew_f = jnp.concatenate([edge_weight, jnp.ones((n,), dtype=edge_weight.dtype)])
    # symmetric normalization: deg over destination nodes
    deg = jnp.zeros((n,), dtype=h.dtype).at[col_f].add(ew_f)
    dinv = jnp.where(deg > 0, jax.lax.rsqrt(jnp.where(deg > 0, deg, 1.0)), 0.0)
    norm = dinv[row_f] * ew_f * dinv[col_f]
    # message passing: gather source features, scatter-add to destination
    out = jnp.zeros_like(h).at[col_f].add(norm[:, None] * h[row_f])
    return out + b


def reference(x, edge_index, batch, edge_attr, W1, b1, W2, b2, W3, b3, Wl, bl):
    h = jax.nn.relu(gcn_conv(x, edge_index, edge_attr, W1, b1))
    h = jax.nn.relu(gcn_conv(h, edge_index, edge_attr, W2, b2))
    h = gcn_conv(h, edge_index, edge_attr, W3, b3)
    # global mean pool over graph ids in `batch`
    sums = jax.ops.segment_sum(h, batch, num_segments=G)
    cnt = jax.ops.segment_sum(jnp.ones((h.shape[0],), dtype=h.dtype), batch, num_segments=G)
    pooled = sums / jnp.clip(cnt, 1.0)[:, None]
    # dropout is identity in eval mode
    return pooled @ Wl + bl

if __name__ == "__main__":
    import jax
    _d = setup_inputs()
    print(jax.jit(kernel)(*tuple(_d.values())))

</pallas_src>

<mosaic_0001>
#map = affine_map<(d0, d1) -> (0, 0)>
#map1 = affine_map<(d0, d1) -> (0)>
#map2 = affine_map<(d0, d1) -> (0, 0, 0)>
module attributes {stable_mosaic.version = 14 : i64} {
  func.func @_spmm_sc(%arg0: i32, %arg1: i32, %arg2: memref<10000x64xi32, #tpu.memory_space<hbm>>, %arg3: memref<320000xi32, #tpu.memory_space<hbm>>, %arg4: memref<32x250x40xi32, #tpu.memory_space<hbm>>, %arg5: memref<320000xf32, #tpu.memory_space<hbm>>, %arg6: memref<10000x128xf32, #tpu.memory_space<hbm>>, %arg7: memref<2x10000x128xf32, #tpu.memory_space<hbm>>, %arg8: memref<10000x128xf32, #tpu.memory_space<vmem_shared>>, %arg9: memref<10000xi32, #tpu.memory_space<vmem>>, %arg10: memref<250x40xi32, #tpu.memory_space<vmem>>, %arg11: memref<2x40xf32, #tpu.memory_space<vmem>>, %arg12: memref<40x64xi32, #tpu.memory_space<vmem>>, %arg13: memref<40x64xi32, #tpu.memory_space<vmem>>, %arg14: memref<40x128xf32, #tpu.memory_space<vmem>>, %arg15: memref<40x128xf32, #tpu.memory_space<vmem>>, %arg16: memref<!tpu.dma_semaphore, #tpu.memory_space<semaphore_mem>>, %arg17: memref<!tpu.dma_semaphore, #tpu.memory_space<semaphore_mem>>, %arg18: memref<!tpu.dma_semaphore, #tpu.memory_space<semaphore_mem>>, %arg19: memref<!tpu.dma_semaphore, #tpu.memory_space<semaphore_mem>>, %arg20: memref<!tpu.dma_semaphore, #tpu.memory_space<semaphore_mem>>, %arg21: memref<!tpu.dma_semaphore, #tpu.memory_space<semaphore_mem>>) attributes {dimension_semantics = [#tpu.dimension_semantics<core_parallel>, #tpu.dimension_semantics<subcore_parallel>], iteration_bounds = array<i64: 2, 16>, scalar_prefetch = 0 : i64, scratch_operands = 14 : i64, tpu.core_type = #tpu.core_type<sc_vector_subcore>, window_params = [{transform_indices = #map}, {transform_indices = #map1}, {transform_indices = #map2}, {transform_indices = #map1}, {transform_indices = #map}, {transform_indices = #map2}]} {
    %mul3A = arith.constant 2 : i32
    %mul3A_0 = arith.muli %arg1, %mul3A : i32
    %add3A = arith.addi %mul3A_0, %arg0 : i32
    %mul3A_1 = arith.constant 10000 : i32
    %mul3A_2 = arith.muli %add3A, %mul3A_1 : i32
    "tpu.region"() ({
      %run_scoped3A = tpu.sem_alloc : memref<!tpu.dma_semaphore, #tpu.memory_space<semaphore_mem>>
      %dma_start3A_72 = tpu.memref_slice %arg3[%mul3A_2] : memref<320000xi32, #tpu.memory_space<hbm>> -> memref<10000xi32, #tpu.memory_space<hbm>>
      %dma_start3A_73 = tpu.memref_slice %arg3[%mul3A_2] : memref<320000xi32, #tpu.memory_space<hbm>> -> memref<10000xi32, #tpu.memory_space<hbm>>
      tpu.enqueue_dma source(%dma_start3A_73 : memref<10000xi32, #tpu.memory_space<hbm>>) target(%arg9 : memref<10000xi32, #tpu.memory_space<vmem>>) target_semaphore(%run_scoped3A : memref<!tpu.dma_semaphore, #tpu.memory_space<semaphore_mem>>)
      %dma_wait3A_74 = tpu.memref_slice %arg3[%mul3A_2] : memref<320000xi32, #tpu.memory_space<hbm>> -> memref<10000xi32, #tpu.memory_space<hbm>>
      %dma_wait3A_75 = tpu.memref_slice %arg3[%mul3A_2] : memref<320000xi32, #tpu.memory_space<hbm>> -> memref<10000xi32, #tpu.memory_space<hbm>>
      tpu.wait_dma2 semaphore(%run_scoped3A : memref<!tpu.dma_semaphore, #tpu.memory_space<semaphore_mem>>) src(%dma_wait3A_75 : memref<10000xi32, #tpu.memory_space<hbm>>) dst(%arg9 : memref<10000xi32, #tpu.memory_space<vmem>>)
      tpu.yield
    }) : () -> ()
    "tpu.region"() ({
      %run_scoped3A = tpu.sem_alloc : memref<!tpu.dma_semaphore, #tpu.memory_space<semaphore_mem>>
      %dma_start3A_72 = arith.constant 0 : i32
      %dma_start3A_73 = arith.constant 0 : i32
      %dma_start3A_74 = tpu.memref_slice %arg4[%add3A, %dma_start3A_72, %dma_start3A_73] : memref<32x250x40xi32, #tpu.memory_space<hbm>> -> memref<1x250x40xi32, #tpu.memory_space<hbm>>
      %dma_start3A_75 = tpu.memref_squeeze %dma_start3A_74 : memref<1x250x40xi32, #tpu.memory_space<hbm>> -> memref<250x40xi32, #tpu.memory_space<hbm>>
      %dma_start3A_76 = arith.constant 0 : i32
      %dma_start3A_77 = arith.constant 0 : i32
      %dma_start3A_78 = tpu.memref_slice %arg4[%add3A, %dma_start3A_76, %dma_start3A_77] : memref<32x250x40xi32, #tpu.memory_space<hbm>> -> memref<1x250x40xi32, #tpu.memory_space<hbm>>
      %dma_start3A_79 = tpu.memref_squeeze %dma_start3A_78 : memref<1x250x40xi32, #tpu.memory_space<hbm>> -> memref<250x40xi32, #tpu.memory_space<hbm>>
      tpu.enqueue_dma source(%dma_start3A_79 : memref<250x40xi32, #tpu.memory_space<hbm>>) target(%arg10 : memref<250x40xi32, #tpu.memory_space<vmem>>) target_semaphore(%run_scoped3A : memref<!tpu.dma_semaphore, #tpu.memory_space<semaphore_mem>>)
      %dma_wait3A_80 = arith.constant 0 : i32
      %dma_wait3A_81 = arith.constant 0 : i32
      %dma_wait3A_82 = tpu.memref_slice %arg4[%add3A, %dma_wait3A_80, %dma_wait3A_81] : memref<32x250x40xi32, #tpu.memory_space<hbm>> -> memref<1x250x40xi32, #tpu.memory_space<hbm>>
      %dma_wait3A_83 = tpu.memref_squeeze %dma_wait3A_82 : memref<1x250x40xi32, #tpu.memory_space<hbm>> -> memref<250x40xi32, #tpu.memory_space<hbm>>
      %dma_wait3A_84 = arith.constant 0 : i32
      %dma_wait3A_85 = arith.constant 0 : i32
      %dma_wait3A_86 = tpu.memref_slice %arg4[%add3A, %dma_wait3A_84, %dma_wait3A_85] : memref<32x250x40xi32, #tpu.memory_space<hbm>> -> memref<1x250x40xi32, #tpu.memory_space<hbm>>
      %dma_wait3A_87 = tpu.memref_squeeze %dma_wait3A_86 : memref<1x250x40xi32, #tpu.memory_space<hbm>> -> memref<250x40xi32, #tpu.memory_space<hbm>>
      tpu.wait_dma2 semaphore(%run_scoped3A : memref<!tpu.dma_semaphore, #tpu.memory_space<semaphore_mem>>) src(%dma_wait3A_87 : memref<250x40xi32, #tpu.memory_space<hbm>>) dst(%arg10 : memref<250x40xi32, #tpu.memory_space<vmem>>)
      tpu.yield
    }) : () -> ()
    %lt3A = arith.constant 15 : i32
    %lt3A_3 = arith.cmpi slt, %arg1, %lt3A : i32
    %convert_element_type3A = arith.extui %lt3A_3 : i1 to i32
    %cond3A = arith.constant 0 : i32
    %cond3A_4 = arith.cmpi ne, %convert_element_type3A, %cond3A : i32
    scf.if %cond3A_4 {
      %mul3A_72 = arith.constant 624 : i32
      %mul3A_73 = arith.muli %arg1, %mul3A_72 : i32
      "tpu.region"() ({
        %run_scoped3A = tpu.sem_alloc : memref<!tpu.dma_semaphore, #tpu.memory_space<semaphore_mem>>
        %dma_start3A_74 = arith.constant 0 : i32
        %dma_start3A_75 = tpu.memref_slice %arg8[%mul3A_73, %dma_start3A_74] : memref<10000x128xf32, #tpu.memory_space<vmem_shared>> -> memref<624x128xf32, #tpu.memory_space<vmem_shared>>
        %dma_start3A_76 = arith.constant 0 : i32
        %dma_start3A_77 = tpu.memref_slice %arg6[%mul3A_73, %dma_start3A_76] : memref<10000x128xf32, #tpu.memory_space<hbm>> -> memref<624x128xf32, #tpu.memory_space<hbm>>
        tpu.enqueue_dma source(%dma_start3A_77 : memref<624x128xf32, #tpu.memory_space<hbm>>) target(%dma_start3A_75 : memref<624x128xf32, #tpu.memory_space<vmem_shared>>) target_semaphore(%run_scoped3A : memref<!tpu.dma_semaphore, #tpu.memory_space<semaphore_mem>>)
        %dma_wait3A_78 = arith.constant 0 : i32
        %dma_wait3A_79 = tpu.memref_slice %arg8[%mul3A_73, %dma_wait3A_78] : memref<10000x128xf32, #tpu.memory_space<vmem_shared>> -> memref<624x128xf32, #tpu.memory_space<vmem_shared>>
        %dma_wait3A_80 = arith.constant 0 : i32
        %dma_wait3A_81 = tpu.memref_slice %arg6[%mul3A_73, %dma_wait3A_80] : memref<10000x128xf32, #tpu.memory_space<hbm>> -> memref<624x128xf32, #tpu.memory_space<hbm>>
        tpu.wait_dma2 semaphore(%run_scoped3A : memref<!tpu.dma_semaphore, #tpu.memory_space<semaphore_mem>>) src(%dma_wait3A_81 : memref<624x128xf32, #tpu.memory_space<hbm>>) dst(%dma_wait3A_79 : memref<624x128xf32, #tpu.memory_space<vmem_shared>>)
        tpu.yield
      }) : () -> ()
    } else {
    }
    %eq3A = arith.constant 15 : i32
    %eq3A_5 = arith.cmpi eq, %arg1, %eq3A : i32
    %convert_element_type3A_6 = arith.extui %eq3A_5 : i1 to i32
    %cond3A_7 = arith.constant 0 : i32
    %cond3A_8 = arith.cmpi ne, %convert_element_type3A_6, %cond3A_7 : i32
    scf.if %cond3A_8 {
      "tpu.region"() ({
        %run_scoped3A = tpu.sem_alloc : memref<!tpu.dma_semaphore, #tpu.memory_space<semaphore_mem>>
        %dma_start3A_72 = arith.constant 9360 : i32
        %dma_start3A_73 = arith.constant 0 : i32
        %dma_start3A_74 = tpu.memref_slice %arg8[%dma_start3A_72, %dma_start3A_73] : memref<10000x128xf32, #tpu.memory_space<vmem_shared>> -> memref<640x128xf32, #tpu.memory_space<vmem_shared>>
        %dma_start3A_75 = arith.constant 9360 : i32
        %dma_start3A_76 = arith.constant 0 : i32
        %dma_start3A_77 = tpu.memref_slice %arg6[%dma_start3A_75, %dma_start3A_76] : memref<10000x128xf32, #tpu.memory_space<hbm>> -> memref<640x128xf32, #tpu.memory_space<hbm>>
        tpu.enqueue_dma source(%dma_start3A_77 : memref<640x128xf32, #tpu.memory_space<hbm>>) target(%dma_start3A_74 : memref<640x128xf32, #tpu.memory_space<vmem_shared>>) target_semaphore(%run_scoped3A : memref<!tpu.dma_semaphore, #tpu.memory_space<semaphore_mem>>)
        %dma_wait3A_78 = arith.constant 9360 : i32
        %dma_wait3A_79 = arith.constant 0 : i32
        %dma_wait3A_80 = tpu.memref_slice %arg8[%dma_wait3A_78, %dma_wait3A_79] : memref<10000x128xf32, #tpu.memory_space<vmem_shared>> -> memref<640x128xf32, #tpu.memory_space<vmem_shared>>
        %dma_wait3A_81 = arith.constant 9360 : i32
        %dma_wait3A_82 = arith.constant 0 : i32
        %dma_wait3A_83 = tpu.memref_slice %arg6[%dma_wait3A_81, %dma_wait3A_82] : memref<10000x128xf32, #tpu.memory_space<hbm>> -> memref<640x128xf32, #tpu.memory_space<hbm>>
        tpu.wait_dma2 semaphore(%run_scoped3A : memref<!tpu.dma_semaphore, #tpu.memory_space<semaphore_mem>>) src(%dma_wait3A_83 : memref<640x128xf32, #tpu.memory_space<hbm>>) dst(%dma_wait3A_80 : memref<640x128xf32, #tpu.memory_space<vmem_shared>>)
        tpu.yield
      }) : () -> ()
    } else {
    }
    %barrier3A = arith.constant 0 : index
    tpu.barrier barrier_id(%barrier3A)
    %dma_start3A = arith.constant 0 : i32
    %dma_start3A_9 = tpu.memref_slice %arg9[%dma_start3A] : memref<10000xi32, #tpu.memory_space<vmem>> -> memref<40xi32, #tpu.memory_space<vmem>>
    %dma_start3A_10 = arith.constant 0 : i32
    %dma_start3A_11 = arith.constant 0 : i32
    %dma_start3A_12 = tpu.memref_slice %arg2[%dma_start3A_10, %dma_start3A_11] : memref<10000x64xi32, #tpu.memory_space<hbm>> -> memref<10000x64xi32, #tpu.memory_space<hbm>>
    tpu.enqueue_indirect_dma source(%dma_start3A_12 : memref<10000x64xi32, #tpu.memory_space<hbm>>) target(%arg12 : memref<40x64xi32, #tpu.memory_space<vmem>>) offsets(%dma_start3A_9 : memref<40xi32, #tpu.memory_space<vmem>>) semaphore(%arg16 : memref<!tpu.dma_semaphore, #tpu.memory_space<semaphore_mem>>)
    %mul3A_13 = arith.constant 10000 : i32
    %mul3A_14 = arith.muli %add3A, %mul3A_13 : i32
    %add3A_15 = arith.constant 0 : i32
    %add3A_16 = arith.addi %mul3A_14, %add3A_15 : i32
    %dma_start3A_17 = arith.constant 0 : i32
    %dma_start3A_18 = arith.constant 0 : i32
    %dma_start3A_19 = tpu.memref_slice %arg11[%dma_start3A_17, %dma_start3A_18] : memref<2x40xf32, #tpu.memory_space<vmem>> -> memref<1x40xf32, #tpu.memory_space<vmem>>
    %dma_start3A_20 = tpu.memref_squeeze %dma_start3A_19 : memref<1x40xf32, #tpu.memory_space<vmem>> -> memref<40xf32, #tpu.memory_space<vmem>>
    %dma_start3A_21 = tpu.memref_slice %arg5[%add3A_16] : memref<320000xf32, #tpu.memory_space<hbm>> -> memref<40xf32, #tpu.memory_space<hbm>>
    %dma_start3A_22 = arith.constant 0 : i32
    %dma_start3A_23 = tpu.memref_slice %arg11[%dma_start3A_17, %dma_start3A_22] : memref<2x40xf32, #tpu.memory_space<vmem>> -> memref<1x40xf32, #tpu.memory_space<vmem>>
    %dma_start3A_24 = tpu.memref_squeeze %dma_start3A_23 : memref<1x40xf32, #tpu.memory_space<vmem>> -> memref<40xf32, #tpu.memory_space<vmem>>
    %dma_start3A_25 = tpu.memref_slice %arg5[%add3A_16] : memref<320000xf32, #tpu.memory_space<hbm>> -> memref<40xf32, #tpu.memory_space<hbm>>
    tpu.enqueue_dma source(%dma_start3A_25 : memref<40xf32, #tpu.memory_space<hbm>>) target(%dma_start3A_24 : memref<40xf32, #tpu.memory_space<vmem>>) target_semaphore(%arg20 : memref<!tpu.dma_semaphore, #tpu.memory_space<semaphore_mem>>)
    %dma_start3A_26 = arith.constant 40 : i32
    %dma_start3A_27 = tpu.memref_slice %arg9[%dma_start3A_26] : memref<10000xi32, #tpu.memory_space<vmem>> -> memref<40xi32, #tpu.memory_space<vmem>>
    %dma_start3A_28 = arith.constant 0 : i32
    %dma_start3A_29 = arith.constant 0 : i32
    %dma_start3A_30 = tpu.memref_slice %arg2[%dma_start3A_28, %dma_start3A_29] : memref<10000x64xi32, #tpu.memory_space<hbm>> -> memref<10000x64xi32, #tpu.memory_space<hbm>>
    tpu.enqueue_indirect_dma source(%dma_start3A_30 : memref<10000x64xi32, #tpu.memory_space<hbm>>) target(%arg13 : memref<40x64xi32, #tpu.memory_space<vmem>>) offsets(%dma_start3A_27 : memref<40xi32, #tpu.memory_space<vmem>>) semaphore(%arg17 : memref<!tpu.dma_semaphore, #tpu.memory_space<semaphore_mem>>)
    %mul3A_31 = arith.constant 10000 : i32
    %mul3A_32 = arith.muli %add3A, %mul3A_31 : i32
    %add3A_33 = arith.constant 40 : i32
    %add3A_34 = arith.addi %mul3A_32, %add3A_33 : i32
    %dma_start3A_35 = arith.constant 1 : i32
    %dma_start3A_36 = arith.constant 0 : i32
    %dma_start3A_37 = tpu.memref_slice %arg11[%dma_start3A_35, %dma_start3A_36] : memref<2x40xf32, #tpu.memory_space<vmem>> -> memref<1x40xf32, #tpu.memory_space<vmem>>
    %dma_start3A_38 = tpu.memref_squeeze %dma_start3A_37 : memref<1x40xf32, #tpu.memory_space<vmem>> -> memref<40xf32, #tpu.memory_space<vmem>>
    %dma_start3A_39 = tpu.memref_slice %arg5[%add3A_34] : memref<320000xf32, #tpu.memory_space<hbm>> -> memref<40xf32, #tpu.memory_space<hbm>>
    %dma_start3A_40 = arith.constant 0 : i32
    %dma_start3A_41 = tpu.memref_slice %arg11[%dma_start3A_35, %dma_start3A_40] : memref<2x40xf32, #tpu.memory_space<vmem>> -> memref<1x40xf32, #tpu.memory_space<vmem>>
    %dma_start3A_42 = tpu.memref_squeeze %dma_start3A_41 : memref<1x40xf32, #tpu.memory_space<vmem>> -> memref<40xf32, #tpu.memory_space<vmem>>
    %dma_start3A_43 = tpu.memref_slice %arg5[%add3A_34] : memref<320000xf32, #tpu.memory_space<hbm>> -> memref<40xf32, #tpu.memory_space<hbm>>
    tpu.enqueue_dma source(%dma_start3A_43 : memref<40xf32, #tpu.memory_space<hbm>>) target(%dma_start3A_42 : memref<40xf32, #tpu.memory_space<vmem>>) target_semaphore(%arg21 : memref<!tpu.dma_semaphore, #tpu.memory_space<semaphore_mem>>)
    %scan3A = arith.constant 0 : i32
    %scan3A_44 = arith.constant 125 : i32
    %scan3A_45 = arith.addi %scan3A, %scan3A_44 : i32
    %scan3A_46 = arith.constant 1 : i32
    scf.for %scan3A_72 = %scan3A to %scan3A_45 step %scan3A_46  : i32 {
      %mul3A_73 = arith.constant 2 : i32
      %mul3A_74 = arith.muli %scan3A_72, %mul3A_73 : i32
      %add3A_75 = arith.constant 0 : i32
      %add3A_76 = arith.addi %add3A_75, %mul3A_74 : i32
      %add3A_77 = arith.constant 0 : i32
      %add3A_78 = arith.addi %add3A_76, %add3A_77 : i32
      %dma_wait3A_79 = arith.constant 0 : i32
      %dma_wait3A_80 = tpu.memref_slice %arg9[%dma_wait3A_79] : memref<10000xi32, #tpu.memory_space<vmem>> -> memref<40xi32, #tpu.memory_space<vmem>>
      %dma_wait3A_81 = arith.constant 0 : i32
      %dma_wait3A_82 = arith.constant 0 : i32
      %dma_wait3A_83 = tpu.memref_slice %arg2[%dma_wait3A_81, %dma_wait3A_82] : memref<10000x64xi32, #tpu.memory_space<hbm>> -> memref<10000x64xi32, #tpu.memory_space<hbm>>
      tpu.wait_indirect_dma semaphore(%arg16 : memref<!tpu.dma_semaphore, #tpu.memory_space<semaphore_mem>>) src(%dma_wait3A_83 : memref<10000x64xi32, #tpu.memory_space<hbm>>) dst(%arg12 : memref<40x64xi32, #tpu.memory_space<vmem>>)
      %ge3A = arith.constant 2 : i32
      %ge3A_84 = arith.cmpi sge, %add3A_78, %ge3A : i32
      %convert_element_type3A_85 = arith.extui %ge3A_84 : i1 to i32
      %cond3A_86 = arith.constant 0 : i32
      %cond3A_87 = arith.cmpi ne, %convert_element_type3A_85, %cond3A_86 : i32
      scf.if %cond3A_87 {
        %dma_wait3A_161 = arith.constant 0 : i32
        %dma_wait3A_162 = arith.constant 0 : i32
        %dma_wait3A_163 = tpu.memref_slice %arg10[%dma_wait3A_161, %dma_wait3A_162] : memref<250x40xi32, #tpu.memory_space<vmem>> -> memref<1x40xi32, #tpu.memory_space<vmem>>
        %dma_wait3A_164 = tpu.memref_squeeze %dma_wait3A_163 : memref<1x40xi32, #tpu.memory_space<vmem>> -> memref<40xi32, #tpu.memory_space<vmem>>
        %dma_wait3A_165 = arith.constant 0 : i32
        %dma_wait3A_166 = arith.constant 0 : i32
        %dma_wait3A_167 = tpu.memref_slice %arg8[%dma_wait3A_165, %dma_wait3A_166] : memref<10000x128xf32, #tpu.memory_space<vmem_shared>> -> memref<10000x128xf32, #tpu.memory_space<vmem_shared>>
        tpu.wait_indirect_dma semaphore(%arg18 : memref<!tpu.dma_semaphore, #tpu.memory_space<semaphore_mem>>) src(%arg14 : memref<40x128xf32, #tpu.memory_space<vmem>>) dst(%dma_wait3A_167 : memref<10000x128xf32, #tpu.memory_space<vmem_shared>>)
      } else {
      }
      %dma_wait3A_88 = arith.constant 0 : i32
      %dma_wait3A_89 = arith.constant 0 : i32
      %dma_wait3A_90 = tpu.memref_slice %arg11[%dma_wait3A_88, %dma_wait3A_89] : memref<2x40xf32, #tpu.memory_space<vmem>> -> memref<1x40xf32, #tpu.memory_space<vmem>>
      %dma_wait3A_91 = tpu.memref_squeeze %dma_wait3A_90 : memref<1x40xf32, #tpu.memory_space<vmem>> -> memref<40xf32, #tpu.memory_space<vmem>>
      %dma_wait3A_92 = arith.constant 0 : i32
      %dma_wait3A_93 = tpu.memref_slice %arg5[%dma_wait3A_92] : memref<320000xf32, #tpu.memory_space<hbm>> -> memref<40xf32, #tpu.memory_space<hbm>>
      %dma_wait3A_94 = arith.constant 0 : i32
      %dma_wait3A_95 = tpu.memref_slice %arg11[%dma_wait3A_88, %dma_wait3A_94] : memref<2x40xf32, #tpu.memory_space<vmem>> -> memref<1x40xf32, #tpu.memory_space<vmem>>
      %dma_wait3A_96 = tpu.memref_squeeze %dma_wait3A_95 : memref<1x40xf32, #tpu.memory_space<vmem>> -> memref<40xf32, #tpu.memory_space<vmem>>
      %dma_wait3A_97 = arith.constant 0 : i32
      %dma_wait3A_98 = tpu.memref_slice %arg5[%dma_wait3A_97] : memref<320000xf32, #tpu.memory_space<hbm>> -> memref<40xf32, #tpu.memory_space<hbm>>
      tpu.wait_dma2 semaphore(%arg20 : memref<!tpu.dma_semaphore, #tpu.memory_space<semaphore_mem>>) src(%dma_wait3A_98 : memref<40xf32, #tpu.memory_space<hbm>>) dst(%dma_wait3A_96 : memref<40xf32, #tpu.memory_space<vmem>>)
      %broadcast_in_dim3A = arith.constant -65536 : i32
      %broadcast_in_dim3A_99 = vector.broadcast %broadcast_in_dim3A : i32 to vector<16xi32>
      %scan3A_100 = arith.constant 0 : i32
      %scan3A_101 = arith.constant 20 : i32
      %scan3A_102 = arith.addi %scan3A_100, %scan3A_101 : i32
      %scan3A_103 = arith.constant 1 : i32
      scf.for %scan3A_161 = %scan3A_100 to %scan3A_102 step %scan3A_103  : i32 {
        %mul3A_162 = arith.constant 2 : i32
        %mul3A_163 = arith.muli %scan3A_161, %mul3A_162 : i32
        %add3A_164 = arith.constant 0 : i32
        %add3A_165 = arith.addi %add3A_164, %mul3A_163 : i32
        %add3A_166 = arith.constant 0 : i32
        %add3A_167 = arith.addi %add3A_165, %add3A_166 : i32
        %broadcast_in_dim3A_168 = vector.broadcast %add3A_167 : i32 to vector<16xi32>
        %gather3A = arith.constant 0 : i32
        %gather3A_169 = arith.constant 0 : i32
        %gather3A_170 = tpu.memref_slice %arg11[%gather3A, %gather3A_169] : memref<2x40xf32, #tpu.memory_space<vmem>> -> memref<1x40xf32, #tpu.memory_space<vmem>>
        %gather3A_171 = tpu.memref_squeeze %gather3A_170 : memref<1x40xf32, #tpu.memory_space<vmem>> -> memref<40xf32, #tpu.memory_space<vmem>>
        %gather3A_172 = tpu.vector_load_idx %gather3A_171[%broadcast_in_dim3A_168] : memref<40xf32, #tpu.memory_space<vmem>>[vector<16xi32>], vector<16xf32>,
        %get3A = arith.index_cast %add3A_167 : i32 to index
        %get3A_173 = arith.constant 0 : index
        %get3A_174 = tpu.vector_load %arg12[%get3A, %get3A_173] {strides = array<i32>} : memref<40x64xi32, #tpu.memory_space<vmem>>, vector<16xi32>,
        %shift_left3A = arith.constant 16 : i32
        %shift_left3A_175 = vector.broadcast %shift_left3A : i32 to vector<16xi32>
        %shift_left3A_176 = arith.shli %get3A_174, %shift_left3A_175 : vector<16xi32>
        %bitcast3A = vector.bitcast %shift_left3A_176 : vector<16xi32> to vector<16xf32>
        %and3A = arith.andi %get3A_174, %broadcast_in_dim3A_99 : vector<16xi32>
        %bitcast3A_177 = vector.bitcast %and3A : vector<16xi32> to vector<16xf32>
        %mul3A_178 = arith.mulf %bitcast3A, %gather3A_172 : vector<16xf32>
        %swap3A = arith.index_cast %add3A_167 : i32 to index
        %swap3A_179 = arith.constant 0 : index
        %swap3A_180 = tpu.vector_load %arg14[%swap3A, %swap3A_179] {strides = array<i32>} : memref<40x128xf32, #tpu.memory_space<vmem>>, vector<16xf32>,
        tpu.vector_store %arg14[%swap3A, %swap3A_179], %mul3A_178 {strides = array<i32>} : memref<40x128xf32, #tpu.memory_space<vmem>>, vector<16xf32>,
        %mul3A_181 = arith.mulf %bitcast3A_177, %gather3A_172 : vector<16xf32>
        %swap3A_182 = arith.index_cast %add3A_167 : i32 to index
        %swap3A_183 = arith.constant 16 : index
        %swap3A_184 = tpu.vector_load %arg14[%swap3A_182, %swap3A_183] {strides = array<i32>} : memref<40x128xf32, #tpu.memory_space<vmem>>, vector<16xf32>,
        tpu.vector_store %arg14[%swap3A_182, %swap3A_183], %mul3A_181 {strides = array<i32>} : memref<40x128xf32, #tpu.memory_space<vmem>>, vector<16xf32>,
        %get3A_185 = arith.index_cast %add3A_167 : i32 to index
        %get3A_186 = arith.constant 16 : index
        %get3A_187 = tpu.vector_load %arg12[%get3A_185, %get3A_186] {strides = array<i32>} : memref<40x64xi32, #tpu.memory_space<vmem>>, vector<16xi32>,
        %shift_left3A_188 = arith.constant 16 : i32
        %shift_left3A_189 = vector.broadcast %shift_left3A_188 : i32 to vector<16xi32>
        %shift_left3A_190 = arith.shli %get3A_187, %shift_left3A_189 : vector<16xi32>
        %bitcast3A_191 = vector.bitcast %shift_left3A_190 : vector<16xi32> to vector<16xf32>
        %and3A_192 = arith.andi %get3A_187, %broadcast_in_dim3A_99 : vector<16xi32>
        %bitcast3A_193 = vector.bitcast %and3A_192 : vector<16xi32> to vector<16xf32>
        %mul3A_194 = arith.mulf %bitcast3A_191, %gather3A_172 : vector<16xf32>
        %swap3A_195 = arith.index_cast %add3A_167 : i32 to index
        %swap3A_196 = arith.constant 32 : index
        %swap3A_197 = tpu.vector_load %arg14[%swap3A_195, %swap3A_196] {strides = array<i32>} : memref<40x128xf32, #tpu.memory_space<vmem>>, vector<16xf32>,
        tpu.vector_store %arg14[%swap3A_195, %swap3A_196], %mul3A_194 {strides = array<i32>} : memref<40x128xf32, #tpu.memory_space<vmem>>, vector<16xf32>,
        %mul3A_198 = arith.mulf %bitcast3A_193, %gather3A_172 : vector<16xf32>
        %swap3A_199 = arith.index_cast %add3A_167 : i32 to index
        %swap3A_200 = arith.constant 48 : index
        %swap3A_201 = tpu.vector_load %arg14[%swap3A_199, %swap3A_200] {strides = array<i32>} : memref<40x128xf32, #tpu.memory_space<vmem>>, vector<16xf32>,
        tpu.vector_store %arg14[%swap3A_199, %swap3A_200], %mul3A_198 {strides = array<i32>} : memref<40x128xf32, #tpu.memory_space<vmem>>, vector<16xf32>,
        %get3A_202 = arith.index_cast %add3A_167 : i32 to index
        %get3A_203 = arith.constant 32 : index
        %get3A_204 = tpu.vector_load %arg12[%get3A_202, %get3A_203] {strides = array<i32>} : memref<40x64xi32, #tpu.memory_space<vmem>>, vector<16xi32>,
        %shift_left3A_205 = arith.constant 16 : i32
        %shift_left3A_206 = vector.broadcast %shift_left3A_205 : i32 to vector<16xi32>
        %shift_left3A_207 = arith.shli %get3A_204, %shift_left3A_206 : vector<16xi32>
        %bitcast3A_208 = vector.bitcast %shift_left3A_207 : vector<16xi32> to vector<16xf32>
        %and3A_209 = arith.andi %get3A_204, %broadcast_in_dim3A_99 : vector<16xi32>
        %bitcast3A_210 = vector.bitcast %and3A_209 : vector<16xi32> to vector<16xf32>
        %mul3A_211 = arith.mulf %bitcast3A_208, %gather3A_172 : vector<16xf32>
        %swap3A_212 = arith.index_cast %add3A_167 : i32 to index
        %swap3A_213 = arith.constant 64 : index
        %swap3A_214 = tpu.vector_load %arg14[%swap3A_212, %swap3A_213] {strides = array<i32>} : memref<40x128xf32, #tpu.memory_space<vmem>>, vector<16xf32>,
        tpu.vector_store %arg14[%swap3A_212, %swap3A_213], %mul3A_211 {strides = array<i32>} : memref<40x128xf32, #tpu.memory_space<vmem>>, vector<16xf32>,
        %mul3A_215 = arith.mulf %bitcast3A_210, %gather3A_172 : vector<16xf32>
        %swap3A_216 = arith.index_cast %add3A_167 : i32 to index
        %swap3A_217 = arith.constant 80 : index
        %swap3A_218 = tpu.vector_load %arg14[%swap3A_216, %swap3A_217] {strides = array<i32>} : memref<40x128xf32, #tpu.memory_space<vmem>>, vector<16xf32>,
        tpu.vector_store %arg14[%swap3A_216, %swap3A_217], %mul3A_215 {strides = array<i32>} : memref<40x128xf32, #tpu.memory_space<vmem>>, vector<16xf32>,
        %get3A_219 = arith.index_cast %add3A_167 : i32 to index
        %get3A_220 = arith.constant 48 : index
        %get3A_221 = tpu.vector_load %arg12[%get3A_219, %get3A_220] {strides = array<i32>} : memref<40x64xi32, #tpu.memory_space<vmem>>, vector<16xi32>,
        %shift_left3A_222 = arith.constant 16 : i32
        %shift_left3A_223 = vector.broadcast %shift_left3A_222 : i32 to vector<16xi32>
        %shift_left3A_224 = arith.shli %get3A_221, %shift_left3A_223 : vector<16xi32>
        %bitcast3A_225 = vector.bitcast %shift_left3A_224 : vector<16xi32> to vector<16xf32>
        %and3A_226 = arith.andi %get3A_221, %broadcast_in_dim3A_99 : vector<16xi32>
        %bitcast3A_227 = vector.bitcast %and3A_226 : vector<16xi32> to vector<16xf32>
        %mul3A_228 = arith.mulf %bitcast3A_225, %gather3A_172 : vector<16xf32>
        %swap3A_229 = arith.index_cast %add3A_167 : i32 to index
        %swap3A_230 = arith.constant 96 : index
        %swap3A_231 = tpu.vector_load %arg14[%swap3A_229, %swap3A_230] {strides = array<i32>} : memref<40x128xf32, #tpu.memory_space<vmem>>, vector<16xf32>,
        tpu.vector_store %arg14[%swap3A_229, %swap3A_230], %mul3A_228 {strides = array<i32>} : memref<40x128xf32, #tpu.memory_space<vmem>>, vector<16xf32>,
        %mul3A_232 = arith.mulf %bitcast3A_227, %gather3A_172 : vector<16xf32>
        %swap3A_233 = arith.index_cast %add3A_167 : i32 to index
        %swap3A_234 = arith.constant 112 : index
        %swap3A_235 = tpu.vector_load %arg14[%swap3A_233, %swap3A_234] {strides = array<i32>} : memref<40x128xf32, #tpu.memory_space<vmem>>, vector<16xf32>,
        tpu.vector_store %arg14[%swap3A_233, %swap3A_234], %mul3A_232 {strides = array<i32>} : memref<40x128xf32, #tpu.memory_space<vmem>>, vector<16xf32>,
        %add3A_236 = arith.constant 1 : i32
        %add3A_237 = arith.addi %add3A_165, %add3A_236 : i32
        %broadcast_in_dim3A_238 = vector.broadcast %add3A_237 : i32 to vector<16xi32>
        %gather3A_239 = arith.constant 0 : i32
        %gather3A_240 = arith.constant 0 : i32
        %gather3A_241 = tpu.memref_slice %arg11[%gather3A_239, %gather3A_240] : memref<2x40xf32, #tpu.memory_space<vmem>> -> memref<1x40xf32, #tpu.memory_space<vmem>>
        %gather3A_242 = tpu.memref_squeeze %gather3A_241 : memref<1x40xf32, #tpu.memory_space<vmem>> -> memref<40xf32, #tpu.memory_space<vmem>>
        %gather3A_243 = tpu.vector_load_idx %gather3A_242[%broadcast_in_dim3A_238] : memref<40xf32, #tpu.memory_space<vmem>>[vector<16xi32>], vector<16xf32>,
        %get3A_244 = arith.index_cast %add3A_237 : i32 to index
        %get3A_245 = arith.constant 0 : index
        %get3A_246 = tpu.vector_load %arg12[%get3A_244, %get3A_245] {strides = array<i32>} : memref<40x64xi32, #tpu.memory_space<vmem>>, vector<16xi32>,
        %shift_left3A_247 = arith.constant 16 : i32
        %shift_left3A_248 = vector.broadcast %shift_left3A_247 : i32 to vector<16xi32>
        %shift_left3A_249 = arith.shli %get3A_246, %shift_left3A_248 : vector<16xi32>
        %bitcast3A_250 = vector.bitcast %shift_left3A_249 : vector<16xi32> to vector<16xf32>
        %and3A_251 = arith.andi %get3A_246, %broadcast_in_dim3A_99 : vector<16xi32>
        %bitcast3A_252 = vector.bitcast %and3A_251 : vector<16xi32> to vector<16xf32>
        %mul3A_253 = arith.mulf %bitcast3A_250, %gather3A_243 : vector<16xf32>
        %swap3A_254 = arith.index_cast %add3A_237 : i32 to index
        %swap3A_255 = arith.constant 0 : index
        %swap3A_256 = tpu.vector_load %arg14[%swap3A_254, %swap3A_255] {strides = array<i32>} : memref<40x128xf32, #tpu.memory_space<vmem>>, vector<16xf32>,
        tpu.vector_store %arg14[%swap3A_254, %swap3A_255], %mul3A_253 {strides = array<i32>} : memref<40x128xf32, #tpu.memory_space<vmem>>, vector<16xf32>,
        %mul3A_257 = arith.mulf %bitcast3A_252, %gather3A_243 : vector<16xf32>
        %swap3A_258 = arith.index_cast %add3A_237 : i32 to index
        %swap3A_259 = arith.constant 16 : index
        %swap3A_260 = tpu.vector_load %arg14[%swap3A_258, %swap3A_259] {strides = array<i32>} : memref<40x128xf32, #tpu.memory_space<vmem>>, vector<16xf32>,
        tpu.vector_store %arg14[%swap3A_258, %swap3A_259], %mul3A_257 {strides = array<i32>} : memref<40x128xf32, #tpu.memory_space<vmem>>, vector<16xf32>,
        %get3A_261 = arith.index_cast %add3A_237 : i32 to index
        %get3A_262 = arith.constant 16 : index
        %get3A_263 = tpu.vector_load %arg12[%get3A_261, %get3A_262] {strides = array<i32>} : memref<40x64xi32, #tpu.memory_space<vmem>>, vector<16xi32>,
        %shift_left3A_264 = arith.constant 16 : i32
        %shift_left3A_265 = vector.broadcast %shift_left3A_264 : i32 to vector<16xi32>
        %shift_left3A_266 = arith.shli %get3A_263, %shift_left3A_265 : vector<16xi32>
        %bitcast3A_267 = vector.bitcast %shift_left3A_266 : vector<16xi32> to vector<16xf32>
        %and3A_268 = arith.andi %get3A_263, %broadcast_in_dim3A_99 : vector<16xi32>
        %bitcast3A_269 = vector.bitcast %and3A_268 : vector<16xi32> to vector<16xf32>
        %mul3A_270 = arith.mulf %bitcast3A_267, %gather3A_243 : vector<16xf32>
        %swap3A_271 = arith.index_cast %add3A_237 : i32 to index
        %swap3A_272 = arith.constant 32 : index
        %swap3A_273 = tpu.vector_load %arg14[%swap3A_271, %swap3A_272] {strides = array<i32>} : memref<40x128xf32, #tpu.memory_space<vmem>>, vector<16xf32>,
        tpu.vector_store %arg14[%swap3A_271, %swap3A_272], %mul3A_270 {strides = array<i32>} : memref<40x128xf32, #tpu.memory_space<vmem>>, vector<16xf32>,
        %mul3A_274 = arith.mulf %bitcast3A_269, %gather3A_243 : vector<16xf32>
        %swap3A_275 = arith.index_cast %add3A_237 : i32 to index
        %swap3A_276 = arith.constant 48 : index
        %swap3A_277 = tpu.vector_load %arg14[%swap3A_275, %swap3A_276] {strides = array<i32>} : memref<40x128xf32, #tpu.memory_space<vmem>>, vector<16xf32>,
        tpu.vector_store %arg14[%swap3A_275, %swap3A_276], %mul3A_274 {strides = array<i32>} : memref<40x128xf32, #tpu.memory_space<vmem>>, vector<16xf32>,
        %get3A_278 = arith.index_cast %add3A_237 : i32 to index
        %get3A_279 = arith.constant 32 : index
        %get3A_280 = tpu.vector_load %arg12[%get3A_278, %get3A_279] {strides = array<i32>} : memref<40x64xi32, #tpu.memory_space<vmem>>, vector<16xi32>,
        %shift_left3A_281 = arith.constant 16 : i32
        %shift_left3A_282 = vector.broadcast %shift_left3A_281 : i32 to vector<16xi32>
        %shift_left3A_283 = arith.shli %get3A_280, %shift_left3A_282 : vector<16xi32>
        %bitcast3A_284 = vector.bitcast %shift_left3A_283 : vector<16xi32> to vector<16xf32>
        %and3A_285 = arith.andi %get3A_280, %broadcast_in_dim3A_99 : vector<16xi32>
        %bitcast3A_286 = vector.bitcast %and3A_285 : vector<16xi32> to vector<16xf32>
        %mul3A_287 = arith.mulf %bitcast3A_284, %gather3A_243 : vector<16xf32>
        %swap3A_288 = arith.index_cast %add3A_237 : i32 to index
        %swap3A_289 = arith.constant 64 : index
        %swap3A_290 = tpu.vector_load %arg14[%swap3A_288, %swap3A_289] {strides = array<i32>} : memref<40x128xf32, #tpu.memory_space<vmem>>, vector<16xf32>,
        tpu.vector_store %arg14[%swap3A_288, %swap3A_289], %mul3A_287 {strides = array<i32>} : memref<40x128xf32, #tpu.memory_space<vmem>>, vector<16xf32>,
        %mul3A_291 = arith.mulf %bitcast3A_286, %gather3A_243 : vector<16xf32>
        %swap3A_292 = arith.index_cast %add3A_237 : i32 to index
        %swap3A_293 = arith.constant 80 : index
        %swap3A_294 = tpu.vector_load %arg14[%swap3A_292, %swap3A_293] {strides = array<i32>} : memref<40x128xf32, #tpu.memory_space<vmem>>, vector<16xf32>,
        tpu.vector_store %arg14[%swap3A_292, %swap3A_293], %mul3A_291 {strides = array<i32>} : memref<40x128xf32, #tpu.memory_space<vmem>>, vector<16xf32>,
        %get3A_295 = arith.index_cast %add3A_237 : i32 to index
        %get3A_296 = arith.constant 48 : index
        %get3A_297 = tpu.vector_load %arg12[%get3A_295, %get3A_296] {strides = array<i32>} : memref<40x64xi32, #tpu.memory_space<vmem>>, vector<16xi32>,
        %shift_left3A_298 = arith.constant 16 : i32
        %shift_left3A_299 = vector.broadcast %shift_left3A_298 : i32 to vector<16xi32>
        %shift_left3A_300 = arith.shli %get3A_297, %shift_left3A_299 : vector<16xi32>
        %bitcast3A_301 = vector.bitcast %shift_left3A_300 : vector<16xi32> to vector<16xf32>
        %and3A_302 = arith.andi %get3A_297, %broadcast_in_dim3A_99 : vector<16xi32>
        %bitcast3A_303 = vector.bitcast %and3A_302 : vector<16xi32> to vector<16xf32>
        %mul3A_304 = arith.mulf %bitcast3A_301, %gather3A_243 : vector<16xf32>
        %swap3A_305 = arith.index_cast %add3A_237 : i32 to index
        %swap3A_306 = arith.constant 96 : index
        %swap3A_307 = tpu.vector_load %arg14[%swap3A_305, %swap3A_306] {strides = array<i32>} : memref<40x128xf32, #tpu.memory_space<vmem>>, vector<16xf32>,
        tpu.vector_store %arg14[%swap3A_305, %swap3A_306], %mul3A_304 {strides = array<i32>} : memref<40x128xf32, #tpu.memory_space<vmem>>, vector<16xf32>,
        %mul3A_308 = arith.mulf %bitcast3A_303, %gather3A_243 : vector<16xf32>
        %swap3A_309 = arith.index_cast %add3A_237 : i32 to index
        %swap3A_310 = arith.constant 112 : index
        %swap3A_311 = tpu.vector_load %arg14[%swap3A_309, %swap3A_310] {strides = array<i32>} : memref<40x128xf32, #tpu.memory_space<vmem>>, vector<16xf32>,
        tpu.vector_store %arg14[%swap3A_309, %swap3A_310], %mul3A_308 {strides = array<i32>} : memref<40x128xf32, #tpu.memory_space<vmem>>, vector<16xf32>,
      }
      %scan3A_104 = arith.constant 20 : i32
      %add3A_105 = arith.constant 2 : i32
      %add3A_106 = arith.addi %add3A_78, %add3A_105 : i32
      %lt3A_107 = arith.constant 250 : i32
      %lt3A_108 = arith.cmpi slt, %add3A_106, %lt3A_107 : i32
      %convert_element_type3A_109 = arith.extui %lt3A_108 : i1 to i32
      %cond3A_110 = arith.constant 0 : i32
      %cond3A_111 = arith.cmpi ne, %convert_element_type3A_109, %cond3A_110 : i32
      scf.if %cond3A_111 {
        %add3A_161 = arith.constant 2 : i32
        %add3A_162 = arith.addi %add3A_78, %add3A_161 : i32
        %mul3A_163 = arith.constant 40 : i32
        %mul3A_164 = arith.muli %add3A_162, %mul3A_163 : i32
        %dma_start3A_165 = tpu.memref_slice %arg9[%mul3A_164] : memref<10000xi32, #tpu.memory_space<vmem>> -> memref<40xi32, #tpu.memory_space<vmem>>
        %dma_start3A_166 = arith.constant 0 : i32
        %dma_start3A_167 = arith.constant 0 : i32
        %dma_start3A_168 = tpu.memref_slice %arg2[%dma_start3A_166, %dma_start3A_167] : memref<10000x64xi32, #tpu.memory_space<hbm>> -> memref<10000x64xi32, #tpu.memory_space<hbm>>
        tpu.enqueue_indirect_dma source(%dma_start3A_168 : memref<10000x64xi32, #tpu.memory_space<hbm>>) target(%arg12 : memref<40x64xi32, #tpu.memory_space<vmem>>) offsets(%dma_start3A_165 : memref<40xi32, #tpu.memory_space<vmem>>) semaphore(%arg16 : memref<!tpu.dma_semaphore, #tpu.memory_space<semaphore_mem>>)
        %add3A_169 = arith.constant 2 : i32
        %add3A_170 = arith.addi %add3A_78, %add3A_169 : i32
        %mul3A_171 = arith.constant 10000 : i32
        %mul3A_172 = arith.muli %add3A, %mul3A_171 : i32
        %mul3A_173 = arith.constant 40 : i32
        %mul3A_174 = arith.muli %add3A_170, %mul3A_173 : i32
        %add3A_175 = arith.addi %mul3A_172, %mul3A_174 : i32
        %dma_start3A_176 = arith.constant 0 : i32
        %dma_start3A_177 = arith.constant 0 : i32
        %dma_start3A_178 = tpu.memref_slice %arg11[%dma_start3A_176, %dma_start3A_177] : memref<2x40xf32, #tpu.memory_space<vmem>> -> memref<1x40xf32, #tpu.memory_space<vmem>>
        %dma_start3A_179 = tpu.memref_squeeze %dma_start3A_178 : memref<1x40xf32, #tpu.memory_space<vmem>> -> memref<40xf32, #tpu.memory_space<vmem>>
        %dma_start3A_180 = tpu.memref_slice %arg5[%add3A_175] : memref<320000xf32, #tpu.memory_space<hbm>> -> memref<40xf32, #tpu.memory_space<hbm>>
        %dma_start3A_181 = arith.constant 0 : i32
        %dma_start3A_182 = tpu.memref_slice %arg11[%dma_start3A_176, %dma_start3A_181] : memref<2x40xf32, #tpu.memory_space<vmem>> -> memref<1x40xf32, #tpu.memory_space<vmem>>
        %dma_start3A_183 = tpu.memref_squeeze %dma_start3A_182 : memref<1x40xf32, #tpu.memory_space<vmem>> -> memref<40xf32, #tpu.memory_space<vmem>>
        %dma_start3A_184 = tpu.memref_slice %arg5[%add3A_175] : memref<320000xf32, #tpu.memory_space<hbm>> -> memref<40xf32, #tpu.memory_space<hbm>>
        tpu.enqueue_dma source(%dma_start3A_184 : memref<40xf32, #tpu.memory_space<hbm>>) target(%dma_start3A_183 : memref<40xf32, #tpu.memory_space<vmem>>) target_semaphore(%arg20 : memref<!tpu.dma_semaphore, #tpu.memory_space<semaphore_mem>>)
      } else {
      }
      %dma_start3A_112 = arith.constant 0 : i32
      %dma_start3A_113 = tpu.memref_slice %arg10[%add3A_78, %dma_start3A_112] : memref<250x40xi32, #tpu.memory_space<vmem>> -> memref<1x40xi32, #tpu.memory_space<vmem>>
      %dma_start3A_114 = tpu.memref_squeeze %dma_start3A_113 : memref<1x40xi32, #tpu.memory_space<vmem>> -> memref<40xi32, #tpu.memory_space<vmem>>
      %dma_start3A_115 = arith.constant 0 : i32
      %dma_start3A_116 = arith.constant 0 : i32
      %dma_start3A_117 = tpu.memref_slice %arg8[%dma_start3A_115, %dma_start3A_116] : memref<10000x128xf32, #tpu.memory_space<vmem_shared>> -> memref<10000x128xf32, #tpu.memory_space<vmem_shared>>
      tpu.enqueue_indirect_dma source(%arg14 : memref<40x128xf32, #tpu.memory_space<vmem>>) target(%dma_start3A_117 : memref<10000x128xf32, #tpu.memory_space<vmem_shared>>) offsets(%dma_start3A_114 : memref<40xi32, #tpu.memory_space<vmem>>) semaphore(%arg18 : memref<!tpu.dma_semaphore, #tpu.memory_space<semaphore_mem>>) {add = true}
      %add3A_118 = arith.constant 1 : i32
      %add3A_119 = arith.addi %add3A_76, %add3A_118 : i32
      %dma_wait3A_120 = arith.constant 0 : i32
      %dma_wait3A_121 = tpu.memref_slice %arg9[%dma_wait3A_120] : memref<10000xi32, #tpu.memory_space<vmem>> -> memref<40xi32, #tpu.memory_space<vmem>>
      %dma_wait3A_122 = arith.constant 0 : i32
      %dma_wait3A_123 = arith.constant 0 : i32
      %dma_wait3A_124 = tpu.memref_slice %arg2[%dma_wait3A_122, %dma_wait3A_123] : memref<10000x64xi32, #tpu.memory_space<hbm>> -> memref<10000x64xi32, #tpu.memory_space<hbm>>
      tpu.wait_indirect_dma semaphore(%arg17 : memref<!tpu.dma_semaphore, #tpu.memory_space<semaphore_mem>>) src(%dma_wait3A_124 : memref<10000x64xi32, #tpu.memory_space<hbm>>) dst(%arg13 : memref<40x64xi32, #tpu.memory_space<vmem>>)
      %ge3A_125 = arith.constant 2 : i32
      %ge3A_126 = arith.cmpi sge, %add3A_119, %ge3A_125 : i32
      %convert_element_type3A_127 = arith.extui %ge3A_126 : i1 to i32
      %cond3A_128 = arith.constant 0 : i32
      %cond3A_129 = arith.cmpi ne, %convert_element_type3A_127, %cond3A_128 : i32
      scf.if %cond3A_129 {
        %dma_wait3A_161 = arith.constant 0 : i32
        %dma_wait3A_162 = arith.constant 0 : i32
        %dma_wait3A_163 = tpu.memref_slice %arg10[%dma_wait3A_161, %dma_wait3A_162] : memref<250x40xi32, #tpu.memory_space<vmem>> -> memref<1x40xi32, #tpu.memory_space<vmem>>
        %dma_wait3A_164 = tpu.memref_squeeze %dma_wait3A_163 : memref<1x40xi32, #tpu.memory_space<vmem>> -> memref<40xi32, #tpu.memory_space<vmem>>
        %dma_wait3A_165 = arith.constant 0 : i32
        %dma_wait3A_166 = arith.constant 0 : i32
        %dma_wait3A_167 = tpu.memref_slice %arg8[%dma_wait3A_165, %dma_wait3A_166] : memref<10000x128xf32, #tpu.memory_space<vmem_shared>> -> memref<10000x128xf32, #tpu.memory_space<vmem_shared>>
        tpu.wait_indirect_dma semaphore(%arg19 : memref<!tpu.dma_semaphore, #tpu.memory_space<semaphore_mem>>) src(%arg15 : memref<40x128xf32, #tpu.memory_space<vmem>>) dst(%dma_wait3A_167 : memref<10000x128xf32, #tpu.memory_space<vmem_shared>>)
      } else {
      }
      %dma_wait3A_130 = arith.constant 1 : i32
      %dma_wait3A_131 = arith.constant 0 : i32
      %dma_wait3A_132 = tpu.memref_slice %arg11[%dma_wait3A_130, %dma_wait3A_131] : memref<2x40xf32, #tpu.memory_space<vmem>> -> memref<1x40xf32, #tpu.memory_space<vmem>>
      %dma_wait3A_133 = tpu.memref_squeeze %dma_wait3A_132 : memref<1x40xf32, #tpu.memory_space<vmem>> -> memref<40xf32, #tpu.memory_space<vmem>>
      %dma_wait3A_134 = arith.constant 0 : i32
      %dma_wait3A_135 = tpu.memref_slice %arg5[%dma_wait3A_134] : memref<320000xf32, #tpu.memory_space<hbm>> -> memref<40xf32, #tpu.memory_space<hbm>>
      %dma_wait3A_136 = arith.constant 0 : i32
      %dma_wait3A_137 = tpu.memref_slice %arg11[%dma_wait3A_130, %dma_wait3A_136] : memref<2x40xf32, #tpu.memory_space<vmem>> -> memref<1x40xf32, #tpu.memory_space<vmem>>
      %dma_wait3A_138 = tpu.memref_squeeze %dma_wait3A_137 : memref<1x40xf32, #tpu.memory_space<vmem>> -> memref<40xf32, #tpu.memory_space<vmem>>
      %dma_wait3A_139 = arith.constant 0 : i32
      %dma_wait3A_140 = tpu.memref_slice %arg5[%dma_wait3A_139] : memref<320000xf32, #tpu.memory_space<hbm>> -> memref<40xf32, #tpu.memory_space<hbm>>
      tpu.wait_dma2 semaphore(%arg21 : memref<!tpu.dma_semaphore, #tpu.memory_space<semaphore_mem>>) src(%dma_wait3A_140 : memref<40xf32, #tpu.memory_space<hbm>>) dst(%dma_wait3A_138 : memref<40xf32, #tpu.memory_space<vmem>>)
      %broadcast_in_dim3A_141 = arith.constant -65536 : i32
      %broadcast_in_dim3A_142 = vector.broadcast %broadcast_in_dim3A_141 : i32 to vector<16xi32>
      %scan3A_143 = arith.constant 0 : i32
      %scan3A_144 = arith.constant 20 : i32
      %scan3A_145 = arith.addi %scan3A_143, %scan3A_144 : i32
      %scan3A_146 = arith.constant 1 : i32
      scf.for %scan3A_161 = %scan3A_143 to %scan3A_145 step %scan3A_146  : i32 {
        %mul3A_162 = arith.constant 2 : i32
        %mul3A_163 = arith.muli %scan3A_161, %mul3A_162 : i32
        %add3A_164 = arith.constant 0 : i32
        %add3A_165 = arith.addi %add3A_164, %mul3A_163 : i32
        %add3A_166 = arith.constant 0 : i32
        %add3A_167 = arith.addi %add3A_165, %add3A_166 : i32
        %broadcast_in_dim3A_168 = vector.broadcast %add3A_167 : i32 to vector<16xi32>
        %gather3A = arith.constant 1 : i32
        %gather3A_169 = arith.constant 0 : i32
        %gather3A_170 = tpu.memref_slice %arg11[%gather3A, %gather3A_169] : memref<2x40xf32, #tpu.memory_space<vmem>> -> memref<1x40xf32, #tpu.memory_space<vmem>>
        %gather3A_171 = tpu.memref_squeeze %gather3A_170 : memref<1x40xf32, #tpu.memory_space<vmem>> -> memref<40xf32, #tpu.memory_space<vmem>>
        %gather3A_172 = tpu.vector_load_idx %gather3A_171[%broadcast_in_dim3A_168] : memref<40xf32, #tpu.memory_space<vmem>>[vector<16xi32>], vector<16xf32>,
        %get3A = arith.index_cast %add3A_167 : i32 to index
        %get3A_173 = arith.constant 0 : index
        %get3A_174 = tpu.vector_load %arg13[%get3A, %get3A_173] {strides = array<i32>} : memref<40x64xi32, #tpu.memory_space<vmem>>, vector<16xi32>,
        %shift_left3A = arith.constant 16 : i32
        %shift_left3A_175 = vector.broadcast %shift_left3A : i32 to vector<16xi32>
        %shift_left3A_176 = arith.shli %get3A_174, %shift_left3A_175 : vector<16xi32>
        %bitcast3A = vector.bitcast %shift_left3A_176 : vector<16xi32> to vector<16xf32>
        %and3A = arith.andi %get3A_174, %broadcast_in_dim3A_142 : vector<16xi32>
        %bitcast3A_177 = vector.bitcast %and3A : vector<16xi32> to vector<16xf32>
        %mul3A_178 = arith.mulf %bitcast3A, %gather3A_172 : vector<16xf32>
        %swap3A = arith.index_cast %add3A_167 : i32 to index
        %swap3A_179 = arith.constant 0 : index
        %swap3A_180 = tpu.vector_load %arg15[%swap3A, %swap3A_179] {strides = array<i32>} : memref<40x128xf32, #tpu.memory_space<vmem>>, vector<16xf32>,
        tpu.vector_store %arg15[%swap3A, %swap3A_179], %mul3A_178 {strides = array<i32>} : memref<40x128xf32, #tpu.memory_space<vmem>>, vector<16xf32>,
        %mul3A_181 = arith.mulf %bitcast3A_177, %gather3A_172 : vector<16xf32>
        %swap3A_182 = arith.index_cast %add3A_167 : i32 to index
        %swap3A_183 = arith.constant 16 : index
        %swap3A_184 = tpu.vector_load %arg15[%swap3A_182, %swap3A_183] {strides = array<i32>} : memref<40x128xf32, #tpu.memory_space<vmem>>, vector<16xf32>,
        tpu.vector_store %arg15[%swap3A_182, %swap3A_183], %mul3A_181 {strides = array<i32>} : memref<40x128xf32, #tpu.memory_space<vmem>>, vector<16xf32>,
        %get3A_185 = arith.index_cast %add3A_167 : i32 to index
        %get3A_186 = arith.constant 16 : index
        %get3A_187 = tpu.vector_load %arg13[%get3A_185, %get3A_186] {strides = array<i32>} : memref<40x64xi32, #tpu.memory_space<vmem>>, vector<16xi32>,
        %shift_left3A_188 = arith.constant 16 : i32
        %shift_left3A_189 = vector.broadcast %shift_left3A_188 : i32 to vector<16xi32>
        %shift_left3A_190 = arith.shli %get3A_187, %shift_left3A_189 : vector<16xi32>
        %bitcast3A_191 = vector.bitcast %shift_left3A_190 : vector<16xi32> to vector<16xf32>
        %and3A_192 = arith.andi %get3A_187, %broadcast_in_dim3A_142 : vector<16xi32>
        %bitcast3A_193 = vector.bitcast %and3A_192 : vector<16xi32> to vector<16xf32>
        %mul3A_194 = arith.mulf %bitcast3A_191, %gather3A_172 : vector<16xf32>
        %swap3A_195 = arith.index_cast %add3A_167 : i32 to index
        %swap3A_196 = arith.constant 32 : index
        %swap3A_197 = tpu.vector_load %arg15[%swap3A_195, %swap3A_196] {strides = array<i32>} : memref<40x128xf32, #tpu.memory_space<vmem>>, vector<16xf32>,
        tpu.vector_store %arg15[%swap3A_195, %swap3A_196], %mul3A_194 {strides = array<i32>} : memref<40x128xf32, #tpu.memory_space<vmem>>, vector<16xf32>,
        %mul3A_198 = arith.mulf %bitcast3A_193, %gather3A_172 : vector<16xf32>
        %swap3A_199 = arith.index_cast %add3A_167 : i32 to index
        %swap3A_200 = arith.constant 48 : index
        %swap3A_201 = tpu.vector_load %arg15[%swap3A_199, %swap3A_200] {strides = array<i32>} : memref<40x128xf32, #tpu.memory_space<vmem>>, vector<16xf32>,
        tpu.vector_store %arg15[%swap3A_199, %swap3A_200], %mul3A_198 {strides = array<i32>} : memref<40x128xf32, #tpu.memory_space<vmem>>, vector<16xf32>,
        %get3A_202 = arith.index_cast %add3A_167 : i32 to index
        %get3A_203 = arith.constant 32 : index
        %get3A_204 = tpu.vector_load %arg13[%get3A_202, %get3A_203] {strides = array<i32>} : memref<40x64xi32, #tpu.memory_space<vmem>>, vector<16xi32>,
        %shift_left3A_205 = arith.constant 16 : i32
        %shift_left3A_206 = vector.broadcast %shift_left3A_205 : i32 to vector<16xi32>
        %shift_left3A_207 = arith.shli %get3A_204, %shift_left3A_206 : vector<16xi32>
        %bitcast3A_208 = vector.bitcast %shift_left3A_207 : vector<16xi32> to vector<16xf32>
        %and3A_209 = arith.andi %get3A_204, %broadcast_in_dim3A_142 : vector<16xi32>
        %bitcast3A_210 = vector.bitcast %and3A_209 : vector<16xi32> to vector<16xf32>
        %mul3A_211 = arith.mulf %bitcast3A_208, %gather3A_172 : vector<16xf32>
        %swap3A_212 = arith.index_cast %add3A_167 : i32 to index
        %swap3A_213 = arith.constant 64 : index
        %swap3A_214 = tpu.vector_load %arg15[%swap3A_212, %swap3A_213] {strides = array<i32>} : memref<40x128xf32, #tpu.memory_space<vmem>>, vector<16xf32>,
        tpu.vector_store %arg15[%swap3A_212, %swap3A_213], %mul3A_211 {strides = array<i32>} : memref<40x128xf32, #tpu.memory_space<vmem>>, vector<16xf32>,
        %mul3A_215 = arith.mulf %bitcast3A_210, %gather3A_172 : vector<16xf32>
        %swap3A_216 = arith.index_cast %add3A_167 : i32 to index
        %swap3A_217 = arith.constant 80 : index
        %swap3A_218 = tpu.vector_load %arg15[%swap3A_216, %swap3A_217] {strides = array<i32>} : memref<40x128xf32, #tpu.memory_space<vmem>>, vector<16xf32>,
        tpu.vector_store %arg15[%swap3A_216, %swap3A_217], %mul3A_215 {strides = array<i32>} : memref<40x128xf32, #tpu.memory_space<vmem>>, vector<16xf32>,
        %get3A_219 = arith.index_cast %add3A_167 : i32 to index
        %get3A_220 = arith.constant 48 : index
        %get3A_221 = tpu.vector_load %arg13[%get3A_219, %get3A_220] {strides = array<i32>} : memref<40x64xi32, #tpu.memory_space<vmem>>, vector<16xi32>,
        %shift_left3A_222 = arith.constant 16 : i32
        %shift_left3A_223 = vector.broadcast %shift_left3A_222 : i32 to vector<16xi32>
        %shift_left3A_224 = arith.shli %get3A_221, %shift_left3A_223 : vector<16xi32>
        %bitcast3A_225 = vector.bitcast %shift_left3A_224 : vector<16xi32> to vector<16xf32>
        %and3A_226 = arith.andi %get3A_221, %broadcast_in_dim3A_142 : vector<16xi32>
        %bitcast3A_227 = vector.bitcast %and3A_226 : vector<16xi32> to vector<16xf32>
        %mul3A_228 = arith.mulf %bitcast3A_225, %gather3A_172 : vector<16xf32>
        %swap3A_229 = arith.index_cast %add3A_167 : i32 to index
        %swap3A_230 = arith.constant 96 : index
        %swap3A_231 = tpu.vector_load %arg15[%swap3A_229, %swap3A_230] {strides = array<i32>} : memref<40x128xf32, #tpu.memory_space<vmem>>, vector<16xf32>,
        tpu.vector_store %arg15[%swap3A_229, %swap3A_230], %mul3A_228 {strides = array<i32>} : memref<40x128xf32, #tpu.memory_space<vmem>>, vector<16xf32>,
        %mul3A_232 = arith.mulf %bitcast3A_227, %gather3A_172 : vector<16xf32>
        %swap3A_233 = arith.index_cast %add3A_167 : i32 to index
        %swap3A_234 = arith.constant 112 : index
        %swap3A_235 = tpu.vector_load %arg15[%swap3A_233, %swap3A_234] {strides = array<i32>} : memref<40x128xf32, #tpu.memory_space<vmem>>, vector<16xf32>,
        tpu.vector_store %arg15[%swap3A_233, %swap3A_234], %mul3A_232 {strides = array<i32>} : memref<40x128xf32, #tpu.memory_space<vmem>>, vector<16xf32>,
        %add3A_236 = arith.constant 1 : i32
        %add3A_237 = arith.addi %add3A_165, %add3A_236 : i32
        %broadcast_in_dim3A_238 = vector.broadcast %add3A_237 : i32 to vector<16xi32>
        %gather3A_239 = arith.constant 1 : i32
        %gather3A_240 = arith.constant 0 : i32
        %gather3A_241 = tpu.memref_slice %arg11[%gather3A_239, %gather3A_240] : memref<2x40xf32, #tpu.memory_space<vmem>> -> memref<1x40xf32, #tpu.memory_space<vmem>>
        %gather3A_242 = tpu.memref_squeeze %gather3A_241 : memref<1x40xf32, #tpu.memory_space<vmem>> -> memref<40xf32, #tpu.memory_space<vmem>>
        %gather3A_243 = tpu.vector_load_idx %gather3A_242[%broadcast_in_dim3A_238] : memref<40xf32, #tpu.memory_space<vmem>>[vector<16xi32>], vector<16xf32>,
        %get3A_244 = arith.index_cast %add3A_237 : i32 to index
        %get3A_245 = arith.constant 0 : index
        %get3A_246 = tpu.vector_load %arg13[%get3A_244, %get3A_245] {strides = array<i32>} : memref<40x64xi32, #tpu.memory_space<vmem>>, vector<16xi32>,
        %shift_left3A_247 = arith.constant 16 : i32
        %shift_left3A_248 = vector.broadcast %shift_left3A_247 : i32 to vector<16xi32>
        %shift_left3A_249 = arith.shli %get3A_246, %shift_left3A_248 : vector<16xi32>
        %bitcast3A_250 = vector.bitcast %shift_left3A_249 : vector<16xi32> to vector<16xf32>
        %and3A_251 = arith.andi %get3A_246, %broadcast_in_dim3A_142 : vector<16xi32>
        %bitcast3A_252 = vector.bitcast %and3A_251 : vector<16xi32> to vector<16xf32>
        %mul3A_253 = arith.mulf %bitcast3A_250, %gather3A_243 : vector<16xf32>
        %swap3A_254 = arith.index_cast %add3A_237 : i32 to index
        %swap3A_255 = arith.constant 0 : index
        %swap3A_256 = tpu.vector_load %arg15[%swap3A_254, %swap3A_255] {strides = array<i32>} : memref<40x128xf32, #tpu.memory_space<vmem>>, vector<16xf32>,
        tpu.vector_store %arg15[%swap3A_254, %swap3A_255], %mul3A_253 {strides = array<i32>} : memref<40x128xf32, #tpu.memory_space<vmem>>, vector<16xf32>,
        %mul3A_257 = arith.mulf %bitcast3A_252, %gather3A_243 : vector<16xf32>
        %swap3A_258 = arith.index_cast %add3A_237 : i32 to index
        %swap3A_259 = arith.constant 16 : index
        %swap3A_260 = tpu.vector_load %arg15[%swap3A_258, %swap3A_259] {strides = array<i32>} : memref<40x128xf32, #tpu.memory_space<vmem>>, vector<16xf32>,
        tpu.vector_store %arg15[%swap3A_258, %swap3A_259], %mul3A_257 {strides = array<i32>} : memref<40x128xf32, #tpu.memory_space<vmem>>, vector<16xf32>,
        %get3A_261 = arith.index_cast %add3A_237 : i32 to index
        %get3A_262 = arith.constant 16 : index
        %get3A_263 = tpu.vector_load %arg13[%get3A_261, %get3A_262] {strides = array<i32>} : memref<40x64xi32, #tpu.memory_space<vmem>>, vector<16xi32>,
        %shift_left3A_264 = arith.constant 16 : i32
        %shift_left3A_265 = vector.broadcast %shift_left3A_264 : i32 to vector<16xi32>
        %shift_left3A_266 = arith.shli %get3A_263, %shift_left3A_265 : vector<16xi32>
        %bitcast3A_267 = vector.bitcast %shift_left3A_266 : vector<16xi32> to vector<16xf32>
        %and3A_268 = arith.andi %get3A_263, %broadcast_in_dim3A_142 : vector<16xi32>
        %bitcast3A_269 = vector.bitcast %and3A_268 : vector<16xi32> to vector<16xf32>
        %mul3A_270 = arith.mulf %bitcast3A_267, %gather3A_243 : vector<16xf32>
        %swap3A_271 = arith.index_cast %add3A_237 : i32 to index
        %swap3A_272 = arith.constant 32 : index
        %swap3A_273 = tpu.vector_load %arg15[%swap3A_271, %swap3A_272] {strides = array<i32>} : memref<40x128xf32, #tpu.memory_space<vmem>>, vector<16xf32>,
        tpu.vector_store %arg15[%swap3A_271, %swap3A_272], %mul3A_270 {strides = array<i32>} : memref<40x128xf32, #tpu.memory_space<vmem>>, vector<16xf32>,
        %mul3A_274 = arith.mulf %bitcast3A_269, %gather3A_243 : vector<16xf32>
        %swap3A_275 = arith.index_cast %add3A_237 : i32 to index
        %swap3A_276 = arith.constant 48 : index
        %swap3A_277 = tpu.vector_load %arg15[%swap3A_275, %swap3A_276] {strides = array<i32>} : memref<40x128xf32, #tpu.memory_space<vmem>>, vector<16xf32>,
        tpu.vector_store %arg15[%swap3A_275, %swap3A_276], %mul3A_274 {strides = array<i32>} : memref<40x128xf32, #tpu.memory_space<vmem>>, vector<16xf32>,
        %get3A_278 = arith.index_cast %add3A_237 : i32 to index
        %get3A_279 = arith.constant 32 : index
        %get3A_280 = tpu.vector_load %arg13[%get3A_278, %get3A_279] {strides = array<i32>} : memref<40x64xi32, #tpu.memory_space<vmem>>, vector<16xi32>,
        %shift_left3A_281 = arith.constant 16 : i32
        %shift_left3A_282 = vector.broadcast %shift_left3A_281 : i32 to vector<16xi32>
        %shift_left3A_283 = arith.shli %get3A_280, %shift_left3A_282 : vector<16xi32>
        %bitcast3A_284 = vector.bitcast %shift_left3A_283 : vector<16xi32> to vector<16xf32>
        %and3A_285 = arith.andi %get3A_280, %broadcast_in_dim3A_142 : vector<16xi32>
        %bitcast3A_286 = vector.bitcast %and3A_285 : vector<16xi32> to vector<16xf32>
        %mul3A_287 = arith.mulf %bitcast3A_284, %gather3A_243 : vector<16xf32>
        %swap3A_288 = arith.index_cast %add3A_237 : i32 to index
        %swap3A_289 = arith.constant 64 : index
        %swap3A_290 = tpu.vector_load %arg15[%swap3A_288, %swap3A_289] {strides = array<i32>} : memref<40x128xf32, #tpu.memory_space<vmem>>, vector<16xf32>,
        tpu.vector_store %arg15[%swap3A_288, %swap3A_289], %mul3A_287 {strides = array<i32>} : memref<40x128xf32, #tpu.memory_space<vmem>>, vector<16xf32>,
        %mul3A_291 = arith.mulf %bitcast3A_286, %gather3A_243 : vector<16xf32>
        %swap3A_292 = arith.index_cast %add3A_237 : i32 to index
        %swap3A_293 = arith.constant 80 : index
        %swap3A_294 = tpu.vector_load %arg15[%swap3A_292, %swap3A_293] {strides = array<i32>} : memref<40x128xf32, #tpu.memory_space<vmem>>, vector<16xf32>,
        tpu.vector_store %arg15[%swap3A_292, %swap3A_293], %mul3A_291 {strides = array<i32>} : memref<40x128xf32, #tpu.memory_space<vmem>>, vector<16xf32>,
        %get3A_295 = arith.index_cast %add3A_237 : i32 to index
        %get3A_296 = arith.constant 48 : index
        %get3A_297 = tpu.vector_load %arg13[%get3A_295, %get3A_296] {strides = array<i32>} : memref<40x64xi32, #tpu.memory_space<vmem>>, vector<16xi32>,
        %shift_left3A_298 = arith.constant 16 : i32
        %shift_left3A_299 = vector.broadcast %shift_left3A_298 : i32 to vector<16xi32>
        %shift_left3A_300 = arith.shli %get3A_297, %shift_left3A_299 : vector<16xi32>
        %bitcast3A_301 = vector.bitcast %shift_left3A_300 : vector<16xi32> to vector<16xf32>
        %and3A_302 = arith.andi %get3A_297, %broadcast_in_dim3A_142 : vector<16xi32>
        %bitcast3A_303 = vector.bitcast %and3A_302 : vector<16xi32> to vector<16xf32>
        %mul3A_304 = arith.mulf %bitcast3A_301, %gather3A_243 : vector<16xf32>
        %swap3A_305 = arith.index_cast %add3A_237 : i32 to index
        %swap3A_306 = arith.constant 96 : index
        %swap3A_307 = tpu.vector_load %arg15[%swap3A_305, %swap3A_306] {strides = array<i32>} : memref<40x128xf32, #tpu.memory_space<vmem>>, vector<16xf32>,
        tpu.vector_store %arg15[%swap3A_305, %swap3A_306], %mul3A_304 {strides = array<i32>} : memref<40x128xf32, #tpu.memory_space<vmem>>, vector<16xf32>,
        %mul3A_308 = arith.mulf %bitcast3A_303, %gather3A_243 : vector<16xf32>
        %swap3A_309 = arith.index_cast %add3A_237 : i32 to index
        %swap3A_310 = arith.constant 112 : index
        %swap3A_311 = tpu.vector_load %arg15[%swap3A_309, %swap3A_310] {strides = array<i32>} : memref<40x128xf32, #tpu.memory_space<vmem>>, vector<16xf32>,
        tpu.vector_store %arg15[%swap3A_309, %swap3A_310], %mul3A_308 {strides = array<i32>} : memref<40x128xf32, #tpu.memory_space<vmem>>, vector<16xf32>,
      }
      %scan3A_147 = arith.constant 20 : i32
      %add3A_148 = arith.constant 2 : i32
      %add3A_149 = arith.addi %add3A_119, %add3A_148 : i32
      %lt3A_150 = arith.constant 250 : i32
      %lt3A_151 = arith.cmpi slt, %add3A_149, %lt3A_150 : i32
      %convert_element_type3A_152 = arith.extui %lt3A_151 : i1 to i32
      %cond3A_153 = arith.constant 0 : i32
      %cond3A_154 = arith.cmpi ne, %convert_element_type3A_152, %cond3A_153 : i32
      scf.if %cond3A_154 {
        %add3A_161 = arith.constant 2 : i32
        %add3A_162 = arith.addi %add3A_119, %add3A_161 : i32
        %mul3A_163 = arith.constant 40 : i32
        %mul3A_164 = arith.muli %add3A_162, %mul3A_163 : i32
        %dma_start3A_165 = tpu.memref_slice %arg9[%mul3A_164] : memref<10000xi32, #tpu.memory_space<vmem>> -> memref<40xi32, #tpu.memory_space<vmem>>
        %dma_start3A_166 = arith.constant 0 : i32
        %dma_start3A_167 = arith.constant 0 : i32
        %dma_start3A_168 = tpu.memref_slice %arg2[%dma_start3A_166, %dma_start3A_167] : memref<10000x64xi32, #tpu.memory_space<hbm>> -> memref<10000x64xi32, #tpu.memory_space<hbm>>
        tpu.enqueue_indirect_dma source(%dma_start3A_168 : memref<10000x64xi32, #tpu.memory_space<hbm>>) target(%arg13 : memref<40x64xi32, #tpu.memory_space<vmem>>) offsets(%dma_start3A_165 : memref<40xi32, #tpu.memory_space<vmem>>) semaphore(%arg17 : memref<!tpu.dma_semaphore, #tpu.memory_space<semaphore_mem>>)
        %add3A_169 = arith.constant 2 : i32
        %add3A_170 = arith.addi %add3A_119, %add3A_169 : i32
        %mul3A_171 = arith.constant 10000 : i32
        %mul3A_172 = arith.muli %add3A, %mul3A_171 : i32
        %mul3A_173 = arith.constant 40 : i32
        %mul3A_174 = arith.muli %add3A_170, %mul3A_173 : i32
        %add3A_175 = arith.addi %mul3A_172, %mul3A_174 : i32
        %dma_start3A_176 = arith.constant 1 : i32
        %dma_start3A_177 = arith.constant 0 : i32
        %dma_start3A_178 = tpu.memref_slice %arg11[%dma_start3A_176, %dma_start3A_177] : memref<2x40xf32, #tpu.memory_space<vmem>> -> memref<1x40xf32, #tpu.memory_space<vmem>>
        %dma_start3A_179 = tpu.memref_squeeze %dma_start3A_178 : memref<1x40xf32, #tpu.memory_space<vmem>> -> memref<40xf32, #tpu.memory_space<vmem>>
        %dma_start3A_180 = tpu.memref_slice %arg5[%add3A_175] : memref<320000xf32, #tpu.memory_space<hbm>> -> memref<40xf32, #tpu.memory_space<hbm>>
        %dma_start3A_181 = arith.constant 0 : i32
        %dma_start3A_182 = tpu.memref_slice %arg11[%dma_start3A_176, %dma_start3A_181] : memref<2x40xf32, #tpu.memory_space<vmem>> -> memref<1x40xf32, #tpu.memory_space<vmem>>
        %dma_start3A_183 = tpu.memref_squeeze %dma_start3A_182 : memref<1x40xf32, #tpu.memory_space<vmem>> -> memref<40xf32, #tpu.memory_space<vmem>>
        %dma_start3A_184 = tpu.memref_slice %arg5[%add3A_175] : memref<320000xf32, #tpu.memory_space<hbm>> -> memref<40xf32, #tpu.memory_space<hbm>>
        tpu.enqueue_dma source(%dma_start3A_184 : memref<40xf32, #tpu.memory_space<hbm>>) target(%dma_start3A_183 : memref<40xf32, #tpu.memory_space<vmem>>) target_semaphore(%arg21 : memref<!tpu.dma_semaphore, #tpu.memory_space<semaphore_mem>>)
      } else {
      }
      %dma_start3A_155 = arith.constant 0 : i32
      %dma_start3A_156 = tpu.memref_slice %arg10[%add3A_119, %dma_start3A_155] : memref<250x40xi32, #tpu.memory_space<vmem>> -> memref<1x40xi32, #tpu.memory_space<vmem>>
      %dma_start3A_157 = tpu.memref_squeeze %dma_start3A_156 : memref<1x40xi32, #tpu.memory_space<vmem>> -> memref<40xi32, #tpu.memory_space<vmem>>
      %dma_start3A_158 = arith.constant 0 : i32
      %dma_start3A_159 = arith.constant 0 : i32
      %dma_start3A_160 = tpu.memref_slice %arg8[%dma_start3A_158, %dma_start3A_159] : memref<10000x128xf32, #tpu.memory_space<vmem_shared>> -> memref<10000x128xf32, #tpu.memory_space<vmem_shared>>
      tpu.enqueue_indirect_dma source(%arg15 : memref<40x128xf32, #tpu.memory_space<vmem>>) target(%dma_start3A_160 : memref<10000x128xf32, #tpu.memory_space<vmem_shared>>) offsets(%dma_start3A_157 : memref<40xi32, #tpu.memory_space<vmem>>) semaphore(%arg19 : memref<!tpu.dma_semaphore, #tpu.memory_space<semaphore_mem>>) {add = true}
    }
    %scan3A_47 = arith.constant 125 : i32
    %dma_wait3A = arith.constant 0 : i32
    %dma_wait3A_48 = arith.constant 0 : i32
    %dma_wait3A_49 = tpu.memref_slice %arg10[%dma_wait3A, %dma_wait3A_48] : memref<250x40xi32, #tpu.memory_space<vmem>> -> memref<1x40xi32, #tpu.memory_space<vmem>>
    %dma_wait3A_50 = tpu.memref_squeeze %dma_wait3A_49 : memref<1x40xi32, #tpu.memory_space<vmem>> -> memref<40xi32, #tpu.memory_space<vmem>>
    %dma_wait3A_51 = arith.constant 0 : i32
    %dma_wait3A_52 = arith.constant 0 : i32
    %dma_wait3A_53 = tpu.memref_slice %arg8[%dma_wait3A_51, %dma_wait3A_52] : memref<10000x128xf32, #tpu.memory_space<vmem_shared>> -> memref<10000x128xf32, #tpu.memory_space<vmem_shared>>
    tpu.wait_indirect_dma semaphore(%arg19 : memref<!tpu.dma_semaphore, #tpu.memory_space<semaphore_mem>>) src(%arg15 : memref<40x128xf32, #tpu.memory_space<vmem>>) dst(%dma_wait3A_53 : memref<10000x128xf32, #tpu.memory_space<vmem_shared>>)
    %dma_wait3A_54 = arith.constant 0 : i32
    %dma_wait3A_55 = arith.constant 0 : i32
    %dma_wait3A_56 = tpu.memref_slice %arg10[%dma_wait3A_54, %dma_wait3A_55] : memref<250x40xi32, #tpu.memory_space<vmem>> -> memref<1x40xi32, #tpu.memory_space<vmem>>
    %dma_wait3A_57 = tpu.memref_squeeze %dma_wait3A_56 : memref<1x40xi32, #tpu.memory_space<vmem>> -> memref<40xi32, #tpu.memory_space<vmem>>
    %dma_wait3A_58 = arith.constant 0 : i32
    %dma_wait3A_59 = arith.constant 0 : i32
    %dma_wait3A_60 = tpu.memref_slice %arg8[%dma_wait3A_58, %dma_wait3A_59] : memref<10000x128xf32, #tpu.memory_space<vmem_shared>> -> memref<10000x128xf32, #tpu.memory_space<vmem_shared>>
    tpu.wait_indirect_dma semaphore(%arg18 : memref<!tpu.dma_semaphore, #tpu.memory_space<semaphore_mem>>) src(%arg14 : memref<40x128xf32, #tpu.memory_space<vmem>>) dst(%dma_wait3A_60 : memref<10000x128xf32, #tpu.memory_space<vmem_shared>>)
    %barrier3A_61 = arith.constant 0 : index
    tpu.barrier barrier_id(%barrier3A_61)
    %lt3A_62 = arith.constant 15 : i32
    %lt3A_63 = arith.cmpi slt, %arg1, %lt3A_62 : i32
    %convert_element_type3A_64 = arith.extui %lt3A_63 : i1 to i32
    %cond3A_65 = arith.constant 0 : i32
    %cond3A_66 = arith.cmpi ne, %convert_element_type3A_64, %cond3A_65 : i32
    scf.if %cond3A_66 {
      %mul3A_72 = arith.constant 624 : i32
      %mul3A_73 = arith.muli %arg1, %mul3A_72 : i32
      "tpu.region"() ({
        %run_scoped3A = tpu.sem_alloc : memref<!tpu.dma_semaphore, #tpu.memory_space<semaphore_mem>>
        %dma_start3A_74 = arith.constant 0 : i32
        %dma_start3A_75 = tpu.memref_slice %arg7[%arg0, %mul3A_73, %dma_start3A_74] : memref<2x10000x128xf32, #tpu.memory_space<hbm>> -> memref<1x624x128xf32, #tpu.memory_space<hbm>>
        %dma_start3A_76 = tpu.memref_squeeze %dma_start3A_75 : memref<1x624x128xf32, #tpu.memory_space<hbm>> -> memref<624x128xf32, #tpu.memory_space<hbm>>
        %dma_start3A_77 = arith.constant 0 : i32
        %dma_start3A_78 = tpu.memref_slice %arg8[%mul3A_73, %dma_start3A_77] : memref<10000x128xf32, #tpu.memory_space<vmem_shared>> -> memref<624x128xf32, #tpu.memory_space<vmem_shared>>
        tpu.enqueue_dma source(%dma_start3A_78 : memref<624x128xf32, #tpu.memory_space<vmem_shared>>) target(%dma_start3A_76 : memref<624x128xf32, #tpu.memory_space<hbm>>) target_semaphore(%run_scoped3A : memref<!tpu.dma_semaphore, #tpu.memory_space<semaphore_mem>>)
        %dma_wait3A_79 = arith.constant 0 : i32
        %dma_wait3A_80 = tpu.memref_slice %arg7[%arg0, %mul3A_73, %dma_wait3A_79] : memref<2x10000x128xf32, #tpu.memory_space<hbm>> -> memref<1x624x128xf32, #tpu.memory_space<hbm>>
        %dma_wait3A_81 = tpu.memref_squeeze %dma_wait3A_80 : memref<1x624x128xf32, #tpu.memory_space<hbm>> -> memref<624x128xf32, #tpu.memory_space<hbm>>
        %dma_wait3A_82 = arith.constant 0 : i32
        %dma_wait3A_83 = tpu.memref_slice %arg8[%mul3A_73, %dma_wait3A_82] : memref<10000x128xf32, #tpu.memory_space<vmem_shared>> -> memref<624x128xf32, #tpu.memory_space<vmem_shared>>
        tpu.wait_dma2 semaphore(%run_scoped3A : memref<!tpu.dma_semaphore, #tpu.memory_space<semaphore_mem>>) src(%dma_wait3A_83 : memref<624x128xf32, #tpu.memory_space<vmem_shared>>) dst(%dma_wait3A_81 : memref<624x128xf32, #tpu.memory_space<hbm>>)
        tpu.yield
      }) : () -> ()
    } else {
    }
    %eq3A_67 = arith.constant 15 : i32
    %eq3A_68 = arith.cmpi eq, %arg1, %eq3A_67 : i32
    %convert_element_type3A_69 = arith.extui %eq3A_68 : i1 to i32
    %cond3A_70 = arith.constant 0 : i32
    %cond3A_71 = arith.cmpi ne, %convert_element_type3A_69, %cond3A_70 : i32
    scf.if %cond3A_71 {
      "tpu.region"() ({
        %run_scoped3A = tpu.sem_alloc : memref<!tpu.dma_semaphore, #tpu.memory_space<semaphore_mem>>
        %dma_start3A_72 = arith.constant 9360 : i32
        %dma_start3A_73 = arith.constant 0 : i32
        %dma_start3A_74 = tpu.memref_slice %arg7[%arg0, %dma_start3A_72, %dma_start3A_73] : memref<2x10000x128xf32, #tpu.memory_space<hbm>> -> memref<1x640x128xf32, #tpu.memory_space<hbm>>
        %dma_start3A_75 = tpu.memref_squeeze %dma_start3A_74 : memref<1x640x128xf32, #tpu.memory_space<hbm>> -> memref<640x128xf32, #tpu.memory_space<hbm>>
        %dma_start3A_76 = arith.constant 9360 : i32
        %dma_start3A_77 = arith.constant 0 : i32
        %dma_start3A_78 = tpu.memref_slice %arg8[%dma_start3A_76, %dma_start3A_77] : memref<10000x128xf32, #tpu.memory_space<vmem_shared>> -> memref<640x128xf32, #tpu.memory_space<vmem_shared>>
        tpu.enqueue_dma source(%dma_start3A_78 : memref<640x128xf32, #tpu.memory_space<vmem_shared>>) target(%dma_start3A_75 : memref<640x128xf32, #tpu.memory_space<hbm>>) target_semaphore(%run_scoped3A : memref<!tpu.dma_semaphore, #tpu.memory_space<semaphore_mem>>)
        %dma_wait3A_79 = arith.constant 9360 : i32
        %dma_wait3A_80 = arith.constant 0 : i32
        %dma_wait3A_81 = tpu.memref_slice %arg7[%arg0, %dma_wait3A_79, %dma_wait3A_80] : memref<2x10000x128xf32, #tpu.memory_space<hbm>> -> memref<1x640x128xf32, #tpu.memory_space<hbm>>
        %dma_wait3A_82 = tpu.memref_squeeze %dma_wait3A_81 : memref<1x640x128xf32, #tpu.memory_space<hbm>> -> memref<640x128xf32, #tpu.memory_space<hbm>>
        %dma_wait3A_83 = arith.constant 9360 : i32
        %dma_wait3A_84 = arith.constant 0 : i32
        %dma_wait3A_85 = tpu.memref_slice %arg8[%dma_wait3A_83, %dma_wait3A_84] : memref<10000x128xf32, #tpu.memory_space<vmem_shared>> -> memref<640x128xf32, #tpu.memory_space<vmem_shared>>
        tpu.wait_dma2 semaphore(%run_scoped3A : memref<!tpu.dma_semaphore, #tpu.memory_space<semaphore_mem>>) src(%dma_wait3A_85 : memref<640x128xf32, #tpu.memory_space<vmem_shared>>) dst(%dma_wait3A_82 : memref<640x128xf32, #tpu.memory_space<hbm>>)
        tpu.yield
      }) : () -> ()
    } else {
    }
    return
  }
}

#map = affine_map<(d0, d1) -> (0, 0)>
#map1 = affine_map<(d0, d1) -> (0)>
#map2 = affine_map<(d0, d1) -> (0, 0, 0)>
module attributes {stable_mosaic.version = 14 : i64} {
  func.func @_spmm_sc(%arg0: i32, %arg1: i32, %arg2: memref<10000x64xi32, #tpu.memory_space<hbm>>, %arg3: memref<320000xi32, #tpu.memory_space<hbm>>, %arg4: memref<32x250x40xi32, #tpu.memory_space<hbm>>, %arg5: memref<320000xf32, #tpu.memory_space<hbm>>, %arg6: memref<10000x128xf32, #tpu.memory_space<hbm>>, %arg7: memref<2x10000x128xf32, #tpu.memory_space<hbm>>, %arg8: memref<10000x128xf32, #tpu.memory_space<vmem_shared>>, %arg9: memref<10000xi32, #tpu.memory_space<vmem>>, %arg10: memref<250x40xi32, #tpu.memory_space<vmem>>, %arg11: memref<2x40xf32, #tpu.memory_space<vmem>>, %arg12: memref<40x64xi32, #tpu.memory_space<vmem>>, %arg13: memref<40x64xi32, #tpu.memory_space<vmem>>, %arg14: memref<40x128xf32, #tpu.memory_space<vmem>>, %arg15: memref<40x128xf32, #tpu.memory_space<vmem>>, %arg16: memref<!tpu.dma_semaphore, #tpu.memory_space<semaphore_mem>>, %arg17: memref<!tpu.dma_semaphore, #tpu.memory_space<semaphore_mem>>, %arg18: memref<!tpu.dma_semaphore, #tpu.memory_space<semaphore_mem>>, %arg19: memref<!tpu.dma_semaphore, #tpu.memory_space<semaphore_mem>>, %arg20: memref<!tpu.dma_semaphore, #tpu.memory_space<semaphore_mem>>, %arg21: memref<!tpu.dma_semaphore, #tpu.memory_space<semaphore_mem>>) attributes {dimension_semantics = [#tpu.dimension_semantics<core_parallel>, #tpu.dimension_semantics<subcore_parallel>], iteration_bounds = array<i64: 2, 16>, scalar_prefetch = 0 : i64, scratch_operands = 14 : i64, tpu.core_type = #tpu.core_type<sc_vector_subcore>, window_params = [{transform_indices = #map}, {transform_indices = #map1}, {transform_indices = #map2}, {transform_indices = #map1}, {transform_indices = #map}, {transform_indices = #map2}]} {
    %mul3A = arith.constant 2 : i32
    %mul3A_0 = arith.muli %arg1, %mul3A : i32
    %add3A = arith.addi %mul3A_0, %arg0 : i32
    %mul3A_1 = arith.constant 10000 : i32
    %mul3A_2 = arith.muli %add3A, %mul3A_1 : i32
    "tpu.region"() ({
      %run_scoped3A = tpu.sem_alloc : memref<!tpu.dma_semaphore, #tpu.memory_space<semaphore_mem>>
      %dma_start3A_72 = tpu.memref_slice %arg3[%mul3A_2] : memref<320000xi32, #tpu.memory_space<hbm>> -> memref<10000xi32, #tpu.memory_space<hbm>>
      %dma_start3A_73 = tpu.memref_slice %arg3[%mul3A_2] : memref<320000xi32, #tpu.memory_space<hbm>> -> memref<10000xi32, #tpu.memory_space<hbm>>
      tpu.enqueue_dma source(%dma_start3A_73 : memref<10000xi32, #tpu.memory_space<hbm>>) target(%arg9 : memref<10000xi32, #tpu.memory_space<vmem>>) target_semaphore(%run_scoped3A : memref<!tpu.dma_semaphore, #tpu.memory_space<semaphore_mem>>)
      %dma_wait3A_74 = tpu.memref_slice %arg3[%mul3A_2] : memref<320000xi32, #tpu.memory_space<hbm>> -> memref<10000xi32, #tpu.memory_space<hbm>>
      %dma_wait3A_75 = tpu.memref_slice %arg3[%mul3A_2] : memref<320000xi32, #tpu.memory_space<hbm>> -> memref<10000xi32, #tpu.memory_space<hbm>>
      tpu.wait_dma2 semaphore(%run_scoped3A : memref<!tpu.dma_semaphore, #tpu.memory_space<semaphore_mem>>) src(%dma_wait3A_75 : memref<10000xi32, #tpu.memory_space<hbm>>) dst(%arg9 : memref<10000xi32, #tpu.memory_space<vmem>>)
      tpu.yield
    }) : () -> ()
    "tpu.region"() ({
      %run_scoped3A = tpu.sem_alloc : memref<!tpu.dma_semaphore, #tpu.memory_space<semaphore_mem>>
      %dma_start3A_72 = arith.constant 0 : i32
      %dma_start3A_73 = arith.constant 0 : i32
      %dma_start3A_74 = tpu.memref_slice %arg4[%add3A, %dma_start3A_72, %dma_start3A_73] : memref<32x250x40xi32, #tpu.memory_space<hbm>> -> memref<1x250x40xi32, #tpu.memory_space<hbm>>
      %dma_start3A_75 = tpu.memref_squeeze %dma_start3A_74 : memref<1x250x40xi32, #tpu.memory_space<hbm>> -> memref<250x40xi32, #tpu.memory_space<hbm>>
      %dma_start3A_76 = arith.constant 0 : i32
      %dma_start3A_77 = arith.constant 0 : i32
      %dma_start3A_78 = tpu.memref_slice %arg4[%add3A, %dma_start3A_76, %dma_start3A_77] : memref<32x250x40xi32, #tpu.memory_space<hbm>> -> memref<1x250x40xi32, #tpu.memory_space<hbm>>
      %dma_start3A_79 = tpu.memref_squeeze %dma_start3A_78 : memref<1x250x40xi32, #tpu.memory_space<hbm>> -> memref<250x40xi32, #tpu.memory_space<hbm>>
      tpu.enqueue_dma source(%dma_start3A_79 : memref<250x40xi32, #tpu.memory_space<hbm>>) target(%arg10 : memref<250x40xi32, #tpu.memory_space<vmem>>) target_semaphore(%run_scoped3A : memref<!tpu.dma_semaphore, #tpu.memory_space<semaphore_mem>>)
      %dma_wait3A_80 = arith.constant 0 : i32
      %dma_wait3A_81 = arith.constant 0 : i32
      %dma_wait3A_82 = tpu.memref_slice %arg4[%add3A, %dma_wait3A_80, %dma_wait3A_81] : memref<32x250x40xi32, #tpu.memory_space<hbm>> -> memref<1x250x40xi32, #tpu.memory_space<hbm>>
      %dma_wait3A_83 = tpu.memref_squeeze %dma_wait3A_82 : memref<1x250x40xi32, #tpu.memory_space<hbm>> -> memref<250x40xi32, #tpu.memory_space<hbm>>
      %dma_wait3A_84 = arith.constant 0 : i32
      %dma_wait3A_85 = arith.constant 0 : i32
      %dma_wait3A_86 = tpu.memref_slice %arg4[%add3A, %dma_wait3A_84, %dma_wait3A_85] : memref<32x250x40xi32, #tpu.memory_space<hbm>> -> memref<1x250x40xi32, #tpu.memory_space<hbm>>
      %dma_wait3A_87 = tpu.memref_squeeze %dma_wait3A_86 : memref<1x250x40xi32, #tpu.memory_space<hbm>> -> memref<250x40xi32, #tpu.memory_space<hbm>>
      tpu.wait_dma2 semaphore(%run_scoped3A : memref<!tpu.dma_semaphore, #tpu.memory_space<semaphore_mem>>) src(%dma_wait3A_87 : memref<250x40xi32, #tpu.memory_space<hbm>>) dst(%arg10 : memref<250x40xi32, #tpu.memory_space<vmem>>)
      tpu.yield
    }) : () -> ()
    %lt3A = arith.constant 15 : i32
    %lt3A_3 = arith.cmpi slt, %arg1, %lt3A : i32
    %convert_element_type3A = arith.extui %lt3A_3 : i1 to i32
    %cond3A = arith.constant 0 : i32
    %cond3A_4 = arith.cmpi ne, %convert_element_type3A, %cond3A : i32
    scf.if %cond3A_4 {
      %mul3A_72 = arith.constant 624 : i32
      %mul3A_73 = arith.muli %arg1, %mul3A_72 : i32
      "tpu.region"() ({
        %run_scoped3A = tpu.sem_alloc : memref<!tpu.dma_semaphore, #tpu.memory_space<semaphore_mem>>
        %dma_start3A_74 = arith.constant 0 : i32
        %dma_start3A_75 = tpu.memref_slice %arg8[%mul3A_73, %dma_start3A_74] : memref<10000x128xf32, #tpu.memory_space<vmem_shared>> -> memref<624x128xf32, #tpu.memory_space<vmem_shared>>
        %dma_start3A_76 = arith.constant 0 : i32
        %dma_start3A_77 = tpu.memref_slice %arg6[%mul3A_73, %dma_start3A_76] : memref<10000x128xf32, #tpu.memory_space<hbm>> -> memref<624x128xf32, #tpu.memory_space<hbm>>
        tpu.enqueue_dma source(%dma_start3A_77 : memref<624x128xf32, #tpu.memory_space<hbm>>) target(%dma_start3A_75 : memref<624x128xf32, #tpu.memory_space<vmem_shared>>) target_semaphore(%run_scoped3A : memref<!tpu.dma_semaphore, #tpu.memory_space<semaphore_mem>>)
        %dma_wait3A_78 = arith.constant 0 : i32
        %dma_wait3A_79 = tpu.memref_slice %arg8[%mul3A_73, %dma_wait3A_78] : memref<10000x128xf32, #tpu.memory_space<vmem_shared>> -> memref<624x128xf32, #tpu.memory_space<vmem_shared>>
        %dma_wait3A_80 = arith.constant 0 : i32
        %dma_wait3A_81 = tpu.memref_slice %arg6[%mul3A_73, %dma_wait3A_80] : memref<10000x128xf32, #tpu.memory_space<hbm>> -> memref<624x128xf32, #tpu.memory_space<hbm>>
        tpu.wait_dma2 semaphore(%run_scoped3A : memref<!tpu.dma_semaphore, #tpu.memory_space<semaphore_mem>>) src(%dma_wait3A_81 : memref<624x128xf32, #tpu.memory_space<hbm>>) dst(%dma_wait3A_79 : memref<624x128xf32, #tpu.memory_space<vmem_shared>>)
        tpu.yield
      }) : () -> ()
    } else {
    }
    %eq3A = arith.constant 15 : i32
    %eq3A_5 = arith.cmpi eq, %arg1, %eq3A : i32
    %convert_element_type3A_6 = arith.extui %eq3A_5 : i1 to i32
    %cond3A_7 = arith.constant 0 : i32
    %cond3A_8 = arith.cmpi ne, %convert_element_type3A_6, %cond3A_7 : i32
    scf.if %cond3A_8 {
      "tpu.region"() ({
        %run_scoped3A = tpu.sem_alloc : memref<!tpu.dma_semaphore, #tpu.memory_space<semaphore_mem>>
        %dma_start3A_72 = arith.constant 9360 : i32
        %dma_start3A_73 = arith.constant 0 : i32
        %dma_start3A_74 = tpu.memref_slice %arg8[%dma_start3A_72, %dma_start3A_73] : memref<10000x128xf32, #tpu.memory_space<vmem_shared>> -> memref<640x128xf32, #tpu.memory_space<vmem_shared>>
        %dma_start3A_75 = arith.constant 9360 : i32
        %dma_start3A_76 = arith.constant 0 : i32
        %dma_start3A_77 = tpu.memref_slice %arg6[%dma_start3A_75, %dma_start3A_76] : memref<10000x128xf32, #tpu.memory_space<hbm>> -> memref<640x128xf32, #tpu.memory_space<hbm>>
        tpu.enqueue_dma source(%dma_start3A_77 : memref<640x128xf32, #tpu.memory_space<hbm>>) target(%dma_start3A_74 : memref<640x128xf32, #tpu.memory_space<vmem_shared>>) target_semaphore(%run_scoped3A : memref<!tpu.dma_semaphore, #tpu.memory_space<semaphore_mem>>)
        %dma_wait3A_78 = arith.constant 9360 : i32
        %dma_wait3A_79 = arith.constant 0 : i32
        %dma_wait3A_80 = tpu.memref_slice %arg8[%dma_wait3A_78, %dma_wait3A_79] : memref<10000x128xf32, #tpu.memory_space<vmem_shared>> -> memref<640x128xf32, #tpu.memory_space<vmem_shared>>
        %dma_wait3A_81 = arith.constant 9360 : i32
        %dma_wait3A_82 = arith.constant 0 : i32
        %dma_wait3A_83 = tpu.memref_slice %arg6[%dma_wait3A_81, %dma_wait3A_82] : memref<10000x128xf32, #tpu.memory_space<hbm>> -> memref<640x128xf32, #tpu.memory_space<hbm>>
        tpu.wait_dma2 semaphore(%run_scoped3A : memref<!tpu.dma_semaphore, #tpu.memory_space<semaphore_mem>>) src(%dma_wait3A_83 : memref<640x128xf32, #tpu.memory_space<hbm>>) dst(%dma_wait3A_80 : memref<640x128xf32, #tpu.memory_space<vmem_shared>>)
        tpu.yield
      }) : () -> ()
    } else {
    }
    %barrier3A = arith.constant 0 : index
    tpu.barrier barrier_id(%barrier3A)
    %dma_start3A = arith.constant 0 : i32
    %dma_start3A_9 = tpu.memref_slice %arg9[%dma_start3A] : memref<10000xi32, #tpu.memory_space<vmem>> -> memref<40xi32, #tpu.memory_space<vmem>>
    %dma_start3A_10 = arith.constant 0 : i32
    %dma_start3A_11 = arith.constant 0 : i32
    %dma_start3A_12 = tpu.memref_slice %arg2[%dma_start3A_10, %dma_start3A_11] : memref<10000x64xi32, #tpu.memory_space<hbm>> -> memref<10000x64xi32, #tpu.memory_space<hbm>>
    tpu.enqueue_indirect_dma source(%dma_start3A_12 : memref<10000x64xi32, #tpu.memory_space<hbm>>) target(%arg12 : memref<40x64xi32, #tpu.memory_space<vmem>>) offsets(%dma_start3A_9 : memref<40xi32, #tpu.memory_space<vmem>>) semaphore(%arg16 : memref<!tpu.dma_semaphore, #tpu.memory_space<semaphore_mem>>)
    %mul3A_13 = arith.constant 10000 : i32
    %mul3A_14 = arith.muli %add3A, %mul3A_13 : i32
    %add3A_15 = arith.constant 0 : i32
    %add3A_16 = arith.addi %mul3A_14, %add3A_15 : i32
    %dma_start3A_17 = arith.constant 0 : i32
    %dma_start3A_18 = arith.constant 0 : i32
    %dma_start3A_19 = tpu.memref_slice %arg11[%dma_start3A_17, %dma_start3A_18] : memref<2x40xf32, #tpu.memory_space<vmem>> -> memref<1x40xf32, #tpu.memory_space<vmem>>
    %dma_start3A_20 = tpu.memref_squeeze %dma_start3A_19 : memref<1x40xf32, #tpu.memory_space<vmem>> -> memref<40xf32, #tpu.memory_space<vmem>>
    %dma_start3A_21 = tpu.memref_slice %arg5[%add3A_16] : memref<320000xf32, #tpu.memory_space<hbm>> -> memref<40xf32, #tpu.memory_space<hbm>>
    %dma_start3A_22 = arith.constant 0 : i32
    %dma_start3A_23 = tpu.memref_slice %arg11[%dma_start3A_17, %dma_start3A_22] : memref<2x40xf32, #tpu.memory_space<vmem>> -> memref<1x40xf32, #tpu.memory_space<vmem>>
    %dma_start3A_24 = tpu.memref_squeeze %dma_start3A_23 : memref<1x40xf32, #tpu.memory_space<vmem>> -> memref<40xf32, #tpu.memory_space<vmem>>
    %dma_start3A_25 = tpu.memref_slice %arg5[%add3A_16] : memref<320000xf32, #tpu.memory_space<hbm>> -> memref<40xf32, #tpu.memory_space<hbm>>
    tpu.enqueue_dma source(%dma_start3A_25 : memref<40xf32, #tpu.memory_space<hbm>>) target(%dma_start3A_24 : memref<40xf32, #tpu.memory_space<vmem>>) target_semaphore(%arg20 : memref<!tpu.dma_semaphore, #tpu.memory_space<semaphore_mem>>)
    %dma_start3A_26 = arith.constant 40 : i32
    %dma_start3A_27 = tpu.memref_slice %arg9[%dma_start3A_26] : memref<10000xi32, #tpu.memory_space<vmem>> -> memref<40xi32, #tpu.memory_space<vmem>>
    %dma_start3A_28 = arith.constant 0 : i32
    %dma_start3A_29 = arith.constant 0 : i32
    %dma_start3A_30 = tpu.memref_slice %arg2[%dma_start3A_28, %dma_start3A_29] : memref<10000x64xi32, #tpu.memory_space<hbm>> -> memref<10000x64xi32, #tpu.memory_space<hbm>>
    tpu.enqueue_indirect_dma source(%dma_start3A_30 : memref<10000x64xi32, #tpu.memory_space<hbm>>) target(%arg13 : memref<40x64xi32, #tpu.memory_space<vmem>>) offsets(%dma_start3A_27 : memref<40xi32, #tpu.memory_space<vmem>>) semaphore(%arg17 : memref<!tpu.dma_semaphore, #tpu.memory_space<semaphore_mem>>)
    %mul3A_31 = arith.constant 10000 : i32
    %mul3A_32 = arith.muli %add3A, %mul3A_31 : i32
    %add3A_33 = arith.constant 40 : i32
    %add3A_34 = arith.addi %mul3A_32, %add3A_33 : i32
    %dma_start3A_35 = arith.constant 1 : i32
    %dma_start3A_36 = arith.constant 0 : i32
    %dma_start3A_37 = tpu.memref_slice %arg11[%dma_start3A_35, %dma_start3A_36] : memref<2x40xf32, #tpu.memory_space<vmem>> -> memref<1x40xf32, #tpu.memory_space<vmem>>
    %dma_start3A_38 = tpu.memref_squeeze %dma_start3A_37 : memref<1x40xf32, #tpu.memory_space<vmem>> -> memref<40xf32, #tpu.memory_space<vmem>>
    %dma_start3A_39 = tpu.memref_slice %arg5[%add3A_34] : memref<320000xf32, #tpu.memory_space<hbm>> -> memref<40xf32, #tpu.memory_space<hbm>>
    %dma_start3A_40 = arith.constant 0 : i32
    %dma_start3A_41 = tpu.memref_slice %arg11[%dma_start3A_35, %dma_start3A_40] : memref<2x40xf32, #tpu.memory_space<vmem>> -> memref<1x40xf32, #tpu.memory_space<vmem>>
    %dma_start3A_42 = tpu.memref_squeeze %dma_start3A_41 : memref<1x40xf32, #tpu.memory_space<vmem>> -> memref<40xf32, #tpu.memory_space<vmem>>
    %dma_start3A_43 = tpu.memref_slice %arg5[%add3A_34] : memref<320000xf32, #tpu.memory_space<hbm>> -> memref<40xf32, #tpu.memory_space<hbm>>
    tpu.enqueue_dma source(%dma_start3A_43 : memref<40xf32, #tpu.memory_space<hbm>>) target(%dma_start3A_42 : memref<40xf32, #tpu.memory_space<vmem>>) target_semaphore(%arg21 : memref<!tpu.dma_semaphore, #tpu.memory_space<semaphore_mem>>)
    %scan3A = arith.constant 0 : i32
    %scan3A_44 = arith.constant 125 : i32
    %scan3A_45 = arith.addi %scan3A, %scan3A_44 : i32
    %scan3A_46 = arith.constant 1 : i32
    scf.for %scan3A_72 = %scan3A to %scan3A_45 step %scan3A_46  : i32 {
      %mul3A_73 = arith.constant 2 : i32
      %mul3A_74 = arith.muli %scan3A_72, %mul3A_73 : i32
      %add3A_75 = arith.constant 0 : i32
      %add3A_76 = arith.addi %add3A_75, %mul3A_74 : i32
      %add3A_77 = arith.constant 0 : i32
      %add3A_78 = arith.addi %add3A_76, %add3A_77 : i32
      %dma_wait3A_79 = arith.constant 0 : i32
      %dma_wait3A_80 = tpu.memref_slice %arg9[%dma_wait3A_79] : memref<10000xi32, #tpu.memory_space<vmem>> -> memref<40xi32, #tpu.memory_space<vmem>>
      %dma_wait3A_81 = arith.constant 0 : i32
      %dma_wait3A_82 = arith.constant 0 : i32
      %dma_wait3A_83 = tpu.memref_slice %arg2[%dma_wait3A_81, %dma_wait3A_82] : memref<10000x64xi32, #tpu.memory_space<hbm>> -> memref<10000x64xi32, #tpu.memory_space<hbm>>
      tpu.wait_indirect_dma semaphore(%arg16 : memref<!tpu.dma_semaphore, #tpu.memory_space<semaphore_mem>>) src(%dma_wait3A_83 : memref<10000x64xi32, #tpu.memory_space<hbm>>) dst(%arg12 : memref<40x64xi32, #tpu.memory_space<vmem>>)
      %ge3A = arith.constant 2 : i32
      %ge3A_84 = arith.cmpi sge, %add3A_78, %ge3A : i32
      %convert_element_type3A_85 = arith.extui %ge3A_84 : i1 to i32
      %cond3A_86 = arith.constant 0 : i32
      %cond3A_87 = arith.cmpi ne, %convert_element_type3A_85, %cond3A_86 : i32
      scf.if %cond3A_87 {
        %dma_wait3A_161 = arith.constant 0 : i32
        %dma_wait3A_162 = arith.constant 0 : i32
        %dma_wait3A_163 = tpu.memref_slice %arg10[%dma_wait3A_161, %dma_wait3A_162] : memref<250x40xi32, #tpu.memory_space<vmem>> -> memref<1x40xi32, #tpu.memory_space<vmem>>
        %dma_wait3A_164 = tpu.memref_squeeze %dma_wait3A_163 : memref<1x40xi32, #tpu.memory_space<vmem>> -> memref<40xi32, #tpu.memory_space<vmem>>
        %dma_wait3A_165 = arith.constant 0 : i32
        %dma_wait3A_166 = arith.constant 0 : i32
        %dma_wait3A_167 = tpu.memref_slice %arg8[%dma_wait3A_165, %dma_wait3A_166] : memref<10000x128xf32, #tpu.memory_space<vmem_shared>> -> memref<10000x128xf32, #tpu.memory_space<vmem_shared>>
        tpu.wait_indirect_dma semaphore(%arg18 : memref<!tpu.dma_semaphore, #tpu.memory_space<semaphore_mem>>) src(%arg14 : memref<40x128xf32, #tpu.memory_space<vmem>>) dst(%dma_wait3A_167 : memref<10000x128xf32, #tpu.memory_space<vmem_shared>>)
      } else {
      }
      %dma_wait3A_88 = arith.constant 0 : i32
      %dma_wait3A_89 = arith.constant 0 : i32
      %dma_wait3A_90 = tpu.memref_slice %arg11[%dma_wait3A_88, %dma_wait3A_89] : memref<2x40xf32, #tpu.memory_space<vmem>> -> memref<1x40xf32, #tpu.memory_space<vmem>>
      %dma_wait3A_91 = tpu.memref_squeeze %dma_wait3A_90 : memref<1x40xf32, #tpu.memory_space<vmem>> -> memref<40xf32, #tpu.memory_space<vmem>>
      %dma_wait3A_92 = arith.constant 0 : i32
      %dma_wait3A_93 = tpu.memref_slice %arg5[%dma_wait3A_92] : memref<320000xf32, #tpu.memory_space<hbm>> -> memref<40xf32, #tpu.memory_space<hbm>>
      %dma_wait3A_94 = arith.constant 0 : i32
      %dma_wait3A_95 = tpu.memref_slice %arg11[%dma_wait3A_88, %dma_wait3A_94] : memref<2x40xf32, #tpu.memory_space<vmem>> -> memref<1x40xf32, #tpu.memory_space<vmem>>
      %dma_wait3A_96 = tpu.memref_squeeze %dma_wait3A_95 : memref<1x40xf32, #tpu.memory_space<vmem>> -> memref<40xf32, #tpu.memory_space<vmem>>
      %dma_wait3A_97 = arith.constant 0 : i32
      %dma_wait3A_98 = tpu.memref_slice %arg5[%dma_wait3A_97] : memref<320000xf32, #tpu.memory_space<hbm>> -> memref<40xf32, #tpu.memory_space<hbm>>
      tpu.wait_dma2 semaphore(%arg20 : memref<!tpu.dma_semaphore, #tpu.memory_space<semaphore_mem>>) src(%dma_wait3A_98 : memref<40xf32, #tpu.memory_space<hbm>>) dst(%dma_wait3A_96 : memref<40xf32, #tpu.memory_space<vmem>>)
      %broadcast_in_dim3A = arith.constant -65536 : i32
      %broadcast_in_dim3A_99 = vector.broadcast %broadcast_in_dim3A : i32 to vector<16xi32>
      %scan3A_100 = arith.constant 0 : i32
      %scan3A_101 = arith.constant 20 : i32
      %scan3A_102 = arith.addi %scan3A_100, %scan3A_101 : i32
      %scan3A_103 = arith.constant 1 : i32
      scf.for %scan3A_161 = %scan3A_100 to %scan3A_102 step %scan3A_103  : i32 {
        %mul3A_162 = arith.constant 2 : i32
        %mul3A_163 = arith.muli %scan3A_161, %mul3A_162 : i32
        %add3A_164 = arith.constant 0 : i32
        %add3A_165 = arith.addi %add3A_164, %mul3A_163 : i32
        %add3A_166 = arith.constant 0 : i32
        %add3A_167 = arith.addi %add3A_165, %add3A_166 : i32
        %broadcast_in_dim3A_168 = vector.broadcast %add3A_167 : i32 to vector<16xi32>
        %gather3A = arith.constant 0 : i32
        %gather3A_169 = arith.constant 0 : i32
        %gather3A_170 = tpu.memref_slice %arg11[%gather3A, %gather3A_169] : memref<2x40xf32, #tpu.memory_space<vmem>> -> memref<1x40xf32, #tpu.memory_space<vmem>>
        %gather3A_171 = tpu.memref_squeeze %gather3A_170 : memref<1x40xf32, #tpu.memory_space<vmem>> -> memref<40xf32, #tpu.memory_space<vmem>>
        %gather3A_172 = tpu.vector_load_idx %gather3A_171[%broadcast_in_dim3A_168] : memref<40xf32, #tpu.memory_space<vmem>>[vector<16xi32>], vector<16xf32>,
        %get3A = arith.index_cast %add3A_167 : i32 to index
        %get3A_173 = arith.constant 0 : index
        %get3A_174 = tpu.vector_load %arg12[%get3A, %get3A_173] {strides = array<i32>} : memref<40x64xi32, #tpu.memory_space<vmem>>, vector<16xi32>,
        %shift_left3A = arith.constant 16 : i32
        %shift_left3A_175 = vector.broadcast %shift_left3A : i32 to vector<16xi32>
        %shift_left3A_176 = arith.shli %get3A_174, %shift_left3A_175 : vector<16xi32>
        %bitcast3A = vector.bitcast %shift_left3A_176 : vector<16xi32> to vector<16xf32>
        %and3A = arith.andi %get3A_174, %broadcast_in_dim3A_99 : vector<16xi32>
        %bitcast3A_177 = vector.bitcast %and3A : vector<16xi32> to vector<16xf32>
        %mul3A_178 = arith.mulf %bitcast3A, %gather3A_172 : vector<16xf32>
        %swap3A = arith.index_cast %add3A_167 : i32 to index
        %swap3A_179 = arith.constant 0 : index
        %swap3A_180 = tpu.vector_load %arg14[%swap3A, %swap3A_179] {strides = array<i32>} : memref<40x128xf32, #tpu.memory_space<vmem>>, vector<16xf32>,
        tpu.vector_store %arg14[%swap3A, %swap3A_179], %mul3A_178 {strides = array<i32>} : memref<40x128xf32, #tpu.memory_space<vmem>>, vector<16xf32>,
        %mul3A_181 = arith.mulf %bitcast3A_177, %gather3A_172 : vector<16xf32>
        %swap3A_182 = arith.index_cast %add3A_167 : i32 to index
        %swap3A_183 = arith.constant 16 : index
        %swap3A_184 = tpu.vector_load %arg14[%swap3A_182, %swap3A_183] {strides = array<i32>} : memref<40x128xf32, #tpu.memory_space<vmem>>, vector<16xf32>,
        tpu.vector_store %arg14[%swap3A_182, %swap3A_183], %mul3A_181 {strides = array<i32>} : memref<40x128xf32, #tpu.memory_space<vmem>>, vector<16xf32>,
        %get3A_185 = arith.index_cast %add3A_167 : i32 to index
        %get3A_186 = arith.constant 16 : index
        %get3A_187 = tpu.vector_load %arg12[%get3A_185, %get3A_186] {strides = array<i32>} : memref<40x64xi32, #tpu.memory_space<vmem>>, vector<16xi32>,
        %shift_left3A_188 = arith.constant 16 : i32
        %shift_left3A_189 = vector.broadcast %shift_left3A_188 : i32 to vector<16xi32>
        %shift_left3A_190 = arith.shli %get3A_187, %shift_left3A_189 : vector<16xi32>
        %bitcast3A_191 = vector.bitcast %shift_left3A_190 : vector<16xi32> to vector<16xf32>
        %and3A_192 = arith.andi %get3A_187, %broadcast_in_dim3A_99 : vector<16xi32>
        %bitcast3A_193 = vector.bitcast %and3A_192 : vector<16xi32> to vector<16xf32>
        %mul3A_194 = arith.mulf %bitcast3A_191, %gather3A_172 : vector<16xf32>
        %swap3A_195 = arith.index_cast %add3A_167 : i32 to index
        %swap3A_196 = arith.constant 32 : index
        %swap3A_197 = tpu.vector_load %arg14[%swap3A_195, %swap3A_196] {strides = array<i32>} : memref<40x128xf32, #tpu.memory_space<vmem>>, vector<16xf32>,
        tpu.vector_store %arg14[%swap3A_195, %swap3A_196], %mul3A_194 {strides = array<i32>} : memref<40x128xf32, #tpu.memory_space<vmem>>, vector<16xf32>,
        %mul3A_198 = arith.mulf %bitcast3A_193, %gather3A_172 : vector<16xf32>
        %swap3A_199 = arith.index_cast %add3A_167 : i32 to index
        %swap3A_200 = arith.constant 48 : index
        %swap3A_201 = tpu.vector_load %arg14[%swap3A_199, %swap3A_200] {strides = array<i32>} : memref<40x128xf32, #tpu.memory_space<vmem>>, vector<16xf32>,
        tpu.vector_store %arg14[%swap3A_199, %swap3A_200], %mul3A_198 {strides = array<i32>} : memref<40x128xf32, #tpu.memory_space<vmem>>, vector<16xf32>,
        %get3A_202 = arith.index_cast %add3A_167 : i32 to index
        %get3A_203 = arith.constant 32 : index
        %get3A_204 = tpu.vector_load %arg12[%get3A_202, %get3A_203] {strides = array<i32>} : memref<40x64xi32, #tpu.memory_space<vmem>>, vector<16xi32>,
        %shift_left3A_205 = arith.constant 16 : i32
        %shift_left3A_206 = vector.broadcast %shift_left3A_205 : i32 to vector<16xi32>
        %shift_left3A_207 = arith.shli %get3A_204, %shift_left3A_206 : vector<16xi32>
        %bitcast3A_208 = vector.bitcast %shift_left3A_207 : vector<16xi32> to vector<16xf32>
        %and3A_209 = arith.andi %get3A_204, %broadcast_in_dim3A_99 : vector<16xi32>
        %bitcast3A_210 = vector.bitcast %and3A_209 : vector<16xi32> to vector<16xf32>
        %mul3A_211 = arith.mulf %bitcast3A_208, %gather3A_172 : vector<16xf32>
        %swap3A_212 = arith.index_cast %add3A_167 : i32 to index
        %swap3A_213 = arith.constant 64 : index
        %swap3A_214 = tpu.vector_load %arg14[%swap3A_212, %swap3A_213] {strides = array<i32>} : memref<40x128xf32, #tpu.memory_space<vmem>>, vector<16xf32>,
        tpu.vector_store %arg14[%swap3A_212, %swap3A_213], %mul3A_211 {strides = array<i32>} : memref<40x128xf32, #tpu.memory_space<vmem>>, vector<16xf32>,
        %mul3A_215 = arith.mulf %bitcast3A_210, %gather3A_172 : vector<16xf32>
        %swap3A_216 = arith.index_cast %add3A_167 : i32 to index
        %swap3A_217 = arith.constant 80 : index
        %swap3A_218 = tpu.vector_load %arg14[%swap3A_216, %swap3A_217] {strides = array<i32>} : memref<40x128xf32, #tpu.memory_space<vmem>>, vector<16xf32>,
        tpu.vector_store %arg14[%swap3A_216, %swap3A_217], %mul3A_215 {strides = array<i32>} : memref<40x128xf32, #tpu.memory_space<vmem>>, vector<16xf32>,
        %get3A_219 = arith.index_cast %add3A_167 : i32 to index
        %get3A_220 = arith.constant 48 : index
        %get3A_221 = tpu.vector_load %arg12[%get3A_219, %get3A_220] {strides = array<i32>} : memref<40x64xi32, #tpu.memory_space<vmem>>, vector<16xi32>,
        %shift_left3A_222 = arith.constant 16 : i32
        %shift_left3A_223 = vector.broadcast %shift_left3A_222 : i32 to vector<16xi32>
        %shift_left3A_224 = arith.shli %get3A_221, %shift_left3A_223 : vector<16xi32>
        %bitcast3A_225 = vector.bitcast %shift_left3A_224 : vector<16xi32> to vector<16xf32>
        %and3A_226 = arith.andi %get3A_221, %broadcast_in_dim3A_99 : vector<16xi32>
        %bitcast3A_227 = vector.bitcast %and3A_226 : vector<16xi32> to vector<16xf32>
        %mul3A_228 = arith.mulf %bitcast3A_225, %gather3A_172 : vector<16xf32>
        %swap3A_229 = arith.index_cast %add3A_167 : i32 to index
        %swap3A_230 = arith.constant 96 : index
        %swap3A_231 = tpu.vector_load %arg14[%swap3A_229, %swap3A_230] {strides = array<i32>} : memref<40x128xf32, #tpu.memory_space<vmem>>, vector<16xf32>,
        tpu.vector_store %arg14[%swap3A_229, %swap3A_230], %mul3A_228 {strides = array<i32>} : memref<40x128xf32, #tpu.memory_space<vmem>>, vector<16xf32>,
        %mul3A_232 = arith.mulf %bitcast3A_227, %gather3A_172 : vector<16xf32>
        %swap3A_233 = arith.index_cast %add3A_167 : i32 to index
        %swap3A_234 = arith.constant 112 : index
        %swap3A_235 = tpu.vector_load %arg14[%swap3A_233, %swap3A_234] {strides = array<i32>} : memref<40x128xf32, #tpu.memory_space<vmem>>, vector<16xf32>,
        tpu.vector_store %arg14[%swap3A_233, %swap3A_234], %mul3A_232 {strides = array<i32>} : memref<40x128xf32, #tpu.memory_space<vmem>>, vector<16xf32>,
        %add3A_236 = arith.constant 1 : i32
        %add3A_237 = arith.addi %add3A_165, %add3A_236 : i32
        %broadcast_in_dim3A_238 = vector.broadcast %add3A_237 : i32 to vector<16xi32>
        %gather3A_239 = arith.constant 0 : i32
        %gather3A_240 = arith.constant 0 : i32
        %gather3A_241 = tpu.memref_slice %arg11[%gather3A_239, %gather3A_240] : memref<2x40xf32, #tpu.memory_space<vmem>> -> memref<1x40xf32, #tpu.memory_space<vmem>>
        %gather3A_242 = tpu.memref_squeeze %gather3A_241 : memref<1x40xf32, #tpu.memory_space<vmem>> -> memref<40xf32, #tpu.memory_space<vmem>>
        %gather3A_243 = tpu.vector_load_idx %gather3A_242[%broadcast_in_dim3A_238] : memref<40xf32, #tpu.memory_space<vmem>>[vector<16xi32>], vector<16xf32>,
        %get3A_244 = arith.index_cast %add3A_237 : i32 to index
        %get3A_245 = arith.constant 0 : index
        %get3A_246 = tpu.vector_load %arg12[%get3A_244, %get3A_245] {strides = array<i32>} : memref<40x64xi32, #tpu.memory_space<vmem>>, vector<16xi32>,
        %shift_left3A_247 = arith.constant 16 : i32
        %shift_left3A_248 = vector.broadcast %shift_left3A_247 : i32 to vector<16xi32>
        %shift_left3A_249 = arith.shli %get3A_246, %shift_left3A_248 : vector<16xi32>
        %bitcast3A_250 = vector.bitcast %shift_left3A_249 : vector<16xi32> to vector<16xf32>
        %and3A_251 = arith.andi %get3A_246, %broadcast_in_dim3A_99 : vector<16xi32>
        %bitcast3A_252 = vector.bitcast %and3A_251 : vector<16xi32> to vector<16xf32>
        %mul3A_253 = arith.mulf %bitcast3A_250, %gather3A_243 : vector<16xf32>
        %swap3A_254 = arith.index_cast %add3A_237 : i32 to index
        %swap3A_255 = arith.constant 0 : index
        %swap3A_256 = tpu.vector_load %arg14[%swap3A_254, %swap3A_255] {strides = array<i32>} : memref<40x128xf32, #tpu.memory_space<vmem>>, vector<16xf32>,
        tpu.vector_store %arg14[%swap3A_254, %swap3A_255], %mul3A_253 {strides = array<i32>} : memref<40x128xf32, #tpu.memory_space<vmem>>, vector<16xf32>,
        %mul3A_257 = arith.mulf %bitcast3A_252, %gather3A_243 : vector<16xf32>
        %swap3A_258 = arith.index_cast %add3A_237 : i32 to index
        %swap3A_259 = arith.constant 16 : index
        %swap3A_260 = tpu.vector_load %arg14[%swap3A_258, %swap3A_259] {strides = array<i32>} : memref<40x128xf32, #tpu.memory_space<vmem>>, vector<16xf32>,
        tpu.vector_store %arg14[%swap3A_258, %swap3A_259], %mul3A_257 {strides = array<i32>} : memref<40x128xf32, #tpu.memory_space<vmem>>, vector<16xf32>,
        %get3A_261 = arith.index_cast %add3A_237 : i32 to index
        %get3A_262 = arith.constant 16 : index
        %get3A_263 = tpu.vector_load %arg12[%get3A_261, %get3A_262] {strides = array<i32>} : memref<40x64xi32, #tpu.memory_space<vmem>>, vector<16xi32>,
        %shift_left3A_264 = arith.constant 16 : i32
        %shift_left3A_265 = vector.broadcast %shift_left3A_264 : i32 to vector<16xi32>
        %shift_left3A_266 = arith.shli %get3A_263, %shift_left3A_265 : vector<16xi32>
        %bitcast3A_267 = vector.bitcast %shift_left3A_266 : vector<16xi32> to vector<16xf32>
        %and3A_268 = arith.andi %get3A_263, %broadcast_in_dim3A_99 : vector<16xi32>
        %bitcast3A_269 = vector.bitcast %and3A_268 : vector<16xi32> to vector<16xf32>
        %mul3A_270 = arith.mulf %bitcast3A_267, %gather3A_243 : vector<16xf32>
        %swap3A_271 = arith.index_cast %add3A_237 : i32 to index
        %swap3A_272 = arith.constant 32 : index
        %swap3A_273 = tpu.vector_load %arg14[%swap3A_271, %swap3A_272] {strides = array<i32>} : memref<40x128xf32, #tpu.memory_space<vmem>>, vector<16xf32>,
        tpu.vector_store %arg14[%swap3A_271, %swap3A_272], %mul3A_270 {strides = array<i32>} : memref<40x128xf32, #tpu.memory_space<vmem>>, vector<16xf32>,
        %mul3A_274 = arith.mulf %bitcast3A_269, %gather3A_243 : vector<16xf32>
        %swap3A_275 = arith.index_cast %add3A_237 : i32 to index
        %swap3A_276 = arith.constant 48 : index
        %swap3A_277 = tpu.vector_load %arg14[%swap3A_275, %swap3A_276] {strides = array<i32>} : memref<40x128xf32, #tpu.memory_space<vmem>>, vector<16xf32>,
        tpu.vector_store %arg14[%swap3A_275, %swap3A_276], %mul3A_274 {strides = array<i32>} : memref<40x128xf32, #tpu.memory_space<vmem>>, vector<16xf32>,
        %get3A_278 = arith.index_cast %add3A_237 : i32 to index
        %get3A_279 = arith.constant 32 : index
        %get3A_280 = tpu.vector_load %arg12[%get3A_278, %get3A_279] {strides = array<i32>} : memref<40x64xi32, #tpu.memory_space<vmem>>, vector<16xi32>,
        %shift_left3A_281 = arith.constant 16 : i32
        %shift_left3A_282 = vector.broadcast %shift_left3A_281 : i32 to vector<16xi32>
        %shift_left3A_283 = arith.shli %get3A_280, %shift_left3A_282 : vector<16xi32>
        %bitcast3A_284 = vector.bitcast %shift_left3A_283 : vector<16xi32> to vector<16xf32>
        %and3A_285 = arith.andi %get3A_280, %broadcast_in_dim3A_99 : vector<16xi32>
        %bitcast3A_286 = vector.bitcast %and3A_285 : vector<16xi32> to vector<16xf32>
        %mul3A_287 = arith.mulf %bitcast3A_284, %gather3A_243 : vector<16xf32>
        %swap3A_288 = arith.index_cast %add3A_237 : i32 to index
        %swap3A_289 = arith.constant 64 : index
        %swap3A_290 = tpu.vector_load %arg14[%swap3A_288, %swap3A_289] {strides = array<i32>} : memref<40x128xf32, #tpu.memory_space<vmem>>, vector<16xf32>,
        tpu.vector_store %arg14[%swap3A_288, %swap3A_289], %mul3A_287 {strides = array<i32>} : memref<40x128xf32, #tpu.memory_space<vmem>>, vector<16xf32>,
        %mul3A_291 = arith.mulf %bitcast3A_286, %gather3A_243 : vector<16xf32>
        %swap3A_292 = arith.index_cast %add3A_237 : i32 to index
        %swap3A_293 = arith.constant 80 : index
        %swap3A_294 = tpu.vector_load %arg14[%swap3A_292, %swap3A_293] {strides = array<i32>} : memref<40x128xf32, #tpu.memory_space<vmem>>, vector<16xf32>,
        tpu.vector_store %arg14[%swap3A_292, %swap3A_293], %mul3A_291 {strides = array<i32>} : memref<40x128xf32, #tpu.memory_space<vmem>>, vector<16xf32>,
        %get3A_295 = arith.index_cast %add3A_237 : i32 to index
        %get3A_296 = arith.constant 48 : index
        %get3A_297 = tpu.vector_load %arg12[%get3A_295, %get3A_296] {strides = array<i32>} : memref<40x64xi32, #tpu.memory_space<vmem>>, vector<16xi32>,
        %shift_left3A_298 = arith.constant 16 : i32
        %shift_left3A_299 = vector.broadcast %shift_left3A_298 : i32 to vector<16xi32>
        %shift_left3A_300 = arith.shli %get3A_297, %shift_left3A_299 : vector<16xi32>
        %bitcast3A_301 = vector.bitcast %shift_left3A_300 : vector<16xi32> to vector<16xf32>
        %and3A_302 = arith.andi %get3A_297, %broadcast_in_dim3A_99 : vector<16xi32>
        %bitcast3A_303 = vector.bitcast %and3A_302 : vector<16xi32> to vector<16xf32>
        %mul3A_304 = arith.mulf %bitcast3A_301, %gather3A_243 : vector<16xf32>
        %swap3A_305 = arith.index_cast %add3A_237 : i32 to index
        %swap3A_306 = arith.constant 96 : index
        %swap3A_307 = tpu.vector_load %arg14[%swap3A_305, %swap3A_306] {strides = array<i32>} : memref<40x128xf32, #tpu.memory_space<vmem>>, vector<16xf32>,
        tpu.vector_store %arg14[%swap3A_305, %swap3A_306], %mul3A_304 {strides = array<i32>} : memref<40x128xf32, #tpu.memory_space<vmem>>, vector<16xf32>,
        %mul3A_308 = arith.mulf %bitcast3A_303, %gather3A_243 : vector<16xf32>
        %swap3A_309 = arith.index_cast %add3A_237 : i32 to index
        %swap3A_310 = arith.constant 112 : index
        %swap3A_311 = tpu.vector_load %arg14[%swap3A_309, %swap3A_310] {strides = array<i32>} : memref<40x128xf32, #tpu.memory_space<vmem>>, vector<16xf32>,
        tpu.vector_store %arg14[%swap3A_309, %swap3A_310], %mul3A_308 {strides = array<i32>} : memref<40x128xf32, #tpu.memory_space<vmem>>, vector<16xf32>,
      }
      %scan3A_104 = arith.constant 20 : i32
      %add3A_105 = arith.constant 2 : i32
      %add3A_106 = arith.addi %add3A_78, %add3A_105 : i32
      %lt3A_107 = arith.constant 250 : i32
      %lt3A_108 = arith.cmpi slt, %add3A_106, %lt3A_107 : i32
      %convert_element_type3A_109 = arith.extui %lt3A_108 : i1 to i32
      %cond3A_110 = arith.constant 0 : i32
      %cond3A_111 = arith.cmpi ne, %convert_element_type3A_109, %cond3A_110 : i32
      scf.if %cond3A_111 {
        %add3A_161 = arith.constant 2 : i32
        %add3A_162 = arith.addi %add3A_78, %add3A_161 : i32
        %mul3A_163 = arith.constant 40 : i32
        %mul3A_164 = arith.muli %add3A_162, %mul3A_163 : i32
        %dma_start3A_165 = tpu.memref_slice %arg9[%mul3A_164] : memref<10000xi32, #tpu.memory_space<vmem>> -> memref<40xi32, #tpu.memory_space<vmem>>
        %dma_start3A_166 = arith.constant 0 : i32
        %dma_start3A_167 = arith.constant 0 : i32
        %dma_start3A_168 = tpu.memref_slice %arg2[%dma_start3A_166, %dma_start3A_167] : memref<10000x64xi32, #tpu.memory_space<hbm>> -> memref<10000x64xi32, #tpu.memory_space<hbm>>
        tpu.enqueue_indirect_dma source(%dma_start3A_168 : memref<10000x64xi32, #tpu.memory_space<hbm>>) target(%arg12 : memref<40x64xi32, #tpu.memory_space<vmem>>) offsets(%dma_start3A_165 : memref<40xi32, #tpu.memory_space<vmem>>) semaphore(%arg16 : memref<!tpu.dma_semaphore, #tpu.memory_space<semaphore_mem>>)
        %add3A_169 = arith.constant 2 : i32
        %add3A_170 = arith.addi %add3A_78, %add3A_169 : i32
        %mul3A_171 = arith.constant 10000 : i32
        %mul3A_172 = arith.muli %add3A, %mul3A_171 : i32
        %mul3A_173 = arith.constant 40 : i32
        %mul3A_174 = arith.muli %add3A_170, %mul3A_173 : i32
        %add3A_175 = arith.addi %mul3A_172, %mul3A_174 : i32
        %dma_start3A_176 = arith.constant 0 : i32
        %dma_start3A_177 = arith.constant 0 : i32
        %dma_start3A_178 = tpu.memref_slice %arg11[%dma_start3A_176, %dma_start3A_177] : memref<2x40xf32, #tpu.memory_space<vmem>> -> memref<1x40xf32, #tpu.memory_space<vmem>>
        %dma_start3A_179 = tpu.memref_squeeze %dma_start3A_178 : memref<1x40xf32, #tpu.memory_space<vmem>> -> memref<40xf32, #tpu.memory_space<vmem>>
        %dma_start3A_180 = tpu.memref_slice %arg5[%add3A_175] : memref<320000xf32, #tpu.memory_space<hbm>> -> memref<40xf32, #tpu.memory_space<hbm>>
        %dma_start3A_181 = arith.constant 0 : i32
        %dma_start3A_182 = tpu.memref_slice %arg11[%dma_start3A_176, %dma_start3A_181] : memref<2x40xf32, #tpu.memory_space<vmem>> -> memref<1x40xf32, #tpu.memory_space<vmem>>
        %dma_start3A_183 = tpu.memref_squeeze %dma_start3A_182 : memref<1x40xf32, #tpu.memory_space<vmem>> -> memref<40xf32, #tpu.memory_space<vmem>>
        %dma_start3A_184 = tpu.memref_slice %arg5[%add3A_175] : memref<320000xf32, #tpu.memory_space<hbm>> -> memref<40xf32, #tpu.memory_space<hbm>>
        tpu.enqueue_dma source(%dma_start3A_184 : memref<40xf32, #tpu.memory_space<hbm>>) target(%dma_start3A_183 : memref<40xf32, #tpu.memory_space<vmem>>) target_semaphore(%arg20 : memref<!tpu.dma_semaphore, #tpu.memory_space<semaphore_mem>>)
      } else {
      }
      %dma_start3A_112 = arith.constant 0 : i32
      %dma_start3A_113 = tpu.memref_slice %arg10[%add3A_78, %dma_start3A_112] : memref<250x40xi32, #tpu.memory_space<vmem>> -> memref<1x40xi32, #tpu.memory_space<vmem>>
      %dma_start3A_114 = tpu.memref_squeeze %dma_start3A_113 : memref<1x40xi32, #tpu.memory_space<vmem>> -> memref<40xi32, #tpu.memory_space<vmem>>
      %dma_start3A_115 = arith.constant 0 : i32
      %dma_start3A_116 = arith.constant 0 : i32
      %dma_start3A_117 = tpu.memref_slice %arg8[%dma_start3A_115, %dma_start3A_116] : memref<10000x128xf32, #tpu.memory_space<vmem_shared>> -> memref<10000x128xf32, #tpu.memory_space<vmem_shared>>
      tpu.enqueue_indirect_dma source(%arg14 : memref<40x128xf32, #tpu.memory_space<vmem>>) target(%dma_start3A_117 : memref<10000x128xf32, #tpu.memory_space<vmem_shared>>) offsets(%dma_start3A_114 : memref<40xi32, #tpu.memory_space<vmem>>) semaphore(%arg18 : memref<!tpu.dma_semaphore, #tpu.memory_space<semaphore_mem>>) {add = true}
      %add3A_118 = arith.constant 1 : i32
      %add3A_119 = arith.addi %add3A_76, %add3A_118 : i32
      %dma_wait3A_120 = arith.constant 0 : i32
      %dma_wait3A_121 = tpu.memref_slice %arg9[%dma_wait3A_120] : memref<10000xi32, #tpu.memory_space<vmem>> -> memref<40xi32, #tpu.memory_space<vmem>>
      %dma_wait3A_122 = arith.constant 0 : i32
      %dma_wait3A_123 = arith.constant 0 : i32
      %dma_wait3A_124 = tpu.memref_slice %arg2[%dma_wait3A_122, %dma_wait3A_123] : memref<10000x64xi32, #tpu.memory_space<hbm>> -> memref<10000x64xi32, #tpu.memory_space<hbm>>
      tpu.wait_indirect_dma semaphore(%arg17 : memref<!tpu.dma_semaphore, #tpu.memory_space<semaphore_mem>>) src(%dma_wait3A_124 : memref<10000x64xi32, #tpu.memory_space<hbm>>) dst(%arg13 : memref<40x64xi32, #tpu.memory_space<vmem>>)
      %ge3A_125 = arith.constant 2 : i32
      %ge3A_126 = arith.cmpi sge, %add3A_119, %ge3A_125 : i32
      %convert_element_type3A_127 = arith.extui %ge3A_126 : i1 to i32
      %cond3A_128 = arith.constant 0 : i32
      %cond3A_129 = arith.cmpi ne, %convert_element_type3A_127, %cond3A_128 : i32
      scf.if %cond3A_129 {
        %dma_wait3A_161 = arith.constant 0 : i32
        %dma_wait3A_162 = arith.constant 0 : i32
        %dma_wait3A_163 = tpu.memref_slice %arg10[%dma_wait3A_161, %dma_wait3A_162] : memref<250x40xi32, #tpu.memory_space<vmem>> -> memref<1x40xi32, #tpu.memory_space<vmem>>
        %dma_wait3A_164 = tpu.memref_squeeze %dma_wait3A_163 : memref<1x40xi32, #tpu.memory_space<vmem>> -> memref<40xi32, #tpu.memory_space<vmem>>
        %dma_wait3A_165 = arith.constant 0 : i32
        %dma_wait3A_166 = arith.constant 0 : i32
        %dma_wait3A_167 = tpu.memref_slice %arg8[%dma_wait3A_165, %dma_wait3A_166] : memref<10000x128xf32, #tpu.memory_space<vmem_shared>> -> memref<10000x128xf32, #tpu.memory_space<vmem_shared>>
        tpu.wait_indirect_dma semaphore(%arg19 : memref<!tpu.dma_semaphore, #tpu.memory_space<semaphore_mem>>) src(%arg15 : memref<40x128xf32, #tpu.memory_space<vmem>>) dst(%dma_wait3A_167 : memref<10000x128xf32, #tpu.memory_space<vmem_shared>>)
      } else {
      }
      %dma_wait3A_130 = arith.constant 1 : i32
      %dma_wait3A_131 = arith.constant 0 : i32
      %dma_wait3A_132 = tpu.memref_slice %arg11[%dma_wait3A_130, %dma_wait3A_131] : memref<2x40xf32, #tpu.memory_space<vmem>> -> memref<1x40xf32, #tpu.memory_space<vmem>>
      %dma_wait3A_133 = tpu.memref_squeeze %dma_wait3A_132 : memref<1x40xf32, #tpu.memory_space<vmem>> -> memref<40xf32, #tpu.memory_space<vmem>>
      %dma_wait3A_134 = arith.constant 0 : i32
      %dma_wait3A_135 = tpu.memref_slice %arg5[%dma_wait3A_134] : memref<320000xf32, #tpu.memory_space<hbm>> -> memref<40xf32, #tpu.memory_space<hbm>>
      %dma_wait3A_136 = arith.constant 0 : i32
      %dma_wait3A_137 = tpu.memref_slice %arg11[%dma_wait3A_130, %dma_wait3A_136] : memref<2x40xf32, #tpu.memory_space<vmem>> -> memref<1x40xf32, #tpu.memory_space<vmem>>
      %dma_wait3A_138 = tpu.memref_squeeze %dma_wait3A_137 : memref<1x40xf32, #tpu.memory_space<vmem>> -> memref<40xf32, #tpu.memory_space<vmem>>
      %dma_wait3A_139 = arith.constant 0 : i32
      %dma_wait3A_140 = tpu.memref_slice %arg5[%dma_wait3A_139] : memref<320000xf32, #tpu.memory_space<hbm>> -> memref<40xf32, #tpu.memory_space<hbm>>
      tpu.wait_dma2 semaphore(%arg21 : memref<!tpu.dma_semaphore, #tpu.memory_space<semaphore_mem>>) src(%dma_wait3A_140 : memref<40xf32, #tpu.memory_space<hbm>>) dst(%dma_wait3A_138 : memref<40xf32, #tpu.memory_space<vmem>>)
      %broadcast_in_dim3A_141 = arith.constant -65536 : i32
      %broadcast_in_dim3A_142 = vector.broadcast %broadcast_in_dim3A_141 : i32 to vector<16xi32>
      %scan3A_143 = arith.constant 0 : i32
      %scan3A_144 = arith.constant 20 : i32
      %scan3A_145 = arith.addi %scan3A_143, %scan3A_144 : i32
      %scan3A_146 = arith.constant 1 : i32
      scf.for %scan3A_161 = %scan3A_143 to %scan3A_145 step %scan3A_146  : i32 {
        %mul3A_162 = arith.constant 2 : i32
        %mul3A_163 = arith.muli %scan3A_161, %mul3A_162 : i32
        %add3A_164 = arith.constant 0 : i32
        %add3A_165 = arith.addi %add3A_164, %mul3A_163 : i32
        %add3A_166 = arith.constant 0 : i32
        %add3A_167 = arith.addi %add3A_165, %add3A_166 : i32
        %broadcast_in_dim3A_168 = vector.broadcast %add3A_167 : i32 to vector<16xi32>
        %gather3A = arith.constant 1 : i32
        %gather3A_169 = arith.constant 0 : i32
        %gather3A_170 = tpu.memref_slice %arg11[%gather3A, %gather3A_169] : memref<2x40xf32, #tpu.memory_space<vmem>> -> memref<1x40xf32, #tpu.memory_space<vmem>>
        %gather3A_171 = tpu.memref_squeeze %gather3A_170 : memref<1x40xf32, #tpu.memory_space<vmem>> -> memref<40xf32, #tpu.memory_space<vmem>>
        %gather3A_172 = tpu.vector_load_idx %gather3A_171[%broadcast_in_dim3A_168] : memref<40xf32, #tpu.memory_space<vmem>>[vector<16xi32>], vector<16xf32>,
        %get3A = arith.index_cast %add3A_167 : i32 to index
        %get3A_173 = arith.constant 0 : index
        %get3A_174 = tpu.vector_load %arg13[%get3A, %get3A_173] {strides = array<i32>} : memref<40x64xi32, #tpu.memory_space<vmem>>, vector<16xi32>,
        %shift_left3A = arith.constant 16 : i32
        %shift_left3A_175 = vector.broadcast %shift_left3A : i32 to vector<16xi32>
        %shift_left3A_176 = arith.shli %get3A_174, %shift_left3A_175 : vector<16xi32>
        %bitcast3A = vector.bitcast %shift_left3A_176 : vector<16xi32> to vector<16xf32>
        %and3A = arith.andi %get3A_174, %broadcast_in_dim3A_142 : vector<16xi32>
        %bitcast3A_177 = vector.bitcast %and3A : vector<16xi32> to vector<16xf32>
        %mul3A_178 = arith.mulf %bitcast3A, %gather3A_172 : vector<16xf32>
        %swap3A = arith.index_cast %add3A_167 : i32 to index
        %swap3A_179 = arith.constant 0 : index
        %swap3A_180 = tpu.vector_load %arg15[%swap3A, %swap3A_179] {strides = array<i32>} : memref<40x128xf32, #tpu.memory_space<vmem>>, vector<16xf32>,
        tpu.vector_store %arg15[%swap3A, %swap3A_179], %mul3A_178 {strides = array<i32>} : memref<40x128xf32, #tpu.memory_space<vmem>>, vector<16xf32>,
        %mul3A_181 = arith.mulf %bitcast3A_177, %gather3A_172 : vector<16xf32>
        %swap3A_182 = arith.index_cast %add3A_167 : i32 to index
        %swap3A_183 = arith.constant 16 : index
        %swap3A_184 = tpu.vector_load %arg15[%swap3A_182, %swap3A_183] {strides = array<i32>} : memref<40x128xf32, #tpu.memory_space<vmem>>, vector<16xf32>,
        tpu.vector_store %arg15[%swap3A_182, %swap3A_183], %mul3A_181 {strides = array<i32>} : memref<40x128xf32, #tpu.memory_space<vmem>>, vector<16xf32>,
        %get3A_185 = arith.index_cast %add3A_167 : i32 to index
        %get3A_186 = arith.constant 16 : index
        %get3A_187 = tpu.vector_load %arg13[%get3A_185, %get3A_186] {strides = array<i32>} : memref<40x64xi32, #tpu.memory_space<vmem>>, vector<16xi32>,
        %shift_left3A_188 = arith.constant 16 : i32
        %shift_left3A_189 = vector.broadcast %shift_left3A_188 : i32 to vector<16xi32>
        %shift_left3A_190 = arith.shli %get3A_187, %shift_left3A_189 : vector<16xi32>
        %bitcast3A_191 = vector.bitcast %shift_left3A_190 : vector<16xi32> to vector<16xf32>
        %and3A_192 = arith.andi %get3A_187, %broadcast_in_dim3A_142 : vector<16xi32>
        %bitcast3A_193 = vector.bitcast %and3A_192 : vector<16xi32> to vector<16xf32>
        %mul3A_194 = arith.mulf %bitcast3A_191, %gather3A_172 : vector<16xf32>
        %swap3A_195 = arith.index_cast %add3A_167 : i32 to index
        %swap3A_196 = arith.constant 32 : index
        %swap3A_197 = tpu.vector_load %arg15[%swap3A_195, %swap3A_196] {strides = array<i32>} : memref<40x128xf32, #tpu.memory_space<vmem>>, vector<16xf32>,
        tpu.vector_store %arg15[%swap3A_195, %swap3A_196], %mul3A_194 {strides = array<i32>} : memref<40x128xf32, #tpu.memory_space<vmem>>, vector<16xf32>,
        %mul3A_198 = arith.mulf %bitcast3A_193, %gather3A_172 : vector<16xf32>
        %swap3A_199 = arith.index_cast %add3A_167 : i32 to index
        %swap3A_200 = arith.constant 48 : index
        %swap3A_201 = tpu.vector_load %arg15[%swap3A_199, %swap3A_200] {strides = array<i32>} : memref<40x128xf32, #tpu.memory_space<vmem>>, vector<16xf32>,
        tpu.vector_store %arg15[%swap3A_199, %swap3A_200], %mul3A_198 {strides = array<i32>} : memref<40x128xf32, #tpu.memory_space<vmem>>, vector<16xf32>,
        %get3A_202 = arith.index_cast %add3A_167 : i32 to index
        %get3A_203 = arith.constant 32 : index
        %get3A_204 = tpu.vector_load %arg13[%get3A_202, %get3A_203] {strides = array<i32>} : memref<40x64xi32, #tpu.memory_space<vmem>>, vector<16xi32>,
        %shift_left3A_205 = arith.constant 16 : i32
        %shift_left3A_206 = vector.broadcast %shift_left3A_205 : i32 to vector<16xi32>
        %shift_left3A_207 = arith.shli %get3A_204, %shift_left3A_206 : vector<16xi32>
        %bitcast3A_208 = vector.bitcast %shift_left3A_207 : vector<16xi32> to vector<16xf32>
        %and3A_209 = arith.andi %get3A_204, %broadcast_in_dim3A_142 : vector<16xi32>
        %bitcast3A_210 = vector.bitcast %and3A_209 : vector<16xi32> to vector<16xf32>
        %mul3A_211 = arith.mulf %bitcast3A_208, %gather3A_172 : vector<16xf32>
        %swap3A_212 = arith.index_cast %add3A_167 : i32 to index
        %swap3A_213 = arith.constant 64 : index
        %swap3A_214 = tpu.vector_load %arg15[%swap3A_212, %swap3A_213] {strides = array<i32>} : memref<40x128xf32, #tpu.memory_space<vmem>>, vector<16xf32>,
        tpu.vector_store %arg15[%swap3A_212, %swap3A_213], %mul3A_211 {strides = array<i32>} : memref<40x128xf32, #tpu.memory_space<vmem>>, vector<16xf32>,
        %mul3A_215 = arith.mulf %bitcast3A_210, %gather3A_172 : vector<16xf32>
        %swap3A_216 = arith.index_cast %add3A_167 : i32 to index
        %swap3A_217 = arith.constant 80 : index
        %swap3A_218 = tpu.vector_load %arg15[%swap3A_216, %swap3A_217] {strides = array<i32>} : memref<40x128xf32, #tpu.memory_space<vmem>>, vector<16xf32>,
        tpu.vector_store %arg15[%swap3A_216, %swap3A_217], %mul3A_215 {strides = array<i32>} : memref<40x128xf32, #tpu.memory_space<vmem>>, vector<16xf32>,
        %get3A_219 = arith.index_cast %add3A_167 : i32 to index
        %get3A_220 = arith.constant 48 : index
        %get3A_221 = tpu.vector_load %arg13[%get3A_219, %get3A_220] {strides = array<i32>} : memref<40x64xi32, #tpu.memory_space<vmem>>, vector<16xi32>,
        %shift_left3A_222 = arith.constant 16 : i32
        %shift_left3A_223 = vector.broadcast %shift_left3A_222 : i32 to vector<16xi32>
        %shift_left3A_224 = arith.shli %get3A_221, %shift_left3A_223 : vector<16xi32>
        %bitcast3A_225 = vector.bitcast %shift_left3A_224 : vector<16xi32> to vector<16xf32>
        %and3A_226 = arith.andi %get3A_221, %broadcast_in_dim3A_142 : vector<16xi32>
        %bitcast3A_227 = vector.bitcast %and3A_226 : vector<16xi32> to vector<16xf32>
        %mul3A_228 = arith.mulf %bitcast3A_225, %gather3A_172 : vector<16xf32>
        %swap3A_229 = arith.index_cast %add3A_167 : i32 to index
        %swap3A_230 = arith.constant 96 : index
        %swap3A_231 = tpu.vector_load %arg15[%swap3A_229, %swap3A_230] {strides = array<i32>} : memref<40x128xf32, #tpu.memory_space<vmem>>, vector<16xf32>,
        tpu.vector_store %arg15[%swap3A_229, %swap3A_230], %mul3A_228 {strides = array<i32>} : memref<40x128xf32, #tpu.memory_space<vmem>>, vector<16xf32>,
        %mul3A_232 = arith.mulf %bitcast3A_227, %gather3A_172 : vector<16xf32>
        %swap3A_233 = arith.index_cast %add3A_167 : i32 to index
        %swap3A_234 = arith.constant 112 : index
        %swap3A_235 = tpu.vector_load %arg15[%swap3A_233, %swap3A_234] {strides = array<i32>} : memref<40x128xf32, #tpu.memory_space<vmem>>, vector<16xf32>,
        tpu.vector_store %arg15[%swap3A_233, %swap3A_234], %mul3A_232 {strides = array<i32>} : memref<40x128xf32, #tpu.memory_space<vmem>>, vector<16xf32>,
        %add3A_236 = arith.constant 1 : i32
        %add3A_237 = arith.addi %add3A_165, %add3A_236 : i32
        %broadcast_in_dim3A_238 = vector.broadcast %add3A_237 : i32 to vector<16xi32>
        %gather3A_239 = arith.constant 1 : i32
        %gather3A_240 = arith.constant 0 : i32
        %gather3A_241 = tpu.memref_slice %arg11[%gather3A_239, %gather3A_240] : memref<2x40xf32, #tpu.memory_space<vmem>> -> memref<1x40xf32, #tpu.memory_space<vmem>>
        %gather3A_242 = tpu.memref_squeeze %gather3A_241 : memref<1x40xf32, #tpu.memory_space<vmem>> -> memref<40xf32, #tpu.memory_space<vmem>>
        %gather3A_243 = tpu.vector_load_idx %gather3A_242[%broadcast_in_dim3A_238] : memref<40xf32, #tpu.memory_space<vmem>>[vector<16xi32>], vector<16xf32>,
        %get3A_244 = arith.index_cast %add3A_237 : i32 to index
        %get3A_245 = arith.constant 0 : index
        %get3A_246 = tpu.vector_load %arg13[%get3A_244, %get3A_245] {strides = array<i32>} : memref<40x64xi32, #tpu.memory_space<vmem>>, vector<16xi32>,
        %shift_left3A_247 = arith.constant 16 : i32
        %shift_left3A_248 = vector.broadcast %shift_left3A_247 : i32 to vector<16xi32>
        %shift_left3A_249 = arith.shli %get3A_246, %shift_left3A_248 : vector<16xi32>
        %bitcast3A_250 = vector.bitcast %shift_left3A_249 : vector<16xi32> to vector<16xf32>
        %and3A_251 = arith.andi %get3A_246, %broadcast_in_dim3A_142 : vector<16xi32>
        %bitcast3A_252 = vector.bitcast %and3A_251 : vector<16xi32> to vector<16xf32>
        %mul3A_253 = arith.mulf %bitcast3A_250, %gather3A_243 : vector<16xf32>
        %swap3A_254 = arith.index_cast %add3A_237 : i32 to index
        %swap3A_255 = arith.constant 0 : index
        %swap3A_256 = tpu.vector_load %arg15[%swap3A_254, %swap3A_255] {strides = array<i32>} : memref<40x128xf32, #tpu.memory_space<vmem>>, vector<16xf32>,
        tpu.vector_store %arg15[%swap3A_254, %swap3A_255], %mul3A_253 {strides = array<i32>} : memref<40x128xf32, #tpu.memory_space<vmem>>, vector<16xf32>,
        %mul3A_257 = arith.mulf %bitcast3A_252, %gather3A_243 : vector<16xf32>
        %swap3A_258 = arith.index_cast %add3A_237 : i32 to index
        %swap3A_259 = arith.constant 16 : index
        %swap3A_260 = tpu.vector_load %arg15[%swap3A_258, %swap3A_259] {strides = array<i32>} : memref<40x128xf32, #tpu.memory_space<vmem>>, vector<16xf32>,
        tpu.vector_store %arg15[%swap3A_258, %swap3A_259], %mul3A_257 {strides = array<i32>} : memref<40x128xf32, #tpu.memory_space<vmem>>, vector<16xf32>,
        %get3A_261 = arith.index_cast %add3A_237 : i32 to index
        %get3A_262 = arith.constant 16 : index
        %get3A_263 = tpu.vector_load %arg13[%get3A_261, %get3A_262] {strides = array<i32>} : memref<40x64xi32, #tpu.memory_space<vmem>>, vector<16xi32>,
        %shift_left3A_264 = arith.constant 16 : i32
        %shift_left3A_265 = vector.broadcast %shift_left3A_264 : i32 to vector<16xi32>
        %shift_left3A_266 = arith.shli %get3A_263, %shift_left3A_265 : vector<16xi32>
        %bitcast3A_267 = vector.bitcast %shift_left3A_266 : vector<16xi32> to vector<16xf32>
        %and3A_268 = arith.andi %get3A_263, %broadcast_in_dim3A_142 : vector<16xi32>
        %bitcast3A_269 = vector.bitcast %and3A_268 : vector<16xi32> to vector<16xf32>
        %mul3A_270 = arith.mulf %bitcast3A_267, %gather3A_243 : vector<16xf32>
        %swap3A_271 = arith.index_cast %add3A_237 : i32 to index
        %swap3A_272 = arith.constant 32 : index
        %swap3A_273 = tpu.vector_load %arg15[%swap3A_271, %swap3A_272] {strides = array<i32>} : memref<40x128xf32, #tpu.memory_space<vmem>>, vector<16xf32>,
        tpu.vector_store %arg15[%swap3A_271, %swap3A_272], %mul3A_270 {strides = array<i32>} : memref<40x128xf32, #tpu.memory_space<vmem>>, vector<16xf32>,
        %mul3A_274 = arith.mulf %bitcast3A_269, %gather3A_243 : vector<16xf32>
        %swap3A_275 = arith.index_cast %add3A_237 : i32 to index
        %swap3A_276 = arith.constant 48 : index
        %swap3A_277 = tpu.vector_load %arg15[%swap3A_275, %swap3A_276] {strides = array<i32>} : memref<40x128xf32, #tpu.memory_space<vmem>>, vector<16xf32>,
        tpu.vector_store %arg15[%swap3A_275, %swap3A_276], %mul3A_274 {strides = array<i32>} : memref<40x128xf32, #tpu.memory_space<vmem>>, vector<16xf32>,
        %get3A_278 = arith.index_cast %add3A_237 : i32 to index
        %get3A_279 = arith.constant 32 : index
        %get3A_280 = tpu.vector_load %arg13[%get3A_278, %get3A_279] {strides = array<i32>} : memref<40x64xi32, #tpu.memory_space<vmem>>, vector<16xi32>,
        %shift_left3A_281 = arith.constant 16 : i32
        %shift_left3A_282 = vector.broadcast %shift_left3A_281 : i32 to vector<16xi32>
        %shift_left3A_283 = arith.shli %get3A_280, %shift_left3A_282 : vector<16xi32>
        %bitcast3A_284 = vector.bitcast %shift_left3A_283 : vector<16xi32> to vector<16xf32>
        %and3A_285 = arith.andi %get3A_280, %broadcast_in_dim3A_142 : vector<16xi32>
        %bitcast3A_286 = vector.bitcast %and3A_285 : vector<16xi32> to vector<16xf32>
        %mul3A_287 = arith.mulf %bitcast3A_284, %gather3A_243 : vector<16xf32>
        %swap3A_288 = arith.index_cast %add3A_237 : i32 to index
        %swap3A_289 = arith.constant 64 : index
        %swap3A_290 = tpu.vector_load %arg15[%swap3A_288, %swap3A_289] {strides = array<i32>} : memref<40x128xf32, #tpu.memory_space<vmem>>, vector<16xf32>,
        tpu.vector_store %arg15[%swap3A_288, %swap3A_289], %mul3A_287 {strides = array<i32>} : memref<40x128xf32, #tpu.memory_space<vmem>>, vector<16xf32>,
        %mul3A_291 = arith.mulf %bitcast3A_286, %gather3A_243 : vector<16xf32>
        %swap3A_292 = arith.index_cast %add3A_237 : i32 to index
        %swap3A_293 = arith.constant 80 : index
        %swap3A_294 = tpu.vector_load %arg15[%swap3A_292, %swap3A_293] {strides = array<i32>} : memref<40x128xf32, #tpu.memory_space<vmem>>, vector<16xf32>,
        tpu.vector_store %arg15[%swap3A_292, %swap3A_293], %mul3A_291 {strides = array<i32>} : memref<40x128xf32, #tpu.memory_space<vmem>>, vector<16xf32>,
        %get3A_295 = arith.index_cast %add3A_237 : i32 to index
        %get3A_296 = arith.constant 48 : index
        %get3A_297 = tpu.vector_load %arg13[%get3A_295, %get3A_296] {strides = array<i32>} : memref<40x64xi32, #tpu.memory_space<vmem>>, vector<16xi32>,
        %shift_left3A_298 = arith.constant 16 : i32
        %shift_left3A_299 = vector.broadcast %shift_left3A_298 : i32 to vector<16xi32>
        %shift_left3A_300 = arith.shli %get3A_297, %shift_left3A_299 : vector<16xi32>
        %bitcast3A_301 = vector.bitcast %shift_left3A_300 : vector<16xi32> to vector<16xf32>
        %and3A_302 = arith.andi %get3A_297, %broadcast_in_dim3A_142 : vector<16xi32>
        %bitcast3A_303 = vector.bitcast %and3A_302 : vector<16xi32> to vector<16xf32>
        %mul3A_304 = arith.mulf %bitcast3A_301, %gather3A_243 : vector<16xf32>
        %swap3A_305 = arith.index_cast %add3A_237 : i32 to index
        %swap3A_306 = arith.constant 96 : index
        %swap3A_307 = tpu.vector_load %arg15[%swap3A_305, %swap3A_306] {strides = array<i32>} : memref<40x128xf32, #tpu.memory_space<vmem>>, vector<16xf32>,
        tpu.vector_store %arg15[%swap3A_305, %swap3A_306], %mul3A_304 {strides = array<i32>} : memref<40x128xf32, #tpu.memory_space<vmem>>, vector<16xf32>,
        %mul3A_308 = arith.mulf %bitcast3A_303, %gather3A_243 : vector<16xf32>
        %swap3A_309 = arith.index_cast %add3A_237 : i32 to index
        %swap3A_310 = arith.constant 112 : index
        %swap3A_311 = tpu.vector_load %arg15[%swap3A_309, %swap3A_310] {strides = array<i32>} : memref<40x128xf32, #tpu.memory_space<vmem>>, vector<16xf32>,
        tpu.vector_store %arg15[%swap3A_309, %swap3A_310], %mul3A_308 {strides = array<i32>} : memref<40x128xf32, #tpu.memory_space<vmem>>, vector<16xf32>,
      }
      %scan3A_147 = arith.constant 20 : i32
      %add3A_148 = arith.constant 2 : i32
      %add3A_149 = arith.addi %add3A_119, %add3A_148 : i32
      %lt3A_150 = arith.constant 250 : i32
      %lt3A_151 = arith.cmpi slt, %add3A_149, %lt3A_150 : i32
      %convert_element_type3A_152 = arith.extui %lt3A_151 : i1 to i32
      %cond3A_153 = arith.constant 0 : i32
      %cond3A_154 = arith.cmpi ne, %convert_element_type3A_152, %cond3A_153 : i32
      scf.if %cond3A_154 {
        %add3A_161 = arith.constant 2 : i32
        %add3A_162 = arith.addi %add3A_119, %add3A_161 : i32
        %mul3A_163 = arith.constant 40 : i32
        %mul3A_164 = arith.muli %add3A_162, %mul3A_163 : i32
        %dma_start3A_165 = tpu.memref_slice %arg9[%mul3A_164] : memref<10000xi32, #tpu.memory_space<vmem>> -> memref<40xi32, #tpu.memory_space<vmem>>
        %dma_start3A_166 = arith.constant 0 : i32
        %dma_start3A_167 = arith.constant 0 : i32
        %dma_start3A_168 = tpu.memref_slice %arg2[%dma_start3A_166, %dma_start3A_167] : memref<10000x64xi32, #tpu.memory_space<hbm>> -> memref<10000x64xi32, #tpu.memory_space<hbm>>
        tpu.enqueue_indirect_dma source(%dma_start3A_168 : memref<10000x64xi32, #tpu.memory_space<hbm>>) target(%arg13 : memref<40x64xi32, #tpu.memory_space<vmem>>) offsets(%dma_start3A_165 : memref<40xi32, #tpu.memory_space<vmem>>) semaphore(%arg17 : memref<!tpu.dma_semaphore, #tpu.memory_space<semaphore_mem>>)
        %add3A_169 = arith.constant 2 : i32
        %add3A_170 = arith.addi %add3A_119, %add3A_169 : i32
        %mul3A_171 = arith.constant 10000 : i32
        %mul3A_172 = arith.muli %add3A, %mul3A_171 : i32
        %mul3A_173 = arith.constant 40 : i32
        %mul3A_174 = arith.muli %add3A_170, %mul3A_173 : i32
        %add3A_175 = arith.addi %mul3A_172, %mul3A_174 : i32
        %dma_start3A_176 = arith.constant 1 : i32
        %dma_start3A_177 = arith.constant 0 : i32
        %dma_start3A_178 = tpu.memref_slice %arg11[%dma_start3A_176, %dma_start3A_177] : memref<2x40xf32, #tpu.memory_space<vmem>> -> memref<1x40xf32, #tpu.memory_space<vmem>>
        %dma_start3A_179 = tpu.memref_squeeze %dma_start3A_178 : memref<1x40xf32, #tpu.memory_space<vmem>> -> memref<40xf32, #tpu.memory_space<vmem>>
        %dma_start3A_180 = tpu.memref_slice %arg5[%add3A_175] : memref<320000xf32, #tpu.memory_space<hbm>> -> memref<40xf32, #tpu.memory_space<hbm>>
        %dma_start3A_181 = arith.constant 0 : i32
        %dma_start3A_182 = tpu.memref_slice %arg11[%dma_start3A_176, %dma_start3A_181] : memref<2x40xf32, #tpu.memory_space<vmem>> -> memref<1x40xf32, #tpu.memory_space<vmem>>
        %dma_start3A_183 = tpu.memref_squeeze %dma_start3A_182 : memref<1x40xf32, #tpu.memory_space<vmem>> -> memref<40xf32, #tpu.memory_space<vmem>>
        %dma_start3A_184 = tpu.memref_slice %arg5[%add3A_175] : memref<320000xf32, #tpu.memory_space<hbm>> -> memref<40xf32, #tpu.memory_space<hbm>>
        tpu.enqueue_dma source(%dma_start3A_184 : memref<40xf32, #tpu.memory_space<hbm>>) target(%dma_start3A_183 : memref<40xf32, #tpu.memory_space<vmem>>) target_semaphore(%arg21 : memref<!tpu.dma_semaphore, #tpu.memory_space<semaphore_mem>>)
      } else {
      }
      %dma_start3A_155 = arith.constant 0 : i32
      %dma_start3A_156 = tpu.memref_slice %arg10[%add3A_119, %dma_start3A_155] : memref<250x40xi32, #tpu.memory_space<vmem>> -> memref<1x40xi32, #tpu.memory_space<vmem>>
      %dma_start3A_157 = tpu.memref_squeeze %dma_start3A_156 : memref<1x40xi32, #tpu.memory_space<vmem>> -> memref<40xi32, #tpu.memory_space<vmem>>
      %dma_start3A_158 = arith.constant 0 : i32
      %dma_start3A_159 = arith.constant 0 : i32
      %dma_start3A_160 = tpu.memref_slice %arg8[%dma_start3A_158, %dma_start3A_159] : memref<10000x128xf32, #tpu.memory_space<vmem_shared>> -> memref<10000x128xf32, #tpu.memory_space<vmem_shared>>
      tpu.enqueue_indirect_dma source(%arg15 : memref<40x128xf32, #tpu.memory_space<vmem>>) target(%dma_start3A_160 : memref<10000x128xf32, #tpu.memory_space<vmem_shared>>) offsets(%dma_start3A_157 : memref<40xi32, #tpu.memory_space<vmem>>) semaphore(%arg19 : memref<!tpu.dma_semaphore, #tpu.memory_space<semaphore_mem>>) {add = true}
    }
    %scan3A_47 = arith.constant 125 : i32
    %dma_wait3A = arith.constant 0 : i32
    %dma_wait3A_48 = arith.constant 0 : i32
    %dma_wait3A_49 = tpu.memref_slice %arg10[%dma_wait3A, %dma_wait3A_48] : memref<250x40xi32, #tpu.memory_space<vmem>> -> memref<1x40xi32, #tpu.memory_space<vmem>>
    %dma_wait3A_50 = tpu.memref_squeeze %dma_wait3A_49 : memref<1x40xi32, #tpu.memory_space<vmem>> -> memref<40xi32, #tpu.memory_space<vmem>>
    %dma_wait3A_51 = arith.constant 0 : i32
    %dma_wait3A_52 = arith.constant 0 : i32
    %dma_wait3A_53 = tpu.memref_slice %arg8[%dma_wait3A_51, %dma_wait3A_52] : memref<10000x128xf32, #tpu.memory_space<vmem_shared>> -> memref<10000x128xf32, #tpu.memory_space<vmem_shared>>
    tpu.wait_indirect_dma semaphore(%arg19 : memref<!tpu.dma_semaphore, #tpu.memory_space<semaphore_mem>>) src(%arg15 : memref<40x128xf32, #tpu.memory_space<vmem>>) dst(%dma_wait3A_53 : memref<10000x128xf32, #tpu.memory_space<vmem_shared>>)
    %dma_wait3A_54 = arith.constant 0 : i32
    %dma_wait3A_55 = arith.constant 0 : i32
    %dma_wait3A_56 = tpu.memref_slice %arg10[%dma_wait3A_54, %dma_wait3A_55] : memref<250x40xi32, #tpu.memory_space<vmem>> -> memref<1x40xi32, #tpu.memory_space<vmem>>
    %dma_wait3A_57 = tpu.memref_squeeze %dma_wait3A_56 : memref<1x40xi32, #tpu.memory_space<vmem>> -> memref<40xi32, #tpu.memory_space<vmem>>
    %dma_wait3A_58 = arith.constant 0 : i32
    %dma_wait3A_59 = arith.constant 0 : i32
    %dma_wait3A_60 = tpu.memref_slice %arg8[%dma_wait3A_58, %dma_wait3A_59] : memref<10000x128xf32, #tpu.memory_space<vmem_shared>> -> memref<10000x128xf32, #tpu.memory_space<vmem_shared>>
    tpu.wait_indirect_dma semaphore(%arg18 : memref<!tpu.dma_semaphore, #tpu.memory_space<semaphore_mem>>) src(%arg14 : memref<40x128xf32, #tpu.memory_space<vmem>>) dst(%dma_wait3A_60 : memref<10000x128xf32, #tpu.memory_space<vmem_shared>>)
    %barrier3A_61 = arith.constant 0 : index
    tpu.barrier barrier_id(%barrier3A_61)
    %lt3A_62 = arith.constant 15 : i32
    %lt3A_63 = arith.cmpi slt, %arg1, %lt3A_62 : i32
    %convert_element_type3A_64 = arith.extui %lt3A_63 : i1 to i32
    %cond3A_65 = arith.constant 0 : i32
    %cond3A_66 = arith.cmpi ne, %convert_element_type3A_64, %cond3A_65 : i32
    scf.if %cond3A_66 {
      %mul3A_72 = arith.constant 624 : i32
      %mul3A_73 = arith.muli %arg1, %mul3A_72 : i32
      "tpu.region"() ({
        %run_scoped3A = tpu.sem_alloc : memref<!tpu.dma_semaphore, #tpu.memory_space<semaphore_mem>>
        %dma_start3A_74 = arith.constant 0 : i32
        %dma_start3A_75 = tpu.memref_slice %arg7[%arg0, %mul3A_73, %dma_start3A_74] : memref<2x10000x128xf32, #tpu.memory_space<hbm>> -> memref<1x624x128xf32, #tpu.memory_space<hbm>>
        %dma_start3A_76 = tpu.memref_squeeze %dma_start3A_75 : memref<1x624x128xf32, #tpu.memory_space<hbm>> -> memref<624x128xf32, #tpu.memory_space<hbm>>
        %dma_start3A_77 = arith.constant 0 : i32
        %dma_start3A_78 = tpu.memref_slice %arg8[%mul3A_73, %dma_start3A_77] : memref<10000x128xf32, #tpu.memory_space<vmem_shared>> -> memref<624x128xf32, #tpu.memory_space<vmem_shared>>
        tpu.enqueue_dma source(%dma_start3A_78 : memref<624x128xf32, #tpu.memory_space<vmem_shared>>) target(%dma_start3A_76 : memref<624x128xf32, #tpu.memory_space<hbm>>) target_semaphore(%run_scoped3A : memref<!tpu.dma_semaphore, #tpu.memory_space<semaphore_mem>>)
        %dma_wait3A_79 = arith.constant 0 : i32
        %dma_wait3A_80 = tpu.memref_slice %arg7[%arg0, %mul3A_73, %dma_wait3A_79] : memref<2x10000x128xf32, #tpu.memory_space<hbm>> -> memref<1x624x128xf32, #tpu.memory_space<hbm>>
        %dma_wait3A_81 = tpu.memref_squeeze %dma_wait3A_80 : memref<1x624x128xf32, #tpu.memory_space<hbm>> -> memref<624x128xf32, #tpu.memory_space<hbm>>
        %dma_wait3A_82 = arith.constant 0 : i32
        %dma_wait3A_83 = tpu.memref_slice %arg8[%mul3A_73, %dma_wait3A_82] : memref<10000x128xf32, #tpu.memory_space<vmem_shared>> -> memref<624x128xf32, #tpu.memory_space<vmem_shared>>
        tpu.wait_dma2 semaphore(%run_scoped3A : memref<!tpu.dma_semaphore, #tpu.memory_space<semaphore_mem>>) src(%dma_wait3A_83 : memref<624x128xf32, #tpu.memory_space<vmem_shared>>) dst(%dma_wait3A_81 : memref<624x128xf32, #tpu.memory_space<hbm>>)
        tpu.yield
      }) : () -> ()
    } else {
    }
    %eq3A_67 = arith.constant 15 : i32
    %eq3A_68 = arith.cmpi eq, %arg1, %eq3A_67 : i32
    %convert_element_type3A_69 = arith.extui %eq3A_68 : i1 to i32
    %cond3A_70 = arith.constant 0 : i32
    %cond3A_71 = arith.cmpi ne, %convert_element_type3A_69, %cond3A_70 : i32
    scf.if %cond3A_71 {
      "tpu.region"() ({
        %run_scoped3A = tpu.sem_alloc : memref<!tpu.dma_semaphore, #tpu.memory_space<semaphore_mem>>
        %dma_start3A_72 = arith.constant 9360 : i32
        %dma_start3A_73 = arith.constant 0 : i32
        %dma_start3A_74 = tpu.memref_slice %arg7[%arg0, %dma_start3A_72, %dma_start3A_73] : memref<2x10000x128xf32, #tpu.memory_space<hbm>> -> memref<1x640x128xf32, #tpu.memory_space<hbm>>
        %dma_start3A_75 = tpu.memref_squeeze %dma_start3A_74 : memref<1x640x128xf32, #tpu.memory_space<hbm>> -> memref<640x128xf32, #tpu.memory_space<hbm>>
        %dma_start3A_76 = arith.constant 9360 : i32
        %dma_start3A_77 = arith.constant 0 : i32
        %dma_start3A_78 = tpu.memref_slice %arg8[%dma_start3A_76, %dma_start3A_77] : memref<10000x128xf32, #tpu.memory_space<vmem_shared>> -> memref<640x128xf32, #tpu.memory_space<vmem_shared>>
        tpu.enqueue_dma source(%dma_start3A_78 : memref<640x128xf32, #tpu.memory_space<vmem_shared>>) target(%dma_start3A_75 : memref<640x128xf32, #tpu.memory_space<hbm>>) target_semaphore(%run_scoped3A : memref<!tpu.dma_semaphore, #tpu.memory_space<semaphore_mem>>)
        %dma_wait3A_79 = arith.constant 9360 : i32
        %dma_wait3A_80 = arith.constant 0 : i32
        %dma_wait3A_81 = tpu.memref_slice %arg7[%arg0, %dma_wait3A_79, %dma_wait3A_80] : memref<2x10000x128xf32, #tpu.memory_space<hbm>> -> memref<1x640x128xf32, #tpu.memory_space<hbm>>
        %dma_wait3A_82 = tpu.memref_squeeze %dma_wait3A_81 : memref<1x640x128xf32, #tpu.memory_space<hbm>> -> memref<640x128xf32, #tpu.memory_space<hbm>>
        %dma_wait3A_83 = arith.constant 9360 : i32
        %dma_wait3A_84 = arith.constant 0 : i32
        %dma_wait3A_85 = tpu.memref_slice %arg8[%dma_wait3A_83, %dma_wait3A_84] : memref<10000x128xf32, #tpu.memory_space<vmem_shared>> -> memref<640x128xf32, #tpu.memory_space<vmem_shared>>
        tpu.wait_dma2 semaphore(%run_scoped3A : memref<!tpu.dma_semaphore, #tpu.memory_space<semaphore_mem>>) src(%dma_wait3A_85 : memref<640x128xf32, #tpu.memory_space<vmem_shared>>) dst(%dma_wait3A_82 : memref<640x128xf32, #tpu.memory_space<hbm>>)
        tpu.yield
      }) : () -> ()
    } else {
    }
    return
  }
}

#map = affine_map<(d0, d1) -> (0)>
#map1 = affine_map<(d0, d1) -> (0, 0)>
module attributes {stable_mosaic.version = 14 : i64} {
  func.func @_deg_sc(%arg0: i32, %arg1: i32, %arg2: memref<320000xi32, #tpu.memory_space<hbm>>, %arg3: memref<320000xf32, #tpu.memory_space<hbm>>, %arg4: memref<32x10000xf32, #tpu.memory_space<hbm>>, %arg5: memref<10000xf32, #tpu.memory_space<vmem>>, %arg6: memref<10000xi32, #tpu.memory_space<vmem>>, %arg7: memref<10000xf32, #tpu.memory_space<vmem>>) attributes {dimension_semantics = [#tpu.dimension_semantics<core_parallel>, #tpu.dimension_semantics<subcore_parallel>], iteration_bounds = array<i64: 2, 16>, scalar_prefetch = 0 : i64, scratch_operands = 3 : i64, tpu.core_type = #tpu.core_type<sc_vector_subcore>, window_params = [{transform_indices = #map}, {transform_indices = #map}, {transform_indices = #map1}]} {
    %mul3A = arith.constant 2 : i32
    %mul3A_0 = arith.muli %arg1, %mul3A : i32
    %add3A = arith.addi %mul3A_0, %arg0 : i32
    %scan3A = arith.constant 0 : i32
    %scan3A_1 = arith.constant 625 : i32
    %scan3A_2 = arith.addi %scan3A, %scan3A_1 : i32
    %scan3A_3 = arith.constant 1 : i32
    scf.for %scan3A_14 = %scan3A to %scan3A_2 step %scan3A_3  : i32 {
      %mul3A_15 = arith.constant 1 : i32
      %mul3A_16 = arith.muli %scan3A_14, %mul3A_15 : i32
      %add3A_17 = arith.constant 0 : i32
      %add3A_18 = arith.addi %add3A_17, %mul3A_16 : i32
      %broadcast_in_dim3A = arith.constant 0.000000e+00 : f32
      %broadcast_in_dim3A_19 = vector.broadcast %broadcast_in_dim3A : f32 to vector<16xf32>
      %mul3A_20 = arith.constant 16 : i32
      %mul3A_21 = arith.muli %add3A_18, %mul3A_20 : i32
      %swap3A = arith.index_cast %mul3A_21 : i32 to index
      %swap3A_22 = tpu.vector_load %arg5[%swap3A] {strides = array<i32>} : memref<10000xf32, #tpu.memory_space<vmem>>, vector<16xf32>,
      tpu.vector_store %arg5[%swap3A], %broadcast_in_dim3A_19 {strides = array<i32>} : memref<10000xf32, #tpu.memory_space<vmem>>, vector<16xf32>,
    }
    %scan3A_4 = arith.constant 625 : i32
    %mul3A_5 = arith.constant 10000 : i32
    %mul3A_6 = arith.muli %add3A, %mul3A_5 : i32
    "tpu.region"() ({
      %run_scoped3A = tpu.sem_alloc : memref<!tpu.dma_semaphore, #tpu.memory_space<semaphore_mem>>
      %dma_start3A = tpu.memref_slice %arg2[%mul3A_6] : memref<320000xi32, #tpu.memory_space<hbm>> -> memref<10000xi32, #tpu.memory_space<hbm>>
      %dma_start3A_14 = tpu.memref_slice %arg2[%mul3A_6] : memref<320000xi32, #tpu.memory_space<hbm>> -> memref<10000xi32, #tpu.memory_space<hbm>>
      tpu.enqueue_dma source(%dma_start3A_14 : memref<10000xi32, #tpu.memory_space<hbm>>) target(%arg6 : memref<10000xi32, #tpu.memory_space<vmem>>) target_semaphore(%run_scoped3A : memref<!tpu.dma_semaphore, #tpu.memory_space<semaphore_mem>>)
      %dma_wait3A = tpu.memref_slice %arg2[%mul3A_6] : memref<320000xi32, #tpu.memory_space<hbm>> -> memref<10000xi32, #tpu.memory_space<hbm>>
      %dma_wait3A_15 = tpu.memref_slice %arg2[%mul3A_6] : memref<320000xi32, #tpu.memory_space<hbm>> -> memref<10000xi32, #tpu.memory_space<hbm>>
      tpu.wait_dma2 semaphore(%run_scoped3A : memref<!tpu.dma_semaphore, #tpu.memory_space<semaphore_mem>>) src(%dma_wait3A_15 : memref<10000xi32, #tpu.memory_space<hbm>>) dst(%arg6 : memref<10000xi32, #tpu.memory_space<vmem>>)
      tpu.yield
    }) : () -> ()
    %mul3A_7 = arith.constant 10000 : i32
    %mul3A_8 = arith.muli %add3A, %mul3A_7 : i32
    "tpu.region"() ({
      %run_scoped3A = tpu.sem_alloc : memref<!tpu.dma_semaphore, #tpu.memory_space<semaphore_mem>>
      %dma_start3A = tpu.memref_slice %arg3[%mul3A_8] : memref<320000xf32, #tpu.memory_space<hbm>> -> memref<10000xf32, #tpu.memory_space<hbm>>
      %dma_start3A_14 = tpu.memref_slice %arg3[%mul3A_8] : memref<320000xf32, #tpu.memory_space<hbm>> -> memref<10000xf32, #tpu.memory_space<hbm>>
      tpu.enqueue_dma source(%dma_start3A_14 : memref<10000xf32, #tpu.memory_space<hbm>>) target(%arg7 : memref<10000xf32, #tpu.memory_space<vmem>>) target_semaphore(%run_scoped3A : memref<!tpu.dma_semaphore, #tpu.memory_space<semaphore_mem>>)
      %dma_wait3A = tpu.memref_slice %arg3[%mul3A_8] : memref<320000xf32, #tpu.memory_space<hbm>> -> memref<10000xf32, #tpu.memory_space<hbm>>
      %dma_wait3A_15 = tpu.memref_slice %arg3[%mul3A_8] : memref<320000xf32, #tpu.memory_space<hbm>> -> memref<10000xf32, #tpu.memory_space<hbm>>
      tpu.wait_dma2 semaphore(%run_scoped3A : memref<!tpu.dma_semaphore, #tpu.memory_space<semaphore_mem>>) src(%dma_wait3A_15 : memref<10000xf32, #tpu.memory_space<hbm>>) dst(%arg7 : memref<10000xf32, #tpu.memory_space<vmem>>)
      tpu.yield
    }) : () -> ()
    %scan3A_9 = arith.constant 0 : i32
    %scan3A_10 = arith.constant 625 : i32
    %scan3A_11 = arith.addi %scan3A_9, %scan3A_10 : i32
    %scan3A_12 = arith.constant 1 : i32
    scf.for %scan3A_14 = %scan3A_9 to %scan3A_11 step %scan3A_12  : i32 {
      %mul3A_15 = arith.constant 1 : i32
      %mul3A_16 = arith.muli %scan3A_14, %mul3A_15 : i32
      %add3A_17 = arith.constant 0 : i32
      %add3A_18 = arith.addi %add3A_17, %mul3A_16 : i32
      %mul3A_19 = arith.constant 16 : i32
      %mul3A_20 = arith.muli %add3A_18, %mul3A_19 : i32
      %get3A = arith.index_cast %mul3A_20 : i32 to index
      %get3A_21 = tpu.vector_load %arg6[%get3A] {strides = array<i32>} : memref<10000xi32, #tpu.memory_space<vmem>>, vector<16xi32>,
      %get3A_22 = arith.index_cast %mul3A_20 : i32 to index
      %get3A_23 = tpu.vector_load %arg7[%get3A_22] {strides = array<i32>} : memref<10000xf32, #tpu.memory_space<vmem>>, vector<16xf32>,
      tpu.vector_store_idx %arg5[%get3A_21], %get3A_23 {add = true} : memref<10000xf32, #tpu.memory_space<vmem>>[vector<16xi32>], vector<16xf32>,
    }
    %scan3A_13 = arith.constant 625 : i32
    "tpu.region"() ({
      %run_scoped3A = tpu.sem_alloc : memref<!tpu.dma_semaphore, #tpu.memory_space<semaphore_mem>>
      %dma_start3A = arith.constant 0 : i32
      %dma_start3A_14 = tpu.memref_slice %arg4[%add3A, %dma_start3A] : memref<32x10000xf32, #tpu.memory_space<hbm>> -> memref<1x10000xf32, #tpu.memory_space<hbm>>
      %dma_start3A_15 = tpu.memref_squeeze %dma_start3A_14 : memref<1x10000xf32, #tpu.memory_space<hbm>> -> memref<10000xf32, #tpu.memory_space<hbm>>
      %dma_start3A_16 = arith.constant 0 : i32
      %dma_start3A_17 = tpu.memref_slice %arg4[%add3A, %dma_start3A_16] : memref<32x10000xf32, #tpu.memory_space<hbm>> -> memref<1x10000xf32, #tpu.memory_space<hbm>>
      %dma_start3A_18 = tpu.memref_squeeze %dma_start3A_17 : memref<1x10000xf32, #tpu.memory_space<hbm>> -> memref<10000xf32, #tpu.memory_space<hbm>>
      tpu.enqueue_dma source(%arg5 : memref<10000xf32, #tpu.memory_space<vmem>>) target(%dma_start3A_18 : memref<10000xf32, #tpu.memory_space<hbm>>) target_semaphore(%run_scoped3A : memref<!tpu.dma_semaphore, #tpu.memory_space<semaphore_mem>>)
      %dma_wait3A = arith.constant 0 : i32
      %dma_wait3A_19 = tpu.memref_slice %arg4[%add3A, %dma_wait3A] : memref<32x10000xf32, #tpu.memory_space<hbm>> -> memref<1x10000xf32, #tpu.memory_space<hbm>>
      %dma_wait3A_20 = tpu.memref_squeeze %dma_wait3A_19 : memref<1x10000xf32, #tpu.memory_space<hbm>> -> memref<10000xf32, #tpu.memory_space<hbm>>
      %dma_wait3A_21 = arith.constant 0 : i32
      %dma_wait3A_22 = tpu.memref_slice %arg4[%add3A, %dma_wait3A_21] : memref<32x10000xf32, #tpu.memory_space<hbm>> -> memref<1x10000xf32, #tpu.memory_space<hbm>>
      %dma_wait3A_23 = tpu.memref_squeeze %dma_wait3A_22 : memref<1x10000xf32, #tpu.memory_space<hbm>> -> memref<10000xf32, #tpu.memory_space<hbm>>
      tpu.wait_dma2 semaphore(%run_scoped3A : memref<!tpu.dma_semaphore, #tpu.memory_space<semaphore_mem>>) src(%arg5 : memref<10000xf32, #tpu.memory_space<vmem>>) dst(%dma_wait3A_23 : memref<10000xf32, #tpu.memory_space<hbm>>)
      tpu.yield
    }) : () -> ()
    return
  }
}

#map = affine_map<(d0, d1) -> (0, 0)>
#map1 = affine_map<(d0, d1) -> (0)>
#map2 = affine_map<(d0, d1) -> (0, 0, 0)>
module attributes {stable_mosaic.version = 14 : i64} {
  func.func @_spmm_sc(%arg0: i32, %arg1: i32, %arg2: memref<10000x64xi32, #tpu.memory_space<hbm>>, %arg3: memref<320000xi32, #tpu.memory_space<hbm>>, %arg4: memref<32x250x40xi32, #tpu.memory_space<hbm>>, %arg5: memref<320000xf32, #tpu.memory_space<hbm>>, %arg6: memref<10000x128xf32, #tpu.memory_space<hbm>>, %arg7: memref<2x10000x128xf32, #tpu.memory_space<hbm>>, %arg8: memref<10000x128xf32, #tpu.memory_space<vmem_shared>>, %arg9: memref<10000xi32, #tpu.memory_space<vmem>>, %arg10: memref<250x40xi32, #tpu.memory_space<vmem>>, %arg11: memref<2x40xf32, #tpu.memory_space<vmem>>, %arg12: memref<40x64xi32, #tpu.memory_space<vmem>>, %arg13: memref<40x64xi32, #tpu.memory_space<vmem>>, %arg14: memref<40x128xf32, #tpu.memory_space<vmem>>, %arg15: memref<40x128xf32, #tpu.memory_space<vmem>>, %arg16: memref<!tpu.dma_semaphore, #tpu.memory_space<semaphore_mem>>, %arg17: memref<!tpu.dma_semaphore, #tpu.memory_space<semaphore_mem>>, %arg18: memref<!tpu.dma_semaphore, #tpu.memory_space<semaphore_mem>>, %arg19: memref<!tpu.dma_semaphore, #tpu.memory_space<semaphore_mem>>, %arg20: memref<!tpu.dma_semaphore, #tpu.memory_space<semaphore_mem>>, %arg21: memref<!tpu.dma_semaphore, #tpu.memory_space<semaphore_mem>>) attributes {dimension_semantics = [#tpu.dimension_semantics<core_parallel>, #tpu.dimension_semantics<subcore_parallel>], iteration_bounds = array<i64: 2, 16>, scalar_prefetch = 0 : i64, scratch_operands = 14 : i64, tpu.core_type = #tpu.core_type<sc_vector_subcore>, window_params = [{transform_indices = #map}, {transform_indices = #map1}, {transform_indices = #map2}, {transform_indices = #map1}, {transform_indices = #map}, {transform_indices = #map2}]} {
    %mul3A = arith.constant 2 : i32
    %mul3A_0 = arith.muli %arg1, %mul3A : i32
    %add3A = arith.addi %mul3A_0, %arg0 : i32
    %mul3A_1 = arith.constant 10000 : i32
    %mul3A_2 = arith.muli %add3A, %mul3A_1 : i32
    "tpu.region"() ({
      %run_scoped3A = tpu.sem_alloc : memref<!tpu.dma_semaphore, #tpu.memory_space<semaphore_mem>>
      %dma_start3A_72 = tpu.memref_slice %arg3[%mul3A_2] : memref<320000xi32, #tpu.memory_space<hbm>> -> memref<10000xi32, #tpu.memory_space<hbm>>
      %dma_start3A_73 = tpu.memref_slice %arg3[%mul3A_2] : memref<320000xi32, #tpu.memory_space<hbm>> -> memref<10000xi32, #tpu.memory_space<hbm>>
      tpu.enqueue_dma source(%dma_start3A_73 : memref<10000xi32, #tpu.memory_space<hbm>>) target(%arg9 : memref<10000xi32, #tpu.memory_space<vmem>>) target_semaphore(%run_scoped3A : memref<!tpu.dma_semaphore, #tpu.memory_space<semaphore_mem>>)
      %dma_wait3A_74 = tpu.memref_slice %arg3[%mul3A_2] : memref<320000xi32, #tpu.memory_space<hbm>> -> memref<10000xi32, #tpu.memory_space<hbm>>
      %dma_wait3A_75 = tpu.memref_slice %arg3[%mul3A_2] : memref<320000xi32, #tpu.memory_space<hbm>> -> memref<10000xi32, #tpu.memory_space<hbm>>
      tpu.wait_dma2 semaphore(%run_scoped3A : memref<!tpu.dma_semaphore, #tpu.memory_space<semaphore_mem>>) src(%dma_wait3A_75 : memref<10000xi32, #tpu.memory_space<hbm>>) dst(%arg9 : memref<10000xi32, #tpu.memory_space<vmem>>)
      tpu.yield
    }) : () -> ()
    "tpu.region"() ({
      %run_scoped3A = tpu.sem_alloc : memref<!tpu.dma_semaphore, #tpu.memory_space<semaphore_mem>>
      %dma_start3A_72 = arith.constant 0 : i32
      %dma_start3A_73 = arith.constant 0 : i32
      %dma_start3A_74 = tpu.memref_slice %arg4[%add3A, %dma_start3A_72, %dma_start3A_73] : memref<32x250x40xi32, #tpu.memory_space<hbm>> -> memref<1x250x40xi32, #tpu.memory_space<hbm>>
      %dma_start3A_75 = tpu.memref_squeeze %dma_start3A_74 : memref<1x250x40xi32, #tpu.memory_space<hbm>> -> memref<250x40xi32, #tpu.memory_space<hbm>>
      %dma_start3A_76 = arith.constant 0 : i32
      %dma_start3A_77 = arith.constant 0 : i32
      %dma_start3A_78 = tpu.memref_slice %arg4[%add3A, %dma_start3A_76, %dma_start3A_77] : memref<32x250x40xi32, #tpu.memory_space<hbm>> -> memref<1x250x40xi32, #tpu.memory_space<hbm>>
      %dma_start3A_79 = tpu.memref_squeeze %dma_start3A_78 : memref<1x250x40xi32, #tpu.memory_space<hbm>> -> memref<250x40xi32, #tpu.memory_space<hbm>>
      tpu.enqueue_dma source(%dma_start3A_79 : memref<250x40xi32, #tpu.memory_space<hbm>>) target(%arg10 : memref<250x40xi32, #tpu.memory_space<vmem>>) target_semaphore(%run_scoped3A : memref<!tpu.dma_semaphore, #tpu.memory_space<semaphore_mem>>)
      %dma_wait3A_80 = arith.constant 0 : i32
      %dma_wait3A_81 = arith.constant 0 : i32
      %dma_wait3A_82 = tpu.memref_slice %arg4[%add3A, %dma_wait3A_80, %dma_wait3A_81] : memref<32x250x40xi32, #tpu.memory_space<hbm>> -> memref<1x250x40xi32, #tpu.memory_space<hbm>>
      %dma_wait3A_83 = tpu.memref_squeeze %dma_wait3A_82 : memref<1x250x40xi32, #tpu.memory_space<hbm>> -> memref<250x40xi32, #tpu.memory_space<hbm>>
      %dma_wait3A_84 = arith.constant 0 : i32
      %dma_wait3A_85 = arith.constant 0 : i32
      %dma_wait3A_86 = tpu.memref_slice %arg4[%add3A, %dma_wait3A_84, %dma_wait3A_85] : memref<32x250x40xi32, #tpu.memory_space<hbm>> -> memref<1x250x40xi32, #tpu.memory_space<hbm>>
      %dma_wait3A_87 = tpu.memref_squeeze %dma_wait3A_86 : memref<1x250x40xi32, #tpu.memory_space<hbm>> -> memref<250x40xi32, #tpu.memory_space<hbm>>
      tpu.wait_dma2 semaphore(%run_scoped3A : memref<!tpu.dma_semaphore, #tpu.memory_space<semaphore_mem>>) src(%dma_wait3A_87 : memref<250x40xi32, #tpu.memory_space<hbm>>) dst(%arg10 : memref<250x40xi32, #tpu.memory_space<vmem>>)
      tpu.yield
    }) : () -> ()
    %lt3A = arith.constant 15 : i32
    %lt3A_3 = arith.cmpi slt, %arg1, %lt3A : i32
    %convert_element_type3A = arith.extui %lt3A_3 : i1 to i32
    %cond3A = arith.constant 0 : i32
    %cond3A_4 = arith.cmpi ne, %convert_element_type3A, %cond3A : i32
    scf.if %cond3A_4 {
      %mul3A_72 = arith.constant 624 : i32
      %mul3A_73 = arith.muli %arg1, %mul3A_72 : i32
      "tpu.region"() ({
        %run_scoped3A = tpu.sem_alloc : memref<!tpu.dma_semaphore, #tpu.memory_space<semaphore_mem>>
        %dma_start3A_74 = arith.constant 0 : i32
        %dma_start3A_75 = tpu.memref_slice %arg8[%mul3A_73, %dma_start3A_74] : memref<10000x128xf32, #tpu.memory_space<vmem_shared>> -> memref<624x128xf32, #tpu.memory_space<vmem_shared>>
        %dma_start3A_76 = arith.constant 0 : i32
        %dma_start3A_77 = tpu.memref_slice %arg6[%mul3A_73, %dma_start3A_76] : memref<10000x128xf32, #tpu.memory_space<hbm>> -> memref<624x128xf32, #tpu.memory_space<hbm>>
        tpu.enqueue_dma source(%dma_start3A_77 : memref<624x128xf32, #tpu.memory_space<hbm>>) target(%dma_start3A_75 : memref<624x128xf32, #tpu.memory_space<vmem_shared>>) target_semaphore(%run_scoped3A : memref<!tpu.dma_semaphore, #tpu.memory_space<semaphore_mem>>)
        %dma_wait3A_78 = arith.constant 0 : i32
        %dma_wait3A_79 = tpu.memref_slice %arg8[%mul3A_73, %dma_wait3A_78] : memref<10000x128xf32, #tpu.memory_space<vmem_shared>> -> memref<624x128xf32, #tpu.memory_space<vmem_shared>>
        %dma_wait3A_80 = arith.constant 0 : i32
        %dma_wait3A_81 = tpu.memref_slice %arg6[%mul3A_73, %dma_wait3A_80] : memref<10000x128xf32, #tpu.memory_space<hbm>> -> memref<624x128xf32, #tpu.memory_space<hbm>>
        tpu.wait_dma2 semaphore(%run_scoped3A : memref<!tpu.dma_semaphore, #tpu.memory_space<semaphore_mem>>) src(%dma_wait3A_81 : memref<624x128xf32, #tpu.memory_space<hbm>>) dst(%dma_wait3A_79 : memref<624x128xf32, #tpu.memory_space<vmem_shared>>)
        tpu.yield
      }) : () -> ()
    } else {
    }
    %eq3A = arith.constant 15 : i32
    %eq3A_5 = arith.cmpi eq, %arg1, %eq3A : i32
    %convert_element_type3A_6 = arith.extui %eq3A_5 : i1 to i32
    %cond3A_7 = arith.constant 0 : i32
    %cond3A_8 = arith.cmpi ne, %convert_element_type3A_6, %cond3A_7 : i32
    scf.if %cond3A_8 {
      "tpu.region"() ({
        %run_scoped3A = tpu.sem_alloc : memref<!tpu.dma_semaphore, #tpu.memory_space<semaphore_mem>>
        %dma_start3A_72 = arith.constant 9360 : i32
        %dma_start3A_73 = arith.constant 0 : i32
        %dma_start3A_74 = tpu.memref_slice %arg8[%dma_start3A_72, %dma_start3A_73] : memref<10000x128xf32, #tpu.memory_space<vmem_shared>> -> memref<640x128xf32, #tpu.memory_space<vmem_shared>>
        %dma_start3A_75 = arith.constant 9360 : i32
        %dma_start3A_76 = arith.constant 0 : i32
        %dma_start3A_77 = tpu.memref_slice %arg6[%dma_start3A_75, %dma_start3A_76] : memref<10000x128xf32, #tpu.memory_space<hbm>> -> memref<640x128xf32, #tpu.memory_space<hbm>>
        tpu.enqueue_dma source(%dma_start3A_77 : memref<640x128xf32, #tpu.memory_space<hbm>>) target(%dma_start3A_74 : memref<640x128xf32, #tpu.memory_space<vmem_shared>>) target_semaphore(%run_scoped3A : memref<!tpu.dma_semaphore, #tpu.memory_space<semaphore_mem>>)
        %dma_wait3A_78 = arith.constant 9360 : i32
        %dma_wait3A_79 = arith.constant 0 : i32
        %dma_wait3A_80 = tpu.memref_slice %arg8[%dma_wait3A_78, %dma_wait3A_79] : memref<10000x128xf32, #tpu.memory_space<vmem_shared>> -> memref<640x128xf32, #tpu.memory_space<vmem_shared>>
        %dma_wait3A_81 = arith.constant 9360 : i32
        %dma_wait3A_82 = arith.constant 0 : i32
        %dma_wait3A_83 = tpu.memref_slice %arg6[%dma_wait3A_81, %dma_wait3A_82] : memref<10000x128xf32, #tpu.memory_space<hbm>> -> memref<640x128xf32, #tpu.memory_space<hbm>>
        tpu.wait_dma2 semaphore(%run_scoped3A : memref<!tpu.dma_semaphore, #tpu.memory_space<semaphore_mem>>) src(%dma_wait3A_83 : memref<640x128xf32, #tpu.memory_space<hbm>>) dst(%dma_wait3A_80 : memref<640x128xf32, #tpu.memory_space<vmem_shared>>)
        tpu.yield
      }) : () -> ()
    } else {
    }
    %barrier3A = arith.constant 0 : index
    tpu.barrier barrier_id(%barrier3A)
    %dma_start3A = arith.constant 0 : i32
    %dma_start3A_9 = tpu.memref_slice %arg9[%dma_start3A] : memref<10000xi32, #tpu.memory_space<vmem>> -> memref<40xi32, #tpu.memory_space<vmem>>
    %dma_start3A_10 = arith.constant 0 : i32
    %dma_start3A_11 = arith.constant 0 : i32
    %dma_start3A_12 = tpu.memref_slice %arg2[%dma_start3A_10, %dma_start3A_11] : memref<10000x64xi32, #tpu.memory_space<hbm>> -> memref<10000x64xi32, #tpu.memory_space<hbm>>
    tpu.enqueue_indirect_dma source(%dma_start3A_12 : memref<10000x64xi32, #tpu.memory_space<hbm>>) target(%arg12 : memref<40x64xi32, #tpu.memory_space<vmem>>) offsets(%dma_start3A_9 : memref<40xi32, #tpu.memory_space<vmem>>) semaphore(%arg16 : memref<!tpu.dma_semaphore, #tpu.memory_space<semaphore_mem>>)
    %mul3A_13 = arith.constant 10000 : i32
    %mul3A_14 = arith.muli %add3A, %mul3A_13 : i32
    %add3A_15 = arith.constant 0 : i32
    %add3A_16 = arith.addi %mul3A_14, %add3A_15 : i32
    %dma_start3A_17 = arith.constant 0 : i32
    %dma_start3A_18 = arith.constant 0 : i32
    %dma_start3A_19 = tpu.memref_slice %arg11[%dma_start3A_17, %dma_start3A_18] : memref<2x40xf32, #tpu.memory_space<vmem>> -> memref<1x40xf32, #tpu.memory_space<vmem>>
    %dma_start3A_20 = tpu.memref_squeeze %dma_start3A_19 : memref<1x40xf32, #tpu.memory_space<vmem>> -> memref<40xf32, #tpu.memory_space<vmem>>
    %dma_start3A_21 = tpu.memref_slice %arg5[%add3A_16] : memref<320000xf32, #tpu.memory_space<hbm>> -> memref<40xf32, #tpu.memory_space<hbm>>
    %dma_start3A_22 = arith.constant 0 : i32
    %dma_start3A_23 = tpu.memref_slice %arg11[%dma_start3A_17, %dma_start3A_22] : memref<2x40xf32, #tpu.memory_space<vmem>> -> memref<1x40xf32, #tpu.memory_space<vmem>>
    %dma_start3A_24 = tpu.memref_squeeze %dma_start3A_23 : memref<1x40xf32, #tpu.memory_space<vmem>> -> memref<40xf32, #tpu.memory_space<vmem>>
    %dma_start3A_25 = tpu.memref_slice %arg5[%add3A_16] : memref<320000xf32, #tpu.memory_space<hbm>> -> memref<40xf32, #tpu.memory_space<hbm>>
    tpu.enqueue_dma source(%dma_start3A_25 : memref<40xf32, #tpu.memory_space<hbm>>) target(%dma_start3A_24 : memref<40xf32, #tpu.memory_space<vmem>>) target_semaphore(%arg20 : memref<!tpu.dma_semaphore, #tpu.memory_space<semaphore_mem>>)
    %dma_start3A_26 = arith.constant 40 : i32
    %dma_start3A_27 = tpu.memref_slice %arg9[%dma_start3A_26] : memref<10000xi32, #tpu.memory_space<vmem>> -> memref<40xi32, #tpu.memory_space<vmem>>
    %dma_start3A_28 = arith.constant 0 : i32
    %dma_start3A_29 = arith.constant 0 : i32
    %dma_start3A_30 = tpu.memref_slice %arg2[%dma_start3A_28, %dma_start3A_29] : memref<10000x64xi32, #tpu.memory_space<hbm>> -> memref<10000x64xi32, #tpu.memory_space<hbm>>
    tpu.enqueue_indirect_dma source(%dma_start3A_30 : memref<10000x64xi32, #tpu.memory_space<hbm>>) target(%arg13 : memref<40x64xi32, #tpu.memory_space<vmem>>) offsets(%dma_start3A_27 : memref<40xi32, #tpu.memory_space<vmem>>) semaphore(%arg17 : memref<!tpu.dma_semaphore, #tpu.memory_space<semaphore_mem>>)
    %mul3A_31 = arith.constant 10000 : i32
    %mul3A_32 = arith.muli %add3A, %mul3A_31 : i32
    %add3A_33 = arith.constant 40 : i32
    %add3A_34 = arith.addi %mul3A_32, %add3A_33 : i32
    %dma_start3A_35 = arith.constant 1 : i32
    %dma_start3A_36 = arith.constant 0 : i32
    %dma_start3A_37 = tpu.memref_slice %arg11[%dma_start3A_35, %dma_start3A_36] : memref<2x40xf32, #tpu.memory_space<vmem>> -> memref<1x40xf32, #tpu.memory_space<vmem>>
    %dma_start3A_38 = tpu.memref_squeeze %dma_start3A_37 : memref<1x40xf32, #tpu.memory_space<vmem>> -> memref<40xf32, #tpu.memory_space<vmem>>
    %dma_start3A_39 = tpu.memref_slice %arg5[%add3A_34] : memref<320000xf32, #tpu.memory_space<hbm>> -> memref<40xf32, #tpu.memory_space<hbm>>
    %dma_start3A_40 = arith.constant 0 : i32
    %dma_start3A_41 = tpu.memref_slice %arg11[%dma_start3A_35, %dma_start3A_40] : memref<2x40xf32, #tpu.memory_space<vmem>> -> memref<1x40xf32, #tpu.memory_space<vmem>>
    %dma_start3A_42 = tpu.memref_squeeze %dma_start3A_41 : memref<1x40xf32, #tpu.memory_space<vmem>> -> memref<40xf32, #tpu.memory_space<vmem>>
    %dma_start3A_43 = tpu.memref_slice %arg5[%add3A_34] : memref<320000xf32, #tpu.memory_space<hbm>> -> memref<40xf32, #tpu.memory_space<hbm>>
    tpu.enqueue_dma source(%dma_start3A_43 : memref<40xf32, #tpu.memory_space<hbm>>) target(%dma_start3A_42 : memref<40xf32, #tpu.memory_space<vmem>>) target_semaphore(%arg21 : memref<!tpu.dma_semaphore, #tpu.memory_space<semaphore_mem>>)
    %scan3A = arith.constant 0 : i32
    %scan3A_44 = arith.constant 125 : i32
    %scan3A_45 = arith.addi %scan3A, %scan3A_44 : i32
    %scan3A_46 = arith.constant 1 : i32
    scf.for %scan3A_72 = %scan3A to %scan3A_45 step %scan3A_46  : i32 {
      %mul3A_73 = arith.constant 2 : i32
      %mul3A_74 = arith.muli %scan3A_72, %mul3A_73 : i32
      %add3A_75 = arith.constant 0 : i32
      %add3A_76 = arith.addi %add3A_75, %mul3A_74 : i32
      %add3A_77 = arith.constant 0 : i32
      %add3A_78 = arith.addi %add3A_76, %add3A_77 : i32
      %dma_wait3A_79 = arith.constant 0 : i32
      %dma_wait3A_80 = tpu.memref_slice %arg9[%dma_wait3A_79] : memref<10000xi32, #tpu.memory_space<vmem>> -> memref<40xi32, #tpu.memory_space<vmem>>
      %dma_wait3A_81 = arith.constant 0 : i32
      %dma_wait3A_82 = arith.constant 0 : i32
      %dma_wait3A_83 = tpu.memref_slice %arg2[%dma_wait3A_81, %dma_wait3A_82] : memref<10000x64xi32, #tpu.memory_space<hbm>> -> memref<10000x64xi32, #tpu.memory_space<hbm>>
      tpu.wait_indirect_dma semaphore(%arg16 : memref<!tpu.dma_semaphore, #tpu.memory_space<semaphore_mem>>) src(%dma_wait3A_83 : memref<10000x64xi32, #tpu.memory_space<hbm>>) dst(%arg12 : memref<40x64xi32, #tpu.memory_space<vmem>>)
      %ge3A = arith.constant 2 : i32
      %ge3A_84 = arith.cmpi sge, %add3A_78, %ge3A : i32
      %convert_element_type3A_85 = arith.extui %ge3A_84 : i1 to i32
      %cond3A_86 = arith.constant 0 : i32
      %cond3A_87 = arith.cmpi ne, %convert_element_type3A_85, %cond3A_86 : i32
      scf.if %cond3A_87 {
        %dma_wait3A_161 = arith.constant 0 : i32
        %dma_wait3A_162 = arith.constant 0 : i32
        %dma_wait3A_163 = tpu.memref_slice %arg10[%dma_wait3A_161, %dma_wait3A_162] : memref<250x40xi32, #tpu.memory_space<vmem>> -> memref<1x40xi32, #tpu.memory_space<vmem>>
        %dma_wait3A_164 = tpu.memref_squeeze %dma_wait3A_163 : memref<1x40xi32, #tpu.memory_space<vmem>> -> memref<40xi32, #tpu.memory_space<vmem>>
        %dma_wait3A_165 = arith.constant 0 : i32
        %dma_wait3A_166 = arith.constant 0 : i32
        %dma_wait3A_167 = tpu.memref_slice %arg8[%dma_wait3A_165, %dma_wait3A_166] : memref<10000x128xf32, #tpu.memory_space<vmem_shared>> -> memref<10000x128xf32, #tpu.memory_space<vmem_shared>>
        tpu.wait_indirect_dma semaphore(%arg18 : memref<!tpu.dma_semaphore, #tpu.memory_space<semaphore_mem>>) src(%arg14 : memref<40x128xf32, #tpu.memory_space<vmem>>) dst(%dma_wait3A_167 : memref<10000x128xf32, #tpu.memory_space<vmem_shared>>)
      } else {
      }
      %dma_wait3A_88 = arith.constant 0 : i32
      %dma_wait3A_89 = arith.constant 0 : i32
      %dma_wait3A_90 = tpu.memref_slice %arg11[%dma_wait3A_88, %dma_wait3A_89] : memref<2x40xf32, #tpu.memory_space<vmem>> -> memref<1x40xf32, #tpu.memory_space<vmem>>
      %dma_wait3A_91 = tpu.memref_squeeze %dma_wait3A_90 : memref<1x40xf32, #tpu.memory_space<vmem>> -> memref<40xf32, #tpu.memory_space<vmem>>
      %dma_wait3A_92 = arith.constant 0 : i32
      %dma_wait3A_93 = tpu.memref_slice %arg5[%dma_wait3A_92] : memref<320000xf32, #tpu.memory_space<hbm>> -> memref<40xf32, #tpu.memory_space<hbm>>
      %dma_wait3A_94 = arith.constant 0 : i32
      %dma_wait3A_95 = tpu.memref_slice %arg11[%dma_wait3A_88, %dma_wait3A_94] : memref<2x40xf32, #tpu.memory_space<vmem>> -> memref<1x40xf32, #tpu.memory_space<vmem>>
      %dma_wait3A_96 = tpu.memref_squeeze %dma_wait3A_95 : memref<1x40xf32, #tpu.memory_space<vmem>> -> memref<40xf32, #tpu.memory_space<vmem>>
      %dma_wait3A_97 = arith.constant 0 : i32
      %dma_wait3A_98 = tpu.memref_slice %arg5[%dma_wait3A_97] : memref<320000xf32, #tpu.memory_space<hbm>> -> memref<40xf32, #tpu.memory_space<hbm>>
      tpu.wait_dma2 semaphore(%arg20 : memref<!tpu.dma_semaphore, #tpu.memory_space<semaphore_mem>>) src(%dma_wait3A_98 : memref<40xf32, #tpu.memory_space<hbm>>) dst(%dma_wait3A_96 : memref<40xf32, #tpu.memory_space<vmem>>)
      %broadcast_in_dim3A = arith.constant -65536 : i32
      %broadcast_in_dim3A_99 = vector.broadcast %broadcast_in_dim3A : i32 to vector<16xi32>
      %scan3A_100 = arith.constant 0 : i32
      %scan3A_101 = arith.constant 20 : i32
      %scan3A_102 = arith.addi %scan3A_100, %scan3A_101 : i32
      %scan3A_103 = arith.constant 1 : i32
      scf.for %scan3A_161 = %scan3A_100 to %scan3A_102 step %scan3A_103  : i32 {
        %mul3A_162 = arith.constant 2 : i32
        %mul3A_163 = arith.muli %scan3A_161, %mul3A_162 : i32
        %add3A_164 = arith.constant 0 : i32
        %add3A_165 = arith.addi %add3A_164, %mul3A_163 : i32
        %add3A_166 = arith.constant 0 : i32
        %add3A_167 = arith.addi %add3A_165, %add3A_166 : i32
        %broadcast_in_dim3A_168 = vector.broadcast %add3A_167 : i32 to vector<16xi32>
        %gather3A = arith.constant 0 : i32
        %gather3A_169 = arith.constant 0 : i32
        %gather3A_170 = tpu.memref_slice %arg11[%gather3A, %gather3A_169] : memref<2x40xf32, #tpu.memory_space<vmem>> -> memref<1x40xf32, #tpu.memory_space<vmem>>
        %gather3A_171 = tpu.memref_squeeze %gather3A_170 : memref<1x40xf32, #tpu.memory_space<vmem>> -> memref<40xf32, #tpu.memory_space<vmem>>
        %gather3A_172 = tpu.vector_load_idx %gather3A_171[%broadcast_in_dim3A_168] : memref<40xf32, #tpu.memory_space<vmem>>[vector<16xi32>], vector<16xf32>,
        %get3A = arith.index_cast %add3A_167 : i32 to index
        %get3A_173 = arith.constant 0 : index
        %get3A_174 = tpu.vector_load %arg12[%get3A, %get3A_173] {strides = array<i32>} : memref<40x64xi32, #tpu.memory_space<vmem>>, vector<16xi32>,
        %shift_left3A = arith.constant 16 : i32
        %shift_left3A_175 = vector.broadcast %shift_left3A : i32 to vector<16xi32>
        %shift_left3A_176 = arith.shli %get3A_174, %shift_left3A_175 : vector<16xi32>
        %bitcast3A = vector.bitcast %shift_left3A_176 : vector<16xi32> to vector<16xf32>
        %and3A = arith.andi %get3A_174, %broadcast_in_dim3A_99 : vector<16xi32>
        %bitcast3A_177 = vector.bitcast %and3A : vector<16xi32> to vector<16xf32>
        %mul3A_178 = arith.mulf %bitcast3A, %gather3A_172 : vector<16xf32>
        %swap3A = arith.index_cast %add3A_167 : i32 to index
        %swap3A_179 = arith.constant 0 : index
        %swap3A_180 = tpu.vector_load %arg14[%swap3A, %swap3A_179] {strides = array<i32>} : memref<40x128xf32, #tpu.memory_space<vmem>>, vector<16xf32>,
        tpu.vector_store %arg14[%swap3A, %swap3A_179], %mul3A_178 {strides = array<i32>} : memref<40x128xf32, #tpu.memory_space<vmem>>, vector<16xf32>,
        %mul3A_181 = arith.mulf %bitcast3A_177, %gather3A_172 : vector<16xf32>
        %swap3A_182 = arith.index_cast %add3A_167 : i32 to index
        %swap3A_183 = arith.constant 16 : index
        %swap3A_184 = tpu.vector_load %arg14[%swap3A_182, %swap3A_183] {strides = array<i32>} : memref<40x128xf32, #tpu.memory_space<vmem>>, vector<16xf32>,
        tpu.vector_store %arg14[%swap3A_182, %swap3A_183], %mul3A_181 {strides = array<i32>} : memref<40x128xf32, #tpu.memory_space<vmem>>, vector<16xf32>,
        %get3A_185 = arith.index_cast %add3A_167 : i32 to index
        %get3A_186 = arith.constant 16 : index
        %get3A_187 = tpu.vector_load %arg12[%get3A_185, %get3A_186] {strides = array<i32>} : memref<40x64xi32, #tpu.memory_space<vmem>>, vector<16xi32>,
        %shift_left3A_188 = arith.constant 16 : i32
        %shift_left3A_189 = vector.broadcast %shift_left3A_188 : i32 to vector<16xi32>
        %shift_left3A_190 = arith.shli %get3A_187, %shift_left3A_189 : vector<16xi32>
        %bitcast3A_191 = vector.bitcast %shift_left3A_190 : vector<16xi32> to vector<16xf32>
        %and3A_192 = arith.andi %get3A_187, %broadcast_in_dim3A_99 : vector<16xi32>
        %bitcast3A_193 = vector.bitcast %and3A_192 : vector<16xi32> to vector<16xf32>
        %mul3A_194 = arith.mulf %bitcast3A_191, %gather3A_172 : vector<16xf32>
        %swap3A_195 = arith.index_cast %add3A_167 : i32 to index
        %swap3A_196 = arith.constant 32 : index
        %swap3A_197 = tpu.vector_load %arg14[%swap3A_195, %swap3A_196] {strides = array<i32>} : memref<40x128xf32, #tpu.memory_space<vmem>>, vector<16xf32>,
        tpu.vector_store %arg14[%swap3A_195, %swap3A_196], %mul3A_194 {strides = array<i32>} : memref<40x128xf32, #tpu.memory_space<vmem>>, vector<16xf32>,
        %mul3A_198 = arith.mulf %bitcast3A_193, %gather3A_172 : vector<16xf32>
        %swap3A_199 = arith.index_cast %add3A_167 : i32 to index
        %swap3A_200 = arith.constant 48 : index
        %swap3A_201 = tpu.vector_load %arg14[%swap3A_199, %swap3A_200] {strides = array<i32>} : memref<40x128xf32, #tpu.memory_space<vmem>>, vector<16xf32>,
        tpu.vector_store %arg14[%swap3A_199, %swap3A_200], %mul3A_198 {strides = array<i32>} : memref<40x128xf32, #tpu.memory_space<vmem>>, vector<16xf32>,
        %get3A_202 = arith.index_cast %add3A_167 : i32 to index
        %get3A_203 = arith.constant 32 : index
        %get3A_204 = tpu.vector_load %arg12[%get3A_202, %get3A_203] {strides = array<i32>} : memref<40x64xi32, #tpu.memory_space<vmem>>, vector<16xi32>,
        %shift_left3A_205 = arith.constant 16 : i32
        %shift_left3A_206 = vector.broadcast %shift_left3A_205 : i32 to vector<16xi32>
        %shift_left3A_207 = arith.shli %get3A_204, %shift_left3A_206 : vector<16xi32>
        %bitcast3A_208 = vector.bitcast %shift_left3A_207 : vector<16xi32> to vector<16xf32>
        %and3A_209 = arith.andi %get3A_204, %broadcast_in_dim3A_99 : vector<16xi32>
        %bitcast3A_210 = vector.bitcast %and3A_209 : vector<16xi32> to vector<16xf32>
        %mul3A_211 = arith.mulf %bitcast3A_208, %gather3A_172 : vector<16xf32>
        %swap3A_212 = arith.index_cast %add3A_167 : i32 to index
        %swap3A_213 = arith.constant 64 : index
        %swap3A_214 = tpu.vector_load %arg14[%swap3A_212, %swap3A_213] {strides = array<i32>} : memref<40x128xf32, #tpu.memory_space<vmem>>, vector<16xf32>,
        tpu.vector_store %arg14[%swap3A_212, %swap3A_213], %mul3A_211 {strides = array<i32>} : memref<40x128xf32, #tpu.memory_space<vmem>>, vector<16xf32>,
        %mul3A_215 = arith.mulf %bitcast3A_210, %gather3A_172 : vector<16xf32>
        %swap3A_216 = arith.index_cast %add3A_167 : i32 to index
        %swap3A_217 = arith.constant 80 : index
        %swap3A_218 = tpu.vector_load %arg14[%swap3A_216, %swap3A_217] {strides = array<i32>} : memref<40x128xf32, #tpu.memory_space<vmem>>, vector<16xf32>,
        tpu.vector_store %arg14[%swap3A_216, %swap3A_217], %mul3A_215 {strides = array<i32>} : memref<40x128xf32, #tpu.memory_space<vmem>>, vector<16xf32>,
        %get3A_219 = arith.index_cast %add3A_167 : i32 to index
        %get3A_220 = arith.constant 48 : index
        %get3A_221 = tpu.vector_load %arg12[%get3A_219, %get3A_220] {strides = array<i32>} : memref<40x64xi32, #tpu.memory_space<vmem>>, vector<16xi32>,
        %shift_left3A_222 = arith.constant 16 : i32
        %shift_left3A_223 = vector.broadcast %shift_left3A_222 : i32 to vector<16xi32>
        %shift_left3A_224 = arith.shli %get3A_221, %shift_left3A_223 : vector<16xi32>
        %bitcast3A_225 = vector.bitcast %shift_left3A_224 : vector<16xi32> to vector<16xf32>
        %and3A_226 = arith.andi %get3A_221, %broadcast_in_dim3A_99 : vector<16xi32>
        %bitcast3A_227 = vector.bitcast %and3A_226 : vector<16xi32> to vector<16xf32>
        %mul3A_228 = arith.mulf %bitcast3A_225, %gather3A_172 : vector<16xf32>
        %swap3A_229 = arith.index_cast %add3A_167 : i32 to index
        %swap3A_230 = arith.constant 96 : index
        %swap3A_231 = tpu.vector_load %arg14[%swap3A_229, %swap3A_230] {strides = array<i32>} : memref<40x128xf32, #tpu.memory_space<vmem>>, vector<16xf32>,
        tpu.vector_store %arg14[%swap3A_229, %swap3A_230], %mul3A_228 {strides = array<i32>} : memref<40x128xf32, #tpu.memory_space<vmem>>, vector<16xf32>,
        %mul3A_232 = arith.mulf %bitcast3A_227, %gather3A_172 : vector<16xf32>
        %swap3A_233 = arith.index_cast %add3A_167 : i32 to index
        %swap3A_234 = arith.constant 112 : index
        %swap3A_235 = tpu.vector_load %arg14[%swap3A_233, %swap3A_234] {strides = array<i32>} : memref<40x128xf32, #tpu.memory_space<vmem>>, vector<16xf32>,
        tpu.vector_store %arg14[%swap3A_233, %swap3A_234], %mul3A_232 {strides = array<i32>} : memref<40x128xf32, #tpu.memory_space<vmem>>, vector<16xf32>,
        %add3A_236 = arith.constant 1 : i32
        %add3A_237 = arith.addi %add3A_165, %add3A_236 : i32
        %broadcast_in_dim3A_238 = vector.broadcast %add3A_237 : i32 to vector<16xi32>
        %gather3A_239 = arith.constant 0 : i32
        %gather3A_240 = arith.constant 0 : i32
        %gather3A_241 = tpu.memref_slice %arg11[%gather3A_239, %gather3A_240] : memref<2x40xf32, #tpu.memory_space<vmem>> -> memref<1x40xf32, #tpu.memory_space<vmem>>
        %gather3A_242 = tpu.memref_squeeze %gather3A_241 : memref<1x40xf32, #tpu.memory_space<vmem>> -> memref<40xf32, #tpu.memory_space<vmem>>
        %gather3A_243 = tpu.vector_load_idx %gather3A_242[%broadcast_in_dim3A_238] : memref<40xf32, #tpu.memory_space<vmem>>[vector<16xi32>], vector<16xf32>,
        %get3A_244 = arith.index_cast %add3A_237 : i32 to index
        %get3A_245 = arith.constant 0 : index
        %get3A_246 = tpu.vector_load %arg12[%get3A_244, %get3A_245] {strides = array<i32>} : memref<40x64xi32, #tpu.memory_space<vmem>>, vector<16xi32>,
        %shift_left3A_247 = arith.constant 16 : i32
        %shift_left3A_248 = vector.broadcast %shift_left3A_247 : i32 to vector<16xi32>
        %shift_left3A_249 = arith.shli %get3A_246, %shift_left3A_248 : vector<16xi32>
        %bitcast3A_250 = vector.bitcast %shift_left3A_249 : vector<16xi32> to vector<16xf32>
        %and3A_251 = arith.andi %get3A_246, %broadcast_in_dim3A_99 : vector<16xi32>
        %bitcast3A_252 = vector.bitcast %and3A_251 : vector<16xi32> to vector<16xf32>
        %mul3A_253 = arith.mulf %bitcast3A_250, %gather3A_243 : vector<16xf32>
        %swap3A_254 = arith.index_cast %add3A_237 : i32 to index
        %swap3A_255 = arith.constant 0 : index
        %swap3A_256 = tpu.vector_load %arg14[%swap3A_254, %swap3A_255] {strides = array<i32>} : memref<40x128xf32, #tpu.memory_space<vmem>>, vector<16xf32>,
        tpu.vector_store %arg14[%swap3A_254, %swap3A_255], %mul3A_253 {strides = array<i32>} : memref<40x128xf32, #tpu.memory_space<vmem>>, vector<16xf32>,
        %mul3A_257 = arith.mulf %bitcast3A_252, %gather3A_243 : vector<16xf32>
        %swap3A_258 = arith.index_cast %add3A_237 : i32 to index
        %swap3A_259 = arith.constant 16 : index
        %swap3A_260 = tpu.vector_load %arg14[%swap3A_258, %swap3A_259] {strides = array<i32>} : memref<40x128xf32, #tpu.memory_space<vmem>>, vector<16xf32>,
        tpu.vector_store %arg14[%swap3A_258, %swap3A_259], %mul3A_257 {strides = array<i32>} : memref<40x128xf32, #tpu.memory_space<vmem>>, vector<16xf32>,
        %get3A_261 = arith.index_cast %add3A_237 : i32 to index
        %get3A_262 = arith.constant 16 : index
        %get3A_263 = tpu.vector_load %arg12[%get3A_261, %get3A_262] {strides = array<i32>} : memref<40x64xi32, #tpu.memory_space<vmem>>, vector<16xi32>,
        %shift_left3A_264 = arith.constant 16 : i32
        %shift_left3A_265 = vector.broadcast %shift_left3A_264 : i32 to vector<16xi32>
        %shift_left3A_266 = arith.shli %get3A_263, %shift_left3A_265 : vector<16xi32>
        %bitcast3A_267 = vector.bitcast %shift_left3A_266 : vector<16xi32> to vector<16xf32>
        %and3A_268 = arith.andi %get3A_263, %broadcast_in_dim3A_99 : vector<16xi32>
        %bitcast3A_269 = vector.bitcast %and3A_268 : vector<16xi32> to vector<16xf32>
        %mul3A_270 = arith.mulf %bitcast3A_267, %gather3A_243 : vector<16xf32>
        %swap3A_271 = arith.index_cast %add3A_237 : i32 to index
        %swap3A_272 = arith.constant 32 : index
        %swap3A_273 = tpu.vector_load %arg14[%swap3A_271, %swap3A_272] {strides = array<i32>} : memref<40x128xf32, #tpu.memory_space<vmem>>, vector<16xf32>,
        tpu.vector_store %arg14[%swap3A_271, %swap3A_272], %mul3A_270 {strides = array<i32>} : memref<40x128xf32, #tpu.memory_space<vmem>>, vector<16xf32>,
        %mul3A_274 = arith.mulf %bitcast3A_269, %gather3A_243 : vector<16xf32>
        %swap3A_275 = arith.index_cast %add3A_237 : i32 to index
        %swap3A_276 = arith.constant 48 : index
        %swap3A_277 = tpu.vector_load %arg14[%swap3A_275, %swap3A_276] {strides = array<i32>} : memref<40x128xf32, #tpu.memory_space<vmem>>, vector<16xf32>,
        tpu.vector_store %arg14[%swap3A_275, %swap3A_276], %mul3A_274 {strides = array<i32>} : memref<40x128xf32, #tpu.memory_space<vmem>>, vector<16xf32>,
        %get3A_278 = arith.index_cast %add3A_237 : i32 to index
        %get3A_279 = arith.constant 32 : index
        %get3A_280 = tpu.vector_load %arg12[%get3A_278, %get3A_279] {strides = array<i32>} : memref<40x64xi32, #tpu.memory_space<vmem>>, vector<16xi32>,
        %shift_left3A_281 = arith.constant 16 : i32
        %shift_left3A_282 = vector.broadcast %shift_left3A_281 : i32 to vector<16xi32>
        %shift_left3A_283 = arith.shli %get3A_280, %shift_left3A_282 : vector<16xi32>
        %bitcast3A_284 = vector.bitcast %shift_left3A_283 : vector<16xi32> to vector<16xf32>
        %and3A_285 = arith.andi %get3A_280, %broadcast_in_dim3A_99 : vector<16xi32>
        %bitcast3A_286 = vector.bitcast %and3A_285 : vector<16xi32> to vector<16xf32>
        %mul3A_287 = arith.mulf %bitcast3A_284, %gather3A_243 : vector<16xf32>
        %swap3A_288 = arith.index_cast %add3A_237 : i32 to index
        %swap3A_289 = arith.constant 64 : index
        %swap3A_290 = tpu.vector_load %arg14[%swap3A_288, %swap3A_289] {strides = array<i32>} : memref<40x128xf32, #tpu.memory_space<vmem>>, vector<16xf32>,
        tpu.vector_store %arg14[%swap3A_288, %swap3A_289], %mul3A_287 {strides = array<i32>} : memref<40x128xf32, #tpu.memory_space<vmem>>, vector<16xf32>,
        %mul3A_291 = arith.mulf %bitcast3A_286, %gather3A_243 : vector<16xf32>
        %swap3A_292 = arith.index_cast %add3A_237 : i32 to index
        %swap3A_293 = arith.constant 80 : index
        %swap3A_294 = tpu.vector_load %arg14[%swap3A_292, %swap3A_293] {strides = array<i32>} : memref<40x128xf32, #tpu.memory_space<vmem>>, vector<16xf32>,
        tpu.vector_store %arg14[%swap3A_292, %swap3A_293], %mul3A_291 {strides = array<i32>} : memref<40x128xf32, #tpu.memory_space<vmem>>, vector<16xf32>,
        %get3A_295 = arith.index_cast %add3A_237 : i32 to index
        %get3A_296 = arith.constant 48 : index
        %get3A_297 = tpu.vector_load %arg12[%get3A_295, %get3A_296] {strides = array<i32>} : memref<40x64xi32, #tpu.memory_space<vmem>>, vector<16xi32>,
        %shift_left3A_298 = arith.constant 16 : i32
        %shift_left3A_299 = vector.broadcast %shift_left3A_298 : i32 to vector<16xi32>
        %shift_left3A_300 = arith.shli %get3A_297, %shift_left3A_299 : vector<16xi32>
        %bitcast3A_301 = vector.bitcast %shift_left3A_300 : vector<16xi32> to vector<16xf32>
        %and3A_302 = arith.andi %get3A_297, %broadcast_in_dim3A_99 : vector<16xi32>
        %bitcast3A_303 = vector.bitcast %and3A_302 : vector<16xi32> to vector<16xf32>
        %mul3A_304 = arith.mulf %bitcast3A_301, %gather3A_243 : vector<16xf32>
        %swap3A_305 = arith.index_cast %add3A_237 : i32 to index
        %swap3A_306 = arith.constant 96 : index
        %swap3A_307 = tpu.vector_load %arg14[%swap3A_305, %swap3A_306] {strides = array<i32>} : memref<40x128xf32, #tpu.memory_space<vmem>>, vector<16xf32>,
        tpu.vector_store %arg14[%swap3A_305, %swap3A_306], %mul3A_304 {strides = array<i32>} : memref<40x128xf32, #tpu.memory_space<vmem>>, vector<16xf32>,
        %mul3A_308 = arith.mulf %bitcast3A_303, %gather3A_243 : vector<16xf32>
        %swap3A_309 = arith.index_cast %add3A_237 : i32 to index
        %swap3A_310 = arith.constant 112 : index
        %swap3A_311 = tpu.vector_load %arg14[%swap3A_309, %swap3A_310] {strides = array<i32>} : memref<40x128xf32, #tpu.memory_space<vmem>>, vector<16xf32>,
        tpu.vector_store %arg14[%swap3A_309, %swap3A_310], %mul3A_308 {strides = array<i32>} : memref<40x128xf32, #tpu.memory_space<vmem>>, vector<16xf32>,
      }
      %scan3A_104 = arith.constant 20 : i32
      %add3A_105 = arith.constant 2 : i32
      %add3A_106 = arith.addi %add3A_78, %add3A_105 : i32
      %lt3A_107 = arith.constant 250 : i32
      %lt3A_108 = arith.cmpi slt, %add3A_106, %lt3A_107 : i32
      %convert_element_type3A_109 = arith.extui %lt3A_108 : i1 to i32
      %cond3A_110 = arith.constant 0 : i32
      %cond3A_111 = arith.cmpi ne, %convert_element_type3A_109, %cond3A_110 : i32
      scf.if %cond3A_111 {
        %add3A_161 = arith.constant 2 : i32
        %add3A_162 = arith.addi %add3A_78, %add3A_161 : i32
        %mul3A_163 = arith.constant 40 : i32
        %mul3A_164 = arith.muli %add3A_162, %mul3A_163 : i32
        %dma_start3A_165 = tpu.memref_slice %arg9[%mul3A_164] : memref<10000xi32, #tpu.memory_space<vmem>> -> memref<40xi32, #tpu.memory_space<vmem>>
        %dma_start3A_166 = arith.constant 0 : i32
        %dma_start3A_167 = arith.constant 0 : i32
        %dma_start3A_168 = tpu.memref_slice %arg2[%dma_start3A_166, %dma_start3A_167] : memref<10000x64xi32, #tpu.memory_space<hbm>> -> memref<10000x64xi32, #tpu.memory_space<hbm>>
        tpu.enqueue_indirect_dma source(%dma_start3A_168 : memref<10000x64xi32, #tpu.memory_space<hbm>>) target(%arg12 : memref<40x64xi32, #tpu.memory_space<vmem>>) offsets(%dma_start3A_165 : memref<40xi32, #tpu.memory_space<vmem>>) semaphore(%arg16 : memref<!tpu.dma_semaphore, #tpu.memory_space<semaphore_mem>>)
        %add3A_169 = arith.constant 2 : i32
        %add3A_170 = arith.addi %add3A_78, %add3A_169 : i32
        %mul3A_171 = arith.constant 10000 : i32
        %mul3A_172 = arith.muli %add3A, %mul3A_171 : i32
        %mul3A_173 = arith.constant 40 : i32
        %mul3A_174 = arith.muli %add3A_170, %mul3A_173 : i32
        %add3A_175 = arith.addi %mul3A_172, %mul3A_174 : i32
        %dma_start3A_176 = arith.constant 0 : i32
        %dma_start3A_177 = arith.constant 0 : i32
        %dma_start3A_178 = tpu.memref_slice %arg11[%dma_start3A_176, %dma_start3A_177] : memref<2x40xf32, #tpu.memory_space<vmem>> -> memref<1x40xf32, #tpu.memory_space<vmem>>
        %dma_start3A_179 = tpu.memref_squeeze %dma_start3A_178 : memref<1x40xf32, #tpu.memory_space<vmem>> -> memref<40xf32, #tpu.memory_space<vmem>>
        %dma_start3A_180 = tpu.memref_slice %arg5[%add3A_175] : memref<320000xf32, #tpu.memory_space<hbm>> -> memref<40xf32, #tpu.memory_space<hbm>>
        %dma_start3A_181 = arith.constant 0 : i32
        %dma_start3A_182 = tpu.memref_slice %arg11[%dma_start3A_176, %dma_start3A_181] : memref<2x40xf32, #tpu.memory_space<vmem>> -> memref<1x40xf32, #tpu.memory_space<vmem>>
        %dma_start3A_183 = tpu.memref_squeeze %dma_start3A_182 : memref<1x40xf32, #tpu.memory_space<vmem>> -> memref<40xf32, #tpu.memory_space<vmem>>
        %dma_start3A_184 = tpu.memref_slice %arg5[%add3A_175] : memref<320000xf32, #tpu.memory_space<hbm>> -> memref<40xf32, #tpu.memory_space<hbm>>
        tpu.enqueue_dma source(%dma_start3A_184 : memref<40xf32, #tpu.memory_space<hbm>>) target(%dma_start3A_183 : memref<40xf32, #tpu.memory_space<vmem>>) target_semaphore(%arg20 : memref<!tpu.dma_semaphore, #tpu.memory_space<semaphore_mem>>)
      } else {
      }
      %dma_start3A_112 = arith.constant 0 : i32
      %dma_start3A_113 = tpu.memref_slice %arg10[%add3A_78, %dma_start3A_112] : memref<250x40xi32, #tpu.memory_space<vmem>> -> memref<1x40xi32, #tpu.memory_space<vmem>>
      %dma_start3A_114 = tpu.memref_squeeze %dma_start3A_113 : memref<1x40xi32, #tpu.memory_space<vmem>> -> memref<40xi32, #tpu.memory_space<vmem>>
      %dma_start3A_115 = arith.constant 0 : i32
      %dma_start3A_116 = arith.constant 0 : i32
      %dma_start3A_117 = tpu.memref_slice %arg8[%dma_start3A_115, %dma_start3A_116] : memref<10000x128xf32, #tpu.memory_space<vmem_shared>> -> memref<10000x128xf32, #tpu.memory_space<vmem_shared>>
      tpu.enqueue_indirect_dma source(%arg14 : memref<40x128xf32, #tpu.memory_space<vmem>>) target(%dma_start3A_117 : memref<10000x128xf32, #tpu.memory_space<vmem_shared>>) offsets(%dma_start3A_114 : memref<40xi32, #tpu.memory_space<vmem>>) semaphore(%arg18 : memref<!tpu.dma_semaphore, #tpu.memory_space<semaphore_mem>>) {add = true}
      %add3A_118 = arith.constant 1 : i32
      %add3A_119 = arith.addi %add3A_76, %add3A_118 : i32
      %dma_wait3A_120 = arith.constant 0 : i32
      %dma_wait3A_121 = tpu.memref_slice %arg9[%dma_wait3A_120] : memref<10000xi32, #tpu.memory_space<vmem>> -> memref<40xi32, #tpu.memory_space<vmem>>
      %dma_wait3A_122 = arith.constant 0 : i32
      %dma_wait3A_123 = arith.constant 0 : i32
      %dma_wait3A_124 = tpu.memref_slice %arg2[%dma_wait3A_122, %dma_wait3A_123] : memref<10000x64xi32, #tpu.memory_space<hbm>> -> memref<10000x64xi32, #tpu.memory_space<hbm>>
      tpu.wait_indirect_dma semaphore(%arg17 : memref<!tpu.dma_semaphore, #tpu.memory_space<semaphore_mem>>) src(%dma_wait3A_124 : memref<10000x64xi32, #tpu.memory_space<hbm>>) dst(%arg13 : memref<40x64xi32, #tpu.memory_space<vmem>>)
      %ge3A_125 = arith.constant 2 : i32
      %ge3A_126 = arith.cmpi sge, %add3A_119, %ge3A_125 : i32
      %convert_element_type3A_127 = arith.extui %ge3A_126 : i1 to i32
      %cond3A_128 = arith.constant 0 : i32
      %cond3A_129 = arith.cmpi ne, %convert_element_type3A_127, %cond3A_128 : i32
      scf.if %cond3A_129 {
        %dma_wait3A_161 = arith.constant 0 : i32
        %dma_wait3A_162 = arith.constant 0 : i32
        %dma_wait3A_163 = tpu.memref_slice %arg10[%dma_wait3A_161, %dma_wait3A_162] : memref<250x40xi32, #tpu.memory_space<vmem>> -> memref<1x40xi32, #tpu.memory_space<vmem>>
        %dma_wait3A_164 = tpu.memref_squeeze %dma_wait3A_163 : memref<1x40xi32, #tpu.memory_space<vmem>> -> memref<40xi32, #tpu.memory_space<vmem>>
        %dma_wait3A_165 = arith.constant 0 : i32
        %dma_wait3A_166 = arith.constant 0 : i32
        %dma_wait3A_167 = tpu.memref_slice %arg8[%dma_wait3A_165, %dma_wait3A_166] : memref<10000x128xf32, #tpu.memory_space<vmem_shared>> -> memref<10000x128xf32, #tpu.memory_space<vmem_shared>>
        tpu.wait_indirect_dma semaphore(%arg19 : memref<!tpu.dma_semaphore, #tpu.memory_space<semaphore_mem>>) src(%arg15 : memref<40x128xf32, #tpu.memory_space<vmem>>) dst(%dma_wait3A_167 : memref<10000x128xf32, #tpu.memory_space<vmem_shared>>)
      } else {
      }
      %dma_wait3A_130 = arith.constant 1 : i32
      %dma_wait3A_131 = arith.constant 0 : i32
      %dma_wait3A_132 = tpu.memref_slice %arg11[%dma_wait3A_130, %dma_wait3A_131] : memref<2x40xf32, #tpu.memory_space<vmem>> -> memref<1x40xf32, #tpu.memory_space<vmem>>
      %dma_wait3A_133 = tpu.memref_squeeze %dma_wait3A_132 : memref<1x40xf32, #tpu.memory_space<vmem>> -> memref<40xf32, #tpu.memory_space<vmem>>
      %dma_wait3A_134 = arith.constant 0 : i32
      %dma_wait3A_135 = tpu.memref_slice %arg5[%dma_wait3A_134] : memref<320000xf32, #tpu.memory_space<hbm>> -> memref<40xf32, #tpu.memory_space<hbm>>
      %dma_wait3A_136 = arith.constant 0 : i32
      %dma_wait3A_137 = tpu.memref_slice %arg11[%dma_wait3A_130, %dma_wait3A_136] : memref<2x40xf32, #tpu.memory_space<vmem>> -> memref<1x40xf32, #tpu.memory_space<vmem>>
      %dma_wait3A_138 = tpu.memref_squeeze %dma_wait3A_137 : memref<1x40xf32, #tpu.memory_space<vmem>> -> memref<40xf32, #tpu.memory_space<vmem>>
      %dma_wait3A_139 = arith.constant 0 : i32
      %dma_wait3A_140 = tpu.memref_slice %arg5[%dma_wait3A_139] : memref<320000xf32, #tpu.memory_space<hbm>> -> memref<40xf32, #tpu.memory_space<hbm>>
      tpu.wait_dma2 semaphore(%arg21 : memref<!tpu.dma_semaphore, #tpu.memory_space<semaphore_mem>>) src(%dma_wait3A_140 : memref<40xf32, #tpu.memory_space<hbm>>) dst(%dma_wait3A_138 : memref<40xf32, #tpu.memory_space<vmem>>)
      %broadcast_in_dim3A_141 = arith.constant -65536 : i32
      %broadcast_in_dim3A_142 = vector.broadcast %broadcast_in_dim3A_141 : i32 to vector<16xi32>
      %scan3A_143 = arith.constant 0 : i32
      %scan3A_144 = arith.constant 20 : i32
      %scan3A_145 = arith.addi %scan3A_143, %scan3A_144 : i32
      %scan3A_146 = arith.constant 1 : i32
      scf.for %scan3A_161 = %scan3A_143 to %scan3A_145 step %scan3A_146  : i32 {
        %mul3A_162 = arith.constant 2 : i32
        %mul3A_163 = arith.muli %scan3A_161, %mul3A_162 : i32
        %add3A_164 = arith.constant 0 : i32
        %add3A_165 = arith.addi %add3A_164, %mul3A_163 : i32
        %add3A_166 = arith.constant 0 : i32
        %add3A_167 = arith.addi %add3A_165, %add3A_166 : i32
        %broadcast_in_dim3A_168 = vector.broadcast %add3A_167 : i32 to vector<16xi32>
        %gather3A = arith.constant 1 : i32
        %gather3A_169 = arith.constant 0 : i32
        %gather3A_170 = tpu.memref_slice %arg11[%gather3A, %gather3A_169] : memref<2x40xf32, #tpu.memory_space<vmem>> -> memref<1x40xf32, #tpu.memory_space<vmem>>
        %gather3A_171 = tpu.memref_squeeze %gather3A_170 : memref<1x40xf32, #tpu.memory_space<vmem>> -> memref<40xf32, #tpu.memory_space<vmem>>
        %gather3A_172 = tpu.vector_load_idx %gather3A_171[%broadcast_in_dim3A_168] : memref<40xf32, #tpu.memory_space<vmem>>[vector<16xi32>], vector<16xf32>,
        %get3A = arith.index_cast %add3A_167 : i32 to index
        %get3A_173 = arith.constant 0 : index
        %get3A_174 = tpu.vector_load %arg13[%get3A, %get3A_173] {strides = array<i32>} : memref<40x64xi32, #tpu.memory_space<vmem>>, vector<16xi32>,
        %shift_left3A = arith.constant 16 : i32
        %shift_left3A_175 = vector.broadcast %shift_left3A : i32 to vector<16xi32>
        %shift_left3A_176 = arith.shli %get3A_174, %shift_left3A_175 : vector<16xi32>
        %bitcast3A = vector.bitcast %shift_left3A_176 : vector<16xi32> to vector<16xf32>
        %and3A = arith.andi %get3A_174, %broadcast_in_dim3A_142 : vector<16xi32>
        %bitcast3A_177 = vector.bitcast %and3A : vector<16xi32> to vector<16xf32>
        %mul3A_178 = arith.mulf %bitcast3A, %gather3A_172 : vector<16xf32>
        %swap3A = arith.index_cast %add3A_167 : i32 to index
        %swap3A_179 = arith.constant 0 : index
        %swap3A_180 = tpu.vector_load %arg15[%swap3A, %swap3A_179] {strides = array<i32>} : memref<40x128xf32, #tpu.memory_space<vmem>>, vector<16xf32>,
        tpu.vector_store %arg15[%swap3A, %swap3A_179], %mul3A_178 {strides = array<i32>} : memref<40x128xf32, #tpu.memory_space<vmem>>, vector<16xf32>,
        %mul3A_181 = arith.mulf %bitcast3A_177, %gather3A_172 : vector<16xf32>
        %swap3A_182 = arith.index_cast %add3A_167 : i32 to index
        %swap3A_183 = arith.constant 16 : index
        %swap3A_184 = tpu.vector_load %arg15[%swap3A_182, %swap3A_183] {strides = array<i32>} : memref<40x128xf32, #tpu.memory_space<vmem>>, vector<16xf32>,
        tpu.vector_store %arg15[%swap3A_182, %swap3A_183], %mul3A_181 {strides = array<i32>} : memref<40x128xf32, #tpu.memory_space<vmem>>, vector<16xf32>,
        %get3A_185 = arith.index_cast %add3A_167 : i32 to index
        %get3A_186 = arith.constant 16 : index
        %get3A_187 = tpu.vector_load %arg13[%get3A_185, %get3A_186] {strides = array<i32>} : memref<40x64xi32, #tpu.memory_space<vmem>>, vector<16xi32>,
        %shift_left3A_188 = arith.constant 16 : i32
        %shift_left3A_189 = vector.broadcast %shift_left3A_188 : i32 to vector<16xi32>
        %shift_left3A_190 = arith.shli %get3A_187, %shift_left3A_189 : vector<16xi32>
        %bitcast3A_191 = vector.bitcast %shift_left3A_190 : vector<16xi32> to vector<16xf32>
        %and3A_192 = arith.andi %get3A_187, %broadcast_in_dim3A_142 : vector<16xi32>
        %bitcast3A_193 = vector.bitcast %and3A_192 : vector<16xi32> to vector<16xf32>
        %mul3A_194 = arith.mulf %bitcast3A_191, %gather3A_172 : vector<16xf32>
        %swap3A_195 = arith.index_cast %add3A_167 : i32 to index
        %swap3A_196 = arith.constant 32 : index
        %swap3A_197 = tpu.vector_load %arg15[%swap3A_195, %swap3A_196] {strides = array<i32>} : memref<40x128xf32, #tpu.memory_space<vmem>>, vector<16xf32>,
        tpu.vector_store %arg15[%swap3A_195, %swap3A_196], %mul3A_194 {strides = array<i32>} : memref<40x128xf32, #tpu.memory_space<vmem>>, vector<16xf32>,
        %mul3A_198 = arith.mulf %bitcast3A_193, %gather3A_172 : vector<16xf32>
        %swap3A_199 = arith.index_cast %add3A_167 : i32 to index
        %swap3A_200 = arith.constant 48 : index
        %swap3A_201 = tpu.vector_load %arg15[%swap3A_199, %swap3A_200] {strides = array<i32>} : memref<40x128xf32, #tpu.memory_space<vmem>>, vector<16xf32>,
        tpu.vector_store %arg15[%swap3A_199, %swap3A_200], %mul3A_198 {strides = array<i32>} : memref<40x128xf32, #tpu.memory_space<vmem>>, vector<16xf32>,
        %get3A_202 = arith.index_cast %add3A_167 : i32 to index
        %get3A_203 = arith.constant 32 : index
        %get3A_204 = tpu.vector_load %arg13[%get3A_202, %get3A_203] {strides = array<i32>} : memref<40x64xi32, #tpu.memory_space<vmem>>, vector<16xi32>,
        %shift_left3A_205 = arith.constant 16 : i32
        %shift_left3A_206 = vector.broadcast %shift_left3A_205 : i32 to vector<16xi32>
        %shift_left3A_207 = arith.shli %get3A_204, %shift_left3A_206 : vector<16xi32>
        %bitcast3A_208 = vector.bitcast %shift_left3A_207 : vector<16xi32> to vector<16xf32>
        %and3A_209 = arith.andi %get3A_204, %broadcast_in_dim3A_142 : vector<16xi32>
        %bitcast3A_210 = vector.bitcast %and3A_209 : vector<16xi32> to vector<16xf32>
        %mul3A_211 = arith.mulf %bitcast3A_208, %gather3A_172 : vector<16xf32>
        %swap3A_212 = arith.index_cast %add3A_167 : i32 to index
        %swap3A_213 = arith.constant 64 : index
        %swap3A_214 = tpu.vector_load %arg15[%swap3A_212, %swap3A_213] {strides = array<i32>} : memref<40x128xf32, #tpu.memory_space<vmem>>, vector<16xf32>,
        tpu.vector_store %arg15[%swap3A_212, %swap3A_213], %mul3A_211 {strides = array<i32>} : memref<40x128xf32, #tpu.memory_space<vmem>>, vector<16xf32>,
        %mul3A_215 = arith.mulf %bitcast3A_210, %gather3A_172 : vector<16xf32>
        %swap3A_216 = arith.index_cast %add3A_167 : i32 to index
        %swap3A_217 = arith.constant 80 : index
        %swap3A_218 = tpu.vector_load %arg15[%swap3A_216, %swap3A_217] {strides = array<i32>} : memref<40x128xf32, #tpu.memory_space<vmem>>, vector<16xf32>,
        tpu.vector_store %arg15[%swap3A_216, %swap3A_217], %mul3A_215 {strides = array<i32>} : memref<40x128xf32, #tpu.memory_space<vmem>>, vector<16xf32>,
        %get3A_219 = arith.index_cast %add3A_167 : i32 to index
        %get3A_220 = arith.constant 48 : index
        %get3A_221 = tpu.vector_load %arg13[%get3A_219, %get3A_220] {strides = array<i32>} : memref<40x64xi32, #tpu.memory_space<vmem>>, vector<16xi32>,
        %shift_left3A_222 = arith.constant 16 : i32
        %shift_left3A_223 = vector.broadcast %shift_left3A_222 : i32 to vector<16xi32>
        %shift_left3A_224 = arith.shli %get3A_221, %shift_left3A_223 : vector<16xi32>
        %bitcast3A_225 = vector.bitcast %shift_left3A_224 : vector<16xi32> to vector<16xf32>
        %and3A_226 = arith.andi %get3A_221, %broadcast_in_dim3A_142 : vector<16xi32>
        %bitcast3A_227 = vector.bitcast %and3A_226 : vector<16xi32> to vector<16xf32>
        %mul3A_228 = arith.mulf %bitcast3A_225, %gather3A_172 : vector<16xf32>
        %swap3A_229 = arith.index_cast %add3A_167 : i32 to index
        %swap3A_230 = arith.constant 96 : index
        %swap3A_231 = tpu.vector_load %arg15[%swap3A_229, %swap3A_230] {strides = array<i32>} : memref<40x128xf32, #tpu.memory_space<vmem>>, vector<16xf32>,
        tpu.vector_store %arg15[%swap3A_229, %swap3A_230], %mul3A_228 {strides = array<i32>} : memref<40x128xf32, #tpu.memory_space<vmem>>, vector<16xf32>,
        %mul3A_232 = arith.mulf %bitcast3A_227, %gather3A_172 : vector<16xf32>
        %swap3A_233 = arith.index_cast %add3A_167 : i32 to index
        %swap3A_234 = arith.constant 112 : index
        %swap3A_235 = tpu.vector_load %arg15[%swap3A_233, %swap3A_234] {strides = array<i32>} : memref<40x128xf32, #tpu.memory_space<vmem>>, vector<16xf32>,
        tpu.vector_store %arg15[%swap3A_233, %swap3A_234], %mul3A_232 {strides = array<i32>} : memref<40x128xf32, #tpu.memory_space<vmem>>, vector<16xf32>,
        %add3A_236 = arith.constant 1 : i32
        %add3A_237 = arith.addi %add3A_165, %add3A_236 : i32
        %broadcast_in_dim3A_238 = vector.broadcast %add3A_237 : i32 to vector<16xi32>
        %gather3A_239 = arith.constant 1 : i32
        %gather3A_240 = arith.constant 0 : i32
        %gather3A_241 = tpu.memref_slice %arg11[%gather3A_239, %gather3A_240] : memref<2x40xf32, #tpu.memory_space<vmem>> -> memref<1x40xf32, #tpu.memory_space<vmem>>
        %gather3A_242 = tpu.memref_squeeze %gather3A_241 : memref<1x40xf32, #tpu.memory_space<vmem>> -> memref<40xf32, #tpu.memory_space<vmem>>
        %gather3A_243 = tpu.vector_load_idx %gather3A_242[%broadcast_in_dim3A_238] : memref<40xf32, #tpu.memory_space<vmem>>[vector<16xi32>], vector<16xf32>,
        %get3A_244 = arith.index_cast %add3A_237 : i32 to index
        %get3A_245 = arith.constant 0 : index
        %get3A_246 = tpu.vector_load %arg13[%get3A_244, %get3A_245] {strides = array<i32>} : memref<40x64xi32, #tpu.memory_space<vmem>>, vector<16xi32>,
        %shift_left3A_247 = arith.constant 16 : i32
        %shift_left3A_248 = vector.broadcast %shift_left3A_247 : i32 to vector<16xi32>
        %shift_left3A_249 = arith.shli %get3A_246, %shift_left3A_248 : vector<16xi32>
        %bitcast3A_250 = vector.bitcast %shift_left3A_249 : vector<16xi32> to vector<16xf32>
        %and3A_251 = arith.andi %get3A_246, %broadcast_in_dim3A_142 : vector<16xi32>
        %bitcast3A_252 = vector.bitcast %and3A_251 : vector<16xi32> to vector<16xf32>
        %mul3A_253 = arith.mulf %bitcast3A_250, %gather3A_243 : vector<16xf32>
        %swap3A_254 = arith.index_cast %add3A_237 : i32 to index
        %swap3A_255 = arith.constant 0 : index
        %swap3A_256 = tpu.vector_load %arg15[%swap3A_254, %swap3A_255] {strides = array<i32>} : memref<40x128xf32, #tpu.memory_space<vmem>>, vector<16xf32>,
        tpu.vector_store %arg15[%swap3A_254, %swap3A_255], %mul3A_253 {strides = array<i32>} : memref<40x128xf32, #tpu.memory_space<vmem>>, vector<16xf32>,
        %mul3A_257 = arith.mulf %bitcast3A_252, %gather3A_243 : vector<16xf32>
        %swap3A_258 = arith.index_cast %add3A_237 : i32 to index
        %swap3A_259 = arith.constant 16 : index
        %swap3A_260 = tpu.vector_load %arg15[%swap3A_258, %swap3A_259] {strides = array<i32>} : memref<40x128xf32, #tpu.memory_space<vmem>>, vector<16xf32>,
        tpu.vector_store %arg15[%swap3A_258, %swap3A_259], %mul3A_257 {strides = array<i32>} : memref<40x128xf32, #tpu.memory_space<vmem>>, vector<16xf32>,
        %get3A_261 = arith.index_cast %add3A_237 : i32 to index
        %get3A_262 = arith.constant 16 : index
        %get3A_263 = tpu.vector_load %arg13[%get3A_261, %get3A_262] {strides = array<i32>} : memref<40x64xi32, #tpu.memory_space<vmem>>, vector<16xi32>,
        %shift_left3A_264 = arith.constant 16 : i32
        %shift_left3A_265 = vector.broadcast %shift_left3A_264 : i32 to vector<16xi32>
        %shift_left3A_266 = arith.shli %get3A_263, %shift_left3A_265 : vector<16xi32>
        %bitcast3A_267 = vector.bitcast %shift_left3A_266 : vector<16xi32> to vector<16xf32>
        %and3A_268 = arith.andi %get3A_263, %broadcast_in_dim3A_142 : vector<16xi32>
        %bitcast3A_269 = vector.bitcast %and3A_268 : vector<16xi32> to vector<16xf32>
        %mul3A_270 = arith.mulf %bitcast3A_267, %gather3A_243 : vector<16xf32>
        %swap3A_271 = arith.index_cast %add3A_237 : i32 to index
        %swap3A_272 = arith.constant 32 : index
        %swap3A_273 = tpu.vector_load %arg15[%swap3A_271, %swap3A_272] {strides = array<i32>} : memref<40x128xf32, #tpu.memory_space<vmem>>, vector<16xf32>,
        tpu.vector_store %arg15[%swap3A_271, %swap3A_272], %mul3A_270 {strides = array<i32>} : memref<40x128xf32, #tpu.memory_space<vmem>>, vector<16xf32>,
        %mul3A_274 = arith.mulf %bitcast3A_269, %gather3A_243 : vector<16xf32>
        %swap3A_275 = arith.index_cast %add3A_237 : i32 to index
        %swap3A_276 = arith.constant 48 : index
        %swap3A_277 = tpu.vector_load %arg15[%swap3A_275, %swap3A_276] {strides = array<i32>} : memref<40x128xf32, #tpu.memory_space<vmem>>, vector<16xf32>,
        tpu.vector_store %arg15[%swap3A_275, %swap3A_276], %mul3A_274 {strides = array<i32>} : memref<40x128xf32, #tpu.memory_space<vmem>>, vector<16xf32>,
        %get3A_278 = arith.index_cast %add3A_237 : i32 to index
        %get3A_279 = arith.constant 32 : index
        %get3A_280 = tpu.vector_load %arg13[%get3A_278, %get3A_279] {strides = array<i32>} : memref<40x64xi32, #tpu.memory_space<vmem>>, vector<16xi32>,
        %shift_left3A_281 = arith.constant 16 : i32
        %shift_left3A_282 = vector.broadcast %shift_left3A_281 : i32 to vector<16xi32>
        %shift_left3A_283 = arith.shli %get3A_280, %shift_left3A_282 : vector<16xi32>
        %bitcast3A_284 = vector.bitcast %shift_left3A_283 : vector<16xi32> to vector<16xf32>
        %and3A_285 = arith.andi %get3A_280, %broadcast_in_dim3A_142 : vector<16xi32>
        %bitcast3A_286 = vector.bitcast %and3A_285 : vector<16xi32> to vector<16xf32>
        %mul3A_287 = arith.mulf %bitcast3A_284, %gather3A_243 : vector<16xf32>
        %swap3A_288 = arith.index_cast %add3A_237 : i32 to index
        %swap3A_289 = arith.constant 64 : index
        %swap3A_290 = tpu.vector_load %arg15[%swap3A_288, %swap3A_289] {strides = array<i32>} : memref<40x128xf32, #tpu.memory_space<vmem>>, vector<16xf32>,
        tpu.vector_store %arg15[%swap3A_288, %swap3A_289], %mul3A_287 {strides = array<i32>} : memref<40x128xf32, #tpu.memory_space<vmem>>, vector<16xf32>,
        %mul3A_291 = arith.mulf %bitcast3A_286, %gather3A_243 : vector<16xf32>
        %swap3A_292 = arith.index_cast %add3A_237 : i32 to index
        %swap3A_293 = arith.constant 80 : index
        %swap3A_294 = tpu.vector_load %arg15[%swap3A_292, %swap3A_293] {strides = array<i32>} : memref<40x128xf32, #tpu.memory_space<vmem>>, vector<16xf32>,
        tpu.vector_store %arg15[%swap3A_292, %swap3A_293], %mul3A_291 {strides = array<i32>} : memref<40x128xf32, #tpu.memory_space<vmem>>, vector<16xf32>,
        %get3A_295 = arith.index_cast %add3A_237 : i32 to index
        %get3A_296 = arith.constant 48 : index
        %get3A_297 = tpu.vector_load %arg13[%get3A_295, %get3A_296] {strides = array<i32>} : memref<40x64xi32, #tpu.memory_space<vmem>>, vector<16xi32>,
        %shift_left3A_298 = arith.constant 16 : i32
        %shift_left3A_299 = vector.broadcast %shift_left3A_298 : i32 to vector<16xi32>
        %shift_left3A_300 = arith.shli %get3A_297, %shift_left3A_299 : vector<16xi32>
        %bitcast3A_301 = vector.bitcast %shift_left3A_300 : vector<16xi32> to vector<16xf32>
        %and3A_302 = arith.andi %get3A_297, %broadcast_in_dim3A_142 : vector<16xi32>
        %bitcast3A_303 = vector.bitcast %and3A_302 : vector<16xi32> to vector<16xf32>
        %mul3A_304 = arith.mulf %bitcast3A_301, %gather3A_243 : vector<16xf32>
        %swap3A_305 = arith.index_cast %add3A_237 : i32 to index
        %swap3A_306 = arith.constant 96 : index
        %swap3A_307 = tpu.vector_load %arg15[%swap3A_305, %swap3A_306] {strides = array<i32>} : memref<40x128xf32, #tpu.memory_space<vmem>>, vector<16xf32>,
        tpu.vector_store %arg15[%swap3A_305, %swap3A_306], %mul3A_304 {strides = array<i32>} : memref<40x128xf32, #tpu.memory_space<vmem>>, vector<16xf32>,
        %mul3A_308 = arith.mulf %bitcast3A_303, %gather3A_243 : vector<16xf32>
        %swap3A_309 = arith.index_cast %add3A_237 : i32 to index
        %swap3A_310 = arith.constant 112 : index
        %swap3A_311 = tpu.vector_load %arg15[%swap3A_309, %swap3A_310] {strides = array<i32>} : memref<40x128xf32, #tpu.memory_space<vmem>>, vector<16xf32>,
        tpu.vector_store %arg15[%swap3A_309, %swap3A_310], %mul3A_308 {strides = array<i32>} : memref<40x128xf32, #tpu.memory_space<vmem>>, vector<16xf32>,
      }
      %scan3A_147 = arith.constant 20 : i32
      %add3A_148 = arith.constant 2 : i32
      %add3A_149 = arith.addi %add3A_119, %add3A_148 : i32
      %lt3A_150 = arith.constant 250 : i32
      %lt3A_151 = arith.cmpi slt, %add3A_149, %lt3A_150 : i32
      %convert_element_type3A_152 = arith.extui %lt3A_151 : i1 to i32
      %cond3A_153 = arith.constant 0 : i32
      %cond3A_154 = arith.cmpi ne, %convert_element_type3A_152, %cond3A_153 : i32
      scf.if %cond3A_154 {
        %add3A_161 = arith.constant 2 : i32
        %add3A_162 = arith.addi %add3A_119, %add3A_161 : i32
        %mul3A_163 = arith.constant 40 : i32
        %mul3A_164 = arith.muli %add3A_162, %mul3A_163 : i32
        %dma_start3A_165 = tpu.memref_slice %arg9[%mul3A_164] : memref<10000xi32, #tpu.memory_space<vmem>> -> memref<40xi32, #tpu.memory_space<vmem>>
        %dma_start3A_166 = arith.constant 0 : i32
        %dma_start3A_167 = arith.constant 0 : i32
        %dma_start3A_168 = tpu.memref_slice %arg2[%dma_start3A_166, %dma_start3A_167] : memref<10000x64xi32, #tpu.memory_space<hbm>> -> memref<10000x64xi32, #tpu.memory_space<hbm>>
        tpu.enqueue_indirect_dma source(%dma_start3A_168 : memref<10000x64xi32, #tpu.memory_space<hbm>>) target(%arg13 : memref<40x64xi32, #tpu.memory_space<vmem>>) offsets(%dma_start3A_165 : memref<40xi32, #tpu.memory_space<vmem>>) semaphore(%arg17 : memref<!tpu.dma_semaphore, #tpu.memory_space<semaphore_mem>>)
        %add3A_169 = arith.constant 2 : i32
        %add3A_170 = arith.addi %add3A_119, %add3A_169 : i32
        %mul3A_171 = arith.constant 10000 : i32
        %mul3A_172 = arith.muli %add3A, %mul3A_171 : i32
        %mul3A_173 = arith.constant 40 : i32
        %mul3A_174 = arith.muli %add3A_170, %mul3A_173 : i32
        %add3A_175 = arith.addi %mul3A_172, %mul3A_174 : i32
        %dma_start3A_176 = arith.constant 1 : i32
        %dma_start3A_177 = arith.constant 0 : i32
        %dma_start3A_178 = tpu.memref_slice %arg11[%dma_start3A_176, %dma_start3A_177] : memref<2x40xf32, #tpu.memory_space<vmem>> -> memref<1x40xf32, #tpu.memory_space<vmem>>
        %dma_start3A_179 = tpu.memref_squeeze %dma_start3A_178 : memref<1x40xf32, #tpu.memory_space<vmem>> -> memref<40xf32, #tpu.memory_space<vmem>>
        %dma_start3A_180 = tpu.memref_slice %arg5[%add3A_175] : memref<320000xf32, #tpu.memory_space<hbm>> -> memref<40xf32, #tpu.memory_space<hbm>>
        %dma_start3A_181 = arith.constant 0 : i32
        %dma_start3A_182 = tpu.memref_slice %arg11[%dma_start3A_176, %dma_start3A_181] : memref<2x40xf32, #tpu.memory_space<vmem>> -> memref<1x40xf32, #tpu.memory_space<vmem>>
        %dma_start3A_183 = tpu.memref_squeeze %dma_start3A_182 : memref<1x40xf32, #tpu.memory_space<vmem>> -> memref<40xf32, #tpu.memory_space<vmem>>
        %dma_start3A_184 = tpu.memref_slice %arg5[%add3A_175] : memref<320000xf32, #tpu.memory_space<hbm>> -> memref<40xf32, #tpu.memory_space<hbm>>
        tpu.enqueue_dma source(%dma_start3A_184 : memref<40xf32, #tpu.memory_space<hbm>>) target(%dma_start3A_183 : memref<40xf32, #tpu.memory_space<vmem>>) target_semaphore(%arg21 : memref<!tpu.dma_semaphore, #tpu.memory_space<semaphore_mem>>)
      } else {
      }
      %dma_start3A_155 = arith.constant 0 : i32
      %dma_start3A_156 = tpu.memref_slice %arg10[%add3A_119, %dma_start3A_155] : memref<250x40xi32, #tpu.memory_space<vmem>> -> memref<1x40xi32, #tpu.memory_space<vmem>>
      %dma_start3A_157 = tpu.memref_squeeze %dma_start3A_156 : memref<1x40xi32, #tpu.memory_space<vmem>> -> memref<40xi32, #tpu.memory_space<vmem>>
      %dma_start3A_158 = arith.constant 0 : i32
      %dma_start3A_159 = arith.constant 0 : i32
      %dma_start3A_160 = tpu.memref_slice %arg8[%dma_start3A_158, %dma_start3A_159] : memref<10000x128xf32, #tpu.memory_space<vmem_shared>> -> memref<10000x128xf32, #tpu.memory_space<vmem_shared>>
      tpu.enqueue_indirect_dma source(%arg15 : memref<40x128xf32, #tpu.memory_space<vmem>>) target(%dma_start3A_160 : memref<10000x128xf32, #tpu.memory_space<vmem_shared>>) offsets(%dma_start3A_157 : memref<40xi32, #tpu.memory_space<vmem>>) semaphore(%arg19 : memref<!tpu.dma_semaphore, #tpu.memory_space<semaphore_mem>>) {add = true}
    }
    %scan3A_47 = arith.constant 125 : i32
    %dma_wait3A = arith.constant 0 : i32
    %dma_wait3A_48 = arith.constant 0 : i32
    %dma_wait3A_49 = tpu.memref_slice %arg10[%dma_wait3A, %dma_wait3A_48] : memref<250x40xi32, #tpu.memory_space<vmem>> -> memref<1x40xi32, #tpu.memory_space<vmem>>
    %dma_wait3A_50 = tpu.memref_squeeze %dma_wait3A_49 : memref<1x40xi32, #tpu.memory_space<vmem>> -> memref<40xi32, #tpu.memory_space<vmem>>
    %dma_wait3A_51 = arith.constant 0 : i32
    %dma_wait3A_52 = arith.constant 0 : i32
    %dma_wait3A_53 = tpu.memref_slice %arg8[%dma_wait3A_51, %dma_wait3A_52] : memref<10000x128xf32, #tpu.memory_space<vmem_shared>> -> memref<10000x128xf32, #tpu.memory_space<vmem_shared>>
    tpu.wait_indirect_dma semaphore(%arg19 : memref<!tpu.dma_semaphore, #tpu.memory_space<semaphore_mem>>) src(%arg15 : memref<40x128xf32, #tpu.memory_space<vmem>>) dst(%dma_wait3A_53 : memref<10000x128xf32, #tpu.memory_space<vmem_shared>>)
    %dma_wait3A_54 = arith.constant 0 : i32
    %dma_wait3A_55 = arith.constant 0 : i32
    %dma_wait3A_56 = tpu.memref_slice %arg10[%dma_wait3A_54, %dma_wait3A_55] : memref<250x40xi32, #tpu.memory_space<vmem>> -> memref<1x40xi32, #tpu.memory_space<vmem>>
    %dma_wait3A_57 = tpu.memref_squeeze %dma_wait3A_56 : memref<1x40xi32, #tpu.memory_space<vmem>> -> memref<40xi32, #tpu.memory_space<vmem>>
    %dma_wait3A_58 = arith.constant 0 : i32
    %dma_wait3A_59 = arith.constant 0 : i32
    %dma_wait3A_60 = tpu.memref_slice %arg8[%dma_wait3A_58, %dma_wait3A_59] : memref<10000x128xf32, #tpu.memory_space<vmem_shared>> -> memref<10000x128xf32, #tpu.memory_space<vmem_shared>>
    tpu.wait_indirect_dma semaphore(%arg18 : memref<!tpu.dma_semaphore, #tpu.memory_space<semaphore_mem>>) src(%arg14 : memref<40x128xf32, #tpu.memory_space<vmem>>) dst(%dma_wait3A_60 : memref<10000x128xf32, #tpu.memory_space<vmem_shared>>)
    %barrier3A_61 = arith.constant 0 : index
    tpu.barrier barrier_id(%barrier3A_61)
    %lt3A_62 = arith.constant 15 : i32
    %lt3A_63 = arith.cmpi slt, %arg1, %lt3A_62 : i32
    %convert_element_type3A_64 = arith.extui %lt3A_63 : i1 to i32
    %cond3A_65 = arith.constant 0 : i32
    %cond3A_66 = arith.cmpi ne, %convert_element_type3A_64, %cond3A_65 : i32
    scf.if %cond3A_66 {
      %mul3A_72 = arith.constant 624 : i32
      %mul3A_73 = arith.muli %arg1, %mul3A_72 : i32
      "tpu.region"() ({
        %run_scoped3A = tpu.sem_alloc : memref<!tpu.dma_semaphore, #tpu.memory_space<semaphore_mem>>
        %dma_start3A_74 = arith.constant 0 : i32
        %dma_start3A_75 = tpu.memref_slice %arg7[%arg0, %mul3A_73, %dma_start3A_74] : memref<2x10000x128xf32, #tpu.memory_space<hbm>> -> memref<1x624x128xf32, #tpu.memory_space<hbm>>
        %dma_start3A_76 = tpu.memref_squeeze %dma_start3A_75 : memref<1x624x128xf32, #tpu.memory_space<hbm>> -> memref<624x128xf32, #tpu.memory_space<hbm>>
        %dma_start3A_77 = arith.constant 0 : i32
        %dma_start3A_78 = tpu.memref_slice %arg8[%mul3A_73, %dma_start3A_77] : memref<10000x128xf32, #tpu.memory_space<vmem_shared>> -> memref<624x128xf32, #tpu.memory_space<vmem_shared>>
        tpu.enqueue_dma source(%dma_start3A_78 : memref<624x128xf32, #tpu.memory_space<vmem_shared>>) target(%dma_start3A_76 : memref<624x128xf32, #tpu.memory_space<hbm>>) target_semaphore(%run_scoped3A : memref<!tpu.dma_semaphore, #tpu.memory_space<semaphore_mem>>)
        %dma_wait3A_79 = arith.constant 0 : i32
        %dma_wait3A_80 = tpu.memref_slice %arg7[%arg0, %mul3A_73, %dma_wait3A_79] : memref<2x10000x128xf32, #tpu.memory_space<hbm>> -> memref<1x624x128xf32, #tpu.memory_space<hbm>>
        %dma_wait3A_81 = tpu.memref_squeeze %dma_wait3A_80 : memref<1x624x128xf32, #tpu.memory_space<hbm>> -> memref<624x128xf32, #tpu.memory_space<hbm>>
        %dma_wait3A_82 = arith.constant 0 : i32
        %dma_wait3A_83 = tpu.memref_slice %arg8[%mul3A_73, %dma_wait3A_82] : memref<10000x128xf32, #tpu.memory_space<vmem_shared>> -> memref<624x128xf32, #tpu.memory_space<vmem_shared>>
        tpu.wait_dma2 semaphore(%run_scoped3A : memref<!tpu.dma_semaphore, #tpu.memory_space<semaphore_mem>>) src(%dma_wait3A_83 : memref<624x128xf32, #tpu.memory_space<vmem_shared>>) dst(%dma_wait3A_81 : memref<624x128xf32, #tpu.memory_space<hbm>>)
        tpu.yield
      }) : () -> ()
    } else {
    }
    %eq3A_67 = arith.constant 15 : i32
    %eq3A_68 = arith.cmpi eq, %arg1, %eq3A_67 : i32
    %convert_element_type3A_69 = arith.extui %eq3A_68 : i1 to i32
    %cond3A_70 = arith.constant 0 : i32
    %cond3A_71 = arith.cmpi ne, %convert_element_type3A_69, %cond3A_70 : i32
    scf.if %cond3A_71 {
      "tpu.region"() ({
        %run_scoped3A = tpu.sem_alloc : memref<!tpu.dma_semaphore, #tpu.memory_space<semaphore_mem>>
        %dma_start3A_72 = arith.constant 9360 : i32
        %dma_start3A_73 = arith.constant 0 : i32
        %dma_start3A_74 = tpu.memref_slice %arg7[%arg0, %dma_start3A_72, %dma_start3A_73] : memref<2x10000x128xf32, #tpu.memory_space<hbm>> -> memref<1x640x128xf32, #tpu.memory_space<hbm>>
        %dma_start3A_75 = tpu.memref_squeeze %dma_start3A_74 : memref<1x640x128xf32, #tpu.memory_space<hbm>> -> memref<640x128xf32, #tpu.memory_space<hbm>>
        %dma_start3A_76 = arith.constant 9360 : i32
        %dma_start3A_77 = arith.constant 0 : i32
        %dma_start3A_78 = tpu.memref_slice %arg8[%dma_start3A_76, %dma_start3A_77] : memref<10000x128xf32, #tpu.memory_space<vmem_shared>> -> memref<640x128xf32, #tpu.memory_space<vmem_shared>>
        tpu.enqueue_dma source(%dma_start3A_78 : memref<640x128xf32, #tpu.memory_space<vmem_shared>>) target(%dma_start3A_75 : memref<640x128xf32, #tpu.memory_space<hbm>>) target_semaphore(%run_scoped3A : memref<!tpu.dma_semaphore, #tpu.memory_space<semaphore_mem>>)
        %dma_wait3A_79 = arith.constant 9360 : i32
        %dma_wait3A_80 = arith.constant 0 : i32
        %dma_wait3A_81 = tpu.memref_slice %arg7[%arg0, %dma_wait3A_79, %dma_wait3A_80] : memref<2x10000x128xf32, #tpu.memory_space<hbm>> -> memref<1x640x128xf32, #tpu.memory_space<hbm>>
        %dma_wait3A_82 = tpu.memref_squeeze %dma_wait3A_81 : memref<1x640x128xf32, #tpu.memory_space<hbm>> -> memref<640x128xf32, #tpu.memory_space<hbm>>
        %dma_wait3A_83 = arith.constant 9360 : i32
        %dma_wait3A_84 = arith.constant 0 : i32
        %dma_wait3A_85 = tpu.memref_slice %arg8[%dma_wait3A_83, %dma_wait3A_84] : memref<10000x128xf32, #tpu.memory_space<vmem_shared>> -> memref<640x128xf32, #tpu.memory_space<vmem_shared>>
        tpu.wait_dma2 semaphore(%run_scoped3A : memref<!tpu.dma_semaphore, #tpu.memory_space<semaphore_mem>>) src(%dma_wait3A_85 : memref<640x128xf32, #tpu.memory_space<vmem_shared>>) dst(%dma_wait3A_82 : memref<640x128xf32, #tpu.memory_space<hbm>>)
        tpu.yield
      }) : () -> ()
    } else {
    }
    return
  }
}

module attributes {stable_mosaic.version = 14 : i64} {
  func.func @_t1_body(%arg0: memref<10000x128xf32, #tpu.memory_space<vmem>>, %arg1: memref<128x128xf32, #tpu.memory_space<vmem>>, %arg2: memref<128x128xf32, #tpu.memory_space<vmem>>, %arg3: memref<10000x1xf32, #tpu.memory_space<vmem>>, %arg4: memref<10000x128xf32, #tpu.memory_space<vmem>>, %arg5: memref<10000x128xbf16, #tpu.memory_space<vmem>>) attributes {dimension_semantics = [], scalar_prefetch = 0 : i64, scratch_operands = 0 : i64, tpu.core_type = #tpu.core_type<tc>} {
    %get3A = arith.constant 0 : index
    %get3A_0 = arith.constant 0 : index
    %get3A_1 = vector.load %arg0[%get3A, %get3A_0] : memref<10000x128xf32, #tpu.memory_space<vmem>>, vector<10000x128xf32>
    %get3A_2 = arith.constant 0 : index
    %get3A_3 = arith.constant 0 : index
    %get3A_4 = vector.load %arg3[%get3A_2, %get3A_3] : memref<10000x1xf32, #tpu.memory_space<vmem>>, vector<10000x1xf32>
    %get3A_5 = arith.constant 0 : index
    %get3A_6 = arith.constant 0 : index
    %get3A_7 = vector.load %arg1[%get3A_5, %get3A_6] : memref<128x128xf32, #tpu.memory_space<vmem>>, vector<128x128xf32>
    %dot_general3A = arith.constant dense<0.000000e+00> : vector<10000x128xf32>
    %dot_general3A_8 = tpu.matmul %get3A_1, %get3A_7, %dot_general3A {dimension_numbers = #tpu.dot_dimension_numbers<[1], [0], [0], [1], [0, 0, 1, 1], [], []>, transpose_lhs_hint = false} : vector<10000x128xf32>, vector<128x128xf32>, vector<10000x128xf32> -> vector<10000x128xf32>
    %mul3A = vector.broadcast %get3A_4 : vector<10000x1xf32> to vector<10000x128xf32>
    %mul3A_9 = arith.mulf %mul3A, %dot_general3A_8 : vector<10000x128xf32>
    %swap3A = arith.constant 0 : index
    %swap3A_10 = arith.constant 0 : index
    %swap3A_11 = vector.load %arg4[%swap3A, %swap3A_10] : memref<10000x128xf32, #tpu.memory_space<vmem>>, vector<10000x128xf32>
    tpu.vector_store %arg4[%swap3A, %swap3A_10], %mul3A_9 {strides = array<i32>} : memref<10000x128xf32, #tpu.memory_space<vmem>>, vector<10000x128xf32>,
    %get3A_12 = arith.constant 0 : index
    %get3A_13 = arith.constant 0 : index
    %get3A_14 = vector.load %arg2[%get3A_12, %get3A_13] : memref<128x128xf32, #tpu.memory_space<vmem>>, vector<128x128xf32>
    %dot_general3A_15 = arith.constant dense<0.000000e+00> : vector<10000x128xf32>
    %dot_general3A_16 = tpu.matmul %get3A_1, %get3A_14, %dot_general3A_15 {dimension_numbers = #tpu.dot_dimension_numbers<[1], [0], [0], [1], [0, 0, 1, 1], [], []>, transpose_lhs_hint = false} : vector<10000x128xf32>, vector<128x128xf32>, vector<10000x128xf32> -> vector<10000x128xf32>
    %mul3A_17 = vector.broadcast %get3A_4 : vector<10000x1xf32> to vector<10000x128xf32>
    %mul3A_18 = arith.mulf %mul3A_17, %dot_general3A_16 : vector<10000x128xf32>
    %convert_element_type3A = arith.truncf %mul3A_18 : vector<10000x128xf32> to vector<10000x128xbf16>
    %swap3A_19 = arith.constant 0 : index
    %swap3A_20 = arith.constant 0 : index
    %swap3A_21 = vector.load %arg5[%swap3A_19, %swap3A_20] : memref<10000x128xbf16, #tpu.memory_space<vmem>>, vector<10000x128xbf16>
    tpu.vector_store %arg5[%swap3A_19, %swap3A_20], %convert_element_type3A {strides = array<i32>} : memref<10000x128xbf16, #tpu.memory_space<vmem>>, vector<10000x128xbf16>,
    return
  }
}

module attributes {stable_mosaic.version = 14 : i64} {
  func.func @_t0_body(%arg0: memref<32x10000xf32, #tpu.memory_space<vmem>>, %arg1: memref<10000xf32, #tpu.memory_space<vmem>>) attributes {dimension_semantics = [], scalar_prefetch = 0 : i64, scratch_operands = 0 : i64, tpu.core_type = #tpu.core_type<tc>} {
    %get3A = arith.constant 0 : index
    %get3A_0 = arith.constant 0 : index
    %get3A_1 = vector.load %arg0[%get3A, %get3A_0] : memref<32x10000xf32, #tpu.memory_space<vmem>>, vector<32x10000xf32>
    %reduce_sum3A = arith.constant dense<0.000000e+00> : vector<10000xf32>
    %reduce_sum3A_2 = vector.multi_reduction <add>, %get3A_1, %reduce_sum3A [0] : vector<32x10000xf32> to vector<10000xf32>
    %add3A = arith.constant 1.000000e+00 : f32
    %add3A_3 = vector.broadcast %add3A : f32 to vector<10000xf32>
    %add3A_4 = arith.addf %reduce_sum3A_2, %add3A_3 : vector<10000xf32>
    %rsqrt3A = math.rsqrt %add3A_4 : vector<10000xf32>
    %swap3A = arith.constant 0 : index
    %swap3A_5 = vector.load %arg1[%swap3A] : memref<10000xf32, #tpu.memory_space<vmem>>, vector<10000xf32>
    tpu.vector_store %arg1[%swap3A], %rsqrt3A {strides = array<i32>} : memref<10000xf32, #tpu.memory_space<vmem>>, vector<10000xf32>,
    return
  }
}

module attributes {stable_mosaic.version = 14 : i64} {
  func.func @_mid_body(%arg0: memref<2x10000x128xf32, #tpu.memory_space<vmem>>, %arg1: memref<10000x128xf32, #tpu.memory_space<vmem>>, %arg2: memref<10000x1xf32, #tpu.memory_space<vmem>>, %arg3: memref<1x128xf32, #tpu.memory_space<vmem>>, %arg4: memref<128x128xf32, #tpu.memory_space<vmem>>, %arg5: memref<128x128xf32, #tpu.memory_space<vmem>>, %arg6: memref<10000x128xf32, #tpu.memory_space<vmem>>, %arg7: memref<10000x128xbf16, #tpu.memory_space<vmem>>) attributes {dimension_semantics = [], scalar_prefetch = 0 : i64, scratch_operands = 0 : i64, tpu.core_type = #tpu.core_type<tc>} {
    %get3A = arith.constant 0 : index
    %get3A_0 = arith.constant 0 : index
    %get3A_1 = vector.load %arg2[%get3A, %get3A_0] : memref<10000x1xf32, #tpu.memory_space<vmem>>, vector<10000x1xf32>
    %get3A_2 = arith.constant 0 : index
    %get3A_3 = arith.constant 0 : index
    %get3A_4 = arith.constant 0 : index
    %get3A_5 = vector.load %arg0[%get3A_2, %get3A_3, %get3A_4] : memref<2x10000x128xf32, #tpu.memory_space<vmem>>, vector<1x10000x128xf32>
    %get3A_6 = vector.shape_cast %get3A_5 : vector<1x10000x128xf32> to vector<10000x128xf32>
    %get3A_7 = arith.constant 1 : index
    %get3A_8 = arith.constant 0 : index
    %get3A_9 = arith.constant 0 : index
    %get3A_10 = vector.load %arg0[%get3A_7, %get3A_8, %get3A_9] : memref<2x10000x128xf32, #tpu.memory_space<vmem>>, vector<1x10000x128xf32>
    %get3A_11 = vector.shape_cast %get3A_10 : vector<1x10000x128xf32> to vector<10000x128xf32>
    %add3A = arith.addf %get3A_6, %get3A_11 : vector<10000x128xf32>
    %get3A_12 = arith.constant 0 : index
    %get3A_13 = arith.constant 0 : index
    %get3A_14 = vector.load %arg1[%get3A_12, %get3A_13] : memref<10000x128xf32, #tpu.memory_space<vmem>>, vector<10000x128xf32>
    %add3A_15 = arith.addf %add3A, %get3A_14 : vector<10000x128xf32>
    %mul3A = vector.broadcast %get3A_1 : vector<10000x1xf32> to vector<10000x128xf32>
    %mul3A_16 = arith.mulf %mul3A, %add3A_15 : vector<10000x128xf32>
    %get3A_17 = arith.constant 0 : index
    %get3A_18 = arith.constant 0 : index
    %get3A_19 = vector.load %arg3[%get3A_17, %get3A_18] : memref<1x128xf32, #tpu.memory_space<vmem>>, vector<1x128xf32>
    %add3A_20 = vector.broadcast %get3A_19 : vector<1x128xf32> to vector<10000x128xf32>
    %add3A_21 = arith.addf %mul3A_16, %add3A_20 : vector<10000x128xf32>
    %max3A = arith.constant 0.000000e+00 : f32
    %max3A_22 = vector.broadcast %max3A : f32 to vector<10000x128xf32>
    %max3A_23 = arith.maximumf %add3A_21, %max3A_22 : vector<10000x128xf32>
    %get3A_24 = arith.constant 0 : index
    %get3A_25 = arith.constant 0 : index
    %get3A_26 = vector.load %arg4[%get3A_24, %get3A_25] : memref<128x128xf32, #tpu.memory_space<vmem>>, vector<128x128xf32>
    %dot_general3A = arith.constant dense<0.000000e+00> : vector<10000x128xf32>
    %dot_general3A_27 = tpu.matmul %max3A_23, %get3A_26, %dot_general3A {dimension_numbers = #tpu.dot_dimension_numbers<[1], [0], [0], [1], [0, 0, 1, 1], [], []>, transpose_lhs_hint = false} : vector<10000x128xf32>, vector<128x128xf32>, vector<10000x128xf32> -> vector<10000x128xf32>
    %mul3A_28 = vector.broadcast %get3A_1 : vector<10000x1xf32> to vector<10000x128xf32>
    %mul3A_29 = arith.mulf %mul3A_28, %dot_general3A_27 : vector<10000x128xf32>
    %swap3A = arith.constant 0 : index
    %swap3A_30 = arith.constant 0 : index
    %swap3A_31 = vector.load %arg6[%swap3A, %swap3A_30] : memref<10000x128xf32, #tpu.memory_space<vmem>>, vector<10000x128xf32>
    tpu.vector_store %arg6[%swap3A, %swap3A_30], %mul3A_29 {strides = array<i32>} : memref<10000x128xf32, #tpu.memory_space<vmem>>, vector<10000x128xf32>,
    %get3A_32 = arith.constant 0 : index
    %get3A_33 = arith.constant 0 : index
    %get3A_34 = vector.load %arg5[%get3A_32, %get3A_33] : memref<128x128xf32, #tpu.memory_space<vmem>>, vector<128x128xf32>
    %dot_general3A_35 = arith.constant dense<0.000000e+00> : vector<10000x128xf32>
    %dot_general3A_36 = tpu.matmul %max3A_23, %get3A_34, %dot_general3A_35 {dimension_numbers = #tpu.dot_dimension_numbers<[1], [0], [0], [1], [0, 0, 1, 1], [], []>, transpose_lhs_hint = false} : vector<10000x128xf32>, vector<128x128xf32>, vector<10000x128xf32> -> vector<10000x128xf32>
    %mul3A_37 = vector.broadcast %get3A_1 : vector<10000x1xf32> to vector<10000x128xf32>
    %mul3A_38 = arith.mulf %mul3A_37, %dot_general3A_36 : vector<10000x128xf32>
    %convert_element_type3A = arith.truncf %mul3A_38 : vector<10000x128xf32> to vector<10000x128xbf16>
    %swap3A_39 = arith.constant 0 : index
    %swap3A_40 = arith.constant 0 : index
    %swap3A_41 = vector.load %arg7[%swap3A_39, %swap3A_40] : memref<10000x128xbf16, #tpu.memory_space<vmem>>, vector<10000x128xbf16>
    tpu.vector_store %arg7[%swap3A_39, %swap3A_40], %convert_element_type3A {strides = array<i32>} : memref<10000x128xbf16, #tpu.memory_space<vmem>>, vector<10000x128xbf16>,
    return
  }
}

module attributes {stable_mosaic.version = 14 : i64} {
  func.func @_head_body(%arg0: memref<2x10000x128xf32, #tpu.memory_space<vmem>>, %arg1: memref<10000x128xf32, #tpu.memory_space<vmem>>, %arg2: memref<10000x1xf32, #tpu.memory_space<vmem>>, %arg3: memref<1x128xf32, #tpu.memory_space<vmem>>, %arg4: memref<10000x1xi32, #tpu.memory_space<vmem>>, %arg5: memref<128x128xf32, #tpu.memory_space<vmem>>, %arg6: memref<1x128xf32, #tpu.memory_space<vmem>>, %arg7: memref<128x128xf32, #tpu.memory_space<vmem>>) attributes {dimension_semantics = [], scalar_prefetch = 0 : i64, scratch_operands = 0 : i64, tpu.core_type = #tpu.core_type<tc>} {
    %get3A = arith.constant 0 : index
    %get3A_0 = arith.constant 0 : index
    %get3A_1 = vector.load %arg2[%get3A, %get3A_0] : memref<10000x1xf32, #tpu.memory_space<vmem>>, vector<10000x1xf32>
    %get3A_2 = arith.constant 0 : index
    %get3A_3 = arith.constant 0 : index
    %get3A_4 = arith.constant 0 : index
    %get3A_5 = vector.load %arg0[%get3A_2, %get3A_3, %get3A_4] : memref<2x10000x128xf32, #tpu.memory_space<vmem>>, vector<1x10000x128xf32>
    %get3A_6 = vector.shape_cast %get3A_5 : vector<1x10000x128xf32> to vector<10000x128xf32>
    %get3A_7 = arith.constant 1 : index
    %get3A_8 = arith.constant 0 : index
    %get3A_9 = arith.constant 0 : index
    %get3A_10 = vector.load %arg0[%get3A_7, %get3A_8, %get3A_9] : memref<2x10000x128xf32, #tpu.memory_space<vmem>>, vector<1x10000x128xf32>
    %get3A_11 = vector.shape_cast %get3A_10 : vector<1x10000x128xf32> to vector<10000x128xf32>
    %add3A = arith.addf %get3A_6, %get3A_11 : vector<10000x128xf32>
    %get3A_12 = arith.constant 0 : index
    %get3A_13 = arith.constant 0 : index
    %get3A_14 = vector.load %arg1[%get3A_12, %get3A_13] : memref<10000x128xf32, #tpu.memory_space<vmem>>, vector<10000x128xf32>
    %add3A_15 = arith.addf %add3A, %get3A_14 : vector<10000x128xf32>
    %mul3A = vector.broadcast %get3A_1 : vector<10000x1xf32> to vector<10000x128xf32>
    %mul3A_16 = arith.mulf %mul3A, %add3A_15 : vector<10000x128xf32>
    %get3A_17 = arith.constant 0 : index
    %get3A_18 = arith.constant 0 : index
    %get3A_19 = vector.load %arg3[%get3A_17, %get3A_18] : memref<1x128xf32, #tpu.memory_space<vmem>>, vector<1x128xf32>
    %add3A_20 = vector.broadcast %get3A_19 : vector<1x128xf32> to vector<10000x128xf32>
    %add3A_21 = arith.addf %mul3A_16, %add3A_20 : vector<10000x128xf32>
    %iota3A = tpu.iota {dimensions = array<i32: 1>} : vector<10000x128xi32>
    %get3A_22 = arith.constant 0 : index
    %get3A_23 = arith.constant 0 : index
    %get3A_24 = vector.load %arg4[%get3A_22, %get3A_23] : memref<10000x1xi32, #tpu.memory_space<vmem>>, vector<10000x1xi32>
    %eq3A = vector.broadcast %get3A_24 : vector<10000x1xi32> to vector<10000x128xi32>
    %eq3A_25 = arith.cmpi eq, %eq3A, %iota3A : vector<10000x128xi32>
    %convert_element_type3A = arith.extui %eq3A_25 : vector<10000x128xi1> to vector<10000x128xi32>
    %convert_element_type3A_26 = arith.sitofp %convert_element_type3A : vector<10000x128xi32> to vector<10000x128xf32>
    %dot_general3A = arith.constant dense<0.000000e+00> : vector<128x128xf32>
    %dot_general3A_27 = tpu.matmul %convert_element_type3A_26, %add3A_21, %dot_general3A {dimension_numbers = #tpu.dot_dimension_numbers<[0], [0], [1], [1], [0, 1, 1, 1], [], []>, transpose_lhs_hint = false} : vector<10000x128xf32>, vector<10000x128xf32>, vector<128x128xf32> -> vector<128x128xf32>
    %broadcast_in_dim3A = arith.constant 1.000000e+00 : f32
    %broadcast_in_dim3A_28 = vector.broadcast %broadcast_in_dim3A : f32 to vector<10000x1xf32>
    %dot_general3A_29 = arith.constant dense<0.000000e+00> : vector<128x1xf32>
    %dot_general3A_30 = tpu.matmul %convert_element_type3A_26, %broadcast_in_dim3A_28, %dot_general3A_29 {dimension_numbers = #tpu.dot_dimension_numbers<[0], [0], [1], [1], [0, 1, 1, 1], [], []>, transpose_lhs_hint = false} : vector<10000x128xf32>, vector<10000x1xf32>, vector<128x1xf32> -> vector<128x1xf32>
    %max3A = arith.constant 1.000000e+00 : f32
    %max3A_31 = vector.broadcast %max3A : f32 to vector<128x1xf32>
    %max3A_32 = arith.maximumf %dot_general3A_30, %max3A_31 : vector<128x1xf32>
    %div3A = vector.broadcast %max3A_32 : vector<128x1xf32> to vector<128x128xf32>
    %div3A_33 = arith.divf %dot_general3A_27, %div3A : vector<128x128xf32>
    %get3A_34 = arith.constant 0 : index
    %get3A_35 = arith.constant 0 : index
    %get3A_36 = vector.load %arg5[%get3A_34, %get3A_35] : memref<128x128xf32, #tpu.memory_space<vmem>>, vector<128x128xf32>
    %dot_general3A_37 = arith.constant dense<0.000000e+00> : vector<128x128xf32>
    %dot_general3A_38 = tpu.matmul %div3A_33, %get3A_36, %dot_general3A_37 {dimension_numbers = #tpu.dot_dimension_numbers<[1], [0], [0], [1], [0, 0, 1, 1], [], []>, transpose_lhs_hint = false} : vector<128x128xf32>, vector<128x128xf32>, vector<128x128xf32> -> vector<128x128xf32>
    %get3A_39 = arith.constant 0 : index
    %get3A_40 = arith.constant 0 : index
    %get3A_41 = vector.load %arg6[%get3A_39, %get3A_40] : memref<1x128xf32, #tpu.memory_space<vmem>>, vector<1x128xf32>
    %add3A_42 = vector.broadcast %get3A_41 : vector<1x128xf32> to vector<128x128xf32>
    %add3A_43 = arith.addf %dot_general3A_38, %add3A_42 : vector<128x128xf32>
    %swap3A = arith.constant 0 : index
    %swap3A_44 = arith.constant 0 : index
    %swap3A_45 = vector.load %arg7[%swap3A, %swap3A_44] : memref<128x128xf32, #tpu.memory_space<vmem>>, vector<128x128xf32>
    tpu.vector_store %arg7[%swap3A, %swap3A_44], %add3A_43 {strides = array<i32>} : memref<128x128xf32, #tpu.memory_space<vmem>>, vector<128x128xf32>,
    return
  }
}

</mosaic_0001>

<sc_bundles>
// kernel: kernel.11.cloned.1.call-start
scs
__scs_entry_jumppad:
0x0: {  	(pc) =	sbr.rel $0x88, $3  }
0x1: {  	(tag) =	ssettag $0x0;
	lr =	simm.s32 $0x1  }
0x2: {  	[smem:$0x3F95] =	sst lr;
	_ =	strace $0xD0000000  }
0x3: {  	_ = 	snop  }
0x4: {  	_ = 	snop  }
0x5: {  	_ = 	snop  }
0x6: {  	_ = 	snop  }
0x7: {  	_ = 	snop  }
__scs_overlays_trampoline_lowered:
0x8: {  	[smem:$0x3FA4] =	sst s0  }
0x9: {  	[smem:$0x3FA5] =	sst s1  }
0xa: {  	[smem:$0x3FA6] =	sst s2  }
0xb: {  	[smem:$0x3FA7] =	sst s3  }
0xc: {  	[smem:$0x3FA8] =	sst s4  }
0xd: {  	[smem:$0x3FA9] =	sst s5  }
0xe: {  	[smem:$0x3FAA] =	sst s6  }
0xf: {  	[smem:$0x3FAB] =	sst s7  }
0x10: {  	[smem:$0x3FAC] =	sst s8  }
0x11: {  	[smem:$0x3FAD] =	sst s9;
	s0 =	simm.s32 @!p0 $0x0  }
0x12: {  	s1 =	sld [smem:$0x3F93];
	s0 =	simm.s32 @p0 $0x1  }
0x13: {  	[smem:$0x3FAE] =	sst s0;
	s0 =	simm.s32 @!p1 $0x0  }
0x14: {  	s2 =	sld [smem:$0x3F92];
	s0 =	simm.s32 @p1 $0x1  }
0x15: {  	[smem:$0x3FAF] =	sst s0;
	s0 =	simm.s32 @!p2 $0x0  }
0x16: {  	s3 =	sld [smem:$0x3FDB];
	s0 =	simm.s32 @p2 $0x1  }
0x17: {  	s4 =	simm.s32 $0x1BF5;
	[smem:$0x3FB1] =	sst s0  }
0x18: {  	s0 =	sld [smem:$0x3F94];
	_ =	swait.ge [sflag:s4], $0x0  }
0x19: {  	s7 =	sld [smem:$0x3F95]  }
0x1a: {  	s8 =	sadd.s32 $0xFFFFE003, lr  }
0x1b: {  	s9 =	sadd.s32 $0xFFFFFEF7, lr;
	s5 =	simm.s32 $0xFFFFFFFF;
	p2 =	slt.u32 s8, $0xFFFFF086  }
0x1c: {  	p1 =	slt.u32 s9, $0xF7A;
	s5 =	simm.s32 @!p2 $0x0  }
0x1d: {  	s5 =	simm.s32 @p1 $0x1;
	p0 =	seq.s32 s7, s2  }
0x1e: {  	s7 =	smul.u32 @!p0 $0xF7A, s2;
	p2 =	seq.s32 @!p0 s5, $0x0  }
0x1f: {  	s9 =	smul.u32 $0xF7A, s1;
	s8 =	simm.s32 @!p0 $0x1BF5;
	p2 =	por !p2, p0  }
0x20: {  	[sflag:s8] =	ssyncset.s32 @!p0 $0xFFFFF086;
	s6 =	sadd.s32 @!p0 s3, s7;
	s7 =	simm.s32 @!p0 $0x108  }
0x21: {  	s3 =	sadd.s32 s3, s9;
	s6 =	sadd.s32 @!p0 $0x88, s6;
	s7 =	simm.s32 @p2 $0x1082  }
0x22: {  	[simem:s7], [sflag:s8] =	dma.local @!p0 [hbm:s6], $0xF7A  }
0x23: {  	s9 =	sor.u32 $0xD0000000, s2;
	s6 =	simm.s32 $0x108;
	_ =	swait.ge @!p0 [sflag:s8], $0x0  }
0x24: {  	s3 =	sadd.s32 $0x88, s3;
	s6 =	simm.s32 @!p1 $0x1082;
	[sflag:s4] =	ssyncset.s32 $0xFFFFF086  }
0x25: {  	[simem:s6], [sflag:s4] =	dma.local [hbm:s3], $0xF7A  }
0x26: {  	[smem:$0x3F95] =	sst s1;
	(tag) =	ssettag s2;
	_ =	strace s9  }
0x27: {  	s1 =	sld [smem:$0x3FA5]  }
0x28: {  	s2 =	sld [smem:$0x3FA6]  }
0x29: {  	s4 =	sld [smem:$0x3FA8]  }
0x2a: {  	p0 =	seq.s32 s5, $0x0;
	s5 =	sld [smem:$0x3FA9]  }
0x2b: {  	s6 =	sld [smem:$0x3FAA]  }
0x2c: {  	s7 =	sld [smem:$0x3FAB]  }
0x2d: {  	s3 =	simm.s32 $0x108;
	s8 =	sld [smem:$0x3FAC]  }
0x2e: {  	s3 =	simm.s32 @!p0 $0x1082;
	s9 =	sld [smem:$0x3FAD]  }
0x2f: {  	lr =	sadd.s32 s0, s3;
	s0 =	sld [smem:$0x3FA4]  }
0x30: {  	s3 =	sld [smem:$0x3FA7]  }
0x31: {  	[smem:$0x3FB0] =	sst s10  }
0x32: {  	s10 =	sld [smem:$0x3FAE];
	_ =	sdelay $0x3  }
0x33: {  	p0 =	seq.s32 s10, $0x1;
	s10 =	sld [smem:$0x3FB0];
	_ =	sdelay $0x3  }
0x34: {  	[smem:$0x3FB0] =	sst s10  }
0x35: {  	s10 =	sld [smem:$0x3FAF];
	_ =	sdelay $0x3  }
0x36: {  	p1 =	seq.s32 s10, $0x1;
	s10 =	sld [smem:$0x3FB0];
	_ =	sdelay $0x3  }
0x37: {  	[smem:$0x3FB0] =	sst s10  }
0x38: {  	s10 =	sld [smem:$0x3FB1]  }
0x39: {  	_ = 	snop;
	(pc) =	sbr.ind lr, $3  }
0x3a: {  	_ = 	snop  }
0x3b: {  	_ = 	snop  }
0x3c: {  	p2 =	seq.s32 s10, $0x1;
	s10 =	sld [smem:$0x3FB0]  }
0x3d: {  	_ =	shalt  }
0x3e: {  	_ =	shalt  }
0x3f: {  	_ =	shalt  }
0x40: {  	_ =	shalt  }
0x41: {  	_ =	shalt  }
0x42: {  	_ =	shalt  }
0x43: {  	_ =	shalt  }
0x44: {  	_ =	shalt  }
0x45: {  	_ =	shalt  }
0x46: {  	_ =	shalt  }
0x47: {  	_ =	shalt  }
0x48: {  	_ =	shalt  }
0x49: {  	_ =	shalt  }
0x4a: {  	_ =	shalt  }
0x4b: {  	_ =	shalt  }
0x4c: {  	_ =	shalt  }
0x4d: {  	_ =	shalt  }
0x4e: {  	_ =	shalt  }
0x4f: {  	_ =	shalt  }
0x50: {  	_ =	shalt  }
0x51: {  	_ =	shalt  }
0x52: {  	_ =	shalt  }
0x53: {  	_ =	shalt  }
0x54: {  	_ =	shalt  }
0x55: {  	_ =	shalt  }
0x56: {  	_ =	shalt  }
0x57: {  	_ =	shalt  }
0x58: {  	_ =	shalt  }
0x59: {  	_ =	shalt  }
0x5a: {  	_ =	shalt  }
0x5b: {  	_ =	shalt  }
0x5c: {  	_ =	shalt  }
0x5d: {  	_ =	shalt  }
0x5e: {  	_ =	shalt  }
0x5f: {  	_ =	shalt  }
0x60: {  	_ =	shalt  }
0x61: {  	_ =	shalt  }
0x62: {  	_ =	shalt  }
0x63: {  	_ =	shalt  }
0x64: {  	_ =	shalt  }
0x65: {  	_ =	shalt  }
0x66: {  	_ =	shalt  }
0x67: {  	_ =	shalt  }
0x68: {  	_ =	shalt  }
0x69: {  	_ =	shalt  }
0x6a: {  	_ =	shalt  }
0x6b: {  	_ =	shalt  }
0x6c: {  	_ =	shalt  }
0x6d: {  	_ =	shalt  }
0x6e: {  	_ =	shalt  }
0x6f: {  	_ =	shalt  }
0x70: {  	_ =	shalt  }
0x71: {  	_ =	shalt  }
0x72: {  	_ =	shalt  }
0x73: {  	_ =	shalt  }
0x74: {  	_ =	shalt  }
0x75: {  	_ =	shalt  }
0x76: {  	_ =	shalt  }
0x77: {  	_ =	shalt  }
0x78: {  	_ =	shalt  }
0x79: {  	_ =	shalt  }
0x7a: {  	_ =	shalt  }
0x7b: {  	_ =	shalt  }
0x7c: {  	_ =	shalt  }
0x7d: {  	_ =	shalt  }
0x7e: {  	_ =	shalt  }
0x7f: {  	_ =	shalt  }
0x80: {  	_ =	shalt  }
0x81: {  	_ =	shalt  }
0x82: {  	_ =	shalt  }
0x83: {  	_ =	shalt  }
0x84: {  	_ =	shalt  }
0x85: {  	_ =	shalt  }
0x86: {  	_ =	shalt  }
0x87: {  	_ =	shalt  }
.Lfunc_end0:
.L_simem_size_0:
called_computation_lowered:
.L_overlay_start_0:
0x88: {  	s2 =	sld [smem:$0x3FD9]  }
0x89: {  	s3 =	sld [smem:$0x3FFE];
	_ =	sdelay $0x1  }
0x8a: {  	s1 =	srdreg.scid  }
0x8b: {  	s0 =	sand.u32 $0x1, s1  }
0x8c: {  	s17 =	sshll.u32 s0, $0xA;
	s2 =	sadd.s32 s3, s2  }
0x8d: {  	s2 =	sadd.s32 s2, s17  }
0x8e: {  	[smem:$0x3FBC] =	sst s2  }
0x8f: {  	_ = 	snop  }
0x90: {  	s2 =	sld [smem:$0x3FC6];
	(tm) =	ssettm $0x1  }
0x91: {  	s18 =	sld [smem:$0x3FFB];
	_ =	sdelay $0x3  }
0x92: {  	_ =	strace s18  }
0x93: {  	s3 =	sld [smem:$0x3FFC];
	_ =	sdelay $0x3  }
0x94: {  	_ =	strace s3  }
0x95: {  	s3 =	sld [smem:$0x3FFD];
	_ =	sdelay $0x3  }
0x96: {  	_ =	strace s3  }
0x97: {  	_ =	strace $0x8FFFFFFF  }
0x98: {  	s19 =	sld [smem:$0x3FDB];
	_ =	sdelay $0x1  }
0x99: {  	s4 =	simm.s32 $_scs_section_size  }
0x9a: {  	s5 =	simm.s32 $_size__tile_overlayer_lowered;
	s6 =	simm.s32 $_tile_overlayer_lowered  }
0x9b: {  	s22 =	simm.s32 $0x1BFF;
	s21 =	sshll.u32 s6, $0x1;
	s3 =	sadd.s32 s4, s19  }
0x9c: {  	s7 =	simm.s32 $0x0;
	s20 =	sshll.u32 s5, $0x1;
	s5 =	sadd.s32 s21, s3  }
0x9d: {  	[timem:s7], [sflag:s22] =	dma.local [hbm:s5], s20  }
0x9e: {  	_ =	swait.ge [sflag:s22], s20  }
0x9f: {  	s4 =	ssub.s32 $0x0, s20;
	[sflag:s22] =	ssyncset.done $0x0  }
0xa0: {  	[sflag:s22] =	ssyncadd.s32 s4;
	_ =	sdelay $0x1  }
0xa1: {  	s23 =	simm.s32 $0x1B8B  }
0xa2: {  	_ =	swait.ge [sflag:s23], $0x1  }
0xa3: {  	[sflag:s23] =	ssyncset.done $0x0  }
0xa4: {  	s25 =	simm.s32 $0x1B8E;
	s24 =	sld [smem:$0x3FFE];
	[sflag:s23] =	ssyncadd.s32 $0xFFFFFFFF  }
0xa5: {  	s26 =	simm.s32 $execute0_lowered;
	[smem:$0x3FD2] =	sst s25  }
0xa6: {  	s5 =	sshll.u32 s26, $0x1;
	_ =	strace $0x80000046;
	[dreg:$0x1] =	wrdreg $0xFFFFFFFF  }
0xa7: {  	s28 =	simm.s32 $_size_execute0_lowered;
	s3 =	sadd.s32 s3, s5;
	[dreg:$0x0] =	wrdreg $0x0  }
0xa8: {  	s5 =	sshll.u32 s28, $0x1;
	[dreg:$0x2] =	wrdreg s3  }
0xa9: {  	[dreg:$0x3] =	wrdreg s5  }
0xaa: {  	[dreg:$0x4] =	wrdreg $0xC0  }
0xab: {  	_ =	task [dreg:s7], $0x5FFFF  }
0xac: {  	[dreg:$0x1] =	wrdreg $0xFFFFFFFF  }
0xad: {  	[dreg:$0x0] =	wrdreg $0x60  }
0xae: {  	[dreg:$0x2] =	wrdreg s24  }
0xaf: {  	[dreg:$0x3] =	wrdreg s2  }
0xb0: {  	[dreg:$0x4] =	wrdreg $0x9  }
0xb1: {  	_ =	task.clear_ibuf [dreg:s7], $0x5FFFF;
	_ =	strace $0x90000046  }
0xb2: {  	s29 =	simm.s32 $0x9;
	_ =	strace $0x80000048  }
0xb3: {  	_ =	swait.ge [sflag:s29], $0x1  }
0xb4: {  	[sflag:s29] =	ssyncadd.s32 $0xFFFFFFFF  }
0xb5: {  	_ =	strace $0x90000048  }
0xb6: {  	_ =	sfence  }
0xb7: {  	s30 =	sld [smem:$0x0];
	_ =	sdelay $0x2  }
0xb8: {  	s31 =	sshll.u32 s1, $0xD;
	s1 =	sshrl.u32 s1, $0x2  }
0xb9: {  	s3 =	sand.u32 $0x4000, s31;
	s1 =	sadd.s32 s1, s30  }
0xba: {  	s0 =	sor.u32 s3, s0;
	s1 =	sshll.u32 s1, $0x11  }
0xbb: {  	s0 =	sor.u32 s1, s0  }
0xbc: {  	s0 =	sadd.s32 $0x8F2B, s0  }
0xbd: {  	[sflag:s0] =	ssyncadd.remote.s32 $0x1  }
0xbe: {  	_ =	sfence.sel $0xFFFF  }
0xbf: {  	[dreg:$0x0] =	wrdreg $0xFFFFFFFF;
	(pc) =	sbr.abs _section_cstart, $3  }
0xc0: {  	[dreg:$0x1] =	wrdreg $0xFFFFFFFF  }
0xc1: {  	_ =	task.clear_ibuf [dreg:s7], $0x2FFFF;
	_ =	strace $0x9FFFFFFF  }
0xc2: {  	(tm) =	ssettm $0x7FFFFFFF  }
0xc3: {  	_ =	shalt  }
tec
execute0_lowered:
.L_overlay_start_1:
0x0: {  	(tag) =	ssettag $0x1  }
0x1: {  	s3 =	rddreg [dreg:$0x0]  }
0x2: {  	s1 =	srdreg.scid;
	s0 =	stileid.u32  }
0x3: {  	s4 =	rddreg [dreg:$0x1];
	s10 =	simm.s32 $0x80;
	s11 =	simm.s32 $0x400  }
0x4: {  	s12 =	simm.s32 $0x0;
	s5 =	sand.u32 $0x1, s1;
	s2 =	sshll.u32 s0, $0x1  }
0x5: {  	s1 =	rddreg [dreg:$0x2];
	s7 =	sshrl.u32 s0, $0x2;
	s6 =	sor.u32 s5, s2  }
0x6: {  	s2 =	simm.s32 $0x0;
	s7 =	smul.u32 $0x13C00, s7;
	s5 =	ssub.s32 $0x2, s5  }
0x7: {  	s8 =	sshll.u32 s6, $0x7;
	[smem:$0x7FF] =	sst s2;
	s6 =	smul.u32 $0x4E2, s6  }
0x8: {  	s9 =	sshrl.u32 s5, $0x1;
	s8 =	sand.u32 $0x380, s8;
	_ =	strace $0x80000047  }
0x9: {  	s9 =	ssub.s32 s5, s9;
	s7 =	sor.u32 s7, s8;
	s31 =	sadd.s32 s6, s3  }
0xa: {  	s4 =	sadd.s32 s4, s6;
	s6 =	smax.u32 s9, $0x1;
	s7 =	sshrl.u32 s7, $0x3  }
0xb: {  	s8 =	simm.s32 $0x1;
	s9 =	simm.s32 $0x4F00;
	s7 =	sadd.s32 s7, s3  }
0xc: {  	v0 =	vimm.f32 $0.0e+00;
	s3 =	sadd.s32 $0xB800, s31;
	s5 =	sadd.s32 $0x15600, s7;
	s7 =	simm.s32 $0x2780  }
.LBB2_1:
0xd: {  	s13 =	simm.s32 $0x40;
	s14 =	simm.s32 $0x0  }
.LBB2_2:
0xe: {  	p0 =	sne.s32 s13, $0x9C00;
	[tilespmem:s14+$0x0] =	vst v0;
	s14 =	smov.u32 s13;
	s13 =	sadd.s32 $0x40, s13  }
.Ltmp0:
0xf: {  	(pc) =	sbr.rel @p0 .LBB2_2-.Ltmp0, $2  }
0x10: {  	_ =	sdelay $0x2  }
0x11: {  	s14 =	sshra.s32 s14, $0x2  }
0x12: {  	[tilespmem:s14+$0x0] =	vst v0;
	s13 =	simm.s32 $0x0  }
0x13: {  	[tilespmem:s7], [sflag:$0x1] =	stream.linear.gather [hbm4b:s3+s13], $0x2710, $0x38;
	[tilespmem:$0x7680] =	vst v63  }
0x14: {  	_ =	swait.ge [sflag:s8], $0x2710  }
0x15: {  	[sflag:s8] =	ssyncset.done $0x0  }
0x16: {  	[sflag:s8] =	ssyncadd.s32 $0xFFFFD8F0  }
0x17: {  	[tilespmem:s9], [sflag:$0x1] =	stream.linear.gather [hbm4b:s4+s13], $0x2710, $0x38;
	[tilespmem:$0x7680] =	vst v63  }
0x18: {  	_ =	swait.ge [sflag:s8], $0x2710  }
0x19: {  	[sflag:s8] =	ssyncset.done $0x0  }
0x1a: {  	s14 =	simm.s32 $0x0;
	s13 =	simm.s32 $0x40;
	[sflag:s8] =	ssyncadd.s32 $0xFFFFD8F0  }
.LBB2_4:
0x1b: {  	p0 =	sne.s32 s13, $0x9C00;
	v1 =	vld [tilespmem:s14+$0x2780];
	_ =	sdelay $0x2  }
0x1c: {  	v2 =	vld [tilespmem:s14+$0x4F00]  }
.Ltmp1:
0x1d: {  	(pc) =	sbr.rel @p0 .LBB2_4-.Ltmp1, $2  }
0x1e: {  	_ =	sdelay $0x2  }
0x1f: {  	s14 =	sshra.s32 s13, $0x2;
	s13 =	sadd.s32 $0x40, s13;
	[tilespmem:v1+s2+$0x0] =	vst.idx.add.f32.msk $0xffff, v2  }
0x20: {  	v1 =	vld [tilespmem:s14+$0x2780];
	_ =	sdelay $0x2  }
0x21: {  	v2 =	vld [tilespmem:s14+$0x4F00];
	_ =	sdelay $0x2  }
0x22: {  	s12 =	sadd.s32 $0x1, s12  }
0x23: {  	p0 =	sne.s32 s12, s6  }
.Ltmp2:
0x24: {  	[tilespmem:v1+s2+$0x0] =	vst.idx.add.f32.msk $0xffff, v2;
	(pc) =	sbr.rel @p0 .LBB2_1-.Ltmp2, $4  }
0x25: {  	[hbm4b:s5+s10] =	stream.strided.scatter [tilespmem:s2], [sflag:$0x1], $0x2780, s11, s10, $0x38;
	[tilespmem:$0x7680] =	vst v63  }
0x26: {  	_ =	swait.ge [sflag:s8], $0x2780  }
0x27: {  	[sflag:s8] =	ssyncset.done $0x0  }
0x28: {  	[sflag:s8] =	ssyncadd.s32 $0xFFFFD880  }
0x29: {  	_ =	sfence.sel $0x180000  }
0x2a: {  	[bflag:$0x0] =	sbarrier.arrive $0xFFFF  }
0x2b: {  	p0 =	sne.s32 s0, $0x0;
	_ =	strace $0x90000047  }
0x2c: {  	s0 =	sadd.s32 @!p0 $0x100000, s1;
	[bflag:$0x2] =	sbarrier.arrive $0xFFFF  }
0x2d: {  	[sflag:s0] =	ssyncadd.tile.s32 @!p0 $0x1;
	_ =	shalt  }
.Lfunc_end2:
_tile_overlayer_lowered:
.L_overlay_start_2:
0x2e: {  	(tag) =	ssettag $0x2  }
0x2f: {  	s0 =	rddreg [dreg:$0x0];
	s2 =	stileid.u32  }
0x30: {  	s1 =	rddreg [dreg:$0x1];
	p0 =	sne.s32 s2, $0x0  }
0x31: {  	s3 =	rddreg [dreg:$0x2];
	[bflag:$0x3] =	sbarrier.arrive $0xFFFF;
	s2 =	simm.s32 @!p0 $0x1C01  }
0x32: {  	[timem:s3], [sflag:s2] =	dma.local @!p0 [hbm:s0], s1  }
0x33: {  	s0 =	simm.s32 @!p0 $0x1  }
0x34: {  	_ =	swait.ge @!p0 [sflag:s0], s1  }
0x35: {  	s1 =	ssub.s32 @!p0 $0x0, s1;
	[sflag:s0] =	ssyncset.done @!p0 $0x0  }
0x36: {  	[sflag:s0] =	ssyncadd.s32 @!p0 s1  }
0x37: {  	[bflag:$0x3] =	sbarrier.arrive $0xFFFF  }
0x38: {  	_ =	shalt  }

// kernel: kernel.14.cloned.1.call-start
scs
__scs_entry_jumppad:
0x0: {  	(pc) =	sbr.rel $0x88, $3  }
0x1: {  	(tag) =	ssettag $0x0;
	lr =	simm.s32 $0x1  }
0x2: {  	[smem:$0x3F95] =	sst lr;
	_ =	strace $0xD0000000  }
0x3: {  	_ = 	snop  }
0x4: {  	_ = 	snop  }
0x5: {  	_ = 	snop  }
0x6: {  	_ = 	snop  }
0x7: {  	_ = 	snop  }
__scs_overlays_trampoline_lowered:
0x8: {  	[smem:$0x3FA4] =	sst s0  }
0x9: {  	[smem:$0x3FA5] =	sst s1  }
0xa: {  	[smem:$0x3FA6] =	sst s2  }
0xb: {  	[smem:$0x3FA7] =	sst s3  }
0xc: {  	[smem:$0x3FA8] =	sst s4  }
0xd: {  	[smem:$0x3FA9] =	sst s5  }
0xe: {  	[smem:$0x3FAA] =	sst s6  }
0xf: {  	[smem:$0x3FAB] =	sst s7  }
0x10: {  	[smem:$0x3FAC] =	sst s8  }
0x11: {  	[smem:$0x3FAD] =	sst s9;
	s0 =	simm.s32 @!p0 $0x0  }
0x12: {  	s1 =	sld [smem:$0x3F93];
	s0 =	simm.s32 @p0 $0x1  }
0x13: {  	[smem:$0x3FAE] =	sst s0;
	s0 =	simm.s32 @!p1 $0x0  }
0x14: {  	s2 =	sld [smem:$0x3F92];
	s0 =	simm.s32 @p1 $0x1  }
0x15: {  	[smem:$0x3FAF] =	sst s0;
	s0 =	simm.s32 @!p2 $0x0  }
0x16: {  	s3 =	sld [smem:$0x3FDB];
	s0 =	simm.s32 @p2 $0x1  }
0x17: {  	s4 =	simm.s32 $0x1BF5;
	[smem:$0x3FB1] =	sst s0  }
0x18: {  	s0 =	sld [smem:$0x3F94];
	_ =	swait.ge [sflag:s4], $0x0  }
0x19: {  	s7 =	sld [smem:$0x3F95]  }
0x1a: {  	s8 =	sadd.s32 $0xFFFFE003, lr  }
0x1b: {  	s9 =	sadd.s32 $0xFFFFFEF7, lr;
	s5 =	simm.s32 $0xFFFFFFFF;
	p2 =	slt.u32 s8, $0xFFFFF086  }
0x1c: {  	p1 =	slt.u32 s9, $0xF7A;
	s5 =	simm.s32 @!p2 $0x0  }
0x1d: {  	s5 =	simm.s32 @p1 $0x1;
	p0 =	seq.s32 s7, s2  }
0x1e: {  	s7 =	smul.u32 @!p0 $0xF7A, s2;
	p2 =	seq.s32 @!p0 s5, $0x0  }
0x1f: {  	s9 =	smul.u32 $0xF7A, s1;
	s8 =	simm.s32 @!p0 $0x1BF5;
	p2 =	por !p2, p0  }
0x20: {  	[sflag:s8] =	ssyncset.s32 @!p0 $0xFFFFF086;
	s6 =	sadd.s32 @!p0 s3, s7;
	s7 =	simm.s32 @!p0 $0x108  }
0x21: {  	s3 =	sadd.s32 s3, s9;
	s6 =	sadd.s32 @!p0 $0x88, s6;
	s7 =	simm.s32 @p2 $0x1082  }
0x22: {  	[simem:s7], [sflag:s8] =	dma.local @!p0 [hbm:s6], $0xF7A  }
0x23: {  	s9 =	sor.u32 $0xD0000000, s2;
	s6 =	simm.s32 $0x108;
	_ =	swait.ge @!p0 [sflag:s8], $0x0  }
0x24: {  	s3 =	sadd.s32 $0x88, s3;
	s6 =	simm.s32 @!p1 $0x1082;
	[sflag:s4] =	ssyncset.s32 $0xFFFFF086  }
0x25: {  	[simem:s6], [sflag:s4] =	dma.local [hbm:s3], $0xF7A  }
0x26: {  	[smem:$0x3F95] =	sst s1;
	(tag) =	ssettag s2;
	_ =	strace s9  }
0x27: {  	s1 =	sld [smem:$0x3FA5]  }
0x28: {  	s2 =	sld [smem:$0x3FA6]  }
0x29: {  	s4 =	sld [smem:$0x3FA8]  }
0x2a: {  	p0 =	seq.s32 s5, $0x0;
	s5 =	sld [smem:$0x3FA9]  }
0x2b: {  	s6 =	sld [smem:$0x3FAA]  }
0x2c: {  	s7 =	sld [smem:$0x3FAB]  }
0x2d: {  	s3 =	simm.s32 $0x108;
	s8 =	sld [smem:$0x3FAC]  }
0x2e: {  	s3 =	simm.s32 @!p0 $0x1082;
	s9 =	sld [smem:$0x3FAD]  }
0x2f: {  	lr =	sadd.s32 s0, s3;
	s0 =	sld [smem:$0x3FA4]  }
0x30: {  	s3 =	sld [smem:$0x3FA7]  }
0x31: {  	[smem:$0x3FB0] =	sst s10  }
0x32: {  	s10 =	sld [smem:$0x3FAE];
	_ =	sdelay $0x3  }
0x33: {  	p0 =	seq.s32 s10, $0x1;
	s10 =	sld [smem:$0x3FB0];
	_ =	sdelay $0x3  }
0x34: {  	[smem:$0x3FB0] =	sst s10  }
0x35: {  	s10 =	sld [smem:$0x3FAF];
	_ =	sdelay $0x3  }
0x36: {  	p1 =	seq.s32 s10, $0x1;
	s10 =	sld [smem:$0x3FB0];
	_ =	sdelay $0x3  }
0x37: {  	[smem:$0x3FB0] =	sst s10  }
0x38: {  	s10 =	sld [smem:$0x3FB1]  }
0x39: {  	_ = 	snop;
	(pc) =	sbr.ind lr, $3  }
0x3a: {  	_ = 	snop  }
0x3b: {  	_ = 	snop  }
0x3c: {  	p2 =	seq.s32 s10, $0x1;
	s10 =	sld [smem:$0x3FB0]  }
0x3d: {  	_ =	shalt  }
0x3e: {  	_ =	shalt  }
0x3f: {  	_ =	shalt  }
0x40: {  	_ =	shalt  }
0x41: {  	_ =	shalt  }
0x42: {  	_ =	shalt  }
0x43: {  	_ =	shalt  }
0x44: {  	_ =	shalt  }
0x45: {  	_ =	shalt  }
0x46: {  	_ =	shalt  }
0x47: {  	_ =	shalt  }
0x48: {  	_ =	shalt  }
0x49: {  	_ =	shalt  }
0x4a: {  	_ =	shalt  }
0x4b: {  	_ =	shalt  }
0x4c: {  	_ =	shalt  }
0x4d: {  	_ =	shalt  }
0x4e: {  	_ =	shalt  }
0x4f: {  	_ =	shalt  }
0x50: {  	_ =	shalt  }
0x51: {  	_ =	shalt  }
0x52: {  	_ =	shalt  }
0x53: {  	_ =	shalt  }
0x54: {  	_ =	shalt  }
0x55: {  	_ =	shalt  }
0x56: {  	_ =	shalt  }
0x57: {  	_ =	shalt  }
0x58: {  	_ =	shalt  }
0x59: {  	_ =	shalt  }
0x5a: {  	_ =	shalt  }
0x5b: {  	_ =	shalt  }
0x5c: {  	_ =	shalt  }
0x5d: {  	_ =	shalt  }
0x5e: {  	_ =	shalt  }
0x5f: {  	_ =	shalt  }
0x60: {  	_ =	shalt  }
0x61: {  	_ =	shalt  }
0x62: {  	_ =	shalt  }
0x63: {  	_ =	shalt  }
0x64: {  	_ =	shalt  }
0x65: {  	_ =	shalt  }
0x66: {  	_ =	shalt  }
0x67: {  	_ =	shalt  }
0x68: {  	_ =	shalt  }
0x69: {  	_ =	shalt  }
0x6a: {  	_ =	shalt  }
0x6b: {  	_ =	shalt  }
0x6c: {  	_ =	shalt  }
0x6d: {  	_ =	shalt  }
0x6e: {  	_ =	shalt  }
0x6f: {  	_ =	shalt  }
0x70: {  	_ =	shalt  }
0x71: {  	_ =	shalt  }
0x72: {  	_ =	shalt  }
0x73: {  	_ =	shalt  }
0x74: {  	_ =	shalt  }
0x75: {  	_ =	shalt  }
0x76: {  	_ =	shalt  }
0x77: {  	_ =	shalt  }
0x78: {  	_ =	shalt  }
0x79: {  	_ =	shalt  }
0x7a: {  	_ =	shalt  }
0x7b: {  	_ =	shalt  }
0x7c: {  	_ =	shalt  }
0x7d: {  	_ =	shalt  }
0x7e: {  	_ =	shalt  }
0x7f: {  	_ =	shalt  }
0x80: {  	_ =	shalt  }
0x81: {  	_ =	shalt  }
0x82: {  	_ =	shalt  }
0x83: {  	_ =	shalt  }
0x84: {  	_ =	shalt  }
0x85: {  	_ =	shalt  }
0x86: {  	_ =	shalt  }
0x87: {  	_ =	shalt  }
.Lfunc_end0:
.L_simem_size_0:
called_computation.1_lowered:
.L_overlay_start_0:
0x88: {  	s2 =	sld [smem:$0x3FD9]  }
0x89: {  	s3 =	sld [smem:$0x3FFE];
	_ =	sdelay $0x1  }
0x8a: {  	s1 =	srdreg.scid  }
0x8b: {  	s0 =	sand.u32 $0x1, s1  }
0x8c: {  	s17 =	sshll.u32 s0, $0xA;
	s2 =	sadd.s32 s3, s2  }
0x8d: {  	s2 =	sadd.s32 s2, s17  }
0x8e: {  	[smem:$0x3FBC] =	sst s2  }
0x8f: {  	_ = 	snop  }
0x90: {  	s2 =	sld [smem:$0x3FC6];
	(tm) =	ssettm $0x1  }
0x91: {  	s18 =	sld [smem:$0x3FFB];
	_ =	sdelay $0x3  }
0x92: {  	_ =	strace s18  }
0x93: {  	s3 =	sld [smem:$0x3FFC];
	_ =	sdelay $0x3  }
0x94: {  	_ =	strace s3  }
0x95: {  	s3 =	sld [smem:$0x3FFD];
	_ =	sdelay $0x3  }
0x96: {  	_ =	strace s3  }
0x97: {  	_ =	strace $0x8FFFFFFF  }
0x98: {  	s19 =	sld [smem:$0x3FDB];
	_ =	sdelay $0x1  }
0x99: {  	s4 =	simm.s32 $_scs_section_size  }
0x9a: {  	s5 =	simm.s32 $_size__tile_overlayer_lowered;
	s6 =	simm.s32 $_tile_overlayer_lowered  }
0x9b: {  	s22 =	simm.s32 $0x1BFF;
	s21 =	sshll.u32 s6, $0x1;
	s3 =	sadd.s32 s4, s19  }
0x9c: {  	s7 =	simm.s32 $0x0;
	s20 =	sshll.u32 s5, $0x1;
	s5 =	sadd.s32 s21, s3  }
0x9d: {  	[timem:s7], [sflag:s22] =	dma.local [hbm:s5], s20  }
0x9e: {  	_ =	swait.ge [sflag:s22], s20  }
0x9f: {  	s4 =	ssub.s32 $0x0, s20;
	[sflag:s22] =	ssyncset.done $0x0  }
0xa0: {  	[sflag:s22] =	ssyncadd.s32 s4;
	_ =	sdelay $0x1  }
0xa1: {  	s23 =	simm.s32 $0x1B8B  }
0xa2: {  	_ =	swait.ge [sflag:s23], $0x1  }
0xa3: {  	[sflag:s23] =	ssyncset.done $0x0  }
0xa4: {  	s25 =	simm.s32 $0x1B8E;
	s24 =	sld [smem:$0x3FFE];
	[sflag:s23] =	ssyncadd.s32 $0xFFFFFFFF  }
0xa5: {  	s26 =	simm.s32 $execute0_lowered;
	[smem:$0x3FD2] =	sst s25  }
0xa6: {  	s5 =	sshll.u32 s26, $0x1;
	_ =	strace $0x80000049;
	[dreg:$0x1] =	wrdreg $0xFFFFFFFF  }
0xa7: {  	s28 =	simm.s32 $_size_execute0_lowered;
	s3 =	sadd.s32 s3, s5;
	[dreg:$0x0] =	wrdreg $0x0  }
0xa8: {  	s5 =	sshll.u32 s28, $0x1;
	[dreg:$0x2] =	wrdreg s3  }
0xa9: {  	[dreg:$0x3] =	wrdreg s5  }
0xaa: {  	[dreg:$0x4] =	wrdreg $0xC0  }
0xab: {  	_ =	task [dreg:s7], $0x5FFFF  }
0xac: {  	[dreg:$0x1] =	wrdreg $0xFFFFFFFF  }
0xad: {  	[dreg:$0x0] =	wrdreg $0x60  }
0xae: {  	[dreg:$0x2] =	wrdreg s24  }
0xaf: {  	[dreg:$0x3] =	wrdreg s2  }
0xb0: {  	[dreg:$0x4] =	wrdreg $0x0  }
0xb1: {  	[dreg:$0x5] =	wrdreg $0x9  }
0xb2: {  	_ =	task.clear_ibuf [dreg:s7], $0x6FFFF;
	_ =	strace $0x90000049  }
0xb3: {  	s29 =	simm.s32 $0x9;
	_ =	strace $0x8000004B  }
0xb4: {  	_ =	swait.ge [sflag:s29], $0x1  }
0xb5: {  	[sflag:s29] =	ssyncadd.s32 $0xFFFFFFFF  }
0xb6: {  	_ =	strace $0x9000004B  }
0xb7: {  	_ =	sfence  }
0xb8: {  	s30 =	sld [smem:$0x0];
	_ =	sdelay $0x2  }
0xb9: {  	s31 =	sshll.u32 s1, $0xD;
	s1 =	sshrl.u32 s1, $0x2  }
0xba: {  	s3 =	sand.u32 $0x4000, s31;
	s1 =	sadd.s32 s1, s30  }
0xbb: {  	s0 =	sor.u32 s3, s0;
	s1 =	sshll.u32 s1, $0x11  }
0xbc: {  	s0 =	sor.u32 s1, s0  }
0xbd: {  	s0 =	sadd.s32 $0x8F2B, s0  }
0xbe: {  	[sflag:s0] =	ssyncadd.remote.s32 $0x1  }
0xbf: {  	_ =	sfence.sel $0xFFFF  }
0xc0: {  	[dreg:$0x0] =	wrdreg $0xFFFFFFFF;
	(pc) =	sbr.abs _section_cstart, $3  }
0xc1: {  	[dreg:$0x1] =	wrdreg $0xFFFFFFFF  }
0xc2: {  	_ =	task.clear_ibuf [dreg:s7], $0x2FFFF;
	_ =	strace $0x9FFFFFFF  }
0xc3: {  	(tm) =	ssettm $0x7FFFFFFF  }
tec
execute0_lowered:
.L_overlay_start_1:
0x0: {  	(tag) =	ssettag $0x1  }
0x1: {  	s0 =	rddreg [dreg:$0x0]  }
0x2: {  	s1 =	srdreg.scid;
	s2 =	rddreg [dreg:$0x1]  }
0x3: {  	s14 =	stileid.u32;
	s3 =	rddreg [dreg:$0x2]  }
0x4: {  	s18 =	simm.s32 $0x7;
	s28 =	simm.s32 $0x186C8;
	s29 =	simm.s32 $0x1  }
0x5: {  	s30 =	simm.s32 $0x5;
	s31 =	simm.s32 $0x19AF0;
	s19 =	simm.s32 $0x1AEF0  }
0x6: {  	s1 =	sand.u32 $0x1, s1;
	s4 =	sshll.u32 s14, $0x1;
	s7 =	smul.u32 $0x13800, s14  }
0x7: {  	s6 =	sadd.s32 $0x15600, s0;
	s13 =	sadd.s32 $0x50200, s0;
	s5 =	sor.u32 s1, s4  }
0x8: {  	s4 =	simm.s32 $0x0;
	s10 =	ssub.s32 $0x2, s1;
	s1 =	smul.u32 $0x138800, s1  }
0x9: {  	p0 =	seq.s32 s14, $0xF;
	s5 =	smul.u32 $0x2710, s5;
	[smem:$0x7FF] =	sst s4  }
0xa: {  	s9 =	sshrl.u32 s7, $0x3;
	s12 =	sshrl.u32 s10, $0x1;
	s22 =	sadd.s32 s7, s3  }
0xb: {  	_ =	strace $0x8000004A;
	s9 =	sadd.s32 s9, s0;
	s10 =	ssub.s32 s10, s12  }
0xc: {  	[dreg:$0x6] =	wrdreg s22;
	s7 =	sadd.s32 s7, s1;
	s1 =	sshrl.u32 s1, $0x3  }
0xd: {  	s22 =	simm.s32 $0x28;
	s8 =	sshrl.u32 s5, $0x3;
	s9 =	sadd.s32 $0x29000, s9  }
0xe: {  	s24 =	sadd.s32 $0x28, s5;
	s7 =	sshrl.u32 s7, $0x3;
	s26 =	sadd.s32 s13, s1  }
0xf: {  	s16 =	smax.u32 s10, $0x1;
	s1 =	simm.s32 $0x2;
	s11 =	sadd.s32 s8, s0  }
0x10: {  	[dreg:$0x7] =	wrdreg s9;
	s9 =	sadd.s32 $0x124800, s3;
	s0 =	sadd.s32 $0x4D900, s0  }
0x11: {  	s23 =	sadd.s32 s2, s8;
	s25 =	sadd.s32 s13, s7;
	[dreg:$0x8] =	wrdreg s0  }
0x12: {  	s7 =	simm.s32 $0x0;
	s21 =	sadd.s32 $0x1A00, s11;
	[dreg:$0x9] =	wrdreg s23  }
0x13: {  	s11 =	sadd.s32 $0xB800, s11;
	s0 =	sshrl.u32 s24, $0x3;
	[dreg:$0xb] =	wrdreg s25  }
.Ltmp0:
0x14: {  	s20 =	sshrl.u32 @p0 s9, $0x3;
	[dreg:$0x4] =	wrdreg s21;
	(pc) =	sbr.rel .LBB2_1-.Ltmp0, $4  }
0x15: {  	s24 =	simm.s32 $0x186A0;
	[dreg:$0x5] =	wrdreg s11;
	s0 =	sadd.s32 s2, s0  }
0x16: {  	s23 =	simm.s32 $0x4;
	[dreg:$0xa] =	wrdreg s0;
	s0 =	sadd.s32 $0x24900, s26  }
0x17: {  	s25 =	simm.s32 $0x3;
	[dreg:$0xc] =	wrdreg s0;
	s0 =	sshll.u32 @!p0 s14, $0x6  }
0x18: {  	s26 =	simm.s32 $0x190F0;
	s21 =	sor.u32 @!p0 $0x1C07, s0;
	s0 =	simm.s32 $0x6  }
.LBB2_8:
0x19: {  	[spmem:s3] =	stream.indirect.scatter.add.f32 [tilespmem:s19], [sflag:$0x4], $0x80, s10, s22, $0xb8;
	[tilespmem:$0x1C2F0] =	vst v63  }
0x1a: {  	_ =	swait.ge [sflag:s23], $0x1400  }
0x1b: {  	[sflag:s23] =	ssyncset.done $0x0  }
0x1c: {  	[sflag:s23] =	ssyncadd.s32 $0xFFFFEC00  }
0x1d: {  	_ =	swait.ge [sflag:s25], $0x1400  }
0x1e: {  	[sflag:s25] =	ssyncset.done $0x0  }
0x1f: {  	[sflag:s25] =	ssyncadd.s32 $0xFFFFEC00  }
0x20: {  	[bflag:$0x0] =	sbarrier.arrive $0xFFFF  }
0x21: {  	s9 =	simm.s32 @p0 $0x1FC7;
	s10 =	rddreg [dreg:$0xc]  }
0x22: {  	[hbm:s10], [sflag:s9] =	dma.local @p0 [spmem:s20], $0x2800  }
0x23: {  	s9 =	simm.s32 @p0 $0x7  }
0x24: {  	_ =	swait.ge @p0 [sflag:s9], $0x2800  }
0x25: {  	s7 =	sadd.s32 $0x1, s7;
	[sflag:s9] =	ssyncset.done @p0 $0x0  }
0x26: {  	p1 =	sne.s32 s7, s16;
	[sflag:s9] =	ssyncadd.s32 @p0 $0xFFFFD800;
	s9 =	rddreg [dreg:$0xb]  }
0x27: {  	[hbm:s9], [sflag:s21] =	dma.local @!p0 [spmem:s8], $0x2700  }
.Ltmp1:
0x28: {  	_ = 	snop;
	(pc) =	sbr.rel @!p1 .LBB2_9-.Ltmp1, $4  }
0x29: {  	s8 =	simm.s32 @!p0 $0x7  }
0x2a: {  	_ =	swait.ge @!p0 [sflag:s8], $0x2700  }
0x2b: {  	[sflag:s8] =	ssyncset.done @!p0 $0x0  }
0x2c: {  	[sflag:s8] =	ssyncadd.s32 @!p0 $0xFFFFD900  }
.LBB2_1:
0x2d: {  	s8 =	rddreg [dreg:$0x4];
	s10 =	simm.s32 $0x13880  }
0x2e: {  	[tilespmem:s10], [sflag:$0x7] =	stream.linear.gather [hbm4b:s8+s4], $0x2710, $0x38;
	[tilespmem:$0x1C2F0] =	vst v63  }
0x2f: {  	_ =	swait.ge [sflag:s18], $0x2710  }
0x30: {  	[sflag:s18] =	ssyncset.done $0x0  }
0x31: {  	s9 =	simm.s32 $0x15F90;
	s12 =	rddreg [dreg:$0x5];
	[sflag:s18] =	ssyncadd.s32 $0xFFFFD8F0  }
0x32: {  	[tilespmem:s9], [sflag:$0x7] =	stream.linear.gather [hbm4b:s12+s4], $0x2710, $0x38;
	[tilespmem:$0x1C2F0] =	vst v63  }
0x33: {  	_ =	swait.ge [sflag:s18], $0x2710  }
0x34: {  	[sflag:s18] =	ssyncset.done $0x0  }
0x35: {  	s8 =	simm.s32 @p0 $0x1FC7;
	s9 =	rddreg [dreg:$0x8];
	[sflag:s18] =	ssyncadd.s32 $0xFFFFD8F0  }
0x36: {  	[spmem:s20], [sflag:s8] =	dma.local @p0 [hbm:s9], $0x2800  }
0x37: {  	s8 =	simm.s32 @p0 $0x7  }
0x38: {  	_ =	swait.ge @p0 [sflag:s8], $0x2800  }
0x39: {  	[sflag:s8] =	ssyncset.done @p0 $0x0  }
0x3a: {  	[sflag:s8] =	ssyncadd.s32 @p0 $0xFFFFD800;
	s8 =	rddreg [dreg:$0x6]  }
0x3b: {  	s9 =	rddreg [dreg:$0x7];
	s8 =	sshrl.u32 @!p0 s8, $0x3  }
0x3c: {  	[spmem:s8], [sflag:s21] =	dma.local @!p0 [hbm:s9], $0x2700  }
0x3d: {  	s9 =	simm.s32 @!p0 $0x7  }
0x3e: {  	_ =	swait.ge @!p0 [sflag:s9], $0x2700  }
0x3f: {  	[sflag:s9] =	ssyncset.done @!p0 $0x0  }
0x40: {  	[sflag:s9] =	ssyncadd.s32 @!p0 $0xFFFFD900  }
0x41: {  	s13 =	simm.s32 $0x186F0;
	[bflag:$0x0] =	sbarrier.arrive $0xFFFF  }
0x42: {  	[tilespmem:s13], [sflag:$0x1] =	stream.indirect.gather [hbm4b:s6+s22], $0x40, s10, s22, $0xb8;
	[tilespmem:$0x1C2F0] =	vst v63  }
0x43: {  	s14 =	rddreg [dreg:$0x9]  }
0x44: {  	[tilespmem:s24], [sflag:$0x5] =	stream.linear.gather [hbm4b:s14+s4], $0x28, $0x38;
	[tilespmem:$0x1C2F0] =	vst v63  }
0x45: {  	s15 =	simm.s32 $0x138A8  }
0x46: {  	[tilespmem:s26], [sflag:$0x2] =	stream.indirect.gather [hbm4b:s6+s22], $0x40, s15, s22, $0xb8;
	[tilespmem:$0x1C2F0] =	vst v63  }
0x47: {  	s9 =	simm.s32 $0x0;
	s17 =	rddreg [dreg:$0xa]  }
0x48: {  	[tilespmem:s28], [sflag:$0x6] =	stream.linear.gather [hbm4b:s17+s4], $0x28, $0x38;
	[tilespmem:$0x1C2F0] =	vst v63  }
.LBB2_2:
0x49: {  	_ =	swait.ge [sflag:s29], $0xA00  }
0x4a: {  	p1 =	seq.s32 s9, $0x0;
	s10 =	simm.s32 $0x0;
	[sflag:s29] =	ssyncset.done $0x0  }
0x4b: {  	s11 =	simm.s32 @!p1 $0x3;
	v0 =	vmov s10;
	[sflag:s29] =	ssyncadd.s32 $0xFFFFF600  }
0x4c: {  	v0 =	vand.u32 $0xFFFFFFFE, v0;
	_ =	swait.ge @!p1 [sflag:s11], $0x1400  }
0x4d: {  	v0 =	vbroadcast v0, $0x0;
	[sflag:s11] =	ssyncset.done @!p1 $0x0  }
0x4e: {  	[sflag:s11] =	ssyncadd.s32 @!p1 $0xFFFFEC00  }
0x4f: {  	_ =	swait.ge [sflag:s30], $0x28  }
0x50: {  	[sflag:s30] =	ssyncset.done $0x0  }
0x51: {  	s10 =	simm.s32 $0x18730;
	[sflag:s30] =	ssyncadd.s32 $0xFFFFFFD8  }
0x52: {  	v1 =	vld [tilespmem:s10+$0xFFFFFFC0]  }
0x53: {  	v0 =	vld.idx.msk [tilespmem:v0+s24+$0x0], $0xffff;
	_ =	sdelay $0x3  }
0x54: {  	v2 =	vshll.u32 v1, $0x10  }
0x55: {  	v1 =	vand.u32 $0xFFFF0000, v1;
	v2 =	vmul.f32 v2, v0  }
0x56: {  	s11 =	simm.s32 $0x19B70;
	v1 =	vmul.f32 v1, v0  }
0x57: {  	[tilespmem:s11+$0xFFFFFF80] =	vst v2  }
0x58: {  	[tilespmem:s11+$0xFFFFFF90] =	vst v1  }
0x59: {  	v1 =	vld [tilespmem:s10+$0xFFFFFFD0];
	_ =	sdelay $0x4  }
0x5a: {  	v2 =	vshll.u32 v1, $0x10  }
0x5b: {  	v1 =	vand.u32 $0xFFFF0000, v1;
	v2 =	vmul.f32 v2, v0  }
0x5c: {  	v1 =	vmul.f32 v1, v0  }
0x5d: {  	[tilespmem:s11+$0xFFFFFFA0] =	vst v2  }
0x5e: {  	[tilespmem:s11+$0xFFFFFFB0] =	vst v1  }
0x5f: {  	v1 =	vld [tilespmem:s10+$0xFFFFFFE0];
	_ =	sdelay $0x4  }
0x60: {  	v2 =	vshll.u32 v1, $0x10  }
0x61: {  	v1 =	vand.u32 $0xFFFF0000, v1;
	v2 =	vmul.f32 v2, v0  }
0x62: {  	v1 =	vmul.f32 v1, v0  }
0x63: {  	[tilespmem:s11+$0xFFFFFFC0] =	vst v2  }
0x64: {  	[tilespmem:s11+$0xFFFFFFD0] =	vst v1  }
0x65: {  	v1 =	vld [tilespmem:s10+$0xFFFFFFF0];
	_ =	sdelay $0x4  }
0x66: {  	s12 =	simm.s32 $0x1;
	v2 =	vshll.u32 v1, $0x10  }
0x67: {  	v3 =	vmov s12;
	v1 =	vand.u32 $0xFFFF0000, v1;
	v2 =	vmul.f32 v2, v0  }
0x68: {  	v0 =	vmul.f32 v1, v0  }
0x69: {  	[tilespmem:s11+$0xFFFFFFE0] =	vst v2  }
0x6a: {  	[tilespmem:s11+$0xFFFFFFF0] =	vst v0  }
0x6b: {  	v1 =	vld [tilespmem:s10+$0x0]  }
0x6c: {  	v0 =	vld.idx.msk [tilespmem:v3+s24+$0x0], $0xffff;
	_ =	sdelay $0x3  }
0x6d: {  	v2 =	vshll.u32 v1, $0x10  }
0x6e: {  	v1 =	vand.u32 $0xFFFF0000, v1;
	v2 =	vmul.f32 v2, v0  }
0x6f: {  	v1 =	vmul.f32 v1, v0  }
0x70: {  	[tilespmem:s11+$0x0] =	vst v2  }
0x71: {  	[tilespmem:s11+$0x10] =	vst v1  }
0x72: {  	v1 =	vld [tilespmem:s10+$0x10];
	_ =	sdelay $0x4  }
0x73: {  	v2 =	vshll.u32 v1, $0x10  }
0x74: {  	v1 =	vand.u32 $0xFFFF0000, v1;
	v2 =	vmul.f32 v2, v0  }
0x75: {  	v1 =	vmul.f32 v1, v0  }
0x76: {  	[tilespmem:s11+$0x20] =	vst v2  }
0x77: {  	[tilespmem:s11+$0x30] =	vst v1  }
0x78: {  	v1 =	vld [tilespmem:s10+$0x20];
	_ =	sdelay $0x4  }
0x79: {  	v2 =	vshll.u32 v1, $0x10  }
0x7a: {  	v1 =	vand.u32 $0xFFFF0000, v1;
	v2 =	vmul.f32 v2, v0  }
0x7b: {  	v1 =	vmul.f32 v1, v0  }
0x7c: {  	[tilespmem:s11+$0x40] =	vst v2  }
0x7d: {  	s17 =	simm.s32 $0x3;
	s12 =	simm.s32 $0x19B70;
	[tilespmem:s11+$0x50] =	vst v1  }
.LBB2_3:
0x7e: {  	p2 =	sne.s32 s17, $0x27;
	v1 =	vld [tilespmem:s10+$0x30];
	s10 =	sadd.s32 $0x80, s10;
	s11 =	sadd.s32 $0x100, s11  }
0x7f: {  	s13 =	smov.u32 s17;
	s17 =	sadd.s32 $0x2, s17  }
0x80: {  	s14 =	sadd.s32 $0xFFFFFFFF, s13  }
0x81: {  	v2 =	vmov s14  }
0x82: {  	v2 =	vand.u32 $0xFFFFFFFE, v2  }
0x83: {  	v2 =	vbroadcast v2, $0x0;
	v3 =	vshll.u32 v1, $0x10;
	v1 =	vand.u32 $0xFFFF0000, v1  }
0x84: {  	v3 =	vmul.f32 v3, v0;
	v0 =	vmul.f32 v1, v0;
	_ =	sdelay $0x1  }
0x85: {  	[tilespmem:s12+$0x60] =	vst v3  }
0x86: {  	[tilespmem:s12+$0x70] =	vst v0;
	s12 =	smov.u32 s11  }
0x87: {  	v0 =	vld [tilespmem:s10+$0xFFFFFFC0]  }
0x88: {  	v1 =	vld.idx.msk [tilespmem:v2+s24+$0x0], $0xffff;
	_ =	sdelay $0x4  }
0x89: {  	v2 =	vshll.u32 v0, $0x10;
	v0 =	vand.u32 $0xFFFF0000, v0  }
0x8a: {  	v2 =	vmul.f32 v2, v1;
	v0 =	vmul.f32 v0, v1;
	_ =	sdelay $0x1  }
0x8b: {  	[tilespmem:s11+$0xFFFFFF80] =	vst v2  }
0x8c: {  	[tilespmem:s11+$0xFFFFFF90] =	vst v0  }
0x8d: {  	v0 =	vld [tilespmem:s10+$0xFFFFFFD0];
	_ =	sdelay $0x4  }
0x8e: {  	v2 =	vshll.u32 v0, $0x10;
	v0 =	vand.u32 $0xFFFF0000, v0  }
0x8f: {  	v2 =	vmul.f32 v2, v1;
	v0 =	vmul.f32 v0, v1;
	_ =	sdelay $0x1  }
0x90: {  	[tilespmem:s11+$0xFFFFFFA0] =	vst v2  }
0x91: {  	[tilespmem:s11+$0xFFFFFFB0] =	vst v0  }
0x92: {  	v0 =	vld [tilespmem:s10+$0xFFFFFFE0];
	_ =	sdelay $0x4  }
0x93: {  	v2 =	vshll.u32 v0, $0x10;
	v0 =	vand.u32 $0xFFFF0000, v0  }
0x94: {  	v2 =	vmul.f32 v2, v1;
	v0 =	vmul.f32 v0, v1;
	_ =	sdelay $0x1  }
0x95: {  	[tilespmem:s11+$0xFFFFFFC0] =	vst v2  }
0x96: {  	[tilespmem:s11+$0xFFFFFFD0] =	vst v0  }
0x97: {  	v0 =	vld [tilespmem:s10+$0xFFFFFFF0];
	_ =	sdelay $0x4  }
0x98: {  	v3 =	vmov s13;
	v2 =	vshll.u32 v0, $0x10;
	v0 =	vand.u32 $0xFFFF0000, v0  }
0x99: {  	v2 =	vmul.f32 v2, v1;
	v0 =	vmul.f32 v0, v1;
	_ =	sdelay $0x1  }
0x9a: {  	[tilespmem:s11+$0xFFFFFFE0] =	vst v2  }
0x9b: {  	[tilespmem:s11+$0xFFFFFFF0] =	vst v0  }
0x9c: {  	v0 =	vld.idx.msk [tilespmem:v3+s24+$0x0], $0xffff  }
0x9d: {  	v1 =	vld [tilespmem:s10+$0x0];
	_ =	sdelay $0x4  }
0x9e: {  	v2 =	vshll.u32 v1, $0x10;
	v1 =	vand.u32 $0xFFFF0000, v1  }
0x9f: {  	v2 =	vmul.f32 v2, v0;
	v1 =	vmul.f32 v1, v0;
	_ =	sdelay $0x1  }
0xa0: {  	[tilespmem:s11+$0x0] =	vst v2  }
0xa1: {  	[tilespmem:s11+$0x10] =	vst v1  }
0xa2: {  	v1 =	vld [tilespmem:s10+$0x10];
	_ =	sdelay $0x4  }
0xa3: {  	v2 =	vshll.u32 v1, $0x10;
	v1 =	vand.u32 $0xFFFF0000, v1  }
0xa4: {  	v2 =	vmul.f32 v2, v0;
	v1 =	vmul.f32 v1, v0;
	_ =	sdelay $0x1  }
0xa5: {  	[tilespmem:s11+$0x20] =	vst v2  }
0xa6: {  	[tilespmem:s11+$0x30] =	vst v1  }
0xa7: {  	v1 =	vld [tilespmem:s10+$0x20];
	_ =	sdelay $0x4  }
.Ltmp2:
0xa8: {  	v2 =	vshll.u32 v1, $0x10;
	v1 =	vand.u32 $0xFFFF0000, v1;
	(pc) =	sbr.rel @p2 .LBB2_3-.Ltmp2, $3  }
0xa9: {  	v2 =	vmul.f32 v2, v0;
	v1 =	vmul.f32 v1, v0;
	_ =	sdelay $0x1  }
0xaa: {  	[tilespmem:s11+$0x40] =	vst v2  }
0xab: {  	[tilespmem:s11+$0x50] =	vst v1  }
0xac: {  	v1 =	vld [tilespmem:s10+$0x30];
	_ =	sdelay $0x4  }
0xad: {  	v2 =	vshll.u32 v1, $0x10  }
0xae: {  	p2 =	seq.s32 s9, $0x7C;
	v1 =	vand.u32 $0xFFFF0000, v1;
	v2 =	vmul.f32 v2, v0  }
0xaf: {  	s10 =	smul.u32 @!p2 $0x50, s9;
	v0 =	vmul.f32 v1, v0  }
0xb0: {  	s13 =	simm.s32 @!p2 $0x186F0;
	[tilespmem:s12+$0x60] =	vst v2  }
0xb1: {  	s11 =	sadd.s32 @!p2 s5, s10;
	s10 =	sadd.s32 @!p2 $0x138D0, s10;
	[tilespmem:s12+$0x70] =	vst v0;
	s12 =	simm.s32 @!p2 $0x28  }
0xb2: {  	[tilespmem:s13], [sflag:$0x1] =	stream.indirect.gather @!p2 [hbm4b:s6+s12], $0x40, s10, s12, $0xb8;
	[tilespmem:$0x1C2F0] =	vst v63  }
0xb3: {  	s10 =	sshrl.u32 @!p2 s11, $0x3  }
0xb4: {  	s17 =	smul.u32 $0x140, s9;
	s10 =	sadd.s32 @!p2 s2, s10  }
0xb5: {  	s11 =	simm.s32 @!p2 $0x0;
	s12 =	simm.s32 @!p2 $0x186A0;
	s10 =	sadd.s32 @!p2 $0xA, s10  }
0xb6: {  	[tilespmem:s12], [sflag:$0x5] =	stream.linear.gather @!p2 [hbm4b:s10+s11], $0x28, $0x38;
	[tilespmem:$0x1C2F0] =	vst v63  }
0xb7: {  	s10 =	sshra.s32 s17, $0x2  }
0xb8: {  	s14 =	sadd.s32 $0x15F90, s10  }
0xb9: {  	[spmem:s3] =	stream.indirect.scatter.add.f32 [tilespmem:s31], [sflag:$0x3], $0x80, s14, s22, $0xb8;
	[tilespmem:$0x1C2F0] =	vst v63  }
0xba: {  	_ =	swait.ge [sflag:s1], $0xA00  }
0xbb: {  	s15 =	simm.s32 $0x0;
	[sflag:s1] =	ssyncset.done $0x0  }
0xbc: {  	v0 =	vmov s15;
	s12 =	simm.s32 @!p1 $0x4;
	[sflag:s1] =	ssyncadd.s32 $0xFFFFF600  }
0xbd: {  	v0 =	vand.u32 $0xFFFFFFFE, v0;
	_ =	swait.ge @!p1 [sflag:s12], $0x1400  }
0xbe: {  	v0 =	vbroadcast v0, $0x0;
	[sflag:s12] =	ssyncset.done @!p1 $0x0  }
0xbf: {  	[sflag:s12] =	ssyncadd.s32 @!p1 $0xFFFFEC00  }
0xc0: {  	_ =	swait.ge [sflag:s0], $0x28  }
0xc1: {  	[sflag:s0] =	ssyncset.done $0x0  }
0xc2: {  	s11 =	simm.s32 $0x19130;
	[sflag:s0] =	ssyncadd.s32 $0xFFFFFFD8  }
0xc3: {  	v1 =	vld [tilespmem:s11+$0xFFFFFFC0]  }
0xc4: {  	v0 =	vld.idx.msk [tilespmem:v0+s28+$0x0], $0xffff;
	_ =	sdelay $0x3  }
0xc5: {  	v2 =	vshll.u32 v1, $0x10  }
0xc6: {  	v1 =	vand.u32 $0xFFFF0000, v1;
	v2 =	vmul.f32 v2, v0  }
0xc7: {  	s12 =	simm.s32 $0x1AF70;
	v1 =	vmul.f32 v1, v0  }
0xc8: {  	[tilespmem:s12+$0xFFFFFF80] =	vst v2  }
0xc9: {  	[tilespmem:s12+$0xFFFFFF90] =	vst v1  }
0xca: {  	v1 =	vld [tilespmem:s11+$0xFFFFFFD0];
	_ =	sdelay $0x4  }
0xcb: {  	v2 =	vshll.u32 v1, $0x10  }
0xcc: {  	v1 =	vand.u32 $0xFFFF0000, v1;
	v2 =	vmul.f32 v2, v0  }
0xcd: {  	v1 =	vmul.f32 v1, v0  }
0xce: {  	[tilespmem:s12+$0xFFFFFFA0] =	vst v2  }
0xcf: {  	[tilespmem:s12+$0xFFFFFFB0] =	vst v1  }
0xd0: {  	v1 =	vld [tilespmem:s11+$0xFFFFFFE0];
	_ =	sdelay $0x4  }
0xd1: {  	v2 =	vshll.u32 v1, $0x10  }
0xd2: {  	v1 =	vand.u32 $0xFFFF0000, v1;
	v2 =	vmul.f32 v2, v0  }
0xd3: {  	v1 =	vmul.f32 v1, v0  }
0xd4: {  	[tilespmem:s12+$0xFFFFFFC0] =	vst v2  }
0xd5: {  	[tilespmem:s12+$0xFFFFFFD0] =	vst v1  }
0xd6: {  	v1 =	vld [tilespmem:s11+$0xFFFFFFF0];
	_ =	sdelay $0x4  }
0xd7: {  	s17 =	simm.s32 $0x1;
	v2 =	vshll.u32 v1, $0x10  }
0xd8: {  	v3 =	vmov s17;
	v1 =	vand.u32 $0xFFFF0000, v1;
	v2 =	vmul.f32 v2, v0  }
0xd9: {  	v0 =	vmul.f32 v1, v0  }
0xda: {  	[tilespmem:s12+$0xFFFFFFE0] =	vst v2  }
0xdb: {  	[tilespmem:s12+$0xFFFFFFF0] =	vst v0  }
0xdc: {  	v1 =	vld [tilespmem:s11+$0x0]  }
0xdd: {  	v0 =	vld.idx.msk [tilespmem:v3+s28+$0x0], $0xffff;
	_ =	sdelay $0x3  }
0xde: {  	v2 =	vshll.u32 v1, $0x10  }
0xdf: {  	v1 =	vand.u32 $0xFFFF0000, v1;
	v2 =	vmul.f32 v2, v0  }
0xe0: {  	v1 =	vmul.f32 v1, v0  }
0xe1: {  	[tilespmem:s12+$0x0] =	vst v2  }
0xe2: {  	[tilespmem:s12+$0x10] =	vst v1  }
0xe3: {  	v1 =	vld [tilespmem:s11+$0x10];
	_ =	sdelay $0x4  }
0xe4: {  	v2 =	vshll.u32 v1, $0x10  }
0xe5: {  	v1 =	vand.u32 $0xFFFF0000, v1;
	v2 =	vmul.f32 v2, v0  }
0xe6: {  	v1 =	vmul.f32 v1, v0  }
0xe7: {  	[tilespmem:s12+$0x20] =	vst v2  }
0xe8: {  	[tilespmem:s12+$0x30] =	vst v1  }
0xe9: {  	v1 =	vld [tilespmem:s11+$0x20];
	_ =	sdelay $0x4  }
0xea: {  	v2 =	vshll.u32 v1, $0x10  }
0xeb: {  	v1 =	vand.u32 $0xFFFF0000, v1;
	v2 =	vmul.f32 v2, v0  }
0xec: {  	v1 =	vmul.f32 v1, v0  }
0xed: {  	[tilespmem:s12+$0x40] =	vst v2  }
0xee: {  	s13 =	simm.s32 $0x3;
	s17 =	simm.s32 $0x1AF70;
	[tilespmem:s12+$0x50] =	vst v1  }
.LBB2_5:
0xef: {  	p1 =	sne.s32 s13, $0x27;
	v1 =	vld [tilespmem:s11+$0x30];
	s11 =	sadd.s32 $0x80, s11;
	s12 =	sadd.s32 $0x100, s12  }
0xf0: {  	s14 =	smov.u32 s13;
	s13 =	sadd.s32 $0x2, s13  }
0xf1: {  	s15 =	sadd.s32 $0xFFFFFFFF, s14  }
0xf2: {  	v2 =	vmov s15  }
0xf3: {  	v2 =	vand.u32 $0xFFFFFFFE, v2  }
0xf4: {  	v2 =	vbroadcast v2, $0x0;
	v3 =	vshll.u32 v1, $0x10;
	v1 =	vand.u32 $0xFFFF0000, v1  }
0xf5: {  	v3 =	vmul.f32 v3, v0;
	v0 =	vmul.f32 v1, v0;
	_ =	sdelay $0x1  }
0xf6: {  	[tilespmem:s17+$0x60] =	vst v3  }
0xf7: {  	[tilespmem:s17+$0x70] =	vst v0;
	s17 =	smov.u32 s12  }
0xf8: {  	v0 =	vld [tilespmem:s11+$0xFFFFFFC0]  }
0xf9: {  	v1 =	vld.idx.msk [tilespmem:v2+s28+$0x0], $0xffff;
	_ =	sdelay $0x4  }
0xfa: {  	v2 =	vshll.u32 v0, $0x10;
	v0 =	vand.u32 $0xFFFF0000, v0  }
0xfb: {  	v2 =	vmul.f32 v2, v1;
	v0 =	vmul.f32 v0, v1;
	_ =	sdelay $0x1  }
0xfc: {  	[tilespmem:s12+$0xFFFFFF80] =	vst v2  }
0xfd: {  	[tilespmem:s12+$0xFFFFFF90] =	vst v0  }
0xfe: {  	v0 =	vld [tilespmem:s11+$0xFFFFFFD0];
	_ =	sdelay $0x4  }
0xff: {  	v2 =	vshll.u32 v0, $0x10;
	v0 =	vand.u32 $0xFFFF0000, v0  }
0x100: {  	v2 =	vmul.f32 v2, v1;
	v0 =	vmul.f32 v0, v1;
	_ =	sdelay $0x1  }
0x101: {  	[tilespmem:s12+$0xFFFFFFA0] =	vst v2  }
0x102: {  	[tilespmem:s12+$0xFFFFFFB0] =	vst v0  }
0x103: {  	v0 =	vld [tilespmem:s11+$0xFFFFFFE0];
	_ =	sdelay $0x4  }
0x104: {  	v2 =	vshll.u32 v0, $0x10;
	v0 =	vand.u32 $0xFFFF0000, v0  }
0x105: {  	v2 =	vmul.f32 v2, v1;
	v0 =	vmul.f32 v0, v1;
	_ =	sdelay $0x1  }
0x106: {  	[tilespmem:s12+$0xFFFFFFC0] =	vst v2  }
0x107: {  	[tilespmem:s12+$0xFFFFFFD0] =	vst v0  }
0x108: {  	v0 =	vld [tilespmem:s11+$0xFFFFFFF0];
	_ =	sdelay $0x4  }
0x109: {  	v3 =	vmov s14;
	v2 =	vshll.u32 v0, $0x10;
	v0 =	vand.u32 $0xFFFF0000, v0  }
0x10a: {  	v2 =	vmul.f32 v2, v1;
	v0 =	vmul.f32 v0, v1;
	_ =	sdelay $0x1  }
0x10b: {  	[tilespmem:s12+$0xFFFFFFE0] =	vst v2  }
0x10c: {  	[tilespmem:s12+$0xFFFFFFF0] =	vst v0  }
0x10d: {  	v0 =	vld.idx.msk [tilespmem:v3+s28+$0x0], $0xffff  }
0x10e: {  	v1 =	vld [tilespmem:s11+$0x0];
	_ =	sdelay $0x4  }
0x10f: {  	v2 =	vshll.u32 v1, $0x10;
	v1 =	vand.u32 $0xFFFF0000, v1  }
0x110: {  	v2 =	vmul.f32 v2, v0;
	v1 =	vmul.f32 v1, v0;
	_ =	sdelay $0x1  }
0x111: {  	[tilespmem:s12+$0x0] =	vst v2  }
0x112: {  	[tilespmem:s12+$0x10] =	vst v1  }
0x113: {  	v1 =	vld [tilespmem:s11+$0x10];
	_ =	sdelay $0x4  }
0x114: {  	v2 =	vshll.u32 v1, $0x10;
	v1 =	vand.u32 $0xFFFF0000, v1  }
0x115: {  	v2 =	vmul.f32 v2, v0;
	v1 =	vmul.f32 v1, v0;
	_ =	sdelay $0x1  }
0x116: {  	[tilespmem:s12+$0x20] =	vst v2  }
0x117: {  	[tilespmem:s12+$0x30] =	vst v1  }
0x118: {  	v1 =	vld [tilespmem:s11+$0x20];
	_ =	sdelay $0x4  }
.Ltmp3:
0x119: {  	v2 =	vshll.u32 v1, $0x10;
	v1 =	vand.u32 $0xFFFF0000, v1;
	(pc) =	sbr.rel @p1 .LBB2_5-.Ltmp3, $3  }
0x11a: {  	v2 =	vmul.f32 v2, v0;
	v1 =	vmul.f32 v1, v0;
	_ =	sdelay $0x1  }
0x11b: {  	[tilespmem:s12+$0x40] =	vst v2  }
0x11c: {  	[tilespmem:s12+$0x50] =	vst v1  }
0x11d: {  	v1 =	vld [tilespmem:s11+$0x30];
	_ =	sdelay $0x4  }
.Ltmp4:
0x11e: {  	v2 =	vshll.u32 v1, $0x10;
	(pc) =	sbr.rel @p2 .LBB2_8-.Ltmp4, $4  }
0x11f: {  	v1 =	vand.u32 $0xFFFF0000, v1;
	v2 =	vmul.f32 v2, v0  }
0x120: {  	v63 =	vmul.f32 v1, v0  }
0x121: {  	[tilespmem:s17+$0x60] =	vst v2  }
0x122: {  	s10 =	sadd.s32 $0x15FB8, s10;
	[tilespmem:s17+$0x70] =	vst v63  }
0x123: {  	s11 =	smul.u32 $0x50, s9;
	_ =	sdelay $0x1  }
0x124: {  	s12 =	sadd.s32 s5, s11;
	s11 =	sadd.s32 $0x138F8, s11  }
0x125: {  	[tilespmem:s26], [sflag:$0x2] =	stream.indirect.gather [hbm4b:s6+s22], $0x40, s11, s22, $0xb8;
	[tilespmem:$0x1C2F0] =	vst v63  }
0x126: {  	s17 =	sadd.s32 $0x78, s12  }
.Ltmp5:
0x127: {  	s11 =	sshrl.u32 s17, $0x3;
	(pc) =	sbr.rel .LBB2_2-.Ltmp5, $4  }
0x128: {  	s11 =	sadd.s32 s2, s11  }
0x129: {  	[tilespmem:s28], [sflag:$0x6] =	stream.linear.gather [hbm4b:s11+s4], $0x28, $0x38;
	[tilespmem:$0x1C2F0] =	vst v63  }
0x12a: {  	s9 =	sadd.s32 $0x1, s9  }
0x12b: {  	[spmem:s3] =	stream.indirect.scatter.add.f32 [tilespmem:s19], [sflag:$0x4], $0x80, s10, s22, $0xb8;
	[tilespmem:$0x1C2F0] =	vst v63  }
.LBB2_9:
0x12c: {  	_ =	sfence.sel $0x180000  }
0x12d: {  	[bflag:$0x0] =	sbarrier.arrive $0xFFFF  }
0x12e: {  	_ =	strace $0x9000004A  }
0x12f: {  	s0 =	stileid.u32;
	[bflag:$0x2] =	sbarrier.arrive $0xFFFF  }
0x130: {  	p0 =	sne.s32 s0, $0x0;
	s0 =	rddreg [dreg:$0x3]  }
0x131: {  	s0 =	sadd.s32 @!p0 $0x100000, s0  }
0x132: {  	[sflag:s0] =	ssyncadd.tile.s32 @!p0 $0x1;
	_ =	shalt  }
.Lfunc_end2:
_tile_overlayer_lowered:
.L_overlay_start_2:
0x133: {  	(tag) =	ssettag $0x2  }
0x134: {  	s0 =	rddreg [dreg:$0x0];
	s2 =	stileid.u32  }
0x135: {  	s1 =	rddreg [dreg:$0x1];
	p0 =	sne.s32 s2, $0x0  }
0x136: {  	s3 =	rddreg [dreg:$0x2];
	[bflag:$0x3] =	sbarrier.arrive $0xFFFF;
	s2 =	simm.s32 @!p0 $0x1C07  }
0x137: {  	[timem:s3], [sflag:s2] =	dma.local @!p0 [hbm:s0], s1  }
0x138: {  	s0 =	simm.s32 @!p0 $0x7  }
0x139: {  	_ =	swait.ge @!p0 [sflag:s0], s1  }
0x13a: {  	s1 =	ssub.s32 @!p0 $0x0, s1;
	[sflag:s0] =	ssyncset.done @!p0 $0x0  }
0x13b: {  	[sflag:s0] =	ssyncadd.s32 @!p0 s1  }
0x13c: {  	[bflag:$0x3] =	sbarrier.arrive $0xFFFF  }
0x13d: {  	_ =	shalt  }

// kernel: kernel.17.cloned.1.call-start
scs
__scs_entry_jumppad:
0x0: {  	(pc) =	sbr.rel $0x88, $3  }
0x1: {  	(tag) =	ssettag $0x0;
	lr =	simm.s32 $0x1  }
0x2: {  	[smem:$0x3F95] =	sst lr;
	_ =	strace $0xD0000000  }
0x3: {  	_ = 	snop  }
0x4: {  	_ = 	snop  }
0x5: {  	_ = 	snop  }
0x6: {  	_ = 	snop  }
0x7: {  	_ = 	snop  }
__scs_overlays_trampoline_lowered:
0x8: {  	[smem:$0x3FA4] =	sst s0  }
0x9: {  	[smem:$0x3FA5] =	sst s1  }
0xa: {  	[smem:$0x3FA6] =	sst s2  }
0xb: {  	[smem:$0x3FA7] =	sst s3  }
0xc: {  	[smem:$0x3FA8] =	sst s4  }
0xd: {  	[smem:$0x3FA9] =	sst s5  }
0xe: {  	[smem:$0x3FAA] =	sst s6  }
0xf: {  	[smem:$0x3FAB] =	sst s7  }
0x10: {  	[smem:$0x3FAC] =	sst s8  }
0x11: {  	[smem:$0x3FAD] =	sst s9;
	s0 =	simm.s32 @!p0 $0x0  }
0x12: {  	s1 =	sld [smem:$0x3F93];
	s0 =	simm.s32 @p0 $0x1  }
0x13: {  	[smem:$0x3FAE] =	sst s0;
	s0 =	simm.s32 @!p1 $0x0  }
0x14: {  	s2 =	sld [smem:$0x3F92];
	s0 =	simm.s32 @p1 $0x1  }
0x15: {  	[smem:$0x3FAF] =	sst s0;
	s0 =	simm.s32 @!p2 $0x0  }
0x16: {  	s3 =	sld [smem:$0x3FDB];
	s0 =	simm.s32 @p2 $0x1  }
0x17: {  	s4 =	simm.s32 $0x1BF5;
	[smem:$0x3FB1] =	sst s0  }
0x18: {  	s0 =	sld [smem:$0x3F94];
	_ =	swait.ge [sflag:s4], $0x0  }
0x19: {  	s7 =	sld [smem:$0x3F95]  }
0x1a: {  	s8 =	sadd.s32 $0xFFFFE003, lr  }
0x1b: {  	s9 =	sadd.s32 $0xFFFFFEF7, lr;
	s5 =	simm.s32 $0xFFFFFFFF;
	p2 =	slt.u32 s8, $0xFFFFF086  }
0x1c: {  	p1 =	slt.u32 s9, $0xF7A;
	s5 =	simm.s32 @!p2 $0x0  }
0x1d: {  	s5 =	simm.s32 @p1 $0x1;
	p0 =	seq.s32 s7, s2  }
0x1e: {  	s7 =	smul.u32 @!p0 $0xF7A, s2;
	p2 =	seq.s32 @!p0 s5, $0x0  }
0x1f: {  	s9 =	smul.u32 $0xF7A, s1;
	s8 =	simm.s32 @!p0 $0x1BF5;
	p2 =	por !p2, p0  }
0x20: {  	[sflag:s8] =	ssyncset.s32 @!p0 $0xFFFFF086;
	s6 =	sadd.s32 @!p0 s3, s7;
	s7 =	simm.s32 @!p0 $0x108  }
0x21: {  	s3 =	sadd.s32 s3, s9;
	s6 =	sadd.s32 @!p0 $0x88, s6;
	s7 =	simm.s32 @p2 $0x1082  }
0x22: {  	[simem:s7], [sflag:s8] =	dma.local @!p0 [hbm:s6], $0xF7A  }
0x23: {  	s9 =	sor.u32 $0xD0000000, s2;
	s6 =	simm.s32 $0x108;
	_ =	swait.ge @!p0 [sflag:s8], $0x0  }
0x24: {  	s3 =	sadd.s32 $0x88, s3;
	s6 =	simm.s32 @!p1 $0x1082;
	[sflag:s4] =	ssyncset.s32 $0xFFFFF086  }
0x25: {  	[simem:s6], [sflag:s4] =	dma.local [hbm:s3], $0xF7A  }
0x26: {  	[smem:$0x3F95] =	sst s1;
	(tag) =	ssettag s2;
	_ =	strace s9  }
0x27: {  	s1 =	sld [smem:$0x3FA5]  }
0x28: {  	s2 =	sld [smem:$0x3FA6]  }
0x29: {  	s4 =	sld [smem:$0x3FA8]  }
0x2a: {  	p0 =	seq.s32 s5, $0x0;
	s5 =	sld [smem:$0x3FA9]  }
0x2b: {  	s6 =	sld [smem:$0x3FAA]  }
0x2c: {  	s7 =	sld [smem:$0x3FAB]  }
0x2d: {  	s3 =	simm.s32 $0x108;
	s8 =	sld [smem:$0x3FAC]  }
0x2e: {  	s3 =	simm.s32 @!p0 $0x1082;
	s9 =	sld [smem:$0x3FAD]  }
0x2f: {  	lr =	sadd.s32 s0, s3;
	s0 =	sld [smem:$0x3FA4]  }
0x30: {  	s3 =	sld [smem:$0x3FA7]  }
0x31: {  	[smem:$0x3FB0] =	sst s10  }
0x32: {  	s10 =	sld [smem:$0x3FAE];
	_ =	sdelay $0x3  }
0x33: {  	p0 =	seq.s32 s10, $0x1;
	s10 =	sld [smem:$0x3FB0];
	_ =	sdelay $0x3  }
0x34: {  	[smem:$0x3FB0] =	sst s10  }
0x35: {  	s10 =	sld [smem:$0x3FAF];
	_ =	sdelay $0x3  }
0x36: {  	p1 =	seq.s32 s10, $0x1;
	s10 =	sld [smem:$0x3FB0];
	_ =	sdelay $0x3  }
0x37: {  	[smem:$0x3FB0] =	sst s10  }
0x38: {  	s10 =	sld [smem:$0x3FB1]  }
0x39: {  	_ = 	snop;
	(pc) =	sbr.ind lr, $3  }
0x3a: {  	_ = 	snop  }
0x3b: {  	_ = 	snop  }
0x3c: {  	p2 =	seq.s32 s10, $0x1;
	s10 =	sld [smem:$0x3FB0]  }
0x3d: {  	_ =	shalt  }
0x3e: {  	_ =	shalt  }
0x3f: {  	_ =	shalt  }
0x40: {  	_ =	shalt  }
0x41: {  	_ =	shalt  }
0x42: {  	_ =	shalt  }
0x43: {  	_ =	shalt  }
0x44: {  	_ =	shalt  }
0x45: {  	_ =	shalt  }
0x46: {  	_ =	shalt  }
0x47: {  	_ =	shalt  }
0x48: {  	_ =	shalt  }
0x49: {  	_ =	shalt  }
0x4a: {  	_ =	shalt  }
0x4b: {  	_ =	shalt  }
0x4c: {  	_ =	shalt  }
0x4d: {  	_ =	shalt  }
0x4e: {  	_ =	shalt  }
0x4f: {  	_ =	shalt  }
0x50: {  	_ =	shalt  }
0x51: {  	_ =	shalt  }
0x52: {  	_ =	shalt  }
0x53: {  	_ =	shalt  }
0x54: {  	_ =	shalt  }
0x55: {  	_ =	shalt  }
0x56: {  	_ =	shalt  }
0x57: {  	_ =	shalt  }
0x58: {  	_ =	shalt  }
0x59: {  	_ =	shalt  }
0x5a: {  	_ =	shalt  }
0x5b: {  	_ =	shalt  }
0x5c: {  	_ =	shalt  }
0x5d: {  	_ =	shalt  }
0x5e: {  	_ =	shalt  }
0x5f: {  	_ =	shalt  }
0x60: {  	_ =	shalt  }
0x61: {  	_ =	shalt  }
0x62: {  	_ =	shalt  }
0x63: {  	_ =	shalt  }
0x64: {  	_ =	shalt  }
0x65: {  	_ =	shalt  }
0x66: {  	_ =	shalt  }
0x67: {  	_ =	shalt  }
0x68: {  	_ =	shalt  }
0x69: {  	_ =	shalt  }
0x6a: {  	_ =	shalt  }
0x6b: {  	_ =	shalt  }
0x6c: {  	_ =	shalt  }
0x6d: {  	_ =	shalt  }
0x6e: {  	_ =	shalt  }
0x6f: {  	_ =	shalt  }
0x70: {  	_ =	shalt  }
0x71: {  	_ =	shalt  }
0x72: {  	_ =	shalt  }
0x73: {  	_ =	shalt  }
0x74: {  	_ =	shalt  }
0x75: {  	_ =	shalt  }
0x76: {  	_ =	shalt  }
0x77: {  	_ =	shalt  }
0x78: {  	_ =	shalt  }
0x79: {  	_ =	shalt  }
0x7a: {  	_ =	shalt  }
0x7b: {  	_ =	shalt  }
0x7c: {  	_ =	shalt  }
0x7d: {  	_ =	shalt  }
0x7e: {  	_ =	shalt  }
0x7f: {  	_ =	shalt  }
0x80: {  	_ =	shalt  }
0x81: {  	_ =	shalt  }
0x82: {  	_ =	shalt  }
0x83: {  	_ =	shalt  }
0x84: {  	_ =	shalt  }
0x85: {  	_ =	shalt  }
0x86: {  	_ =	shalt  }
0x87: {  	_ =	shalt  }
.Lfunc_end0:
.L_simem_size_0:
called_computation.2_lowered:
.L_overlay_start_0:
0x88: {  	s2 =	sld [smem:$0x3FD9]  }
0x89: {  	s3 =	sld [smem:$0x3FFE];
	_ =	sdelay $0x1  }
0x8a: {  	s1 =	srdreg.scid  }
0x8b: {  	s0 =	sand.u32 $0x1, s1  }
0x8c: {  	s17 =	sshll.u32 s0, $0xA;
	s2 =	sadd.s32 s3, s2  }
0x8d: {  	s2 =	sadd.s32 s2, s17  }
0x8e: {  	[smem:$0x3FBC] =	sst s2  }
0x8f: {  	_ = 	snop  }
0x90: {  	s2 =	sld [smem:$0x3FC6];
	(tm) =	ssettm $0x1  }
0x91: {  	s18 =	sld [smem:$0x3FFB];
	_ =	sdelay $0x3  }
0x92: {  	_ =	strace s18  }
0x93: {  	s3 =	sld [smem:$0x3FFC];
	_ =	sdelay $0x3  }
0x94: {  	_ =	strace s3  }
0x95: {  	s3 =	sld [smem:$0x3FFD];
	_ =	sdelay $0x3  }
0x96: {  	_ =	strace s3  }
0x97: {  	_ =	strace $0x8FFFFFFF  }
0x98: {  	s19 =	sld [smem:$0x3FDB];
	_ =	sdelay $0x1  }
0x99: {  	s4 =	simm.s32 $_scs_section_size  }
0x9a: {  	s5 =	simm.s32 $_size__tile_overlayer_lowered;
	s6 =	simm.s32 $_tile_overlayer_lowered  }
0x9b: {  	s22 =	simm.s32 $0x1BFF;
	s21 =	sshll.u32 s6, $0x1;
	s3 =	sadd.s32 s4, s19  }
0x9c: {  	s7 =	simm.s32 $0x0;
	s20 =	sshll.u32 s5, $0x1;
	s5 =	sadd.s32 s21, s3  }
0x9d: {  	[timem:s7], [sflag:s22] =	dma.local [hbm:s5], s20  }
0x9e: {  	_ =	swait.ge [sflag:s22], s20  }
0x9f: {  	s4 =	ssub.s32 $0x0, s20;
	[sflag:s22] =	ssyncset.done $0x0  }
0xa0: {  	[sflag:s22] =	ssyncadd.s32 s4;
	_ =	sdelay $0x1  }
0xa1: {  	s23 =	simm.s32 $0x1B8B  }
0xa2: {  	_ =	swait.ge [sflag:s23], $0x1  }
0xa3: {  	[sflag:s23] =	ssyncset.done $0x0  }
0xa4: {  	s25 =	simm.s32 $0x1B8E;
	s24 =	sld [smem:$0x3FFE];
	[sflag:s23] =	ssyncadd.s32 $0xFFFFFFFF  }
0xa5: {  	s26 =	simm.s32 $execute0_lowered;
	[smem:$0x3FD2] =	sst s25  }
0xa6: {  	s5 =	sshll.u32 s26, $0x1;
	_ =	strace $0x8000004C;
	[dreg:$0x1] =	wrdreg $0xFFFFFFFF  }
0xa7: {  	s28 =	simm.s32 $_size_execute0_lowered;
	s3 =	sadd.s32 s3, s5;
	[dreg:$0x0] =	wrdreg $0x0  }
0xa8: {  	s5 =	sshll.u32 s28, $0x1;
	[dreg:$0x2] =	wrdreg s3  }
0xa9: {  	[dreg:$0x3] =	wrdreg s5  }
0xaa: {  	[dreg:$0x4] =	wrdreg $0xC0  }
0xab: {  	_ =	task [dreg:s7], $0x5FFFF  }
0xac: {  	[dreg:$0x1] =	wrdreg $0xFFFFFFFF  }
0xad: {  	[dreg:$0x0] =	wrdreg $0x60  }
0xae: {  	[dreg:$0x2] =	wrdreg s24  }
0xaf: {  	[dreg:$0x3] =	wrdreg s2  }
0xb0: {  	[dreg:$0x4] =	wrdreg $0x0  }
0xb1: {  	[dreg:$0x5] =	wrdreg $0x9  }
0xb2: {  	_ =	task.clear_ibuf [dreg:s7], $0x6FFFF;
	_ =	strace $0x9000004C  }
0xb3: {  	s29 =	simm.s32 $0x9;
	_ =	strace $0x8000004E  }
0xb4: {  	_ =	swait.ge [sflag:s29], $0x1  }
0xb5: {  	[sflag:s29] =	ssyncadd.s32 $0xFFFFFFFF  }
0xb6: {  	_ =	strace $0x9000004E  }
0xb7: {  	_ =	sfence  }
0xb8: {  	s30 =	sld [smem:$0x0];
	_ =	sdelay $0x2  }
0xb9: {  	s31 =	sshll.u32 s1, $0xD;
	s1 =	sshrl.u32 s1, $0x2  }
0xba: {  	s3 =	sand.u32 $0x4000, s31;
	s1 =	sadd.s32 s1, s30  }
0xbb: {  	s0 =	sor.u32 s3, s0;
	s1 =	sshll.u32 s1, $0x11  }
0xbc: {  	s0 =	sor.u32 s1, s0  }
0xbd: {  	s0 =	sadd.s32 $0x8F2B, s0  }
0xbe: {  	[sflag:s0] =	ssyncadd.remote.s32 $0x1  }
0xbf: {  	_ =	sfence.sel $0xFFFF  }
0xc0: {  	[dreg:$0x0] =	wrdreg $0xFFFFFFFF;
	(pc) =	sbr.abs _section_cstart, $3  }
0xc1: {  	[dreg:$0x1] =	wrdreg $0xFFFFFFFF  }
0xc2: {  	_ =	task.clear_ibuf [dreg:s7], $0x2FFFF;
	_ =	strace $0x9FFFFFFF  }
0xc3: {  	(tm) =	ssettm $0x7FFFFFFF  }
tec
execute0_lowered:
.L_overlay_start_1:
0x0: {  	(tag) =	ssettag $0x1  }
0x1: {  	s0 =	rddreg [dreg:$0x0]  }
0x2: {  	s1 =	srdreg.scid;
	s2 =	rddreg [dreg:$0x1]  }
0x3: {  	s14 =	stileid.u32;
	s3 =	rddreg [dreg:$0x2]  }
0x4: {  	s18 =	simm.s32 $0x7;
	s28 =	simm.s32 $0x186C8;
	s29 =	simm.s32 $0x1  }
0x5: {  	s30 =	simm.s32 $0x5;
	s31 =	simm.s32 $0x19AF0;
	s19 =	simm.s32 $0x1AEF0  }
0x6: {  	s1 =	sand.u32 $0x1, s1;
	s4 =	sshll.u32 s14, $0x1;
	s7 =	smul.u32 $0x13800, s14  }
0x7: {  	s6 =	sadd.s32 $0x15600, s0;
	s13 =	sadd.s32 $0x50200, s0;
	s5 =	sor.u32 s1, s4  }
0x8: {  	s4 =	simm.s32 $0x0;
	s10 =	ssub.s32 $0x2, s1;
	s1 =	smul.u32 $0x138800, s1  }
0x9: {  	p0 =	seq.s32 s14, $0xF;
	s5 =	smul.u32 $0x2710, s5;
	[smem:$0x7FF] =	sst s4  }
0xa: {  	s9 =	sshrl.u32 s7, $0x3;
	s12 =	sshrl.u32 s10, $0x1;
	s22 =	sadd.s32 s7, s3  }
0xb: {  	_ =	strace $0x8000004D;
	s9 =	sadd.s32 s9, s0;
	s10 =	ssub.s32 s10, s12  }
0xc: {  	[dreg:$0x6] =	wrdreg s22;
	s7 =	sadd.s32 s7, s1;
	s1 =	sshrl.u32 s1, $0x3  }
0xd: {  	s22 =	simm.s32 $0x28;
	s8 =	sshrl.u32 s5, $0x3;
	s9 =	sadd.s32 $0x29000, s9  }
0xe: {  	s24 =	sadd.s32 $0x28, s5;
	s7 =	sshrl.u32 s7, $0x3;
	s26 =	sadd.s32 s13, s1  }
0xf: {  	s16 =	smax.u32 s10, $0x1;
	s1 =	simm.s32 $0x2;
	s11 =	sadd.s32 s8, s0  }
0x10: {  	[dreg:$0x7] =	wrdreg s9;
	s9 =	sadd.s32 $0x124800, s3;
	s0 =	sadd.s32 $0x4D900, s0  }
0x11: {  	s23 =	sadd.s32 s2, s8;
	s25 =	sadd.s32 s13, s7;
	[dreg:$0x8] =	wrdreg s0  }
0x12: {  	s7 =	simm.s32 $0x0;
	s21 =	sadd.s32 $0x1A00, s11;
	[dreg:$0x9] =	wrdreg s23  }
0x13: {  	s11 =	sadd.s32 $0xB800, s11;
	s0 =	sshrl.u32 s24, $0x3;
	[dreg:$0xb] =	wrdreg s25  }
.Ltmp0:
0x14: {  	s20 =	sshrl.u32 @p0 s9, $0x3;
	[dreg:$0x4] =	wrdreg s21;
	(pc) =	sbr.rel .LBB2_1-.Ltmp0, $4  }
0x15: {  	s24 =	simm.s32 $0x186A0;
	[dreg:$0x5] =	wrdreg s11;
	s0 =	sadd.s32 s2, s0  }
0x16: {  	s23 =	simm.s32 $0x4;
	[dreg:$0xa] =	wrdreg s0;
	s0 =	sadd.s32 $0x24900, s26  }
0x17: {  	s25 =	simm.s32 $0x3;
	[dreg:$0xc] =	wrdreg s0;
	s0 =	sshll.u32 @!p0 s14, $0x6  }
0x18: {  	s26 =	simm.s32 $0x190F0;
	s21 =	sor.u32 @!p0 $0x1C07, s0;
	s0 =	simm.s32 $0x6  }
.LBB2_8:
0x19: {  	[spmem:s3] =	stream.indirect.scatter.add.f32 [tilespmem:s19], [sflag:$0x4], $0x80, s10, s22, $0xb8;
	[tilespmem:$0x1C2F0] =	vst v63  }
0x1a: {  	_ =	swait.ge [sflag:s23], $0x1400  }
0x1b: {  	[sflag:s23] =	ssyncset.done $0x0  }
0x1c: {  	[sflag:s23] =	ssyncadd.s32 $0xFFFFEC00  }
0x1d: {  	_ =	swait.ge [sflag:s25], $0x1400  }
0x1e: {  	[sflag:s25] =	ssyncset.done $0x0  }
0x1f: {  	[sflag:s25] =	ssyncadd.s32 $0xFFFFEC00  }
0x20: {  	[bflag:$0x0] =	sbarrier.arrive $0xFFFF  }
0x21: {  	s9 =	simm.s32 @p0 $0x1FC7;
	s10 =	rddreg [dreg:$0xc]  }
0x22: {  	[hbm:s10], [sflag:s9] =	dma.local @p0 [spmem:s20], $0x2800  }
0x23: {  	s9 =	simm.s32 @p0 $0x7  }
0x24: {  	_ =	swait.ge @p0 [sflag:s9], $0x2800  }
0x25: {  	s7 =	sadd.s32 $0x1, s7;
	[sflag:s9] =	ssyncset.done @p0 $0x0  }
0x26: {  	p1 =	sne.s32 s7, s16;
	[sflag:s9] =	ssyncadd.s32 @p0 $0xFFFFD800;
	s9 =	rddreg [dreg:$0xb]  }
0x27: {  	[hbm:s9], [sflag:s21] =	dma.local @!p0 [spmem:s8], $0x2700  }
.Ltmp1:
0x28: {  	_ = 	snop;
	(pc) =	sbr.rel @!p1 .LBB2_9-.Ltmp1, $4  }
0x29: {  	s8 =	simm.s32 @!p0 $0x7  }
0x2a: {  	_ =	swait.ge @!p0 [sflag:s8], $0x2700  }
0x2b: {  	[sflag:s8] =	ssyncset.done @!p0 $0x0  }
0x2c: {  	[sflag:s8] =	ssyncadd.s32 @!p0 $0xFFFFD900  }
.LBB2_1:
0x2d: {  	s8 =	rddreg [dreg:$0x4];
	s10 =	simm.s32 $0x13880  }
0x2e: {  	[tilespmem:s10], [sflag:$0x7] =	stream.linear.gather [hbm4b:s8+s4], $0x2710, $0x38;
	[tilespmem:$0x1C2F0] =	vst v63  }
0x2f: {  	_ =	swait.ge [sflag:s18], $0x2710  }
0x30: {  	[sflag:s18] =	ssyncset.done $0x0  }
0x31: {  	s9 =	simm.s32 $0x15F90;
	s12 =	rddreg [dreg:$0x5];
	[sflag:s18] =	ssyncadd.s32 $0xFFFFD8F0  }
0x32: {  	[tilespmem:s9], [sflag:$0x7] =	stream.linear.gather [hbm4b:s12+s4], $0x2710, $0x38;
	[tilespmem:$0x1C2F0] =	vst v63  }
0x33: {  	_ =	swait.ge [sflag:s18], $0x2710  }
0x34: {  	[sflag:s18] =	ssyncset.done $0x0  }
0x35: {  	s8 =	simm.s32 @p0 $0x1FC7;
	s9 =	rddreg [dreg:$0x8];
	[sflag:s18] =	ssyncadd.s32 $0xFFFFD8F0  }
0x36: {  	[spmem:s20], [sflag:s8] =	dma.local @p0 [hbm:s9], $0x2800  }
0x37: {  	s8 =	simm.s32 @p0 $0x7  }
0x38: {  	_ =	swait.ge @p0 [sflag:s8], $0x2800  }
0x39: {  	[sflag:s8] =	ssyncset.done @p0 $0x0  }
0x3a: {  	[sflag:s8] =	ssyncadd.s32 @p0 $0xFFFFD800;
	s8 =	rddreg [dreg:$0x6]  }
0x3b: {  	s9 =	rddreg [dreg:$0x7];
	s8 =	sshrl.u32 @!p0 s8, $0x3  }
0x3c: {  	[spmem:s8], [sflag:s21] =	dma.local @!p0 [hbm:s9], $0x2700  }
0x3d: {  	s9 =	simm.s32 @!p0 $0x7  }
0x3e: {  	_ =	swait.ge @!p0 [sflag:s9], $0x2700  }
0x3f: {  	[sflag:s9] =	ssyncset.done @!p0 $0x0  }
0x40: {  	[sflag:s9] =	ssyncadd.s32 @!p0 $0xFFFFD900  }
0x41: {  	s13 =	simm.s32 $0x186F0;
	[bflag:$0x0] =	sbarrier.arrive $0xFFFF  }
0x42: {  	[tilespmem:s13], [sflag:$0x1] =	stream.indirect.gather [hbm4b:s6+s22], $0x40, s10, s22, $0xb8;
	[tilespmem:$0x1C2F0] =	vst v63  }
0x43: {  	s14 =	rddreg [dreg:$0x9]  }
0x44: {  	[tilespmem:s24], [sflag:$0x5] =	stream.linear.gather [hbm4b:s14+s4], $0x28, $0x38;
	[tilespmem:$0x1C2F0] =	vst v63  }
0x45: {  	s15 =	simm.s32 $0x138A8  }
0x46: {  	[tilespmem:s26], [sflag:$0x2] =	stream.indirect.gather [hbm4b:s6+s22], $0x40, s15, s22, $0xb8;
	[tilespmem:$0x1C2F0] =	vst v63  }
0x47: {  	s9 =	simm.s32 $0x0;
	s17 =	rddreg [dreg:$0xa]  }
0x48: {  	[tilespmem:s28], [sflag:$0x6] =	stream.linear.gather [hbm4b:s17+s4], $0x28, $0x38;
	[tilespmem:$0x1C2F0] =	vst v63  }
.LBB2_2:
0x49: {  	_ =	swait.ge [sflag:s29], $0xA00  }
0x4a: {  	p1 =	seq.s32 s9, $0x0;
	s10 =	simm.s32 $0x0;
	[sflag:s29] =	ssyncset.done $0x0  }
0x4b: {  	s11 =	simm.s32 @!p1 $0x3;
	v0 =	vmov s10;
	[sflag:s29] =	ssyncadd.s32 $0xFFFFF600  }
0x4c: {  	v0 =	vand.u32 $0xFFFFFFFE, v0;
	_ =	swait.ge @!p1 [sflag:s11], $0x1400  }
0x4d: {  	v0 =	vbroadcast v0, $0x0;
	[sflag:s11] =	ssyncset.done @!p1 $0x0  }
0x4e: {  	[sflag:s11] =	ssyncadd.s32 @!p1 $0xFFFFEC00  }
0x4f: {  	_ =	swait.ge [sflag:s30], $0x28  }
0x50: {  	[sflag:s30] =	ssyncset.done $0x0  }
0x51: {  	s10 =	simm.s32 $0x18730;
	[sflag:s30] =	ssyncadd.s32 $0xFFFFFFD8  }
0x52: {  	v1 =	vld [tilespmem:s10+$0xFFFFFFC0]  }
0x53: {  	v0 =	vld.idx.msk [tilespmem:v0+s24+$0x0], $0xffff;
	_ =	sdelay $0x3  }
0x54: {  	v2 =	vshll.u32 v1, $0x10  }
0x55: {  	v1 =	vand.u32 $0xFFFF0000, v1;
	v2 =	vmul.f32 v2, v0  }
0x56: {  	s11 =	simm.s32 $0x19B70;
	v1 =	vmul.f32 v1, v0  }
0x57: {  	[tilespmem:s11+$0xFFFFFF80] =	vst v2  }
0x58: {  	[tilespmem:s11+$0xFFFFFF90] =	vst v1  }
0x59: {  	v1 =	vld [tilespmem:s10+$0xFFFFFFD0];
	_ =	sdelay $0x4  }
0x5a: {  	v2 =	vshll.u32 v1, $0x10  }
0x5b: {  	v1 =	vand.u32 $0xFFFF0000, v1;
	v2 =	vmul.f32 v2, v0  }
0x5c: {  	v1 =	vmul.f32 v1, v0  }
0x5d: {  	[tilespmem:s11+$0xFFFFFFA0] =	vst v2  }
0x5e: {  	[tilespmem:s11+$0xFFFFFFB0] =	vst v1  }
0x5f: {  	v1 =	vld [tilespmem:s10+$0xFFFFFFE0];
	_ =	sdelay $0x4  }
0x60: {  	v2 =	vshll.u32 v1, $0x10  }
0x61: {  	v1 =	vand.u32 $0xFFFF0000, v1;
	v2 =	vmul.f32 v2, v0  }
0x62: {  	v1 =	vmul.f32 v1, v0  }
0x63: {  	[tilespmem:s11+$0xFFFFFFC0] =	vst v2  }
0x64: {  	[tilespmem:s11+$0xFFFFFFD0] =	vst v1  }
0x65: {  	v1 =	vld [tilespmem:s10+$0xFFFFFFF0];
	_ =	sdelay $0x4  }
0x66: {  	s12 =	simm.s32 $0x1;
	v2 =	vshll.u32 v1, $0x10  }
0x67: {  	v3 =	vmov s12;
	v1 =	vand.u32 $0xFFFF0000, v1;
	v2 =	vmul.f32 v2, v0  }
0x68: {  	v0 =	vmul.f32 v1, v0  }
0x69: {  	[tilespmem:s11+$0xFFFFFFE0] =	vst v2  }
0x6a: {  	[tilespmem:s11+$0xFFFFFFF0] =	vst v0  }
0x6b: {  	v1 =	vld [tilespmem:s10+$0x0]  }
0x6c: {  	v0 =	vld.idx.msk [tilespmem:v3+s24+$0x0], $0xffff;
	_ =	sdelay $0x3  }
0x6d: {  	v2 =	vshll.u32 v1, $0x10  }
0x6e: {  	v1 =	vand.u32 $0xFFFF0000, v1;
	v2 =	vmul.f32 v2, v0  }
0x6f: {  	v1 =	vmul.f32 v1, v0  }
0x70: {  	[tilespmem:s11+$0x0] =	vst v2  }
0x71: {  	[tilespmem:s11+$0x10] =	vst v1  }
0x72: {  	v1 =	vld [tilespmem:s10+$0x10];
	_ =	sdelay $0x4  }
0x73: {  	v2 =	vshll.u32 v1, $0x10  }
0x74: {  	v1 =	vand.u32 $0xFFFF0000, v1;
	v2 =	vmul.f32 v2, v0  }
0x75: {  	v1 =	vmul.f32 v1, v0  }
0x76: {  	[tilespmem:s11+$0x20] =	vst v2  }
0x77: {  	[tilespmem:s11+$0x30] =	vst v1  }
0x78: {  	v1 =	vld [tilespmem:s10+$0x20];
	_ =	sdelay $0x4  }
0x79: {  	v2 =	vshll.u32 v1, $0x10  }
0x7a: {  	v1 =	vand.u32 $0xFFFF0000, v1;
	v2 =	vmul.f32 v2, v0  }
0x7b: {  	v1 =	vmul.f32 v1, v0  }
0x7c: {  	[tilespmem:s11+$0x40] =	vst v2  }
0x7d: {  	s17 =	simm.s32 $0x3;
	s12 =	simm.s32 $0x19B70;
	[tilespmem:s11+$0x50] =	vst v1  }
.LBB2_3:
0x7e: {  	p2 =	sne.s32 s17, $0x27;
	v1 =	vld [tilespmem:s10+$0x30];
	s10 =	sadd.s32 $0x80, s10;
	s11 =	sadd.s32 $0x100, s11  }
0x7f: {  	s13 =	smov.u32 s17;
	s17 =	sadd.s32 $0x2, s17  }
0x80: {  	s14 =	sadd.s32 $0xFFFFFFFF, s13  }
0x81: {  	v2 =	vmov s14  }
0x82: {  	v2 =	vand.u32 $0xFFFFFFFE, v2  }
0x83: {  	v2 =	vbroadcast v2, $0x0;
	v3 =	vshll.u32 v1, $0x10;
	v1 =	vand.u32 $0xFFFF0000, v1  }
0x84: {  	v3 =	vmul.f32 v3, v0;
	v0 =	vmul.f32 v1, v0;
	_ =	sdelay $0x1  }
0x85: {  	[tilespmem:s12+$0x60] =	vst v3  }
0x86: {  	[tilespmem:s12+$0x70] =	vst v0;
	s12 =	smov.u32 s11  }
0x87: {  	v0 =	vld [tilespmem:s10+$0xFFFFFFC0]  }
0x88: {  	v1 =	vld.idx.msk [tilespmem:v2+s24+$0x0], $0xffff;
	_ =	sdelay $0x4  }
0x89: {  	v2 =	vshll.u32 v0, $0x10;
	v0 =	vand.u32 $0xFFFF0000, v0  }
0x8a: {  	v2 =	vmul.f32 v2, v1;
	v0 =	vmul.f32 v0, v1;
	_ =	sdelay $0x1  }
0x8b: {  	[tilespmem:s11+$0xFFFFFF80] =	vst v2  }
0x8c: {  	[tilespmem:s11+$0xFFFFFF90] =	vst v0  }
0x8d: {  	v0 =	vld [tilespmem:s10+$0xFFFFFFD0];
	_ =	sdelay $0x4  }
0x8e: {  	v2 =	vshll.u32 v0, $0x10;
	v0 =	vand.u32 $0xFFFF0000, v0  }
0x8f: {  	v2 =	vmul.f32 v2, v1;
	v0 =	vmul.f32 v0, v1;
	_ =	sdelay $0x1  }
0x90: {  	[tilespmem:s11+$0xFFFFFFA0] =	vst v2  }
0x91: {  	[tilespmem:s11+$0xFFFFFFB0] =	vst v0  }
0x92: {  	v0 =	vld [tilespmem:s10+$0xFFFFFFE0];
	_ =	sdelay $0x4  }
0x93: {  	v2 =	vshll.u32 v0, $0x10;
	v0 =	vand.u32 $0xFFFF0000, v0  }
0x94: {  	v2 =	vmul.f32 v2, v1;
	v0 =	vmul.f32 v0, v1;
	_ =	sdelay $0x1  }
0x95: {  	[tilespmem:s11+$0xFFFFFFC0] =	vst v2  }
0x96: {  	[tilespmem:s11+$0xFFFFFFD0] =	vst v0  }
0x97: {  	v0 =	vld [tilespmem:s10+$0xFFFFFFF0];
	_ =	sdelay $0x4  }
0x98: {  	v3 =	vmov s13;
	v2 =	vshll.u32 v0, $0x10;
	v0 =	vand.u32 $0xFFFF0000, v0  }
0x99: {  	v2 =	vmul.f32 v2, v1;
	v0 =	vmul.f32 v0, v1;
	_ =	sdelay $0x1  }
0x9a: {  	[tilespmem:s11+$0xFFFFFFE0] =	vst v2  }
0x9b: {  	[tilespmem:s11+$0xFFFFFFF0] =	vst v0  }
0x9c: {  	v0 =	vld.idx.msk [tilespmem:v3+s24+$0x0], $0xffff  }
0x9d: {  	v1 =	vld [tilespmem:s10+$0x0];
	_ =	sdelay $0x4  }
0x9e: {  	v2 =	vshll.u32 v1, $0x10;
	v1 =	vand.u32 $0xFFFF0000, v1  }
0x9f: {  	v2 =	vmul.f32 v2, v0;
	v1 =	vmul.f32 v1, v0;
	_ =	sdelay $0x1  }
0xa0: {  	[tilespmem:s11+$0x0] =	vst v2  }
0xa1: {  	[tilespmem:s11+$0x10] =	vst v1  }
0xa2: {  	v1 =	vld [tilespmem:s10+$0x10];
	_ =	sdelay $0x4  }
0xa3: {  	v2 =	vshll.u32 v1, $0x10;
	v1 =	vand.u32 $0xFFFF0000, v1  }
0xa4: {  	v2 =	vmul.f32 v2, v0;
	v1 =	vmul.f32 v1, v0;
	_ =	sdelay $0x1  }
0xa5: {  	[tilespmem:s11+$0x20] =	vst v2  }
0xa6: {  	[tilespmem:s11+$0x30] =	vst v1  }
0xa7: {  	v1 =	vld [tilespmem:s10+$0x20];
	_ =	sdelay $0x4  }
.Ltmp2:
0xa8: {  	v2 =	vshll.u32 v1, $0x10;
	v1 =	vand.u32 $0xFFFF0000, v1;
	(pc) =	sbr.rel @p2 .LBB2_3-.Ltmp2, $3  }
0xa9: {  	v2 =	vmul.f32 v2, v0;
	v1 =	vmul.f32 v1, v0;
	_ =	sdelay $0x1  }
0xaa: {  	[tilespmem:s11+$0x40] =	vst v2  }
0xab: {  	[tilespmem:s11+$0x50] =	vst v1  }
0xac: {  	v1 =	vld [tilespmem:s10+$0x30];
	_ =	sdelay $0x4  }
0xad: {  	v2 =	vshll.u32 v1, $0x10  }
0xae: {  	p2 =	seq.s32 s9, $0x7C;
	v1 =	vand.u32 $0xFFFF0000, v1;
	v2 =	vmul.f32 v2, v0  }
0xaf: {  	s10 =	smul.u32 @!p2 $0x50, s9;
	v0 =	vmul.f32 v1, v0  }
0xb0: {  	s13 =	simm.s32 @!p2 $0x186F0;
	[tilespmem:s12+$0x60] =	vst v2  }
0xb1: {  	s11 =	sadd.s32 @!p2 s5, s10;
	s10 =	sadd.s32 @!p2 $0x138D0, s10;
	[tilespmem:s12+$0x70] =	vst v0;
	s12 =	simm.s32 @!p2 $0x28  }
0xb2: {  	[tilespmem:s13], [sflag:$0x1] =	stream.indirect.gather @!p2 [hbm4b:s6+s12], $0x40, s10, s12, $0xb8;
	[tilespmem:$0x1C2F0] =	vst v63  }
0xb3: {  	s10 =	sshrl.u32 @!p2 s11, $0x3  }
0xb4: {  	s17 =	smul.u32 $0x140, s9;
	s10 =	sadd.s32 @!p2 s2, s10  }
0xb5: {  	s11 =	simm.s32 @!p2 $0x0;
	s12 =	simm.s32 @!p2 $0x186A0;
	s10 =	sadd.s32 @!p2 $0xA, s10  }
0xb6: {  	[tilespmem:s12], [sflag:$0x5] =	stream.linear.gather @!p2 [hbm4b:s10+s11], $0x28, $0x38;
	[tilespmem:$0x1C2F0] =	vst v63  }
0xb7: {  	s10 =	sshra.s32 s17, $0x2  }
0xb8: {  	s14 =	sadd.s32 $0x15F90, s10  }
0xb9: {  	[spmem:s3] =	stream.indirect.scatter.add.f32 [tilespmem:s31], [sflag:$0x3], $0x80, s14, s22, $0xb8;
	[tilespmem:$0x1C2F0] =	vst v63  }
0xba: {  	_ =	swait.ge [sflag:s1], $0xA00  }
0xbb: {  	s15 =	simm.s32 $0x0;
	[sflag:s1] =	ssyncset.done $0x0  }
0xbc: {  	v0 =	vmov s15;
	s12 =	simm.s32 @!p1 $0x4;
	[sflag:s1] =	ssyncadd.s32 $0xFFFFF600  }
0xbd: {  	v0 =	vand.u32 $0xFFFFFFFE, v0;
	_ =	swait.ge @!p1 [sflag:s12], $0x1400  }
0xbe: {  	v0 =	vbroadcast v0, $0x0;
	[sflag:s12] =	ssyncset.done @!p1 $0x0  }
0xbf: {  	[sflag:s12] =	ssyncadd.s32 @!p1 $0xFFFFEC00  }
0xc0: {  	_ =	swait.ge [sflag:s0], $0x28  }
0xc1: {  	[sflag:s0] =	ssyncset.done $0x0  }
0xc2: {  	s11 =	simm.s32 $0x19130;
	[sflag:s0] =	ssyncadd.s32 $0xFFFFFFD8  }
0xc3: {  	v1 =	vld [tilespmem:s11+$0xFFFFFFC0]  }
0xc4: {  	v0 =	vld.idx.msk [tilespmem:v0+s28+$0x0], $0xffff;
	_ =	sdelay $0x3  }
0xc5: {  	v2 =	vshll.u32 v1, $0x10  }
0xc6: {  	v1 =	vand.u32 $0xFFFF0000, v1;
	v2 =	vmul.f32 v2, v0  }
0xc7: {  	s12 =	simm.s32 $0x1AF70;
	v1 =	vmul.f32 v1, v0  }
0xc8: {  	[tilespmem:s12+$0xFFFFFF80] =	vst v2  }
0xc9: {  	[tilespmem:s12+$0xFFFFFF90] =	vst v1  }
0xca: {  	v1 =	vld [tilespmem:s11+$0xFFFFFFD0];
	_ =	sdelay $0x4  }
0xcb: {  	v2 =	vshll.u32 v1, $0x10  }
0xcc: {  	v1 =	vand.u32 $0xFFFF0000, v1;
	v2 =	vmul.f32 v2, v0  }
0xcd: {  	v1 =	vmul.f32 v1, v0  }
0xce: {  	[tilespmem:s12+$0xFFFFFFA0] =	vst v2  }
0xcf: {  	[tilespmem:s12+$0xFFFFFFB0] =	vst v1  }
0xd0: {  	v1 =	vld [tilespmem:s11+$0xFFFFFFE0];
	_ =	sdelay $0x4  }
0xd1: {  	v2 =	vshll.u32 v1, $0x10  }
0xd2: {  	v1 =	vand.u32 $0xFFFF0000, v1;
	v2 =	vmul.f32 v2, v0  }
0xd3: {  	v1 =	vmul.f32 v1, v0  }
0xd4: {  	[tilespmem:s12+$0xFFFFFFC0] =	vst v2  }
0xd5: {  	[tilespmem:s12+$0xFFFFFFD0] =	vst v1  }
0xd6: {  	v1 =	vld [tilespmem:s11+$0xFFFFFFF0];
	_ =	sdelay $0x4  }
0xd7: {  	s17 =	simm.s32 $0x1;
	v2 =	vshll.u32 v1, $0x10  }
0xd8: {  	v3 =	vmov s17;
	v1 =	vand.u32 $0xFFFF0000, v1;
	v2 =	vmul.f32 v2, v0  }
0xd9: {  	v0 =	vmul.f32 v1, v0  }
0xda: {  	[tilespmem:s12+$0xFFFFFFE0] =	vst v2  }
0xdb: {  	[tilespmem:s12+$0xFFFFFFF0] =	vst v0  }
0xdc: {  	v1 =	vld [tilespmem:s11+$0x0]  }
0xdd: {  	v0 =	vld.idx.msk [tilespmem:v3+s28+$0x0], $0xffff;
	_ =	sdelay $0x3  }
0xde: {  	v2 =	vshll.u32 v1, $0x10  }
0xdf: {  	v1 =	vand.u32 $0xFFFF0000, v1;
	v2 =	vmul.f32 v2, v0  }
0xe0: {  	v1 =	vmul.f32 v1, v0  }
0xe1: {  	[tilespmem:s12+$0x0] =	vst v2  }
0xe2: {  	[tilespmem:s12+$0x10] =	vst v1  }
0xe3: {  	v1 =	vld [tilespmem:s11+$0x10];
	_ =	sdelay $0x4  }
0xe4: {  	v2 =	vshll.u32 v1, $0x10  }
0xe5: {  	v1 =	vand.u32 $0xFFFF0000, v1;
	v2 =	vmul.f32 v2, v0  }
0xe6: {  	v1 =	vmul.f32 v1, v0  }
0xe7: {  	[tilespmem:s12+$0x20] =	vst v2  }
0xe8: {  	[tilespmem:s12+$0x30] =	vst v1  }
0xe9: {  	v1 =	vld [tilespmem:s11+$0x20];
	_ =	sdelay $0x4  }
0xea: {  	v2 =	vshll.u32 v1, $0x10  }
0xeb: {  	v1 =	vand.u32 $0xFFFF0000, v1;
	v2 =	vmul.f32 v2, v0  }
0xec: {  	v1 =	vmul.f32 v1, v0  }
0xed: {  	[tilespmem:s12+$0x40] =	vst v2  }
0xee: {  	s13 =	simm.s32 $0x3;
	s17 =	simm.s32 $0x1AF70;
	[tilespmem:s12+$0x50] =	vst v1  }
.LBB2_5:
0xef: {  	p1 =	sne.s32 s13, $0x27;
	v1 =	vld [tilespmem:s11+$0x30];
	s11 =	sadd.s32 $0x80, s11;
	s12 =	sadd.s32 $0x100, s12  }
0xf0: {  	s14 =	smov.u32 s13;
	s13 =	sadd.s32 $0x2, s13  }
0xf1: {  	s15 =	sadd.s32 $0xFFFFFFFF, s14  }
0xf2: {  	v2 =	vmov s15  }
0xf3: {  	v2 =	vand.u32 $0xFFFFFFFE, v2  }
0xf4: {  	v2 =	vbroadcast v2, $0x0;
	v3 =	vshll.u32 v1, $0x10;
	v1 =	vand.u32 $0xFFFF0000, v1  }
0xf5: {  	v3 =	vmul.f32 v3, v0;
	v0 =	vmul.f32 v1, v0;
	_ =	sdelay $0x1  }
0xf6: {  	[tilespmem:s17+$0x60] =	vst v3  }
0xf7: {  	[tilespmem:s17+$0x70] =	vst v0;
	s17 =	smov.u32 s12  }
0xf8: {  	v0 =	vld [tilespmem:s11+$0xFFFFFFC0]  }
0xf9: {  	v1 =	vld.idx.msk [tilespmem:v2+s28+$0x0], $0xffff;
	_ =	sdelay $0x4  }
0xfa: {  	v2 =	vshll.u32 v0, $0x10;
	v0 =	vand.u32 $0xFFFF0000, v0  }
0xfb: {  	v2 =	vmul.f32 v2, v1;
	v0 =	vmul.f32 v0, v1;
	_ =	sdelay $0x1  }
0xfc: {  	[tilespmem:s12+$0xFFFFFF80] =	vst v2  }
0xfd: {  	[tilespmem:s12+$0xFFFFFF90] =	vst v0  }
0xfe: {  	v0 =	vld [tilespmem:s11+$0xFFFFFFD0];
	_ =	sdelay $0x4  }
0xff: {  	v2 =	vshll.u32 v0, $0x10;
	v0 =	vand.u32 $0xFFFF0000, v0  }
0x100: {  	v2 =	vmul.f32 v2, v1;
	v0 =	vmul.f32 v0, v1;
	_ =	sdelay $0x1  }
0x101: {  	[tilespmem:s12+$0xFFFFFFA0] =	vst v2  }
0x102: {  	[tilespmem:s12+$0xFFFFFFB0] =	vst v0  }
0x103: {  	v0 =	vld [tilespmem:s11+$0xFFFFFFE0];
	_ =	sdelay $0x4  }
0x104: {  	v2 =	vshll.u32 v0, $0x10;
	v0 =	vand.u32 $0xFFFF0000, v0  }
0x105: {  	v2 =	vmul.f32 v2, v1;
	v0 =	vmul.f32 v0, v1;
	_ =	sdelay $0x1  }
0x106: {  	[tilespmem:s12+$0xFFFFFFC0] =	vst v2  }
0x107: {  	[tilespmem:s12+$0xFFFFFFD0] =	vst v0  }
0x108: {  	v0 =	vld [tilespmem:s11+$0xFFFFFFF0];
	_ =	sdelay $0x4  }
0x109: {  	v3 =	vmov s14;
	v2 =	vshll.u32 v0, $0x10;
	v0 =	vand.u32 $0xFFFF0000, v0  }
0x10a: {  	v2 =	vmul.f32 v2, v1;
	v0 =	vmul.f32 v0, v1;
	_ =	sdelay $0x1  }
0x10b: {  	[tilespmem:s12+$0xFFFFFFE0] =	vst v2  }
0x10c: {  	[tilespmem:s12+$0xFFFFFFF0] =	vst v0  }
0x10d: {  	v0 =	vld.idx.msk [tilespmem:v3+s28+$0x0], $0xffff  }
0x10e: {  	v1 =	vld [tilespmem:s11+$0x0];
	_ =	sdelay $0x4  }
0x10f: {  	v2 =	vshll.u32 v1, $0x10;
	v1 =	vand.u32 $0xFFFF0000, v1  }
0x110: {  	v2 =	vmul.f32 v2, v0;
	v1 =	vmul.f32 v1, v0;
	_ =	sdelay $0x1  }
0x111: {  	[tilespmem:s12+$0x0] =	vst v2  }
0x112: {  	[tilespmem:s12+$0x10] =	vst v1  }
0x113: {  	v1 =	vld [tilespmem:s11+$0x10];
	_ =	sdelay $0x4  }
0x114: {  	v2 =	vshll.u32 v1, $0x10;
	v1 =	vand.u32 $0xFFFF0000, v1  }
0x115: {  	v2 =	vmul.f32 v2, v0;
	v1 =	vmul.f32 v1, v0;
	_ =	sdelay $0x1  }
0x116: {  	[tilespmem:s12+$0x20] =	vst v2  }
0x117: {  	[tilespmem:s12+$0x30] =	vst v1  }
0x118: {  	v1 =	vld [tilespmem:s11+$0x20];
	_ =	sdelay $0x4  }
.Ltmp3:
0x119: {  	v2 =	vshll.u32 v1, $0x10;
	v1 =	vand.u32 $0xFFFF0000, v1;
	(pc) =	sbr.rel @p1 .LBB2_5-.Ltmp3, $3  }
0x11a: {  	v2 =	vmul.f32 v2, v0;
	v1 =	vmul.f32 v1, v0;
	_ =	sdelay $0x1  }
0x11b: {  	[tilespmem:s12+$0x40] =	vst v2  }
0x11c: {  	[tilespmem:s12+$0x50] =	vst v1  }
0x11d: {  	v1 =	vld [tilespmem:s11+$0x30];
	_ =	sdelay $0x4  }
.Ltmp4:
0x11e: {  	v2 =	vshll.u32 v1, $0x10;
	(pc) =	sbr.rel @p2 .LBB2_8-.Ltmp4, $4  }
0x11f: {  	v1 =	vand.u32 $0xFFFF0000, v1;
	v2 =	vmul.f32 v2, v0  }
0x120: {  	v63 =	vmul.f32 v1, v0  }
0x121: {  	[tilespmem:s17+$0x60] =	vst v2  }
0x122: {  	s10 =	sadd.s32 $0x15FB8, s10;
	[tilespmem:s17+$0x70] =	vst v63  }
0x123: {  	s11 =	smul.u32 $0x50, s9;
	_ =	sdelay $0x1  }
0x124: {  	s12 =	sadd.s32 s5, s11;
	s11 =	sadd.s32 $0x138F8, s11  }
0x125: {  	[tilespmem:s26], [sflag:$0x2] =	stream.indirect.gather [hbm4b:s6+s22], $0x40, s11, s22, $0xb8;
	[tilespmem:$0x1C2F0] =	vst v63  }
0x126: {  	s17 =	sadd.s32 $0x78, s12  }
.Ltmp5:
0x127: {  	s11 =	sshrl.u32 s17, $0x3;
	(pc) =	sbr.rel .LBB2_2-.Ltmp5, $4  }
0x128: {  	s11 =	sadd.s32 s2, s11  }
0x129: {  	[tilespmem:s28], [sflag:$0x6] =	stream.linear.gather [hbm4b:s11+s4], $0x28, $0x38;
	[tilespmem:$0x1C2F0] =	vst v63  }
0x12a: {  	s9 =	sadd.s32 $0x1, s9  }
0x12b: {  	[spmem:s3] =	stream.indirect.scatter.add.f32 [tilespmem:s19], [sflag:$0x4], $0x80, s10, s22, $0xb8;
	[tilespmem:$0x1C2F0] =	vst v63  }
.LBB2_9:
0x12c: {  	_ =	sfence.sel $0x180000  }
0x12d: {  	[bflag:$0x0] =	sbarrier.arrive $0xFFFF  }
0x12e: {  	_ =	strace $0x9000004D  }
0x12f: {  	s0 =	stileid.u32;
	[bflag:$0x2] =	sbarrier.arrive $0xFFFF  }
0x130: {  	p0 =	sne.s32 s0, $0x0;
	s0 =	rddreg [dreg:$0x3]  }
0x131: {  	s0 =	sadd.s32 @!p0 $0x100000, s0  }
0x132: {  	[sflag:s0] =	ssyncadd.tile.s32 @!p0 $0x1;
	_ =	shalt  }
.Lfunc_end2:
_tile_overlayer_lowered:
.L_overlay_start_2:
0x133: {  	(tag) =	ssettag $0x2  }
0x134: {  	s0 =	rddreg [dreg:$0x0];
	s2 =	stileid.u32  }
0x135: {  	s1 =	rddreg [dreg:$0x1];
	p0 =	sne.s32 s2, $0x0  }
0x136: {  	s3 =	rddreg [dreg:$0x2];
	[bflag:$0x3] =	sbarrier.arrive $0xFFFF;
	s2 =	simm.s32 @!p0 $0x1C07  }
0x137: {  	[timem:s3], [sflag:s2] =	dma.local @!p0 [hbm:s0], s1  }
0x138: {  	s0 =	simm.s32 @!p0 $0x7  }
0x139: {  	_ =	swait.ge @!p0 [sflag:s0], s1  }
0x13a: {  	s1 =	ssub.s32 @!p0 $0x0, s1;
	[sflag:s0] =	ssyncset.done @!p0 $0x0  }
0x13b: {  	[sflag:s0] =	ssyncadd.s32 @!p0 s1  }
0x13c: {  	[bflag:$0x3] =	sbarrier.arrive $0xFFFF  }
0x13d: {  	_ =	shalt  }

// kernel: kernel.20.cloned.1.call-start
scs
__scs_entry_jumppad:
0x0: {  	(pc) =	sbr.rel $0x88, $3  }
0x1: {  	(tag) =	ssettag $0x0;
	lr =	simm.s32 $0x1  }
0x2: {  	[smem:$0x3F95] =	sst lr;
	_ =	strace $0xD0000000  }
0x3: {  	_ = 	snop  }
0x4: {  	_ = 	snop  }
0x5: {  	_ = 	snop  }
0x6: {  	_ = 	snop  }
0x7: {  	_ = 	snop  }
__scs_overlays_trampoline_lowered:
0x8: {  	[smem:$0x3FA4] =	sst s0  }
0x9: {  	[smem:$0x3FA5] =	sst s1  }
0xa: {  	[smem:$0x3FA6] =	sst s2  }
0xb: {  	[smem:$0x3FA7] =	sst s3  }
0xc: {  	[smem:$0x3FA8] =	sst s4  }
0xd: {  	[smem:$0x3FA9] =	sst s5  }
0xe: {  	[smem:$0x3FAA] =	sst s6  }
0xf: {  	[smem:$0x3FAB] =	sst s7  }
0x10: {  	[smem:$0x3FAC] =	sst s8  }
0x11: {  	[smem:$0x3FAD] =	sst s9;
	s0 =	simm.s32 @!p0 $0x0  }
0x12: {  	s1 =	sld [smem:$0x3F93];
	s0 =	simm.s32 @p0 $0x1  }
0x13: {  	[smem:$0x3FAE] =	sst s0;
	s0 =	simm.s32 @!p1 $0x0  }
0x14: {  	s2 =	sld [smem:$0x3F92];
	s0 =	simm.s32 @p1 $0x1  }
0x15: {  	[smem:$0x3FAF] =	sst s0;
	s0 =	simm.s32 @!p2 $0x0  }
0x16: {  	s3 =	sld [smem:$0x3FDB];
	s0 =	simm.s32 @p2 $0x1  }
0x17: {  	s4 =	simm.s32 $0x1BF5;
	[smem:$0x3FB1] =	sst s0  }
0x18: {  	s0 =	sld [smem:$0x3F94];
	_ =	swait.ge [sflag:s4], $0x0  }
0x19: {  	s7 =	sld [smem:$0x3F95]  }
0x1a: {  	s8 =	sadd.s32 $0xFFFFE003, lr  }
0x1b: {  	s9 =	sadd.s32 $0xFFFFFEF7, lr;
	s5 =	simm.s32 $0xFFFFFFFF;
	p2 =	slt.u32 s8, $0xFFFFF086  }
0x1c: {  	p1 =	slt.u32 s9, $0xF7A;
	s5 =	simm.s32 @!p2 $0x0  }
0x1d: {  	s5 =	simm.s32 @p1 $0x1;
	p0 =	seq.s32 s7, s2  }
0x1e: {  	s7 =	smul.u32 @!p0 $0xF7A, s2;
	p2 =	seq.s32 @!p0 s5, $0x0  }
0x1f: {  	s9 =	smul.u32 $0xF7A, s1;
	s8 =	simm.s32 @!p0 $0x1BF5;
	p2 =	por !p2, p0  }
0x20: {  	[sflag:s8] =	ssyncset.s32 @!p0 $0xFFFFF086;
	s6 =	sadd.s32 @!p0 s3, s7;
	s7 =	simm.s32 @!p0 $0x108  }
0x21: {  	s3 =	sadd.s32 s3, s9;
	s6 =	sadd.s32 @!p0 $0x88, s6;
	s7 =	simm.s32 @p2 $0x1082  }
0x22: {  	[simem:s7], [sflag:s8] =	dma.local @!p0 [hbm:s6], $0xF7A  }
0x23: {  	s9 =	sor.u32 $0xD0000000, s2;
	s6 =	simm.s32 $0x108;
	_ =	swait.ge @!p0 [sflag:s8], $0x0  }
0x24: {  	s3 =	sadd.s32 $0x88, s3;
	s6 =	simm.s32 @!p1 $0x1082;
	[sflag:s4] =	ssyncset.s32 $0xFFFFF086  }
0x25: {  	[simem:s6], [sflag:s4] =	dma.local [hbm:s3], $0xF7A  }
0x26: {  	[smem:$0x3F95] =	sst s1;
	(tag) =	ssettag s2;
	_ =	strace s9  }
0x27: {  	s1 =	sld [smem:$0x3FA5]  }
0x28: {  	s2 =	sld [smem:$0x3FA6]  }
0x29: {  	s4 =	sld [smem:$0x3FA8]  }
0x2a: {  	p0 =	seq.s32 s5, $0x0;
	s5 =	sld [smem:$0x3FA9]  }
0x2b: {  	s6 =	sld [smem:$0x3FAA]  }
0x2c: {  	s7 =	sld [smem:$0x3FAB]  }
0x2d: {  	s3 =	simm.s32 $0x108;
	s8 =	sld [smem:$0x3FAC]  }
0x2e: {  	s3 =	simm.s32 @!p0 $0x1082;
	s9 =	sld [smem:$0x3FAD]  }
0x2f: {  	lr =	sadd.s32 s0, s3;
	s0 =	sld [smem:$0x3FA4]  }
0x30: {  	s3 =	sld [smem:$0x3FA7]  }
0x31: {  	[smem:$0x3FB0] =	sst s10  }
0x32: {  	s10 =	sld [smem:$0x3FAE];
	_ =	sdelay $0x3  }
0x33: {  	p0 =	seq.s32 s10, $0x1;
	s10 =	sld [smem:$0x3FB0];
	_ =	sdelay $0x3  }
0x34: {  	[smem:$0x3FB0] =	sst s10  }
0x35: {  	s10 =	sld [smem:$0x3FAF];
	_ =	sdelay $0x3  }
0x36: {  	p1 =	seq.s32 s10, $0x1;
	s10 =	sld [smem:$0x3FB0];
	_ =	sdelay $0x3  }
0x37: {  	[smem:$0x3FB0] =	sst s10  }
0x38: {  	s10 =	sld [smem:$0x3FB1]  }
0x39: {  	_ = 	snop;
	(pc) =	sbr.ind lr, $3  }
0x3a: {  	_ = 	snop  }
0x3b: {  	_ = 	snop  }
0x3c: {  	p2 =	seq.s32 s10, $0x1;
	s10 =	sld [smem:$0x3FB0]  }
0x3d: {  	_ =	shalt  }
0x3e: {  	_ =	shalt  }
0x3f: {  	_ =	shalt  }
0x40: {  	_ =	shalt  }
0x41: {  	_ =	shalt  }
0x42: {  	_ =	shalt  }
0x43: {  	_ =	shalt  }
0x44: {  	_ =	shalt  }
0x45: {  	_ =	shalt  }
0x46: {  	_ =	shalt  }
0x47: {  	_ =	shalt  }
0x48: {  	_ =	shalt  }
0x49: {  	_ =	shalt  }
0x4a: {  	_ =	shalt  }
0x4b: {  	_ =	shalt  }
0x4c: {  	_ =	shalt  }
0x4d: {  	_ =	shalt  }
0x4e: {  	_ =	shalt  }
0x4f: {  	_ =	shalt  }
0x50: {  	_ =	shalt  }
0x51: {  	_ =	shalt  }
0x52: {  	_ =	shalt  }
0x53: {  	_ =	shalt  }
0x54: {  	_ =	shalt  }
0x55: {  	_ =	shalt  }
0x56: {  	_ =	shalt  }
0x57: {  	_ =	shalt  }
0x58: {  	_ =	shalt  }
0x59: {  	_ =	shalt  }
0x5a: {  	_ =	shalt  }
0x5b: {  	_ =	shalt  }
0x5c: {  	_ =	shalt  }
0x5d: {  	_ =	shalt  }
0x5e: {  	_ =	shalt  }
0x5f: {  	_ =	shalt  }
0x60: {  	_ =	shalt  }
0x61: {  	_ =	shalt  }
0x62: {  	_ =	shalt  }
0x63: {  	_ =	shalt  }
0x64: {  	_ =	shalt  }
0x65: {  	_ =	shalt  }
0x66: {  	_ =	shalt  }
0x67: {  	_ =	shalt  }
0x68: {  	_ =	shalt  }
0x69: {  	_ =	shalt  }
0x6a: {  	_ =	shalt  }
0x6b: {  	_ =	shalt  }
0x6c: {  	_ =	shalt  }
0x6d: {  	_ =	shalt  }
0x6e: {  	_ =	shalt  }
0x6f: {  	_ =	shalt  }
0x70: {  	_ =	shalt  }
0x71: {  	_ =	shalt  }
0x72: {  	_ =	shalt  }
0x73: {  	_ =	shalt  }
0x74: {  	_ =	shalt  }
0x75: {  	_ =	shalt  }
0x76: {  	_ =	shalt  }
0x77: {  	_ =	shalt  }
0x78: {  	_ =	shalt  }
0x79: {  	_ =	shalt  }
0x7a: {  	_ =	shalt  }
0x7b: {  	_ =	shalt  }
0x7c: {  	_ =	shalt  }
0x7d: {  	_ =	shalt  }
0x7e: {  	_ =	shalt  }
0x7f: {  	_ =	shalt  }
0x80: {  	_ =	shalt  }
0x81: {  	_ =	shalt  }
0x82: {  	_ =	shalt  }
0x83: {  	_ =	shalt  }
0x84: {  	_ =	shalt  }
0x85: {  	_ =	shalt  }
0x86: {  	_ =	shalt  }
0x87: {  	_ =	shalt  }
.Lfunc_end0:
.L_simem_size_0:
called_computation.3_lowered:
.L_overlay_start_0:
0x88: {  	s2 =	sld [smem:$0x3FD9]  }
0x89: {  	s3 =	sld [smem:$0x3FFE];
	_ =	sdelay $0x1  }
0x8a: {  	s1 =	srdreg.scid  }
0x8b: {  	s0 =	sand.u32 $0x1, s1  }
0x8c: {  	s17 =	sshll.u32 s0, $0xA;
	s2 =	sadd.s32 s3, s2  }
0x8d: {  	s2 =	sadd.s32 s2, s17  }
0x8e: {  	[smem:$0x3FBC] =	sst s2  }
0x8f: {  	_ = 	snop  }
0x90: {  	s2 =	sld [smem:$0x3FC6];
	(tm) =	ssettm $0x1  }
0x91: {  	s18 =	sld [smem:$0x3FFB];
	_ =	sdelay $0x3  }
0x92: {  	_ =	strace s18  }
0x93: {  	s3 =	sld [smem:$0x3FFC];
	_ =	sdelay $0x3  }
0x94: {  	_ =	strace s3  }
0x95: {  	s3 =	sld [smem:$0x3FFD];
	_ =	sdelay $0x3  }
0x96: {  	_ =	strace s3  }
0x97: {  	_ =	strace $0x8FFFFFFF  }
0x98: {  	s19 =	sld [smem:$0x3FDB];
	_ =	sdelay $0x1  }
0x99: {  	s4 =	simm.s32 $_scs_section_size  }
0x9a: {  	s5 =	simm.s32 $_size__tile_overlayer_lowered;
	s6 =	simm.s32 $_tile_overlayer_lowered  }
0x9b: {  	s22 =	simm.s32 $0x1BFF;
	s21 =	sshll.u32 s6, $0x1;
	s3 =	sadd.s32 s4, s19  }
0x9c: {  	s7 =	simm.s32 $0x0;
	s20 =	sshll.u32 s5, $0x1;
	s5 =	sadd.s32 s21, s3  }
0x9d: {  	[timem:s7], [sflag:s22] =	dma.local [hbm:s5], s20  }
0x9e: {  	_ =	swait.ge [sflag:s22], s20  }
0x9f: {  	s4 =	ssub.s32 $0x0, s20;
	[sflag:s22] =	ssyncset.done $0x0  }
0xa0: {  	[sflag:s22] =	ssyncadd.s32 s4;
	_ =	sdelay $0x1  }
0xa1: {  	s23 =	simm.s32 $0x1B8B  }
0xa2: {  	_ =	swait.ge [sflag:s23], $0x1  }
0xa3: {  	[sflag:s23] =	ssyncset.done $0x0  }
0xa4: {  	s25 =	simm.s32 $0x1B8E;
	s24 =	sld [smem:$0x3FFE];
	[sflag:s23] =	ssyncadd.s32 $0xFFFFFFFF  }
0xa5: {  	s26 =	simm.s32 $execute0_lowered;
	[smem:$0x3FD2] =	sst s25  }
0xa6: {  	s5 =	sshll.u32 s26, $0x1;
	_ =	strace $0x8000004F;
	[dreg:$0x1] =	wrdreg $0xFFFFFFFF  }
0xa7: {  	s28 =	simm.s32 $_size_execute0_lowered;
	s3 =	sadd.s32 s3, s5;
	[dreg:$0x0] =	wrdreg $0x0  }
0xa8: {  	s5 =	sshll.u32 s28, $0x1;
	[dreg:$0x2] =	wrdreg s3  }
0xa9: {  	[dreg:$0x3] =	wrdreg s5  }
0xaa: {  	[dreg:$0x4] =	wrdreg $0xC0  }
0xab: {  	_ =	task [dreg:s7], $0x5FFFF  }
0xac: {  	[dreg:$0x1] =	wrdreg $0xFFFFFFFF  }
0xad: {  	[dreg:$0x0] =	wrdreg $0x60  }
0xae: {  	[dreg:$0x2] =	wrdreg s24  }
0xaf: {  	[dreg:$0x3] =	wrdreg s2  }
0xb0: {  	[dreg:$0x4] =	wrdreg $0x0  }
0xb1: {  	[dreg:$0x5] =	wrdreg $0x9  }
0xb2: {  	_ =	task.clear_ibuf [dreg:s7], $0x6FFFF;
	_ =	strace $0x9000004F  }
0xb3: {  	s29 =	simm.s32 $0x9;
	_ =	strace $0x80000051  }
0xb4: {  	_ =	swait.ge [sflag:s29], $0x1  }
0xb5: {  	[sflag:s29] =	ssyncadd.s32 $0xFFFFFFFF  }
0xb6: {  	_ =	strace $0x90000051  }
0xb7: {  	_ =	sfence  }
0xb8: {  	s30 =	sld [smem:$0x0];
	_ =	sdelay $0x2  }
0xb9: {  	s31 =	sshll.u32 s1, $0xD;
	s1 =	sshrl.u32 s1, $0x2  }
0xba: {  	s3 =	sand.u32 $0x4000, s31;
	s1 =	sadd.s32 s1, s30  }
0xbb: {  	s0 =	sor.u32 s3, s0;
	s1 =	sshll.u32 s1, $0x11  }
0xbc: {  	s0 =	sor.u32 s1, s0  }
0xbd: {  	s0 =	sadd.s32 $0x8F2B, s0  }
0xbe: {  	[sflag:s0] =	ssyncadd.remote.s32 $0x1  }
0xbf: {  	_ =	sfence.sel $0xFFFF  }
0xc0: {  	[dreg:$0x0] =	wrdreg $0xFFFFFFFF;
	(pc) =	sbr.abs _section_cstart, $3  }
0xc1: {  	[dreg:$0x1] =	wrdreg $0xFFFFFFFF  }
0xc2: {  	_ =	task.clear_ibuf [dreg:s7], $0x2FFFF;
	_ =	strace $0x9FFFFFFF  }
0xc3: {  	(tm) =	ssettm $0x7FFFFFFF  }
tec
execute0_lowered:
.L_overlay_start_1:
0x0: {  	(tag) =	ssettag $0x1  }
0x1: {  	s0 =	rddreg [dreg:$0x0]  }
0x2: {  	s1 =	srdreg.scid;
	s2 =	rddreg [dreg:$0x1]  }
0x3: {  	s14 =	stileid.u32;
	s3 =	rddreg [dreg:$0x2]  }
0x4: {  	s18 =	simm.s32 $0x7;
	s28 =	simm.s32 $0x186C8;
	s29 =	simm.s32 $0x1  }
0x5: {  	s30 =	simm.s32 $0x5;
	s31 =	simm.s32 $0x19AF0;
	s19 =	simm.s32 $0x1AEF0  }
0x6: {  	s1 =	sand.u32 $0x1, s1;
	s4 =	sshll.u32 s14, $0x1;
	s7 =	smul.u32 $0x13800, s14  }
0x7: {  	s6 =	sadd.s32 $0x15600, s0;
	s13 =	sadd.s32 $0x50200, s0;
	s5 =	sor.u32 s1, s4  }
0x8: {  	s4 =	simm.s32 $0x0;
	s10 =	ssub.s32 $0x2, s1;
	s1 =	smul.u32 $0x138800, s1  }
0x9: {  	p0 =	seq.s32 s14, $0xF;
	s5 =	smul.u32 $0x2710, s5;
	[smem:$0x7FF] =	sst s4  }
0xa: {  	s9 =	sshrl.u32 s7, $0x3;
	s12 =	sshrl.u32 s10, $0x1;
	s22 =	sadd.s32 s7, s3  }
0xb: {  	_ =	strace $0x80000050;
	s9 =	sadd.s32 s9, s0;
	s10 =	ssub.s32 s10, s12  }
0xc: {  	[dreg:$0x6] =	wrdreg s22;
	s7 =	sadd.s32 s7, s1;
	s1 =	sshrl.u32 s1, $0x3  }
0xd: {  	s22 =	simm.s32 $0x28;
	s8 =	sshrl.u32 s5, $0x3;
	s9 =	sadd.s32 $0x29000, s9  }
0xe: {  	s24 =	sadd.s32 $0x28, s5;
	s7 =	sshrl.u32 s7, $0x3;
	s26 =	sadd.s32 s13, s1  }
0xf: {  	s16 =	smax.u32 s10, $0x1;
	s1 =	simm.s32 $0x2;
	s11 =	sadd.s32 s8, s0  }
0x10: {  	[dreg:$0x7] =	wrdreg s9;
	s9 =	sadd.s32 $0x124800, s3;
	s0 =	sadd.s32 $0x4D900, s0  }
0x11: {  	s23 =	sadd.s32 s2, s8;
	s25 =	sadd.s32 s13, s7;
	[dreg:$0x8] =	wrdreg s0  }
0x12: {  	s7 =	simm.s32 $0x0;
	s21 =	sadd.s32 $0x1A00, s11;
	[dreg:$0x9] =	wrdreg s23  }
0x13: {  	s11 =	sadd.s32 $0xB800, s11;
	s0 =	sshrl.u32 s24, $0x3;
	[dreg:$0xb] =	wrdreg s25  }
.Ltmp0:
0x14: {  	s20 =	sshrl.u32 @p0 s9, $0x3;
	[dreg:$0x4] =	wrdreg s21;
	(pc) =	sbr.rel .LBB2_1-.Ltmp0, $4  }
0x15: {  	s24 =	simm.s32 $0x186A0;
	[dreg:$0x5] =	wrdreg s11;
	s0 =	sadd.s32 s2, s0  }
0x16: {  	s23 =	simm.s32 $0x4;
	[dreg:$0xa] =	wrdreg s0;
	s0 =	sadd.s32 $0x24900, s26  }
0x17: {  	s25 =	simm.s32 $0x3;
	[dreg:$0xc] =	wrdreg s0;
	s0 =	sshll.u32 @!p0 s14, $0x6  }
0x18: {  	s26 =	simm.s32 $0x190F0;
	s21 =	sor.u32 @!p0 $0x1C07, s0;
	s0 =	simm.s32 $0x6  }
.LBB2_8:
0x19: {  	[spmem:s3] =	stream.indirect.scatter.add.f32 [tilespmem:s19], [sflag:$0x4], $0x80, s10, s22, $0xb8;
	[tilespmem:$0x1C2F0] =	vst v63  }
0x1a: {  	_ =	swait.ge [sflag:s23], $0x1400  }
0x1b: {  	[sflag:s23] =	ssyncset.done $0x0  }
0x1c: {  	[sflag:s23] =	ssyncadd.s32 $0xFFFFEC00  }
0x1d: {  	_ =	swait.ge [sflag:s25], $0x1400  }
0x1e: {  	[sflag:s25] =	ssyncset.done $0x0  }
0x1f: {  	[sflag:s25] =	ssyncadd.s32 $0xFFFFEC00  }
0x20: {  	[bflag:$0x0] =	sbarrier.arrive $0xFFFF  }
0x21: {  	s9 =	simm.s32 @p0 $0x1FC7;
	s10 =	rddreg [dreg:$0xc]  }
0x22: {  	[hbm:s10], [sflag:s9] =	dma.local @p0 [spmem:s20], $0x2800  }
0x23: {  	s9 =	simm.s32 @p0 $0x7  }
0x24: {  	_ =	swait.ge @p0 [sflag:s9], $0x2800  }
0x25: {  	s7 =	sadd.s32 $0x1, s7;
	[sflag:s9] =	ssyncset.done @p0 $0x0  }
0x26: {  	p1 =	sne.s32 s7, s16;
	[sflag:s9] =	ssyncadd.s32 @p0 $0xFFFFD800;
	s9 =	rddreg [dreg:$0xb]  }
0x27: {  	[hbm:s9], [sflag:s21] =	dma.local @!p0 [spmem:s8], $0x2700  }
.Ltmp1:
0x28: {  	_ = 	snop;
	(pc) =	sbr.rel @!p1 .LBB2_9-.Ltmp1, $4  }
0x29: {  	s8 =	simm.s32 @!p0 $0x7  }
0x2a: {  	_ =	swait.ge @!p0 [sflag:s8], $0x2700  }
0x2b: {  	[sflag:s8] =	ssyncset.done @!p0 $0x0  }
0x2c: {  	[sflag:s8] =	ssyncadd.s32 @!p0 $0xFFFFD900  }
.LBB2_1:
0x2d: {  	s8 =	rddreg [dreg:$0x4];
	s10 =	simm.s32 $0x13880  }
0x2e: {  	[tilespmem:s10], [sflag:$0x7] =	stream.linear.gather [hbm4b:s8+s4], $0x2710, $0x38;
	[tilespmem:$0x1C2F0] =	vst v63  }
0x2f: {  	_ =	swait.ge [sflag:s18], $0x2710  }
0x30: {  	[sflag:s18] =	ssyncset.done $0x0  }
0x31: {  	s9 =	simm.s32 $0x15F90;
	s12 =	rddreg [dreg:$0x5];
	[sflag:s18] =	ssyncadd.s32 $0xFFFFD8F0  }
0x32: {  	[tilespmem:s9], [sflag:$0x7] =	stream.linear.gather [hbm4b:s12+s4], $0x2710, $0x38;
	[tilespmem:$0x1C2F0] =	vst v63  }
0x33: {  	_ =	swait.ge [sflag:s18], $0x2710  }
0x34: {  	[sflag:s18] =	ssyncset.done $0x0  }
0x35: {  	s8 =	simm.s32 @p0 $0x1FC7;
	s9 =	rddreg [dreg:$0x8];
	[sflag:s18] =	ssyncadd.s32 $0xFFFFD8F0  }
0x36: {  	[spmem:s20], [sflag:s8] =	dma.local @p0 [hbm:s9], $0x2800  }
0x37: {  	s8 =	simm.s32 @p0 $0x7  }
0x38: {  	_ =	swait.ge @p0 [sflag:s8], $0x2800  }
0x39: {  	[sflag:s8] =	ssyncset.done @p0 $0x0  }
0x3a: {  	[sflag:s8] =	ssyncadd.s32 @p0 $0xFFFFD800;
	s8 =	rddreg [dreg:$0x6]  }
0x3b: {  	s9 =	rddreg [dreg:$0x7];
	s8 =	sshrl.u32 @!p0 s8, $0x3  }
0x3c: {  	[spmem:s8], [sflag:s21] =	dma.local @!p0 [hbm:s9], $0x2700  }
0x3d: {  	s9 =	simm.s32 @!p0 $0x7  }
0x3e: {  	_ =	swait.ge @!p0 [sflag:s9], $0x2700  }
0x3f: {  	[sflag:s9] =	ssyncset.done @!p0 $0x0  }
0x40: {  	[sflag:s9] =	ssyncadd.s32 @!p0 $0xFFFFD900  }
0x41: {  	s13 =	simm.s32 $0x186F0;
	[bflag:$0x0] =	sbarrier.arrive $0xFFFF  }
0x42: {  	[tilespmem:s13], [sflag:$0x1] =	stream.indirect.gather [hbm4b:s6+s22], $0x40, s10, s22, $0xb8;
	[tilespmem:$0x1C2F0] =	vst v63  }
0x43: {  	s14 =	rddreg [dreg:$0x9]  }
0x44: {  	[tilespmem:s24], [sflag:$0x5] =	stream.linear.gather [hbm4b:s14+s4], $0x28, $0x38;
	[tilespmem:$0x1C2F0] =	vst v63  }
0x45: {  	s15 =	simm.s32 $0x138A8  }
0x46: {  	[tilespmem:s26], [sflag:$0x2] =	stream.indirect.gather [hbm4b:s6+s22], $0x40, s15, s22, $0xb8;
	[tilespmem:$0x1C2F0] =	vst v63  }
0x47: {  	s9 =	simm.s32 $0x0;
	s17 =	rddreg [dreg:$0xa]  }
0x48: {  	[tilespmem:s28], [sflag:$0x6] =	stream.linear.gather [hbm4b:s17+s4], $0x28, $0x38;
	[tilespmem:$0x1C2F0] =	vst v63  }
.LBB2_2:
0x49: {  	_ =	swait.ge [sflag:s29], $0xA00  }
0x4a: {  	p1 =	seq.s32 s9, $0x0;
	s10 =	simm.s32 $0x0;
	[sflag:s29] =	ssyncset.done $0x0  }
0x4b: {  	s11 =	simm.s32 @!p1 $0x3;
	v0 =	vmov s10;
	[sflag:s29] =	ssyncadd.s32 $0xFFFFF600  }
0x4c: {  	v0 =	vand.u32 $0xFFFFFFFE, v0;
	_ =	swait.ge @!p1 [sflag:s11], $0x1400  }
0x4d: {  	v0 =	vbroadcast v0, $0x0;
	[sflag:s11] =	ssyncset.done @!p1 $0x0  }
0x4e: {  	[sflag:s11] =	ssyncadd.s32 @!p1 $0xFFFFEC00  }
0x4f: {  	_ =	swait.ge [sflag:s30], $0x28  }
0x50: {  	[sflag:s30] =	ssyncset.done $0x0  }
0x51: {  	s10 =	simm.s32 $0x18730;
	[sflag:s30] =	ssyncadd.s32 $0xFFFFFFD8  }
0x52: {  	v1 =	vld [tilespmem:s10+$0xFFFFFFC0]  }
0x53: {  	v0 =	vld.idx.msk [tilespmem:v0+s24+$0x0], $0xffff;
	_ =	sdelay $0x3  }
0x54: {  	v2 =	vshll.u32 v1, $0x10  }
0x55: {  	v1 =	vand.u32 $0xFFFF0000, v1;
	v2 =	vmul.f32 v2, v0  }
0x56: {  	s11 =	simm.s32 $0x19B70;
	v1 =	vmul.f32 v1, v0  }
0x57: {  	[tilespmem:s11+$0xFFFFFF80] =	vst v2  }
0x58: {  	[tilespmem:s11+$0xFFFFFF90] =	vst v1  }
0x59: {  	v1 =	vld [tilespmem:s10+$0xFFFFFFD0];
	_ =	sdelay $0x4  }
0x5a: {  	v2 =	vshll.u32 v1, $0x10  }
0x5b: {  	v1 =	vand.u32 $0xFFFF0000, v1;
	v2 =	vmul.f32 v2, v0  }
0x5c: {  	v1 =	vmul.f32 v1, v0  }
0x5d: {  	[tilespmem:s11+$0xFFFFFFA0] =	vst v2  }
0x5e: {  	[tilespmem:s11+$0xFFFFFFB0] =	vst v1  }
0x5f: {  	v1 =	vld [tilespmem:s10+$0xFFFFFFE0];
	_ =	sdelay $0x4  }
0x60: {  	v2 =	vshll.u32 v1, $0x10  }
0x61: {  	v1 =	vand.u32 $0xFFFF0000, v1;
	v2 =	vmul.f32 v2, v0  }
0x62: {  	v1 =	vmul.f32 v1, v0  }
0x63: {  	[tilespmem:s11+$0xFFFFFFC0] =	vst v2  }
0x64: {  	[tilespmem:s11+$0xFFFFFFD0] =	vst v1  }
0x65: {  	v1 =	vld [tilespmem:s10+$0xFFFFFFF0];
	_ =	sdelay $0x4  }
0x66: {  	s12 =	simm.s32 $0x1;
	v2 =	vshll.u32 v1, $0x10  }
0x67: {  	v3 =	vmov s12;
	v1 =	vand.u32 $0xFFFF0000, v1;
	v2 =	vmul.f32 v2, v0  }
0x68: {  	v0 =	vmul.f32 v1, v0  }
0x69: {  	[tilespmem:s11+$0xFFFFFFE0] =	vst v2  }
0x6a: {  	[tilespmem:s11+$0xFFFFFFF0] =	vst v0  }
0x6b: {  	v1 =	vld [tilespmem:s10+$0x0]  }
0x6c: {  	v0 =	vld.idx.msk [tilespmem:v3+s24+$0x0], $0xffff;
	_ =	sdelay $0x3  }
0x6d: {  	v2 =	vshll.u32 v1, $0x10  }
0x6e: {  	v1 =	vand.u32 $0xFFFF0000, v1;
	v2 =	vmul.f32 v2, v0  }
0x6f: {  	v1 =	vmul.f32 v1, v0  }
0x70: {  	[tilespmem:s11+$0x0] =	vst v2  }
0x71: {  	[tilespmem:s11+$0x10] =	vst v1  }
0x72: {  	v1 =	vld [tilespmem:s10+$0x10];
	_ =	sdelay $0x4  }
0x73: {  	v2 =	vshll.u32 v1, $0x10  }
0x74: {  	v1 =	vand.u32 $0xFFFF0000, v1;
	v2 =	vmul.f32 v2, v0  }
0x75: {  	v1 =	vmul.f32 v1, v0  }
0x76: {  	[tilespmem:s11+$0x20] =	vst v2  }
0x77: {  	[tilespmem:s11+$0x30] =	vst v1  }
0x78: {  	v1 =	vld [tilespmem:s10+$0x20];
	_ =	sdelay $0x4  }
0x79: {  	v2 =	vshll.u32 v1, $0x10  }
0x7a: {  	v1 =	vand.u32 $0xFFFF0000, v1;
	v2 =	vmul.f32 v2, v0  }
0x7b: {  	v1 =	vmul.f32 v1, v0  }
0x7c: {  	[tilespmem:s11+$0x40] =	vst v2  }
0x7d: {  	s17 =	simm.s32 $0x3;
	s12 =	simm.s32 $0x19B70;
	[tilespmem:s11+$0x50] =	vst v1  }
.LBB2_3:
0x7e: {  	p2 =	sne.s32 s17, $0x27;
	v1 =	vld [tilespmem:s10+$0x30];
	s10 =	sadd.s32 $0x80, s10;
	s11 =	sadd.s32 $0x100, s11  }
0x7f: {  	s13 =	smov.u32 s17;
	s17 =	sadd.s32 $0x2, s17  }
0x80: {  	s14 =	sadd.s32 $0xFFFFFFFF, s13  }
0x81: {  	v2 =	vmov s14  }
0x82: {  	v2 =	vand.u32 $0xFFFFFFFE, v2  }
0x83: {  	v2 =	vbroadcast v2, $0x0;
	v3 =	vshll.u32 v1, $0x10;
	v1 =	vand.u32 $0xFFFF0000, v1  }
0x84: {  	v3 =	vmul.f32 v3, v0;
	v0 =	vmul.f32 v1, v0;
	_ =	sdelay $0x1  }
0x85: {  	[tilespmem:s12+$0x60] =	vst v3  }
0x86: {  	[tilespmem:s12+$0x70] =	vst v0;
	s12 =	smov.u32 s11  }
0x87: {  	v0 =	vld [tilespmem:s10+$0xFFFFFFC0]  }
0x88: {  	v1 =	vld.idx.msk [tilespmem:v2+s24+$0x0], $0xffff;
	_ =	sdelay $0x4  }
0x89: {  	v2 =	vshll.u32 v0, $0x10;
	v0 =	vand.u32 $0xFFFF0000, v0  }
0x8a: {  	v2 =	vmul.f32 v2, v1;
	v0 =	vmul.f32 v0, v1;
	_ =	sdelay $0x1  }
0x8b: {  	[tilespmem:s11+$0xFFFFFF80] =	vst v2  }
0x8c: {  	[tilespmem:s11+$0xFFFFFF90] =	vst v0  }
0x8d: {  	v0 =	vld [tilespmem:s10+$0xFFFFFFD0];
	_ =	sdelay $0x4  }
0x8e: {  	v2 =	vshll.u32 v0, $0x10;
	v0 =	vand.u32 $0xFFFF0000, v0  }
0x8f: {  	v2 =	vmul.f32 v2, v1;
	v0 =	vmul.f32 v0, v1;
	_ =	sdelay $0x1  }
0x90: {  	[tilespmem:s11+$0xFFFFFFA0] =	vst v2  }
0x91: {  	[tilespmem:s11+$0xFFFFFFB0] =	vst v0  }
0x92: {  	v0 =	vld [tilespmem:s10+$0xFFFFFFE0];
	_ =	sdelay $0x4  }
0x93: {  	v2 =	vshll.u32 v0, $0x10;
	v0 =	vand.u32 $0xFFFF0000, v0  }
0x94: {  	v2 =	vmul.f32 v2, v1;
	v0 =	vmul.f32 v0, v1;
	_ =	sdelay $0x1  }
0x95: {  	[tilespmem:s11+$0xFFFFFFC0] =	vst v2  }
0x96: {  	[tilespmem:s11+$0xFFFFFFD0] =	vst v0  }
0x97: {  	v0 =	vld [tilespmem:s10+$0xFFFFFFF0];
	_ =	sdelay $0x4  }
0x98: {  	v3 =	vmov s13;
	v2 =	vshll.u32 v0, $0x10;
	v0 =	vand.u32 $0xFFFF0000, v0  }
0x99: {  	v2 =	vmul.f32 v2, v1;
	v0 =	vmul.f32 v0, v1;
	_ =	sdelay $0x1  }
0x9a: {  	[tilespmem:s11+$0xFFFFFFE0] =	vst v2  }
0x9b: {  	[tilespmem:s11+$0xFFFFFFF0] =	vst v0  }
0x9c: {  	v0 =	vld.idx.msk [tilespmem:v3+s24+$0x0], $0xffff  }
0x9d: {  	v1 =	vld [tilespmem:s10+$0x0];
	_ =	sdelay $0x4  }
0x9e: {  	v2 =	vshll.u32 v1, $0x10;
	v1 =	vand.u32 $0xFFFF0000, v1  }
0x9f: {  	v2 =	vmul.f32 v2, v0;
	v1 =	vmul.f32 v1, v0;
	_ =	sdelay $0x1  }
0xa0: {  	[tilespmem:s11+$0x0] =	vst v2  }
0xa1: {  	[tilespmem:s11+$0x10] =	vst v1  }
0xa2: {  	v1 =	vld [tilespmem:s10+$0x10];
	_ =	sdelay $0x4  }
0xa3: {  	v2 =	vshll.u32 v1, $0x10;
	v1 =	vand.u32 $0xFFFF0000, v1  }
0xa4: {  	v2 =	vmul.f32 v2, v0;
	v1 =	vmul.f32 v1, v0;
	_ =	sdelay $0x1  }
0xa5: {  	[tilespmem:s11+$0x20] =	vst v2  }
0xa6: {  	[tilespmem:s11+$0x30] =	vst v1  }
0xa7: {  	v1 =	vld [tilespmem:s10+$0x20];
	_ =	sdelay $0x4  }
.Ltmp2:
0xa8: {  	v2 =	vshll.u32 v1, $0x10;
	v1 =	vand.u32 $0xFFFF0000, v1;
	(pc) =	sbr.rel @p2 .LBB2_3-.Ltmp2, $3  }
0xa9: {  	v2 =	vmul.f32 v2, v0;
	v1 =	vmul.f32 v1, v0;
	_ =	sdelay $0x1  }
0xaa: {  	[tilespmem:s11+$0x40] =	vst v2  }
0xab: {  	[tilespmem:s11+$0x50] =	vst v1  }
0xac: {  	v1 =	vld [tilespmem:s10+$0x30];
	_ =	sdelay $0x4  }
0xad: {  	v2 =	vshll.u32 v1, $0x10  }
0xae: {  	p2 =	seq.s32 s9, $0x7C;
	v1 =	vand.u32 $0xFFFF0000, v1;
	v2 =	vmul.f32 v2, v0  }
0xaf: {  	s10 =	smul.u32 @!p2 $0x50, s9;
	v0 =	vmul.f32 v1, v0  }
0xb0: {  	s13 =	simm.s32 @!p2 $0x186F0;
	[tilespmem:s12+$0x60] =	vst v2  }
0xb1: {  	s11 =	sadd.s32 @!p2 s5, s10;
	s10 =	sadd.s32 @!p2 $0x138D0, s10;
	[tilespmem:s12+$0x70] =	vst v0;
	s12 =	simm.s32 @!p2 $0x28  }
0xb2: {  	[tilespmem:s13], [sflag:$0x1] =	stream.indirect.gather @!p2 [hbm4b:s6+s12], $0x40, s10, s12, $0xb8;
	[tilespmem:$0x1C2F0] =	vst v63  }
0xb3: {  	s10 =	sshrl.u32 @!p2 s11, $0x3  }
0xb4: {  	s17 =	smul.u32 $0x140, s9;
	s10 =	sadd.s32 @!p2 s2, s10  }
0xb5: {  	s11 =	simm.s32 @!p2 $0x0;
	s12 =	simm.s32 @!p2 $0x186A0;
	s10 =	sadd.s32 @!p2 $0xA, s10  }
0xb6: {  	[tilespmem:s12], [sflag:$0x5] =	stream.linear.gather @!p2 [hbm4b:s10+s11], $0x28, $0x38;
	[tilespmem:$0x1C2F0] =	vst v63  }
0xb7: {  	s10 =	sshra.s32 s17, $0x2  }
0xb8: {  	s14 =	sadd.s32 $0x15F90, s10  }
0xb9: {  	[spmem:s3] =	stream.indirect.scatter.add.f32 [tilespmem:s31], [sflag:$0x3], $0x80, s14, s22, $0xb8;
	[tilespmem:$0x1C2F0] =	vst v63  }
0xba: {  	_ =	swait.ge [sflag:s1], $0xA00  }
0xbb: {  	s15 =	simm.s32 $0x0;
	[sflag:s1] =	ssyncset.done $0x0  }
0xbc: {  	v0 =	vmov s15;
	s12 =	simm.s32 @!p1 $0x4;
	[sflag:s1] =	ssyncadd.s32 $0xFFFFF600  }
0xbd: {  	v0 =	vand.u32 $0xFFFFFFFE, v0;
	_ =	swait.ge @!p1 [sflag:s12], $0x1400  }
0xbe: {  	v0 =	vbroadcast v0, $0x0;
	[sflag:s12] =	ssyncset.done @!p1 $0x0  }
0xbf: {  	[sflag:s12] =	ssyncadd.s32 @!p1 $0xFFFFEC00  }
0xc0: {  	_ =	swait.ge [sflag:s0], $0x28  }
0xc1: {  	[sflag:s0] =	ssyncset.done $0x0  }
0xc2: {  	s11 =	simm.s32 $0x19130;
	[sflag:s0] =	ssyncadd.s32 $0xFFFFFFD8  }
0xc3: {  	v1 =	vld [tilespmem:s11+$0xFFFFFFC0]  }
0xc4: {  	v0 =	vld.idx.msk [tilespmem:v0+s28+$0x0], $0xffff;
	_ =	sdelay $0x3  }
0xc5: {  	v2 =	vshll.u32 v1, $0x10  }
0xc6: {  	v1 =	vand.u32 $0xFFFF0000, v1;
	v2 =	vmul.f32 v2, v0  }
0xc7: {  	s12 =	simm.s32 $0x1AF70;
	v1 =	vmul.f32 v1, v0  }
0xc8: {  	[tilespmem:s12+$0xFFFFFF80] =	vst v2  }
0xc9: {  	[tilespmem:s12+$0xFFFFFF90] =	vst v1  }
0xca: {  	v1 =	vld [tilespmem:s11+$0xFFFFFFD0];
	_ =	sdelay $0x4  }
0xcb: {  	v2 =	vshll.u32 v1, $0x10  }
0xcc: {  	v1 =	vand.u32 $0xFFFF0000, v1;
	v2 =	vmul.f32 v2, v0  }
0xcd: {  	v1 =	vmul.f32 v1, v0  }
0xce: {  	[tilespmem:s12+$0xFFFFFFA0] =	vst v2  }
0xcf: {  	[tilespmem:s12+$0xFFFFFFB0] =	vst v1  }
0xd0: {  	v1 =	vld [tilespmem:s11+$0xFFFFFFE0];
	_ =	sdelay $0x4  }
0xd1: {  	v2 =	vshll.u32 v1, $0x10  }
0xd2: {  	v1 =	vand.u32 $0xFFFF0000, v1;
	v2 =	vmul.f32 v2, v0  }
0xd3: {  	v1 =	vmul.f32 v1, v0  }
0xd4: {  	[tilespmem:s12+$0xFFFFFFC0] =	vst v2  }
0xd5: {  	[tilespmem:s12+$0xFFFFFFD0] =	vst v1  }
0xd6: {  	v1 =	vld [tilespmem:s11+$0xFFFFFFF0];
	_ =	sdelay $0x4  }
0xd7: {  	s17 =	simm.s32 $0x1;
	v2 =	vshll.u32 v1, $0x10  }
0xd8: {  	v3 =	vmov s17;
	v1 =	vand.u32 $0xFFFF0000, v1;
	v2 =	vmul.f32 v2, v0  }
0xd9: {  	v0 =	vmul.f32 v1, v0  }
0xda: {  	[tilespmem:s12+$0xFFFFFFE0] =	vst v2  }
0xdb: {  	[tilespmem:s12+$0xFFFFFFF0] =	vst v0  }
0xdc: {  	v1 =	vld [tilespmem:s11+$0x0]  }
0xdd: {  	v0 =	vld.idx.msk [tilespmem:v3+s28+$0x0], $0xffff;
	_ =	sdelay $0x3  }
0xde: {  	v2 =	vshll.u32 v1, $0x10  }
0xdf: {  	v1 =	vand.u32 $0xFFFF0000, v1;
	v2 =	vmul.f32 v2, v0  }
0xe0: {  	v1 =	vmul.f32 v1, v0  }
0xe1: {  	[tilespmem:s12+$0x0] =	vst v2  }
0xe2: {  	[tilespmem:s12+$0x10] =	vst v1  }
0xe3: {  	v1 =	vld [tilespmem:s11+$0x10];
	_ =	sdelay $0x4  }
0xe4: {  	v2 =	vshll.u32 v1, $0x10  }
0xe5: {  	v1 =	vand.u32 $0xFFFF0000, v1;
	v2 =	vmul.f32 v2, v0  }
0xe6: {  	v1 =	vmul.f32 v1, v0  }
0xe7: {  	[tilespmem:s12+$0x20] =	vst v2  }
0xe8: {  	[tilespmem:s12+$0x30] =	vst v1  }
0xe9: {  	v1 =	vld [tilespmem:s11+$0x20];
	_ =	sdelay $0x4  }
0xea: {  	v2 =	vshll.u32 v1, $0x10  }
0xeb: {  	v1 =	vand.u32 $0xFFFF0000, v1;
	v2 =	vmul.f32 v2, v0  }
0xec: {  	v1 =	vmul.f32 v1, v0  }
0xed: {  	[tilespmem:s12+$0x40] =	vst v2  }
0xee: {  	s13 =	simm.s32 $0x3;
	s17 =	simm.s32 $0x1AF70;
	[tilespmem:s12+$0x50] =	vst v1  }
.LBB2_5:
0xef: {  	p1 =	sne.s32 s13, $0x27;
	v1 =	vld [tilespmem:s11+$0x30];
	s11 =	sadd.s32 $0x80, s11;
	s12 =	sadd.s32 $0x100, s12  }
0xf0: {  	s14 =	smov.u32 s13;
	s13 =	sadd.s32 $0x2, s13  }
0xf1: {  	s15 =	sadd.s32 $0xFFFFFFFF, s14  }
0xf2: {  	v2 =	vmov s15  }
0xf3: {  	v2 =	vand.u32 $0xFFFFFFFE, v2  }
0xf4: {  	v2 =	vbroadcast v2, $0x0;
	v3 =	vshll.u32 v1, $0x10;
	v1 =	vand.u32 $0xFFFF0000, v1  }
0xf5: {  	v3 =	vmul.f32 v3, v0;
	v0 =	vmul.f32 v1, v0;
	_ =	sdelay $0x1  }
0xf6: {  	[tilespmem:s17+$0x60] =	vst v3  }
0xf7: {  	[tilespmem:s17+$0x70] =	vst v0;
	s17 =	smov.u32 s12  }
0xf8: {  	v0 =	vld [tilespmem:s11+$0xFFFFFFC0]  }
0xf9: {  	v1 =	vld.idx.msk [tilespmem:v2+s28+$0x0], $0xffff;
	_ =	sdelay $0x4  }
0xfa: {  	v2 =	vshll.u32 v0, $0x10;
	v0 =	vand.u32 $0xFFFF0000, v0  }
0xfb: {  	v2 =	vmul.f32 v2, v1;
	v0 =	vmul.f32 v0, v1;
	_ =	sdelay $0x1  }
0xfc: {  	[tilespmem:s12+$0xFFFFFF80] =	vst v2  }
0xfd: {  	[tilespmem:s12+$0xFFFFFF90] =	vst v0  }
0xfe: {  	v0 =	vld [tilespmem:s11+$0xFFFFFFD0];
	_ =	sdelay $0x4  }
0xff: {  	v2 =	vshll.u32 v0, $0x10;
	v0 =	vand.u32 $0xFFFF0000, v0  }
0x100: {  	v2 =	vmul.f32 v2, v1;
	v0 =	vmul.f32 v0, v1;
	_ =	sdelay $0x1  }
0x101: {  	[tilespmem:s12+$0xFFFFFFA0] =	vst v2  }
0x102: {  	[tilespmem:s12+$0xFFFFFFB0] =	vst v0  }
0x103: {  	v0 =	vld [tilespmem:s11+$0xFFFFFFE0];
	_ =	sdelay $0x4  }
0x104: {  	v2 =	vshll.u32 v0, $0x10;
	v0 =	vand.u32 $0xFFFF0000, v0  }
0x105: {  	v2 =	vmul.f32 v2, v1;
	v0 =	vmul.f32 v0, v1;
	_ =	sdelay $0x1  }
0x106: {  	[tilespmem:s12+$0xFFFFFFC0] =	vst v2  }
0x107: {  	[tilespmem:s12+$0xFFFFFFD0] =	vst v0  }
0x108: {  	v0 =	vld [tilespmem:s11+$0xFFFFFFF0];
	_ =	sdelay $0x4  }
0x109: {  	v3 =	vmov s14;
	v2 =	vshll.u32 v0, $0x10;
	v0 =	vand.u32 $0xFFFF0000, v0  }
0x10a: {  	v2 =	vmul.f32 v2, v1;
	v0 =	vmul.f32 v0, v1;
	_ =	sdelay $0x1  }
0x10b: {  	[tilespmem:s12+$0xFFFFFFE0] =	vst v2  }
0x10c: {  	[tilespmem:s12+$0xFFFFFFF0] =	vst v0  }
0x10d: {  	v0 =	vld.idx.msk [tilespmem:v3+s28+$0x0], $0xffff  }
0x10e: {  	v1 =	vld [tilespmem:s11+$0x0];
	_ =	sdelay $0x4  }
0x10f: {  	v2 =	vshll.u32 v1, $0x10;
	v1 =	vand.u32 $0xFFFF0000, v1  }
0x110: {  	v2 =	vmul.f32 v2, v0;
	v1 =	vmul.f32 v1, v0;
	_ =	sdelay $0x1  }
0x111: {  	[tilespmem:s12+$0x0] =	vst v2  }
0x112: {  	[tilespmem:s12+$0x10] =	vst v1  }
0x113: {  	v1 =	vld [tilespmem:s11+$0x10];
	_ =	sdelay $0x4  }
0x114: {  	v2 =	vshll.u32 v1, $0x10;
	v1 =	vand.u32 $0xFFFF0000, v1  }
0x115: {  	v2 =	vmul.f32 v2, v0;
	v1 =	vmul.f32 v1, v0;
	_ =	sdelay $0x1  }
0x116: {  	[tilespmem:s12+$0x20] =	vst v2  }
0x117: {  	[tilespmem:s12+$0x30] =	vst v1  }
0x118: {  	v1 =	vld [tilespmem:s11+$0x20];
	_ =	sdelay $0x4  }
.Ltmp3:
0x119: {  	v2 =	vshll.u32 v1, $0x10;
	v1 =	vand.u32 $0xFFFF0000, v1;
	(pc) =	sbr.rel @p1 .LBB2_5-.Ltmp3, $3  }
0x11a: {  	v2 =	vmul.f32 v2, v0;
	v1 =	vmul.f32 v1, v0;
	_ =	sdelay $0x1  }
0x11b: {  	[tilespmem:s12+$0x40] =	vst v2  }
0x11c: {  	[tilespmem:s12+$0x50] =	vst v1  }
0x11d: {  	v1 =	vld [tilespmem:s11+$0x30];
	_ =	sdelay $0x4  }
.Ltmp4:
0x11e: {  	v2 =	vshll.u32 v1, $0x10;
	(pc) =	sbr.rel @p2 .LBB2_8-.Ltmp4, $4  }
0x11f: {  	v1 =	vand.u32 $0xFFFF0000, v1;
	v2 =	vmul.f32 v2, v0  }
0x120: {  	v63 =	vmul.f32 v1, v0  }
0x121: {  	[tilespmem:s17+$0x60] =	vst v2  }
0x122: {  	s10 =	sadd.s32 $0x15FB8, s10;
	[tilespmem:s17+$0x70] =	vst v63  }
0x123: {  	s11 =	smul.u32 $0x50, s9;
	_ =	sdelay $0x1  }
0x124: {  	s12 =	sadd.s32 s5, s11;
	s11 =	sadd.s32 $0x138F8, s11  }
0x125: {  	[tilespmem:s26], [sflag:$0x2] =	stream.indirect.gather [hbm4b:s6+s22], $0x40, s11, s22, $0xb8;
	[tilespmem:$0x1C2F0] =	vst v63  }
0x126: {  	s17 =	sadd.s32 $0x78, s12  }
.Ltmp5:
0x127: {  	s11 =	sshrl.u32 s17, $0x3;
	(pc) =	sbr.rel .LBB2_2-.Ltmp5, $4  }
0x128: {  	s11 =	sadd.s32 s2, s11  }
0x129: {  	[tilespmem:s28], [sflag:$0x6] =	stream.linear.gather [hbm4b:s11+s4], $0x28, $0x38;
	[tilespmem:$0x1C2F0] =	vst v63  }
0x12a: {  	s9 =	sadd.s32 $0x1, s9  }
0x12b: {  	[spmem:s3] =	stream.indirect.scatter.add.f32 [tilespmem:s19], [sflag:$0x4], $0x80, s10, s22, $0xb8;
	[tilespmem:$0x1C2F0] =	vst v63  }
.LBB2_9:
0x12c: {  	_ =	sfence.sel $0x180000  }
0x12d: {  	[bflag:$0x0] =	sbarrier.arrive $0xFFFF  }
0x12e: {  	_ =	strace $0x90000050  }
0x12f: {  	s0 =	stileid.u32;
	[bflag:$0x2] =	sbarrier.arrive $0xFFFF  }
0x130: {  	p0 =	sne.s32 s0, $0x0;
	s0 =	rddreg [dreg:$0x3]  }
0x131: {  	s0 =	sadd.s32 @!p0 $0x100000, s0  }
0x132: {  	[sflag:s0] =	ssyncadd.tile.s32 @!p0 $0x1;
	_ =	shalt  }
.Lfunc_end2:
_tile_overlayer_lowered:
.L_overlay_start_2:
0x133: {  	(tag) =	ssettag $0x2  }
0x134: {  	s0 =	rddreg [dreg:$0x0];
	s2 =	stileid.u32  }
0x135: {  	s1 =	rddreg [dreg:$0x1];
	p0 =	sne.s32 s2, $0x0  }
0x136: {  	s3 =	rddreg [dreg:$0x2];
	[bflag:$0x3] =	sbarrier.arrive $0xFFFF;
	s2 =	simm.s32 @!p0 $0x1C07  }
0x137: {  	[timem:s3], [sflag:s2] =	dma.local @!p0 [hbm:s0], s1  }
0x138: {  	s0 =	simm.s32 @!p0 $0x7  }
0x139: {  	_ =	swait.ge @!p0 [sflag:s0], s1  }
0x13a: {  	s1 =	ssub.s32 @!p0 $0x0, s1;
	[sflag:s0] =	ssyncset.done @!p0 $0x0  }
0x13b: {  	[sflag:s0] =	ssyncadd.s32 @!p0 s1  }
0x13c: {  	[bflag:$0x3] =	sbarrier.arrive $0xFFFF  }
0x13d: {  	_ =	shalt  }

</sc_bundles>
